<compile_context>
chip_gen: v7x
topology: tpu7x:2x2x1
jax: 0.10.2.dev20260603
libtpu: 0.0.44.dev20260713+nightly
codegen_flags: <defaults>
</compile_context>

<pallas_src>
import functools

import jax
import jax.numpy as jnp
from jax import lax
from jax.experimental import pallas as pl
from jax.experimental.pallas import tpu as pltpu
from jax.experimental.pallas import tpu_sc as plsc

VOCAB = 100000
EMBED_DIM = 128
HIDDEN_DIM = 256
NUM_CLASSES = 2
BATCH = 4096
SEQ_LEN = 200

NUM_CORES = 2
NUM_SUBCORES = 16
NUM_WORKERS = NUM_CORES * NUM_SUBCORES
BPW = BATCH // NUM_WORKERS
LANES = 16
PW = EMBED_DIM // 2
PCH = PW // LANES



def _reduce_and_store(buf_v, bi, out_v, samp):
    init = tuple(jnp.zeros((2 * LANES,), jnp.bfloat16) for _ in range(2 * PCH))

    @plsc.parallel_loop(0, SEQ_LEN // 2, unroll=4, carry=init)
    def accs(r2, accs):
        r = r2 * 2
        a_new = [
            accs[d] + plsc.bitcast(buf_v[bi, r, pl.ds(d * LANES, LANES)], jnp.bfloat16)
            for d in range(PCH)
        ]
        b_new = [
            accs[PCH + d]
            + plsc.bitcast(buf_v[bi, r + 1, pl.ds(d * LANES, LANES)], jnp.bfloat16)
            for d in range(PCH)
        ]
        return tuple(a_new + b_new)
    for d in range(PCH):
        out_v[samp, pl.ds(d * LANES, LANES)] = plsc.bitcast(
            accs[d] + accs[PCH + d], jnp.int32)


_sc_mesh = plsc.VectorSubcoreMesh(core_axis_name="c", subcore_axis_name="s")


@functools.partial(
    pl.kernel,
    out_type=jax.ShapeDtypeStruct((BATCH, PW), jnp.int32),
    mesh=_sc_mesh,
    scratch_types=[
        pltpu.VMEM((BPW * SEQ_LEN,), jnp.int32),
        pltpu.VMEM((2, SEQ_LEN, PW), jnp.int32),
        pltpu.VMEM((BPW, PW), jnp.int32),
        pltpu.SemaphoreType.DMA,
        pltpu.SemaphoreType.DMA,
    ],
    compiler_params=pltpu.CompilerParams(
        use_tc_tiling_on_sc=False, needs_layout_passes=False),
)
def _sc_gather_sum(idx_hbm, table_hbm, out_hbm, idx_v, buf_v, out_v, sem0, sem1):
    wid = lax.axis_index("s") * NUM_CORES + lax.axis_index("c")
    base = wid * BPW
    pltpu.sync_copy(idx_hbm.at[pl.ds(base * SEQ_LEN, BPW * SEQ_LEN)], idx_v)
    pltpu.async_copy(table_hbm.at[idx_v.at[pl.ds(0, SEQ_LEN)]], buf_v.at[0], sem0)

    def two_samples(i, carry):
        s0 = 2 * i
        pltpu.async_copy(
            table_hbm.at[idx_v.at[pl.ds((s0 + 1) * SEQ_LEN, SEQ_LEN)]], buf_v.at[1], sem1)
        pltpu.make_async_copy(table_hbm.at[pl.ds(0, SEQ_LEN)], buf_v.at[0], sem0).wait()
        _reduce_and_store(buf_v, 0, out_v, s0)

        @pl.when(s0 + 2 < BPW)
        def _():
            pltpu.async_copy(
                table_hbm.at[idx_v.at[pl.ds((s0 + 2) * SEQ_LEN, SEQ_LEN)]], buf_v.at[0], sem0)

        pltpu.make_async_copy(table_hbm.at[pl.ds(0, SEQ_LEN)], buf_v.at[1], sem1).wait()
        _reduce_and_store(buf_v, 1, out_v, s0 + 1)
        return carry

    lax.fori_loop(0, BPW // 2, two_samples, 0)
    pltpu.sync_copy(out_v, out_hbm.at[pl.ds(base, BPW)])



_BB = 1024


def _mlp_body(x_ref, w1_ref, b1_ref, w2_ref, b2_ref, o_ref):
    w = x_ref[...]
    lo = lax.bitcast_convert_type(w << 16, jnp.float32)
    hi = lax.bitcast_convert_type(w & jnp.int32(-65536), jnp.float32)
    x = jnp.concatenate([lo, hi], axis=1) * jnp.float32(1.0 / SEQ_LEN)
    h = jnp.dot(x, w1_ref[...], preferred_element_type=jnp.float32)
    h = jnp.maximum(h + b1_ref[...], 0.0)
    logits = jnp.dot(h, w2_ref[...], preferred_element_type=jnp.float32)
    logits = logits + b2_ref[...]
    m = jnp.max(logits, axis=1, keepdims=True)
    lse = m + jnp.log(jnp.sum(jnp.exp(logits - m), axis=1, keepdims=True))
    o_ref[...] = (logits - lse)[:, :NUM_CLASSES]


def _tc_mlp(x, w1, b1, w2p, b2p):
    grid = (BATCH // _BB,)
    return pl.pallas_call(
        _mlp_body,
        grid=grid,
        in_specs=[
            pl.BlockSpec((_BB, PW), lambda i: (i, 0)),
            pl.BlockSpec((EMBED_DIM, HIDDEN_DIM), lambda i: (0, 0)),
            pl.BlockSpec((1, HIDDEN_DIM), lambda i: (0, 0)),
            pl.BlockSpec((HIDDEN_DIM, EMBED_DIM), lambda i: (0, 0)),
            pl.BlockSpec((1, EMBED_DIM), lambda i: (0, 0)),
        ],
        out_specs=pl.BlockSpec((_BB, NUM_CLASSES), lambda i: (i, 0)),
        out_shape=jax.ShapeDtypeStruct((BATCH, NUM_CLASSES), jnp.float32),
    )(x, w1, b1, w2p, b2p)


ROWS_PER_WORKER = VOCAB // NUM_WORKERS
PACK_CHUNK = 300
_PACK_SPANS = [(c * PACK_CHUNK, PACK_CHUNK) for c in range(10)] + [(3000, 125)]


@functools.partial(
    pl.kernel,
    out_type=jax.ShapeDtypeStruct((VOCAB, PW), jnp.int32),
    mesh=_sc_mesh,
    scratch_types=[
        pltpu.VMEM((2, PACK_CHUNK, EMBED_DIM), jnp.float32),
        pltpu.VMEM((2, PACK_CHUNK, PW), jnp.int32),
        pltpu.SemaphoreType.DMA,
        pltpu.SemaphoreType.DMA,
    ],
    compiler_params=pltpu.CompilerParams(
        use_tc_tiling_on_sc=False, needs_layout_passes=False),
)
def _sc_pack_table(table_hbm, out_hbm, in_v, out_v, sem_in, sem_out):
    wid = lax.axis_index("s") * NUM_CORES + lax.axis_index("c")
    rbase = wid * ROWS_PER_WORKER
    n_chunks = len(_PACK_SPANS)
    pltpu.async_copy(
        table_hbm.at[pl.ds(rbase, _PACK_SPANS[0][1])],
        in_v.at[0, pl.ds(0, _PACK_SPANS[0][1])], sem_in)

    def pack_chunk(p, nrows):
        @plsc.parallel_loop(0, nrows, unroll=5)
        def row_body(r):
            for j in range(PCH):
                a = in_v[p, r, pl.ds(j * LANES, LANES)]
                b = in_v[p, r, pl.ds(PW + j * LANES, LANES)]
                out_v[p, r, pl.ds(j * LANES, LANES)] = plsc.bitcast(
                    plsc.pack(a, b, format=plsc.PackFormat.INTERLEAVED), jnp.int32)

    for c, (off, nrows) in enumerate(_PACK_SPANS):
        p = c % 2
        pltpu.make_async_copy(
            table_hbm.at[pl.ds(rbase + off, nrows)],
            in_v.at[p, pl.ds(0, nrows)], sem_in).wait()
        if c + 1 < n_chunks:
            noff, nn = _PACK_SPANS[c + 1]
            pltpu.async_copy(
                table_hbm.at[pl.ds(rbase + noff, nn)],
                in_v.at[1 - p, pl.ds(0, nn)], sem_in)
        if c >= 2:
            poff, pn = _PACK_SPANS[c - 2]
            pltpu.make_async_copy(
                out_v.at[p, pl.ds(0, pn)],
                out_hbm.at[pl.ds(rbase + poff, pn)], sem_out).wait()
        pack_chunk(p, nrows)
        pltpu.async_copy(
            out_v.at[p, pl.ds(0, nrows)],
            out_hbm.at[pl.ds(rbase + off, nrows)], sem_out)
    for c in (n_chunks - 2, n_chunks - 1):
        off, nrows = _PACK_SPANS[c]
        pltpu.make_async_copy(
            out_v.at[c % 2, pl.ds(0, nrows)],
            out_hbm.at[pl.ds(rbase + off, nrows)], sem_out).wait()


def kernel(input_batch, embedding_table, W1, b1, W2, b2):
    idx = input_batch.astype(jnp.int32).reshape(BATCH * SEQ_LEN)
    packed = _sc_pack_table(embedding_table)
    sums = _sc_gather_sum(idx, packed)
    w2p = jnp.pad(W2, ((0, 0), (0, EMBED_DIM - NUM_CLASSES)))
    b2p = jnp.pad(
        b2.reshape(1, NUM_CLASSES),
        ((0, 0), (0, EMBED_DIM - NUM_CLASSES)),
        constant_values=-1e30,
    )
    return _tc_mlp(sums, W1, b1.reshape(1, HIDDEN_DIM), w2p, b2p)

# --- scband reference (transcript-rebuilt; emitter-appended) ---
"""Pipeline reference for scband-deep-averaging-network-14422500180071 (READ-ONLY COPY).

The authoritative reference and input builder live on the scoring server;
editing this copy changes nothing except your own understanding.
"""

import jax, jax.numpy as jnp
import numpy as np

VOCAB = 100000
EMBED_DIM = 128
HIDDEN_DIM = 256
NUM_CLASSES = 2
BATCH = 4096
SEQ_LEN = 200


def setup_inputs(seed: int = 0) -> dict:
    key = jax.random.key(seed)
    k_idx, k_emb, k_w1, k_b1, k_w2, k_b2 = jax.random.split(key, 6)
    input_batch = jax.random.randint(k_idx, (BATCH, SEQ_LEN), 0, VOCAB, dtype=jnp.int64 if jax.config.jax_enable_x64 else jnp.int32)
    embedding_table = jax.random.normal(k_emb, (VOCAB, EMBED_DIM), dtype=jnp.float32)
    W1 = jax.random.normal(k_w1, (EMBED_DIM, HIDDEN_DIM), dtype=jnp.float32) * (1.0 / np.sqrt(EMBED_DIM))
    b1 = jax.random.normal(k_b1, (HIDDEN_DIM,), dtype=jnp.float32) * 0.01
    W2 = jax.random.normal(k_w2, (HIDDEN_DIM, NUM_CLASSES), dtype=jnp.float32) * (1.0 / np.sqrt(HIDDEN_DIM))
    b2 = jax.random.normal(k_b2, (NUM_CLASSES,), dtype=jnp.float32) * 0.01
    return {
        "input_batch": input_batch,
        "embedding_table": embedding_table,
        "W1": W1,
        "b1": b1,
        "W2": W2,
        "b2": b2,
    }


def reference(input_batch, embedding_table, W1, b1, W2, b2):
    # embedding lookup: (B, S) -> (B, S, D)
    embeds = jnp.take(embedding_table, input_batch, axis=0)
    # average over sequence dim
    avg_embeds = jnp.mean(embeds, axis=1)
    # dropout=0.0 -> identity (eval-mode determinism)
    hidden = jax.nn.relu(avg_embeds @ W1 + b1)
    logits = hidden @ W2 + b2
    return jax.nn.log_softmax(logits, axis=1)

if __name__ == "__main__":
    import jax
    _d = setup_inputs()
    print(jax.jit(kernel)(*tuple(_d.values())))

</pallas_src>

<mosaic_0001>
#map = affine_map<(d0, d1) -> (0)>
#map1 = affine_map<(d0, d1) -> (0, 0)>
module attributes {stable_mosaic.version = 14 : i64} {
  func.func @_sc_gather_sum(%arg0: i32, %arg1: i32, %arg2: memref<819200xi32, #tpu.memory_space<hbm>>, %arg3: memref<100000x64xi32, #tpu.memory_space<hbm>>, %arg4: memref<4096x64xi32, #tpu.memory_space<hbm>>, %arg5: memref<25600xi32, #tpu.memory_space<vmem>>, %arg6: memref<2x200x64xi32, #tpu.memory_space<vmem>>, %arg7: memref<128x64xi32, #tpu.memory_space<vmem>>, %arg8: memref<!tpu.dma_semaphore, #tpu.memory_space<semaphore_mem>>, %arg9: memref<!tpu.dma_semaphore, #tpu.memory_space<semaphore_mem>>) attributes {dimension_semantics = [#tpu.dimension_semantics<core_parallel>, #tpu.dimension_semantics<subcore_parallel>], iteration_bounds = array<i64: 2, 16>, scalar_prefetch = 0 : i64, scratch_operands = 5 : i64, tpu.core_type = #tpu.core_type<sc_vector_subcore>, window_params = [{transform_indices = #map}, {transform_indices = #map1}, {transform_indices = #map1}]} {
    %mul3A = arith.constant 2 : i32
    %mul3A_0 = arith.muli %arg1, %mul3A : i32
    %add3A = arith.addi %mul3A_0, %arg0 : i32
    %mul3A_1 = arith.constant 128 : i32
    %mul3A_2 = arith.muli %add3A, %mul3A_1 : i32
    %mul3A_3 = arith.constant 200 : i32
    %mul3A_4 = arith.muli %mul3A_2, %mul3A_3 : i32
    "tpu.region"() ({
      %run_scoped3A = tpu.sem_alloc : memref<!tpu.dma_semaphore, #tpu.memory_space<semaphore_mem>>
      %dma_start3A_19 = tpu.memref_slice %arg2[%mul3A_4] : memref<819200xi32, #tpu.memory_space<hbm>> -> memref<25600xi32, #tpu.memory_space<hbm>>
      %dma_start3A_20 = tpu.memref_slice %arg2[%mul3A_4] : memref<819200xi32, #tpu.memory_space<hbm>> -> memref<25600xi32, #tpu.memory_space<hbm>>
      tpu.enqueue_dma source(%dma_start3A_20 : memref<25600xi32, #tpu.memory_space<hbm>>) target(%arg5 : memref<25600xi32, #tpu.memory_space<vmem>>) target_semaphore(%run_scoped3A : memref<!tpu.dma_semaphore, #tpu.memory_space<semaphore_mem>>)
      %dma_wait3A = tpu.memref_slice %arg2[%mul3A_4] : memref<819200xi32, #tpu.memory_space<hbm>> -> memref<25600xi32, #tpu.memory_space<hbm>>
      %dma_wait3A_21 = tpu.memref_slice %arg2[%mul3A_4] : memref<819200xi32, #tpu.memory_space<hbm>> -> memref<25600xi32, #tpu.memory_space<hbm>>
      tpu.wait_dma2 semaphore(%run_scoped3A : memref<!tpu.dma_semaphore, #tpu.memory_space<semaphore_mem>>) src(%dma_wait3A_21 : memref<25600xi32, #tpu.memory_space<hbm>>) dst(%arg5 : memref<25600xi32, #tpu.memory_space<vmem>>)
      tpu.yield
    }) : () -> ()
    %dma_start3A = arith.constant 0 : i32
    %dma_start3A_5 = arith.constant 0 : i32
    %dma_start3A_6 = arith.constant 0 : i32
    %dma_start3A_7 = tpu.memref_slice %arg6[%dma_start3A, %dma_start3A_5, %dma_start3A_6] : memref<2x200x64xi32, #tpu.memory_space<vmem>> -> memref<1x200x64xi32, #tpu.memory_space<vmem>>
    %dma_start3A_8 = tpu.memref_squeeze %dma_start3A_7 : memref<1x200x64xi32, #tpu.memory_space<vmem>> -> memref<200x64xi32, #tpu.memory_space<vmem>>
    %dma_start3A_9 = arith.constant 0 : i32
    %dma_start3A_10 = tpu.memref_slice %arg5[%dma_start3A_9] : memref<25600xi32, #tpu.memory_space<vmem>> -> memref<200xi32, #tpu.memory_space<vmem>>
    %dma_start3A_11 = arith.constant 0 : i32
    %dma_start3A_12 = arith.constant 0 : i32
    %dma_start3A_13 = tpu.memref_slice %arg3[%dma_start3A_11, %dma_start3A_12] : memref<100000x64xi32, #tpu.memory_space<hbm>> -> memref<100000x64xi32, #tpu.memory_space<hbm>>
    tpu.enqueue_indirect_dma source(%dma_start3A_13 : memref<100000x64xi32, #tpu.memory_space<hbm>>) target(%dma_start3A_8 : memref<200x64xi32, #tpu.memory_space<vmem>>) offsets(%dma_start3A_10 : memref<200xi32, #tpu.memory_space<vmem>>) semaphore(%arg8 : memref<!tpu.dma_semaphore, #tpu.memory_space<semaphore_mem>>)
    %scan3A = arith.constant 0 : i32
    %scan3A_14 = arith.constant 0 : i32
    %scan3A_15 = arith.constant 64 : i32
    %scan3A_16 = arith.addi %scan3A_14, %scan3A_15 : i32
    %scan3A_17 = arith.constant 1 : i32
    scf.for %scan3A_19 = %scan3A_14 to %scan3A_16 step %scan3A_17  : i32 {
      %mul3A_20 = arith.constant 2 : i32
      %mul3A_21 = arith.muli %mul3A_20, %scan3A_19 : i32
      %add3A_22 = arith.constant 1 : i32
      %add3A_23 = arith.addi %mul3A_21, %add3A_22 : i32
      %mul3A_24 = arith.constant 200 : i32
      %mul3A_25 = arith.muli %add3A_23, %mul3A_24 : i32
      %dma_start3A_26 = arith.constant 1 : i32
      %dma_start3A_27 = arith.constant 0 : i32
      %dma_start3A_28 = arith.constant 0 : i32
      %dma_start3A_29 = tpu.memref_slice %arg6[%dma_start3A_26, %dma_start3A_27, %dma_start3A_28] : memref<2x200x64xi32, #tpu.memory_space<vmem>> -> memref<1x200x64xi32, #tpu.memory_space<vmem>>
      %dma_start3A_30 = tpu.memref_squeeze %dma_start3A_29 : memref<1x200x64xi32, #tpu.memory_space<vmem>> -> memref<200x64xi32, #tpu.memory_space<vmem>>
      %dma_start3A_31 = tpu.memref_slice %arg5[%mul3A_25] : memref<25600xi32, #tpu.memory_space<vmem>> -> memref<200xi32, #tpu.memory_space<vmem>>
      %dma_start3A_32 = arith.constant 0 : i32
      %dma_start3A_33 = arith.constant 0 : i32
      %dma_start3A_34 = tpu.memref_slice %arg3[%dma_start3A_32, %dma_start3A_33] : memref<100000x64xi32, #tpu.memory_space<hbm>> -> memref<100000x64xi32, #tpu.memory_space<hbm>>
      tpu.enqueue_indirect_dma source(%dma_start3A_34 : memref<100000x64xi32, #tpu.memory_space<hbm>>) target(%dma_start3A_30 : memref<200x64xi32, #tpu.memory_space<vmem>>) offsets(%dma_start3A_31 : memref<200xi32, #tpu.memory_space<vmem>>) semaphore(%arg9 : memref<!tpu.dma_semaphore, #tpu.memory_space<semaphore_mem>>)
      %dma_wait3A = arith.constant 0 : i32
      %dma_wait3A_35 = arith.constant 0 : i32
      %dma_wait3A_36 = arith.constant 0 : i32
      %dma_wait3A_37 = tpu.memref_slice %arg6[%dma_wait3A, %dma_wait3A_35, %dma_wait3A_36] : memref<2x200x64xi32, #tpu.memory_space<vmem>> -> memref<1x200x64xi32, #tpu.memory_space<vmem>>
      %dma_wait3A_38 = tpu.memref_squeeze %dma_wait3A_37 : memref<1x200x64xi32, #tpu.memory_space<vmem>> -> memref<200x64xi32, #tpu.memory_space<vmem>>
      %dma_wait3A_39 = arith.constant 0 : i32
      %dma_wait3A_40 = arith.constant 0 : i32
      %dma_wait3A_41 = tpu.memref_slice %arg3[%dma_wait3A_39, %dma_wait3A_40] : memref<100000x64xi32, #tpu.memory_space<hbm>> -> memref<200x64xi32, #tpu.memory_space<hbm>>
      %dma_wait3A_42 = arith.constant 0 : i32
      %dma_wait3A_43 = arith.constant 0 : i32
      %dma_wait3A_44 = tpu.memref_slice %arg6[%dma_wait3A, %dma_wait3A_42, %dma_wait3A_43] : memref<2x200x64xi32, #tpu.memory_space<vmem>> -> memref<1x200x64xi32, #tpu.memory_space<vmem>>
      %dma_wait3A_45 = tpu.memref_squeeze %dma_wait3A_44 : memref<1x200x64xi32, #tpu.memory_space<vmem>> -> memref<200x64xi32, #tpu.memory_space<vmem>>
      %dma_wait3A_46 = arith.constant 0 : i32
      %dma_wait3A_47 = arith.constant 0 : i32
      %dma_wait3A_48 = tpu.memref_slice %arg3[%dma_wait3A_46, %dma_wait3A_47] : memref<100000x64xi32, #tpu.memory_space<hbm>> -> memref<200x64xi32, #tpu.memory_space<hbm>>
      tpu.wait_dma2 semaphore(%arg8 : memref<!tpu.dma_semaphore, #tpu.memory_space<semaphore_mem>>) src(%dma_wait3A_48 : memref<200x64xi32, #tpu.memory_space<hbm>>) dst(%dma_wait3A_45 : memref<200x64xi32, #tpu.memory_space<vmem>>)
      %broadcast_in_dim3A = arith.constant 0.000000e+00 : bf16
      %broadcast_in_dim3A_49 = vector.broadcast %broadcast_in_dim3A : bf16 to vector<32xbf16>
      %broadcast_in_dim3A_50 = arith.constant 0.000000e+00 : bf16
      %broadcast_in_dim3A_51 = vector.broadcast %broadcast_in_dim3A_50 : bf16 to vector<32xbf16>
      %broadcast_in_dim3A_52 = arith.constant 0.000000e+00 : bf16
      %broadcast_in_dim3A_53 = vector.broadcast %broadcast_in_dim3A_52 : bf16 to vector<32xbf16>
      %broadcast_in_dim3A_54 = arith.constant 0.000000e+00 : bf16
      %broadcast_in_dim3A_55 = vector.broadcast %broadcast_in_dim3A_54 : bf16 to vector<32xbf16>
      %broadcast_in_dim3A_56 = arith.constant 0.000000e+00 : bf16
      %broadcast_in_dim3A_57 = vector.broadcast %broadcast_in_dim3A_56 : bf16 to vector<32xbf16>
      %broadcast_in_dim3A_58 = arith.constant 0.000000e+00 : bf16
      %broadcast_in_dim3A_59 = vector.broadcast %broadcast_in_dim3A_58 : bf16 to vector<32xbf16>
      %broadcast_in_dim3A_60 = arith.constant 0.000000e+00 : bf16
      %broadcast_in_dim3A_61 = vector.broadcast %broadcast_in_dim3A_60 : bf16 to vector<32xbf16>
      %broadcast_in_dim3A_62 = arith.constant 0.000000e+00 : bf16
      %broadcast_in_dim3A_63 = vector.broadcast %broadcast_in_dim3A_62 : bf16 to vector<32xbf16>
      %parallel_loop3A = arith.constant 0 : i32
      %parallel_loop3A_64 = arith.constant 100 : i32
      %parallel_loop3A_65 = arith.constant 1 : i32
      %parallel_loop3A_66:8 = scf.for %parallel_loop3A_146 = %parallel_loop3A to %parallel_loop3A_64 step %parallel_loop3A_65 iter_args(%parallel_loop3A_147 = %broadcast_in_dim3A_49, %parallel_loop3A_148 = %broadcast_in_dim3A_51, %parallel_loop3A_149 = %broadcast_in_dim3A_53, %parallel_loop3A_150 = %broadcast_in_dim3A_55, %parallel_loop3A_151 = %broadcast_in_dim3A_57, %parallel_loop3A_152 = %broadcast_in_dim3A_59, %parallel_loop3A_153 = %broadcast_in_dim3A_61, %parallel_loop3A_154 = %broadcast_in_dim3A_63) -> (vector<32xbf16>, vector<32xbf16>, vector<32xbf16>, vector<32xbf16>, vector<32xbf16>, vector<32xbf16>, vector<32xbf16>, vector<32xbf16>)  : i32 {
        %parallel_loop3A_155 = arith.constant 2 : i32
        %parallel_loop3A_156 = arith.muli %parallel_loop3A_146, %parallel_loop3A_155 : i32
        %parallel_loop3A_157 = arith.constant 0 : i32
        %parallel_loop3A_158 = arith.index_cast %parallel_loop3A_157 : i32 to index
        %parallel_loop3A_159 = arith.index_cast %parallel_loop3A_156 : i32 to index
        %parallel_loop3A_160 = arith.constant 0 : index
        %parallel_loop3A_161 = tpu.vector_load %arg6[%parallel_loop3A_158, %parallel_loop3A_159, %parallel_loop3A_160] {strides = array<i32>} : memref<2x200x64xi32, #tpu.memory_space<vmem>>, vector<16xi32>,
        %parallel_loop3A_162 = vector.bitcast %parallel_loop3A_161 : vector<16xi32> to vector<32xbf16>
        %parallel_loop3A_163 = arith.addf %parallel_loop3A_147, %parallel_loop3A_162 : vector<32xbf16>
        %parallel_loop3A_164 = arith.constant 0 : i32
        %parallel_loop3A_165 = arith.index_cast %parallel_loop3A_164 : i32 to index
        %parallel_loop3A_166 = arith.index_cast %parallel_loop3A_156 : i32 to index
        %parallel_loop3A_167 = arith.constant 16 : index
        %parallel_loop3A_168 = tpu.vector_load %arg6[%parallel_loop3A_165, %parallel_loop3A_166, %parallel_loop3A_167] {strides = array<i32>} : memref<2x200x64xi32, #tpu.memory_space<vmem>>, vector<16xi32>,
        %parallel_loop3A_169 = vector.bitcast %parallel_loop3A_168 : vector<16xi32> to vector<32xbf16>
        %parallel_loop3A_170 = arith.addf %parallel_loop3A_148, %parallel_loop3A_169 : vector<32xbf16>
        %parallel_loop3A_171 = arith.constant 0 : i32
        %parallel_loop3A_172 = arith.index_cast %parallel_loop3A_171 : i32 to index
        %parallel_loop3A_173 = arith.index_cast %parallel_loop3A_156 : i32 to index
        %parallel_loop3A_174 = arith.constant 32 : index
        %parallel_loop3A_175 = tpu.vector_load %arg6[%parallel_loop3A_172, %parallel_loop3A_173, %parallel_loop3A_174] {strides = array<i32>} : memref<2x200x64xi32, #tpu.memory_space<vmem>>, vector<16xi32>,
        %parallel_loop3A_176 = vector.bitcast %parallel_loop3A_175 : vector<16xi32> to vector<32xbf16>
        %parallel_loop3A_177 = arith.addf %parallel_loop3A_149, %parallel_loop3A_176 : vector<32xbf16>
        %parallel_loop3A_178 = arith.constant 0 : i32
        %parallel_loop3A_179 = arith.index_cast %parallel_loop3A_178 : i32 to index
        %parallel_loop3A_180 = arith.index_cast %parallel_loop3A_156 : i32 to index
        %parallel_loop3A_181 = arith.constant 48 : index
        %parallel_loop3A_182 = tpu.vector_load %arg6[%parallel_loop3A_179, %parallel_loop3A_180, %parallel_loop3A_181] {strides = array<i32>} : memref<2x200x64xi32, #tpu.memory_space<vmem>>, vector<16xi32>,
        %parallel_loop3A_183 = vector.bitcast %parallel_loop3A_182 : vector<16xi32> to vector<32xbf16>
        %parallel_loop3A_184 = arith.addf %parallel_loop3A_150, %parallel_loop3A_183 : vector<32xbf16>
        %parallel_loop3A_185 = arith.constant 1 : i32
        %parallel_loop3A_186 = arith.addi %parallel_loop3A_156, %parallel_loop3A_185 : i32
        %parallel_loop3A_187 = arith.constant 0 : i32
        %parallel_loop3A_188 = arith.index_cast %parallel_loop3A_187 : i32 to index
        %parallel_loop3A_189 = arith.index_cast %parallel_loop3A_186 : i32 to index
        %parallel_loop3A_190 = arith.constant 0 : index
        %parallel_loop3A_191 = tpu.vector_load %arg6[%parallel_loop3A_188, %parallel_loop3A_189, %parallel_loop3A_190] {strides = array<i32>} : memref<2x200x64xi32, #tpu.memory_space<vmem>>, vector<16xi32>,
        %parallel_loop3A_192 = vector.bitcast %parallel_loop3A_191 : vector<16xi32> to vector<32xbf16>
        %parallel_loop3A_193 = arith.addf %parallel_loop3A_151, %parallel_loop3A_192 : vector<32xbf16>
        %parallel_loop3A_194 = arith.constant 1 : i32
        %parallel_loop3A_195 = arith.addi %parallel_loop3A_156, %parallel_loop3A_194 : i32
        %parallel_loop3A_196 = arith.constant 0 : i32
        %parallel_loop3A_197 = arith.index_cast %parallel_loop3A_196 : i32 to index
        %parallel_loop3A_198 = arith.index_cast %parallel_loop3A_195 : i32 to index
        %parallel_loop3A_199 = arith.constant 16 : index
        %parallel_loop3A_200 = tpu.vector_load %arg6[%parallel_loop3A_197, %parallel_loop3A_198, %parallel_loop3A_199] {strides = array<i32>} : memref<2x200x64xi32, #tpu.memory_space<vmem>>, vector<16xi32>,
        %parallel_loop3A_201 = vector.bitcast %parallel_loop3A_200 : vector<16xi32> to vector<32xbf16>
        %parallel_loop3A_202 = arith.addf %parallel_loop3A_152, %parallel_loop3A_201 : vector<32xbf16>
        %parallel_loop3A_203 = arith.constant 1 : i32
        %parallel_loop3A_204 = arith.addi %parallel_loop3A_156, %parallel_loop3A_203 : i32
        %parallel_loop3A_205 = arith.constant 0 : i32
        %parallel_loop3A_206 = arith.index_cast %parallel_loop3A_205 : i32 to index
        %parallel_loop3A_207 = arith.index_cast %parallel_loop3A_204 : i32 to index
        %parallel_loop3A_208 = arith.constant 32 : index
        %parallel_loop3A_209 = tpu.vector_load %arg6[%parallel_loop3A_206, %parallel_loop3A_207, %parallel_loop3A_208] {strides = array<i32>} : memref<2x200x64xi32, #tpu.memory_space<vmem>>, vector<16xi32>,
        %parallel_loop3A_210 = vector.bitcast %parallel_loop3A_209 : vector<16xi32> to vector<32xbf16>
        %parallel_loop3A_211 = arith.addf %parallel_loop3A_153, %parallel_loop3A_210 : vector<32xbf16>
        %parallel_loop3A_212 = arith.constant 1 : i32
        %parallel_loop3A_213 = arith.addi %parallel_loop3A_156, %parallel_loop3A_212 : i32
        %parallel_loop3A_214 = arith.constant 0 : i32
        %parallel_loop3A_215 = arith.index_cast %parallel_loop3A_214 : i32 to index
        %parallel_loop3A_216 = arith.index_cast %parallel_loop3A_213 : i32 to index
        %parallel_loop3A_217 = arith.constant 48 : index
        %parallel_loop3A_218 = tpu.vector_load %arg6[%parallel_loop3A_215, %parallel_loop3A_216, %parallel_loop3A_217] {strides = array<i32>} : memref<2x200x64xi32, #tpu.memory_space<vmem>>, vector<16xi32>,
        %parallel_loop3A_219 = vector.bitcast %parallel_loop3A_218 : vector<16xi32> to vector<32xbf16>
        %parallel_loop3A_220 = arith.addf %parallel_loop3A_154, %parallel_loop3A_219 : vector<32xbf16>
        scf.yield %parallel_loop3A_163, %parallel_loop3A_170, %parallel_loop3A_177, %parallel_loop3A_184, %parallel_loop3A_193, %parallel_loop3A_202, %parallel_loop3A_211, %parallel_loop3A_220 : vector<32xbf16>, vector<32xbf16>, vector<32xbf16>, vector<32xbf16>, vector<32xbf16>, vector<32xbf16>, vector<32xbf16>, vector<32xbf16>
      } {sc.loop_unroll_factor = 4 : i64, sc.parallel_access}
      %add3A_67 = arith.addf %parallel_loop3A_66#0, %parallel_loop3A_66#4 : vector<32xbf16>
      %bitcast3A = vector.bitcast %add3A_67 : vector<32xbf16> to vector<16xi32>
      %swap3A = arith.index_cast %mul3A_21 : i32 to index
      %swap3A_68 = arith.constant 0 : index
      %swap3A_69 = tpu.vector_load %arg7[%swap3A, %swap3A_68] {strides = array<i32>} : memref<128x64xi32, #tpu.memory_space<vmem>>, vector<16xi32>,
      tpu.vector_store %arg7[%swap3A, %swap3A_68], %bitcast3A {strides = array<i32>} : memref<128x64xi32, #tpu.memory_space<vmem>>, vector<16xi32>,
      %add3A_70 = arith.addf %parallel_loop3A_66#1, %parallel_loop3A_66#5 : vector<32xbf16>
      %bitcast3A_71 = vector.bitcast %add3A_70 : vector<32xbf16> to vector<16xi32>
      %swap3A_72 = arith.index_cast %mul3A_21 : i32 to index
      %swap3A_73 = arith.constant 16 : index
      %swap3A_74 = tpu.vector_load %arg7[%swap3A_72, %swap3A_73] {strides = array<i32>} : memref<128x64xi32, #tpu.memory_space<vmem>>, vector<16xi32>,
      tpu.vector_store %arg7[%swap3A_72, %swap3A_73], %bitcast3A_71 {strides = array<i32>} : memref<128x64xi32, #tpu.memory_space<vmem>>, vector<16xi32>,
      %add3A_75 = arith.addf %parallel_loop3A_66#2, %parallel_loop3A_66#6 : vector<32xbf16>
      %bitcast3A_76 = vector.bitcast %add3A_75 : vector<32xbf16> to vector<16xi32>
      %swap3A_77 = arith.index_cast %mul3A_21 : i32 to index
      %swap3A_78 = arith.constant 32 : index
      %swap3A_79 = tpu.vector_load %arg7[%swap3A_77, %swap3A_78] {strides = array<i32>} : memref<128x64xi32, #tpu.memory_space<vmem>>, vector<16xi32>,
      tpu.vector_store %arg7[%swap3A_77, %swap3A_78], %bitcast3A_76 {strides = array<i32>} : memref<128x64xi32, #tpu.memory_space<vmem>>, vector<16xi32>,
      %add3A_80 = arith.addf %parallel_loop3A_66#3, %parallel_loop3A_66#7 : vector<32xbf16>
      %bitcast3A_81 = vector.bitcast %add3A_80 : vector<32xbf16> to vector<16xi32>
      %swap3A_82 = arith.index_cast %mul3A_21 : i32 to index
      %swap3A_83 = arith.constant 48 : index
      %swap3A_84 = tpu.vector_load %arg7[%swap3A_82, %swap3A_83] {strides = array<i32>} : memref<128x64xi32, #tpu.memory_space<vmem>>, vector<16xi32>,
      tpu.vector_store %arg7[%swap3A_82, %swap3A_83], %bitcast3A_81 {strides = array<i32>} : memref<128x64xi32, #tpu.memory_space<vmem>>, vector<16xi32>,
      %add3A_85 = arith.constant 2 : i32
      %add3A_86 = arith.addi %mul3A_21, %add3A_85 : i32
      %lt3A = arith.constant 128 : i32
      %lt3A_87 = arith.cmpi slt, %add3A_86, %lt3A : i32
      %convert_element_type3A = arith.extui %lt3A_87 : i1 to i32
      %cond3A = arith.constant 0 : i32
      %cond3A_88 = arith.cmpi ne, %convert_element_type3A, %cond3A : i32
      scf.if %cond3A_88 {
        %add3A_146 = arith.constant 2 : i32
        %add3A_147 = arith.addi %mul3A_21, %add3A_146 : i32
        %mul3A_148 = arith.constant 200 : i32
        %mul3A_149 = arith.muli %add3A_147, %mul3A_148 : i32
        %dma_start3A_150 = arith.constant 0 : i32
        %dma_start3A_151 = arith.constant 0 : i32
        %dma_start3A_152 = arith.constant 0 : i32
        %dma_start3A_153 = tpu.memref_slice %arg6[%dma_start3A_150, %dma_start3A_151, %dma_start3A_152] : memref<2x200x64xi32, #tpu.memory_space<vmem>> -> memref<1x200x64xi32, #tpu.memory_space<vmem>>
        %dma_start3A_154 = tpu.memref_squeeze %dma_start3A_153 : memref<1x200x64xi32, #tpu.memory_space<vmem>> -> memref<200x64xi32, #tpu.memory_space<vmem>>
        %dma_start3A_155 = tpu.memref_slice %arg5[%mul3A_149] : memref<25600xi32, #tpu.memory_space<vmem>> -> memref<200xi32, #tpu.memory_space<vmem>>
        %dma_start3A_156 = arith.constant 0 : i32
        %dma_start3A_157 = arith.constant 0 : i32
        %dma_start3A_158 = tpu.memref_slice %arg3[%dma_start3A_156, %dma_start3A_157] : memref<100000x64xi32, #tpu.memory_space<hbm>> -> memref<100000x64xi32, #tpu.memory_space<hbm>>
        tpu.enqueue_indirect_dma source(%dma_start3A_158 : memref<100000x64xi32, #tpu.memory_space<hbm>>) target(%dma_start3A_154 : memref<200x64xi32, #tpu.memory_space<vmem>>) offsets(%dma_start3A_155 : memref<200xi32, #tpu.memory_space<vmem>>) semaphore(%arg8 : memref<!tpu.dma_semaphore, #tpu.memory_space<semaphore_mem>>)
      } else {
      }
      %dma_wait3A_89 = arith.constant 1 : i32
      %dma_wait3A_90 = arith.constant 0 : i32
      %dma_wait3A_91 = arith.constant 0 : i32
      %dma_wait3A_92 = tpu.memref_slice %arg6[%dma_wait3A_89, %dma_wait3A_90, %dma_wait3A_91] : memref<2x200x64xi32, #tpu.memory_space<vmem>> -> memref<1x200x64xi32, #tpu.memory_space<vmem>>
      %dma_wait3A_93 = tpu.memref_squeeze %dma_wait3A_92 : memref<1x200x64xi32, #tpu.memory_space<vmem>> -> memref<200x64xi32, #tpu.memory_space<vmem>>
      %dma_wait3A_94 = arith.constant 0 : i32
      %dma_wait3A_95 = arith.constant 0 : i32
      %dma_wait3A_96 = tpu.memref_slice %arg3[%dma_wait3A_94, %dma_wait3A_95] : memref<100000x64xi32, #tpu.memory_space<hbm>> -> memref<200x64xi32, #tpu.memory_space<hbm>>
      %dma_wait3A_97 = arith.constant 0 : i32
      %dma_wait3A_98 = arith.constant 0 : i32
      %dma_wait3A_99 = tpu.memref_slice %arg6[%dma_wait3A_89, %dma_wait3A_97, %dma_wait3A_98] : memref<2x200x64xi32, #tpu.memory_space<vmem>> -> memref<1x200x64xi32, #tpu.memory_space<vmem>>
      %dma_wait3A_100 = tpu.memref_squeeze %dma_wait3A_99 : memref<1x200x64xi32, #tpu.memory_space<vmem>> -> memref<200x64xi32, #tpu.memory_space<vmem>>
      %dma_wait3A_101 = arith.constant 0 : i32
      %dma_wait3A_102 = arith.constant 0 : i32
      %dma_wait3A_103 = tpu.memref_slice %arg3[%dma_wait3A_101, %dma_wait3A_102] : memref<100000x64xi32, #tpu.memory_space<hbm>> -> memref<200x64xi32, #tpu.memory_space<hbm>>
      tpu.wait_dma2 semaphore(%arg9 : memref<!tpu.dma_semaphore, #tpu.memory_space<semaphore_mem>>) src(%dma_wait3A_103 : memref<200x64xi32, #tpu.memory_space<hbm>>) dst(%dma_wait3A_100 : memref<200x64xi32, #tpu.memory_space<vmem>>)
      %add3A_104 = arith.constant 1 : i32
      %add3A_105 = arith.addi %mul3A_21, %add3A_104 : i32
      %broadcast_in_dim3A_106 = arith.constant 0.000000e+00 : bf16
      %broadcast_in_dim3A_107 = vector.broadcast %broadcast_in_dim3A_106 : bf16 to vector<32xbf16>
      %broadcast_in_dim3A_108 = arith.constant 0.000000e+00 : bf16
      %broadcast_in_dim3A_109 = vector.broadcast %broadcast_in_dim3A_108 : bf16 to vector<32xbf16>
      %broadcast_in_dim3A_110 = arith.constant 0.000000e+00 : bf16
      %broadcast_in_dim3A_111 = vector.broadcast %broadcast_in_dim3A_110 : bf16 to vector<32xbf16>
      %broadcast_in_dim3A_112 = arith.constant 0.000000e+00 : bf16
      %broadcast_in_dim3A_113 = vector.broadcast %broadcast_in_dim3A_112 : bf16 to vector<32xbf16>
      %broadcast_in_dim3A_114 = arith.constant 0.000000e+00 : bf16
      %broadcast_in_dim3A_115 = vector.broadcast %broadcast_in_dim3A_114 : bf16 to vector<32xbf16>
      %broadcast_in_dim3A_116 = arith.constant 0.000000e+00 : bf16
      %broadcast_in_dim3A_117 = vector.broadcast %broadcast_in_dim3A_116 : bf16 to vector<32xbf16>
      %broadcast_in_dim3A_118 = arith.constant 0.000000e+00 : bf16
      %broadcast_in_dim3A_119 = vector.broadcast %broadcast_in_dim3A_118 : bf16 to vector<32xbf16>
      %broadcast_in_dim3A_120 = arith.constant 0.000000e+00 : bf16
      %broadcast_in_dim3A_121 = vector.broadcast %broadcast_in_dim3A_120 : bf16 to vector<32xbf16>
      %parallel_loop3A_122 = arith.constant 0 : i32
      %parallel_loop3A_123 = arith.constant 100 : i32
      %parallel_loop3A_124 = arith.constant 1 : i32
      %parallel_loop3A_125:8 = scf.for %parallel_loop3A_146 = %parallel_loop3A_122 to %parallel_loop3A_123 step %parallel_loop3A_124 iter_args(%parallel_loop3A_147 = %broadcast_in_dim3A_107, %parallel_loop3A_148 = %broadcast_in_dim3A_109, %parallel_loop3A_149 = %broadcast_in_dim3A_111, %parallel_loop3A_150 = %broadcast_in_dim3A_113, %parallel_loop3A_151 = %broadcast_in_dim3A_115, %parallel_loop3A_152 = %broadcast_in_dim3A_117, %parallel_loop3A_153 = %broadcast_in_dim3A_119, %parallel_loop3A_154 = %broadcast_in_dim3A_121) -> (vector<32xbf16>, vector<32xbf16>, vector<32xbf16>, vector<32xbf16>, vector<32xbf16>, vector<32xbf16>, vector<32xbf16>, vector<32xbf16>)  : i32 {
        %parallel_loop3A_155 = arith.constant 2 : i32
        %parallel_loop3A_156 = arith.muli %parallel_loop3A_146, %parallel_loop3A_155 : i32
        %parallel_loop3A_157 = arith.constant 1 : i32
        %parallel_loop3A_158 = arith.index_cast %parallel_loop3A_157 : i32 to index
        %parallel_loop3A_159 = arith.index_cast %parallel_loop3A_156 : i32 to index
        %parallel_loop3A_160 = arith.constant 0 : index
        %parallel_loop3A_161 = tpu.vector_load %arg6[%parallel_loop3A_158, %parallel_loop3A_159, %parallel_loop3A_160] {strides = array<i32>} : memref<2x200x64xi32, #tpu.memory_space<vmem>>, vector<16xi32>,
        %parallel_loop3A_162 = vector.bitcast %parallel_loop3A_161 : vector<16xi32> to vector<32xbf16>
        %parallel_loop3A_163 = arith.addf %parallel_loop3A_147, %parallel_loop3A_162 : vector<32xbf16>
        %parallel_loop3A_164 = arith.constant 1 : i32
        %parallel_loop3A_165 = arith.index_cast %parallel_loop3A_164 : i32 to index
        %parallel_loop3A_166 = arith.index_cast %parallel_loop3A_156 : i32 to index
        %parallel_loop3A_167 = arith.constant 16 : index
        %parallel_loop3A_168 = tpu.vector_load %arg6[%parallel_loop3A_165, %parallel_loop3A_166, %parallel_loop3A_167] {strides = array<i32>} : memref<2x200x64xi32, #tpu.memory_space<vmem>>, vector<16xi32>,
        %parallel_loop3A_169 = vector.bitcast %parallel_loop3A_168 : vector<16xi32> to vector<32xbf16>
        %parallel_loop3A_170 = arith.addf %parallel_loop3A_148, %parallel_loop3A_169 : vector<32xbf16>
        %parallel_loop3A_171 = arith.constant 1 : i32
        %parallel_loop3A_172 = arith.index_cast %parallel_loop3A_171 : i32 to index
        %parallel_loop3A_173 = arith.index_cast %parallel_loop3A_156 : i32 to index
        %parallel_loop3A_174 = arith.constant 32 : index
        %parallel_loop3A_175 = tpu.vector_load %arg6[%parallel_loop3A_172, %parallel_loop3A_173, %parallel_loop3A_174] {strides = array<i32>} : memref<2x200x64xi32, #tpu.memory_space<vmem>>, vector<16xi32>,
        %parallel_loop3A_176 = vector.bitcast %parallel_loop3A_175 : vector<16xi32> to vector<32xbf16>
        %parallel_loop3A_177 = arith.addf %parallel_loop3A_149, %parallel_loop3A_176 : vector<32xbf16>
        %parallel_loop3A_178 = arith.constant 1 : i32
        %parallel_loop3A_179 = arith.index_cast %parallel_loop3A_178 : i32 to index
        %parallel_loop3A_180 = arith.index_cast %parallel_loop3A_156 : i32 to index
        %parallel_loop3A_181 = arith.constant 48 : index
        %parallel_loop3A_182 = tpu.vector_load %arg6[%parallel_loop3A_179, %parallel_loop3A_180, %parallel_loop3A_181] {strides = array<i32>} : memref<2x200x64xi32, #tpu.memory_space<vmem>>, vector<16xi32>,
        %parallel_loop3A_183 = vector.bitcast %parallel_loop3A_182 : vector<16xi32> to vector<32xbf16>
        %parallel_loop3A_184 = arith.addf %parallel_loop3A_150, %parallel_loop3A_183 : vector<32xbf16>
        %parallel_loop3A_185 = arith.constant 1 : i32
        %parallel_loop3A_186 = arith.addi %parallel_loop3A_156, %parallel_loop3A_185 : i32
        %parallel_loop3A_187 = arith.constant 1 : i32
        %parallel_loop3A_188 = arith.index_cast %parallel_loop3A_187 : i32 to index
        %parallel_loop3A_189 = arith.index_cast %parallel_loop3A_186 : i32 to index
        %parallel_loop3A_190 = arith.constant 0 : index
        %parallel_loop3A_191 = tpu.vector_load %arg6[%parallel_loop3A_188, %parallel_loop3A_189, %parallel_loop3A_190] {strides = array<i32>} : memref<2x200x64xi32, #tpu.memory_space<vmem>>, vector<16xi32>,
        %parallel_loop3A_192 = vector.bitcast %parallel_loop3A_191 : vector<16xi32> to vector<32xbf16>
        %parallel_loop3A_193 = arith.addf %parallel_loop3A_151, %parallel_loop3A_192 : vector<32xbf16>
        %parallel_loop3A_194 = arith.constant 1 : i32
        %parallel_loop3A_195 = arith.addi %parallel_loop3A_156, %parallel_loop3A_194 : i32
        %parallel_loop3A_196 = arith.constant 1 : i32
        %parallel_loop3A_197 = arith.index_cast %parallel_loop3A_196 : i32 to index
        %parallel_loop3A_198 = arith.index_cast %parallel_loop3A_195 : i32 to index
        %parallel_loop3A_199 = arith.constant 16 : index
        %parallel_loop3A_200 = tpu.vector_load %arg6[%parallel_loop3A_197, %parallel_loop3A_198, %parallel_loop3A_199] {strides = array<i32>} : memref<2x200x64xi32, #tpu.memory_space<vmem>>, vector<16xi32>,
        %parallel_loop3A_201 = vector.bitcast %parallel_loop3A_200 : vector<16xi32> to vector<32xbf16>
        %parallel_loop3A_202 = arith.addf %parallel_loop3A_152, %parallel_loop3A_201 : vector<32xbf16>
        %parallel_loop3A_203 = arith.constant 1 : i32
        %parallel_loop3A_204 = arith.addi %parallel_loop3A_156, %parallel_loop3A_203 : i32
        %parallel_loop3A_205 = arith.constant 1 : i32
        %parallel_loop3A_206 = arith.index_cast %parallel_loop3A_205 : i32 to index
        %parallel_loop3A_207 = arith.index_cast %parallel_loop3A_204 : i32 to index
        %parallel_loop3A_208 = arith.constant 32 : index
        %parallel_loop3A_209 = tpu.vector_load %arg6[%parallel_loop3A_206, %parallel_loop3A_207, %parallel_loop3A_208] {strides = array<i32>} : memref<2x200x64xi32, #tpu.memory_space<vmem>>, vector<16xi32>,
        %parallel_loop3A_210 = vector.bitcast %parallel_loop3A_209 : vector<16xi32> to vector<32xbf16>
        %parallel_loop3A_211 = arith.addf %parallel_loop3A_153, %parallel_loop3A_210 : vector<32xbf16>
        %parallel_loop3A_212 = arith.constant 1 : i32
        %parallel_loop3A_213 = arith.addi %parallel_loop3A_156, %parallel_loop3A_212 : i32
        %parallel_loop3A_214 = arith.constant 1 : i32
        %parallel_loop3A_215 = arith.index_cast %parallel_loop3A_214 : i32 to index
        %parallel_loop3A_216 = arith.index_cast %parallel_loop3A_213 : i32 to index
        %parallel_loop3A_217 = arith.constant 48 : index
        %parallel_loop3A_218 = tpu.vector_load %arg6[%parallel_loop3A_215, %parallel_loop3A_216, %parallel_loop3A_217] {strides = array<i32>} : memref<2x200x64xi32, #tpu.memory_space<vmem>>, vector<16xi32>,
        %parallel_loop3A_219 = vector.bitcast %parallel_loop3A_218 : vector<16xi32> to vector<32xbf16>
        %parallel_loop3A_220 = arith.addf %parallel_loop3A_154, %parallel_loop3A_219 : vector<32xbf16>
        scf.yield %parallel_loop3A_163, %parallel_loop3A_170, %parallel_loop3A_177, %parallel_loop3A_184, %parallel_loop3A_193, %parallel_loop3A_202, %parallel_loop3A_211, %parallel_loop3A_220 : vector<32xbf16>, vector<32xbf16>, vector<32xbf16>, vector<32xbf16>, vector<32xbf16>, vector<32xbf16>, vector<32xbf16>, vector<32xbf16>
      } {sc.loop_unroll_factor = 4 : i64, sc.parallel_access}
      %add3A_126 = arith.addf %parallel_loop3A_125#0, %parallel_loop3A_125#4 : vector<32xbf16>
      %bitcast3A_127 = vector.bitcast %add3A_126 : vector<32xbf16> to vector<16xi32>
      %swap3A_128 = arith.index_cast %add3A_105 : i32 to index
      %swap3A_129 = arith.constant 0 : index
      %swap3A_130 = tpu.vector_load %arg7[%swap3A_128, %swap3A_129] {strides = array<i32>} : memref<128x64xi32, #tpu.memory_space<vmem>>, vector<16xi32>,
      tpu.vector_store %arg7[%swap3A_128, %swap3A_129], %bitcast3A_127 {strides = array<i32>} : memref<128x64xi32, #tpu.memory_space<vmem>>, vector<16xi32>,
      %add3A_131 = arith.addf %parallel_loop3A_125#1, %parallel_loop3A_125#5 : vector<32xbf16>
      %bitcast3A_132 = vector.bitcast %add3A_131 : vector<32xbf16> to vector<16xi32>
      %swap3A_133 = arith.index_cast %add3A_105 : i32 to index
      %swap3A_134 = arith.constant 16 : index
      %swap3A_135 = tpu.vector_load %arg7[%swap3A_133, %swap3A_134] {strides = array<i32>} : memref<128x64xi32, #tpu.memory_space<vmem>>, vector<16xi32>,
      tpu.vector_store %arg7[%swap3A_133, %swap3A_134], %bitcast3A_132 {strides = array<i32>} : memref<128x64xi32, #tpu.memory_space<vmem>>, vector<16xi32>,
      %add3A_136 = arith.addf %parallel_loop3A_125#2, %parallel_loop3A_125#6 : vector<32xbf16>
      %bitcast3A_137 = vector.bitcast %add3A_136 : vector<32xbf16> to vector<16xi32>
      %swap3A_138 = arith.index_cast %add3A_105 : i32 to index
      %swap3A_139 = arith.constant 32 : index
      %swap3A_140 = tpu.vector_load %arg7[%swap3A_138, %swap3A_139] {strides = array<i32>} : memref<128x64xi32, #tpu.memory_space<vmem>>, vector<16xi32>,
      tpu.vector_store %arg7[%swap3A_138, %swap3A_139], %bitcast3A_137 {strides = array<i32>} : memref<128x64xi32, #tpu.memory_space<vmem>>, vector<16xi32>,
      %add3A_141 = arith.addf %parallel_loop3A_125#3, %parallel_loop3A_125#7 : vector<32xbf16>
      %bitcast3A_142 = vector.bitcast %add3A_141 : vector<32xbf16> to vector<16xi32>
      %swap3A_143 = arith.index_cast %add3A_105 : i32 to index
      %swap3A_144 = arith.constant 48 : index
      %swap3A_145 = tpu.vector_load %arg7[%swap3A_143, %swap3A_144] {strides = array<i32>} : memref<128x64xi32, #tpu.memory_space<vmem>>, vector<16xi32>,
      tpu.vector_store %arg7[%swap3A_143, %swap3A_144], %bitcast3A_142 {strides = array<i32>} : memref<128x64xi32, #tpu.memory_space<vmem>>, vector<16xi32>,
    }
    %scan3A_18 = arith.constant 64 : i32
    "tpu.region"() ({
      %run_scoped3A = tpu.sem_alloc : memref<!tpu.dma_semaphore, #tpu.memory_space<semaphore_mem>>
      %dma_start3A_19 = arith.constant 0 : i32
      %dma_start3A_20 = tpu.memref_slice %arg4[%mul3A_2, %dma_start3A_19] : memref<4096x64xi32, #tpu.memory_space<hbm>> -> memref<128x64xi32, #tpu.memory_space<hbm>>
      %dma_start3A_21 = arith.constant 0 : i32
      %dma_start3A_22 = tpu.memref_slice %arg4[%mul3A_2, %dma_start3A_21] : memref<4096x64xi32, #tpu.memory_space<hbm>> -> memref<128x64xi32, #tpu.memory_space<hbm>>
      tpu.enqueue_dma source(%arg7 : memref<128x64xi32, #tpu.memory_space<vmem>>) target(%dma_start3A_22 : memref<128x64xi32, #tpu.memory_space<hbm>>) target_semaphore(%run_scoped3A : memref<!tpu.dma_semaphore, #tpu.memory_space<semaphore_mem>>)
      %dma_wait3A = arith.constant 0 : i32
      %dma_wait3A_23 = tpu.memref_slice %arg4[%mul3A_2, %dma_wait3A] : memref<4096x64xi32, #tpu.memory_space<hbm>> -> memref<128x64xi32, #tpu.memory_space<hbm>>
      %dma_wait3A_24 = arith.constant 0 : i32
      %dma_wait3A_25 = tpu.memref_slice %arg4[%mul3A_2, %dma_wait3A_24] : memref<4096x64xi32, #tpu.memory_space<hbm>> -> memref<128x64xi32, #tpu.memory_space<hbm>>
      tpu.wait_dma2 semaphore(%run_scoped3A : memref<!tpu.dma_semaphore, #tpu.memory_space<semaphore_mem>>) src(%arg7 : memref<128x64xi32, #tpu.memory_space<vmem>>) dst(%dma_wait3A_25 : memref<128x64xi32, #tpu.memory_space<hbm>>)
      tpu.yield
    }) : () -> ()
    return
  }
}

#map = affine_map<(d0, d1) -> (0, 0)>
module attributes {stable_mosaic.version = 14 : i64} {
  func.func @_sc_pack_table(%arg0: i32, %arg1: i32, %arg2: memref<100000x128xf32, #tpu.memory_space<hbm>>, %arg3: memref<100000x64xi32, #tpu.memory_space<hbm>>, %arg4: memref<2x300x128xf32, #tpu.memory_space<vmem>>, %arg5: memref<2x300x64xi32, #tpu.memory_space<vmem>>, %arg6: memref<!tpu.dma_semaphore, #tpu.memory_space<semaphore_mem>>, %arg7: memref<!tpu.dma_semaphore, #tpu.memory_space<semaphore_mem>>) attributes {dimension_semantics = [#tpu.dimension_semantics<core_parallel>, #tpu.dimension_semantics<subcore_parallel>], iteration_bounds = array<i64: 2, 16>, scalar_prefetch = 0 : i64, scratch_operands = 4 : i64, tpu.core_type = #tpu.core_type<sc_vector_subcore>, window_params = [{transform_indices = #map}, {transform_indices = #map}]} {
    %mul3A = arith.constant 2 : i32
    %mul3A_0 = arith.muli %arg1, %mul3A : i32
    %add3A = arith.addi %mul3A_0, %arg0 : i32
    %mul3A_1 = arith.constant 3125 : i32
    %mul3A_2 = arith.muli %add3A, %mul3A_1 : i32
    %dma_start3A = arith.constant 0 : i32
    %dma_start3A_3 = arith.constant 0 : i32
    %dma_start3A_4 = arith.constant 0 : i32
    %dma_start3A_5 = tpu.memref_slice %arg4[%dma_start3A, %dma_start3A_3, %dma_start3A_4] : memref<2x300x128xf32, #tpu.memory_space<vmem>> -> memref<1x300x128xf32, #tpu.memory_space<vmem>>
    %dma_start3A_6 = tpu.memref_squeeze %dma_start3A_5 : memref<1x300x128xf32, #tpu.memory_space<vmem>> -> memref<300x128xf32, #tpu.memory_space<vmem>>
    %dma_start3A_7 = arith.constant 0 : i32
    %dma_start3A_8 = tpu.memref_slice %arg2[%mul3A_2, %dma_start3A_7] : memref<100000x128xf32, #tpu.memory_space<hbm>> -> memref<300x128xf32, #tpu.memory_space<hbm>>
    %dma_start3A_9 = arith.constant 0 : i32
    %dma_start3A_10 = arith.constant 0 : i32
    %dma_start3A_11 = tpu.memref_slice %arg4[%dma_start3A, %dma_start3A_9, %dma_start3A_10] : memref<2x300x128xf32, #tpu.memory_space<vmem>> -> memref<1x300x128xf32, #tpu.memory_space<vmem>>
    %dma_start3A_12 = tpu.memref_squeeze %dma_start3A_11 : memref<1x300x128xf32, #tpu.memory_space<vmem>> -> memref<300x128xf32, #tpu.memory_space<vmem>>
    %dma_start3A_13 = arith.constant 0 : i32
    %dma_start3A_14 = tpu.memref_slice %arg2[%mul3A_2, %dma_start3A_13] : memref<100000x128xf32, #tpu.memory_space<hbm>> -> memref<300x128xf32, #tpu.memory_space<hbm>>
    tpu.enqueue_dma source(%dma_start3A_14 : memref<300x128xf32, #tpu.memory_space<hbm>>) target(%dma_start3A_12 : memref<300x128xf32, #tpu.memory_space<vmem>>) target_semaphore(%arg6 : memref<!tpu.dma_semaphore, #tpu.memory_space<semaphore_mem>>)
    %add3A_15 = arith.constant 0 : i32
    %add3A_16 = arith.addi %mul3A_2, %add3A_15 : i32
    %dma_wait3A = arith.constant 0 : i32
    %dma_wait3A_17 = arith.constant 0 : i32
    %dma_wait3A_18 = arith.constant 0 : i32
    %dma_wait3A_19 = tpu.memref_slice %arg4[%dma_wait3A, %dma_wait3A_17, %dma_wait3A_18] : memref<2x300x128xf32, #tpu.memory_space<vmem>> -> memref<1x300x128xf32, #tpu.memory_space<vmem>>
    %dma_wait3A_20 = tpu.memref_squeeze %dma_wait3A_19 : memref<1x300x128xf32, #tpu.memory_space<vmem>> -> memref<300x128xf32, #tpu.memory_space<vmem>>
    %dma_wait3A_21 = arith.constant 0 : i32
    %dma_wait3A_22 = tpu.memref_slice %arg2[%add3A_16, %dma_wait3A_21] : memref<100000x128xf32, #tpu.memory_space<hbm>> -> memref<300x128xf32, #tpu.memory_space<hbm>>
    %dma_wait3A_23 = arith.constant 0 : i32
    %dma_wait3A_24 = arith.constant 0 : i32
    %dma_wait3A_25 = tpu.memref_slice %arg4[%dma_wait3A, %dma_wait3A_23, %dma_wait3A_24] : memref<2x300x128xf32, #tpu.memory_space<vmem>> -> memref<1x300x128xf32, #tpu.memory_space<vmem>>
    %dma_wait3A_26 = tpu.memref_squeeze %dma_wait3A_25 : memref<1x300x128xf32, #tpu.memory_space<vmem>> -> memref<300x128xf32, #tpu.memory_space<vmem>>
    %dma_wait3A_27 = arith.constant 0 : i32
    %dma_wait3A_28 = tpu.memref_slice %arg2[%add3A_16, %dma_wait3A_27] : memref<100000x128xf32, #tpu.memory_space<hbm>> -> memref<300x128xf32, #tpu.memory_space<hbm>>
    tpu.wait_dma2 semaphore(%arg6 : memref<!tpu.dma_semaphore, #tpu.memory_space<semaphore_mem>>) src(%dma_wait3A_28 : memref<300x128xf32, #tpu.memory_space<hbm>>) dst(%dma_wait3A_26 : memref<300x128xf32, #tpu.memory_space<vmem>>)
    %add3A_29 = arith.constant 300 : i32
    %add3A_30 = arith.addi %mul3A_2, %add3A_29 : i32
    %dma_start3A_31 = arith.constant 1 : i32
    %dma_start3A_32 = arith.constant 0 : i32
    %dma_start3A_33 = arith.constant 0 : i32
    %dma_start3A_34 = tpu.memref_slice %arg4[%dma_start3A_31, %dma_start3A_32, %dma_start3A_33] : memref<2x300x128xf32, #tpu.memory_space<vmem>> -> memref<1x300x128xf32, #tpu.memory_space<vmem>>
    %dma_start3A_35 = tpu.memref_squeeze %dma_start3A_34 : memref<1x300x128xf32, #tpu.memory_space<vmem>> -> memref<300x128xf32, #tpu.memory_space<vmem>>
    %dma_start3A_36 = arith.constant 0 : i32
    %dma_start3A_37 = tpu.memref_slice %arg2[%add3A_30, %dma_start3A_36] : memref<100000x128xf32, #tpu.memory_space<hbm>> -> memref<300x128xf32, #tpu.memory_space<hbm>>
    %dma_start3A_38 = arith.constant 0 : i32
    %dma_start3A_39 = arith.constant 0 : i32
    %dma_start3A_40 = tpu.memref_slice %arg4[%dma_start3A_31, %dma_start3A_38, %dma_start3A_39] : memref<2x300x128xf32, #tpu.memory_space<vmem>> -> memref<1x300x128xf32, #tpu.memory_space<vmem>>
    %dma_start3A_41 = tpu.memref_squeeze %dma_start3A_40 : memref<1x300x128xf32, #tpu.memory_space<vmem>> -> memref<300x128xf32, #tpu.memory_space<vmem>>
    %dma_start3A_42 = arith.constant 0 : i32
    %dma_start3A_43 = tpu.memref_slice %arg2[%add3A_30, %dma_start3A_42] : memref<100000x128xf32, #tpu.memory_space<hbm>> -> memref<300x128xf32, #tpu.memory_space<hbm>>
    tpu.enqueue_dma source(%dma_start3A_43 : memref<300x128xf32, #tpu.memory_space<hbm>>) target(%dma_start3A_41 : memref<300x128xf32, #tpu.memory_space<vmem>>) target_semaphore(%arg6 : memref<!tpu.dma_semaphore, #tpu.memory_space<semaphore_mem>>)
    %parallel_loop3A = arith.constant 0 : i32
    %parallel_loop3A_44 = arith.constant 300 : i32
    %parallel_loop3A_45 = arith.constant 1 : i32
    scf.for %parallel_loop3A_691 = %parallel_loop3A to %parallel_loop3A_44 step %parallel_loop3A_45  : i32 {
      %parallel_loop3A_692 = arith.constant 0 : i32
      %parallel_loop3A_693 = arith.index_cast %parallel_loop3A_692 : i32 to index
      %parallel_loop3A_694 = arith.index_cast %parallel_loop3A_691 : i32 to index
      %parallel_loop3A_695 = arith.constant 0 : index
      %parallel_loop3A_696 = tpu.vector_load %arg4[%parallel_loop3A_693, %parallel_loop3A_694, %parallel_loop3A_695] {strides = array<i32>} : memref<2x300x128xf32, #tpu.memory_space<vmem>>, vector<16xf32>,
      %parallel_loop3A_697 = arith.constant 0 : i32
      %parallel_loop3A_698 = arith.index_cast %parallel_loop3A_697 : i32 to index
      %parallel_loop3A_699 = arith.index_cast %parallel_loop3A_691 : i32 to index
      %parallel_loop3A_700 = arith.constant 64 : index
      %parallel_loop3A_701 = tpu.vector_load %arg4[%parallel_loop3A_698, %parallel_loop3A_699, %parallel_loop3A_700] {strides = array<i32>} : memref<2x300x128xf32, #tpu.memory_space<vmem>>, vector<16xf32>,
      %parallel_loop3A_702 = tpu.pack_subelements %parallel_loop3A_696, %parallel_loop3A_701 {pack_format = #tpu.pack_format<interleaved>, positions = array<i32: 0, 1>} : vector<16xf32>, vector<16xf32> -> vector<32xbf16>
      %parallel_loop3A_703 = vector.bitcast %parallel_loop3A_702 : vector<32xbf16> to vector<16xi32>
      %parallel_loop3A_704 = arith.constant 0 : i32
      %parallel_loop3A_705 = arith.index_cast %parallel_loop3A_704 : i32 to index
      %parallel_loop3A_706 = arith.index_cast %parallel_loop3A_691 : i32 to index
      %parallel_loop3A_707 = arith.constant 0 : index
      %parallel_loop3A_708 = tpu.vector_load %arg5[%parallel_loop3A_705, %parallel_loop3A_706, %parallel_loop3A_707] {strides = array<i32>} : memref<2x300x64xi32, #tpu.memory_space<vmem>>, vector<16xi32>,
      tpu.vector_store %arg5[%parallel_loop3A_705, %parallel_loop3A_706, %parallel_loop3A_707], %parallel_loop3A_703 {strides = array<i32>} : memref<2x300x64xi32, #tpu.memory_space<vmem>>, vector<16xi32>,
      %parallel_loop3A_709 = arith.constant 0 : i32
      %parallel_loop3A_710 = arith.index_cast %parallel_loop3A_709 : i32 to index
      %parallel_loop3A_711 = arith.index_cast %parallel_loop3A_691 : i32 to index
      %parallel_loop3A_712 = arith.constant 16 : index
      %parallel_loop3A_713 = tpu.vector_load %arg4[%parallel_loop3A_710, %parallel_loop3A_711, %parallel_loop3A_712] {strides = array<i32>} : memref<2x300x128xf32, #tpu.memory_space<vmem>>, vector<16xf32>,
      %parallel_loop3A_714 = arith.constant 0 : i32
      %parallel_loop3A_715 = arith.index_cast %parallel_loop3A_714 : i32 to index
      %parallel_loop3A_716 = arith.index_cast %parallel_loop3A_691 : i32 to index
      %parallel_loop3A_717 = arith.constant 80 : index
      %parallel_loop3A_718 = tpu.vector_load %arg4[%parallel_loop3A_715, %parallel_loop3A_716, %parallel_loop3A_717] {strides = array<i32>} : memref<2x300x128xf32, #tpu.memory_space<vmem>>, vector<16xf32>,
      %parallel_loop3A_719 = tpu.pack_subelements %parallel_loop3A_713, %parallel_loop3A_718 {pack_format = #tpu.pack_format<interleaved>, positions = array<i32: 0, 1>} : vector<16xf32>, vector<16xf32> -> vector<32xbf16>
      %parallel_loop3A_720 = vector.bitcast %parallel_loop3A_719 : vector<32xbf16> to vector<16xi32>
      %parallel_loop3A_721 = arith.constant 0 : i32
      %parallel_loop3A_722 = arith.index_cast %parallel_loop3A_721 : i32 to index
      %parallel_loop3A_723 = arith.index_cast %parallel_loop3A_691 : i32 to index
      %parallel_loop3A_724 = arith.constant 16 : index
      %parallel_loop3A_725 = tpu.vector_load %arg5[%parallel_loop3A_722, %parallel_loop3A_723, %parallel_loop3A_724] {strides = array<i32>} : memref<2x300x64xi32, #tpu.memory_space<vmem>>, vector<16xi32>,
      tpu.vector_store %arg5[%parallel_loop3A_722, %parallel_loop3A_723, %parallel_loop3A_724], %parallel_loop3A_720 {strides = array<i32>} : memref<2x300x64xi32, #tpu.memory_space<vmem>>, vector<16xi32>,
      %parallel_loop3A_726 = arith.constant 0 : i32
      %parallel_loop3A_727 = arith.index_cast %parallel_loop3A_726 : i32 to index
      %parallel_loop3A_728 = arith.index_cast %parallel_loop3A_691 : i32 to index
      %parallel_loop3A_729 = arith.constant 32 : index
      %parallel_loop3A_730 = tpu.vector_load %arg4[%parallel_loop3A_727, %parallel_loop3A_728, %parallel_loop3A_729] {strides = array<i32>} : memref<2x300x128xf32, #tpu.memory_space<vmem>>, vector<16xf32>,
      %parallel_loop3A_731 = arith.constant 0 : i32
      %parallel_loop3A_732 = arith.index_cast %parallel_loop3A_731 : i32 to index
      %parallel_loop3A_733 = arith.index_cast %parallel_loop3A_691 : i32 to index
      %parallel_loop3A_734 = arith.constant 96 : index
      %parallel_loop3A_735 = tpu.vector_load %arg4[%parallel_loop3A_732, %parallel_loop3A_733, %parallel_loop3A_734] {strides = array<i32>} : memref<2x300x128xf32, #tpu.memory_space<vmem>>, vector<16xf32>,
      %parallel_loop3A_736 = tpu.pack_subelements %parallel_loop3A_730, %parallel_loop3A_735 {pack_format = #tpu.pack_format<interleaved>, positions = array<i32: 0, 1>} : vector<16xf32>, vector<16xf32> -> vector<32xbf16>
      %parallel_loop3A_737 = vector.bitcast %parallel_loop3A_736 : vector<32xbf16> to vector<16xi32>
      %parallel_loop3A_738 = arith.constant 0 : i32
      %parallel_loop3A_739 = arith.index_cast %parallel_loop3A_738 : i32 to index
      %parallel_loop3A_740 = arith.index_cast %parallel_loop3A_691 : i32 to index
      %parallel_loop3A_741 = arith.constant 32 : index
      %parallel_loop3A_742 = tpu.vector_load %arg5[%parallel_loop3A_739, %parallel_loop3A_740, %parallel_loop3A_741] {strides = array<i32>} : memref<2x300x64xi32, #tpu.memory_space<vmem>>, vector<16xi32>,
      tpu.vector_store %arg5[%parallel_loop3A_739, %parallel_loop3A_740, %parallel_loop3A_741], %parallel_loop3A_737 {strides = array<i32>} : memref<2x300x64xi32, #tpu.memory_space<vmem>>, vector<16xi32>,
      %parallel_loop3A_743 = arith.constant 0 : i32
      %parallel_loop3A_744 = arith.index_cast %parallel_loop3A_743 : i32 to index
      %parallel_loop3A_745 = arith.index_cast %parallel_loop3A_691 : i32 to index
      %parallel_loop3A_746 = arith.constant 48 : index
      %parallel_loop3A_747 = tpu.vector_load %arg4[%parallel_loop3A_744, %parallel_loop3A_745, %parallel_loop3A_746] {strides = array<i32>} : memref<2x300x128xf32, #tpu.memory_space<vmem>>, vector<16xf32>,
      %parallel_loop3A_748 = arith.constant 0 : i32
      %parallel_loop3A_749 = arith.index_cast %parallel_loop3A_748 : i32 to index
      %parallel_loop3A_750 = arith.index_cast %parallel_loop3A_691 : i32 to index
      %parallel_loop3A_751 = arith.constant 112 : index
      %parallel_loop3A_752 = tpu.vector_load %arg4[%parallel_loop3A_749, %parallel_loop3A_750, %parallel_loop3A_751] {strides = array<i32>} : memref<2x300x128xf32, #tpu.memory_space<vmem>>, vector<16xf32>,
      %parallel_loop3A_753 = tpu.pack_subelements %parallel_loop3A_747, %parallel_loop3A_752 {pack_format = #tpu.pack_format<interleaved>, positions = array<i32: 0, 1>} : vector<16xf32>, vector<16xf32> -> vector<32xbf16>
      %parallel_loop3A_754 = vector.bitcast %parallel_loop3A_753 : vector<32xbf16> to vector<16xi32>
      %parallel_loop3A_755 = arith.constant 0 : i32
      %parallel_loop3A_756 = arith.index_cast %parallel_loop3A_755 : i32 to index
      %parallel_loop3A_757 = arith.index_cast %parallel_loop3A_691 : i32 to index
      %parallel_loop3A_758 = arith.constant 48 : index
      %parallel_loop3A_759 = tpu.vector_load %arg5[%parallel_loop3A_756, %parallel_loop3A_757, %parallel_loop3A_758] {strides = array<i32>} : memref<2x300x64xi32, #tpu.memory_space<vmem>>, vector<16xi32>,
      tpu.vector_store %arg5[%parallel_loop3A_756, %parallel_loop3A_757, %parallel_loop3A_758], %parallel_loop3A_754 {strides = array<i32>} : memref<2x300x64xi32, #tpu.memory_space<vmem>>, vector<16xi32>,
    } {sc.loop_unroll_factor = 5 : i64, sc.parallel_access}
    %add3A_46 = arith.constant 0 : i32
    %add3A_47 = arith.addi %mul3A_2, %add3A_46 : i32
    %dma_start3A_48 = arith.constant 0 : i32
    %dma_start3A_49 = arith.constant 0 : i32
    %dma_start3A_50 = arith.constant 0 : i32
    %dma_start3A_51 = tpu.memref_slice %arg5[%dma_start3A_48, %dma_start3A_49, %dma_start3A_50] : memref<2x300x64xi32, #tpu.memory_space<vmem>> -> memref<1x300x64xi32, #tpu.memory_space<vmem>>
    %dma_start3A_52 = tpu.memref_squeeze %dma_start3A_51 : memref<1x300x64xi32, #tpu.memory_space<vmem>> -> memref<300x64xi32, #tpu.memory_space<vmem>>
    %dma_start3A_53 = arith.constant 0 : i32
    %dma_start3A_54 = tpu.memref_slice %arg3[%add3A_47, %dma_start3A_53] : memref<100000x64xi32, #tpu.memory_space<hbm>> -> memref<300x64xi32, #tpu.memory_space<hbm>>
    %dma_start3A_55 = arith.constant 0 : i32
    %dma_start3A_56 = tpu.memref_slice %arg3[%add3A_47, %dma_start3A_55] : memref<100000x64xi32, #tpu.memory_space<hbm>> -> memref<300x64xi32, #tpu.memory_space<hbm>>
    %dma_start3A_57 = arith.constant 0 : i32
    %dma_start3A_58 = arith.constant 0 : i32
    %dma_start3A_59 = tpu.memref_slice %arg5[%dma_start3A_48, %dma_start3A_57, %dma_start3A_58] : memref<2x300x64xi32, #tpu.memory_space<vmem>> -> memref<1x300x64xi32, #tpu.memory_space<vmem>>
    %dma_start3A_60 = tpu.memref_squeeze %dma_start3A_59 : memref<1x300x64xi32, #tpu.memory_space<vmem>> -> memref<300x64xi32, #tpu.memory_space<vmem>>
    tpu.enqueue_dma source(%dma_start3A_60 : memref<300x64xi32, #tpu.memory_space<vmem>>) target(%dma_start3A_56 : memref<300x64xi32, #tpu.memory_space<hbm>>) target_semaphore(%arg7 : memref<!tpu.dma_semaphore, #tpu.memory_space<semaphore_mem>>)
    %add3A_61 = arith.constant 300 : i32
    %add3A_62 = arith.addi %mul3A_2, %add3A_61 : i32
    %dma_wait3A_63 = arith.constant 1 : i32
    %dma_wait3A_64 = arith.constant 0 : i32
    %dma_wait3A_65 = arith.constant 0 : i32
    %dma_wait3A_66 = tpu.memref_slice %arg4[%dma_wait3A_63, %dma_wait3A_64, %dma_wait3A_65] : memref<2x300x128xf32, #tpu.memory_space<vmem>> -> memref<1x300x128xf32, #tpu.memory_space<vmem>>
    %dma_wait3A_67 = tpu.memref_squeeze %dma_wait3A_66 : memref<1x300x128xf32, #tpu.memory_space<vmem>> -> memref<300x128xf32, #tpu.memory_space<vmem>>
    %dma_wait3A_68 = arith.constant 0 : i32
    %dma_wait3A_69 = tpu.memref_slice %arg2[%add3A_62, %dma_wait3A_68] : memref<100000x128xf32, #tpu.memory_space<hbm>> -> memref<300x128xf32, #tpu.memory_space<hbm>>
    %dma_wait3A_70 = arith.constant 0 : i32
    %dma_wait3A_71 = arith.constant 0 : i32
    %dma_wait3A_72 = tpu.memref_slice %arg4[%dma_wait3A_63, %dma_wait3A_70, %dma_wait3A_71] : memref<2x300x128xf32, #tpu.memory_space<vmem>> -> memref<1x300x128xf32, #tpu.memory_space<vmem>>
    %dma_wait3A_73 = tpu.memref_squeeze %dma_wait3A_72 : memref<1x300x128xf32, #tpu.memory_space<vmem>> -> memref<300x128xf32, #tpu.memory_space<vmem>>
    %dma_wait3A_74 = arith.constant 0 : i32
    %dma_wait3A_75 = tpu.memref_slice %arg2[%add3A_62, %dma_wait3A_74] : memref<100000x128xf32, #tpu.memory_space<hbm>> -> memref<300x128xf32, #tpu.memory_space<hbm>>
    tpu.wait_dma2 semaphore(%arg6 : memref<!tpu.dma_semaphore, #tpu.memory_space<semaphore_mem>>) src(%dma_wait3A_75 : memref<300x128xf32, #tpu.memory_space<hbm>>) dst(%dma_wait3A_73 : memref<300x128xf32, #tpu.memory_space<vmem>>)
    %add3A_76 = arith.constant 600 : i32
    %add3A_77 = arith.addi %mul3A_2, %add3A_76 : i32
    %dma_start3A_78 = arith.constant 0 : i32
    %dma_start3A_79 = arith.constant 0 : i32
    %dma_start3A_80 = arith.constant 0 : i32
    %dma_start3A_81 = tpu.memref_slice %arg4[%dma_start3A_78, %dma_start3A_79, %dma_start3A_80] : memref<2x300x128xf32, #tpu.memory_space<vmem>> -> memref<1x300x128xf32, #tpu.memory_space<vmem>>
    %dma_start3A_82 = tpu.memref_squeeze %dma_start3A_81 : memref<1x300x128xf32, #tpu.memory_space<vmem>> -> memref<300x128xf32, #tpu.memory_space<vmem>>
    %dma_start3A_83 = arith.constant 0 : i32
    %dma_start3A_84 = tpu.memref_slice %arg2[%add3A_77, %dma_start3A_83] : memref<100000x128xf32, #tpu.memory_space<hbm>> -> memref<300x128xf32, #tpu.memory_space<hbm>>
    %dma_start3A_85 = arith.constant 0 : i32
    %dma_start3A_86 = arith.constant 0 : i32
    %dma_start3A_87 = tpu.memref_slice %arg4[%dma_start3A_78, %dma_start3A_85, %dma_start3A_86] : memref<2x300x128xf32, #tpu.memory_space<vmem>> -> memref<1x300x128xf32, #tpu.memory_space<vmem>>
    %dma_start3A_88 = tpu.memref_squeeze %dma_start3A_87 : memref<1x300x128xf32, #tpu.memory_space<vmem>> -> memref<300x128xf32, #tpu.memory_space<vmem>>
    %dma_start3A_89 = arith.constant 0 : i32
    %dma_start3A_90 = tpu.memref_slice %arg2[%add3A_77, %dma_start3A_89] : memref<100000x128xf32, #tpu.memory_space<hbm>> -> memref<300x128xf32, #tpu.memory_space<hbm>>
    tpu.enqueue_dma source(%dma_start3A_90 : memref<300x128xf32, #tpu.memory_space<hbm>>) target(%dma_start3A_88 : memref<300x128xf32, #tpu.memory_space<vmem>>) target_semaphore(%arg6 : memref<!tpu.dma_semaphore, #tpu.memory_space<semaphore_mem>>)
    %parallel_loop3A_91 = arith.constant 0 : i32
    %parallel_loop3A_92 = arith.constant 300 : i32
    %parallel_loop3A_93 = arith.constant 1 : i32
    scf.for %parallel_loop3A_691 = %parallel_loop3A_91 to %parallel_loop3A_92 step %parallel_loop3A_93  : i32 {
      %parallel_loop3A_692 = arith.constant 1 : i32
      %parallel_loop3A_693 = arith.index_cast %parallel_loop3A_692 : i32 to index
      %parallel_loop3A_694 = arith.index_cast %parallel_loop3A_691 : i32 to index
      %parallel_loop3A_695 = arith.constant 0 : index
      %parallel_loop3A_696 = tpu.vector_load %arg4[%parallel_loop3A_693, %parallel_loop3A_694, %parallel_loop3A_695] {strides = array<i32>} : memref<2x300x128xf32, #tpu.memory_space<vmem>>, vector<16xf32>,
      %parallel_loop3A_697 = arith.constant 1 : i32
      %parallel_loop3A_698 = arith.index_cast %parallel_loop3A_697 : i32 to index
      %parallel_loop3A_699 = arith.index_cast %parallel_loop3A_691 : i32 to index
      %parallel_loop3A_700 = arith.constant 64 : index
      %parallel_loop3A_701 = tpu.vector_load %arg4[%parallel_loop3A_698, %parallel_loop3A_699, %parallel_loop3A_700] {strides = array<i32>} : memref<2x300x128xf32, #tpu.memory_space<vmem>>, vector<16xf32>,
      %parallel_loop3A_702 = tpu.pack_subelements %parallel_loop3A_696, %parallel_loop3A_701 {pack_format = #tpu.pack_format<interleaved>, positions = array<i32: 0, 1>} : vector<16xf32>, vector<16xf32> -> vector<32xbf16>
      %parallel_loop3A_703 = vector.bitcast %parallel_loop3A_702 : vector<32xbf16> to vector<16xi32>
      %parallel_loop3A_704 = arith.constant 1 : i32
      %parallel_loop3A_705 = arith.index_cast %parallel_loop3A_704 : i32 to index
      %parallel_loop3A_706 = arith.index_cast %parallel_loop3A_691 : i32 to index
      %parallel_loop3A_707 = arith.constant 0 : index
      %parallel_loop3A_708 = tpu.vector_load %arg5[%parallel_loop3A_705, %parallel_loop3A_706, %parallel_loop3A_707] {strides = array<i32>} : memref<2x300x64xi32, #tpu.memory_space<vmem>>, vector<16xi32>,
      tpu.vector_store %arg5[%parallel_loop3A_705, %parallel_loop3A_706, %parallel_loop3A_707], %parallel_loop3A_703 {strides = array<i32>} : memref<2x300x64xi32, #tpu.memory_space<vmem>>, vector<16xi32>,
      %parallel_loop3A_709 = arith.constant 1 : i32
      %parallel_loop3A_710 = arith.index_cast %parallel_loop3A_709 : i32 to index
      %parallel_loop3A_711 = arith.index_cast %parallel_loop3A_691 : i32 to index
      %parallel_loop3A_712 = arith.constant 16 : index
      %parallel_loop3A_713 = tpu.vector_load %arg4[%parallel_loop3A_710, %parallel_loop3A_711, %parallel_loop3A_712] {strides = array<i32>} : memref<2x300x128xf32, #tpu.memory_space<vmem>>, vector<16xf32>,
      %parallel_loop3A_714 = arith.constant 1 : i32
      %parallel_loop3A_715 = arith.index_cast %parallel_loop3A_714 : i32 to index
      %parallel_loop3A_716 = arith.index_cast %parallel_loop3A_691 : i32 to index
      %parallel_loop3A_717 = arith.constant 80 : index
      %parallel_loop3A_718 = tpu.vector_load %arg4[%parallel_loop3A_715, %parallel_loop3A_716, %parallel_loop3A_717] {strides = array<i32>} : memref<2x300x128xf32, #tpu.memory_space<vmem>>, vector<16xf32>,
      %parallel_loop3A_719 = tpu.pack_subelements %parallel_loop3A_713, %parallel_loop3A_718 {pack_format = #tpu.pack_format<interleaved>, positions = array<i32: 0, 1>} : vector<16xf32>, vector<16xf32> -> vector<32xbf16>
      %parallel_loop3A_720 = vector.bitcast %parallel_loop3A_719 : vector<32xbf16> to vector<16xi32>
      %parallel_loop3A_721 = arith.constant 1 : i32
      %parallel_loop3A_722 = arith.index_cast %parallel_loop3A_721 : i32 to index
      %parallel_loop3A_723 = arith.index_cast %parallel_loop3A_691 : i32 to index
      %parallel_loop3A_724 = arith.constant 16 : index
      %parallel_loop3A_725 = tpu.vector_load %arg5[%parallel_loop3A_722, %parallel_loop3A_723, %parallel_loop3A_724] {strides = array<i32>} : memref<2x300x64xi32, #tpu.memory_space<vmem>>, vector<16xi32>,
      tpu.vector_store %arg5[%parallel_loop3A_722, %parallel_loop3A_723, %parallel_loop3A_724], %parallel_loop3A_720 {strides = array<i32>} : memref<2x300x64xi32, #tpu.memory_space<vmem>>, vector<16xi32>,
      %parallel_loop3A_726 = arith.constant 1 : i32
      %parallel_loop3A_727 = arith.index_cast %parallel_loop3A_726 : i32 to index
      %parallel_loop3A_728 = arith.index_cast %parallel_loop3A_691 : i32 to index
      %parallel_loop3A_729 = arith.constant 32 : index
      %parallel_loop3A_730 = tpu.vector_load %arg4[%parallel_loop3A_727, %parallel_loop3A_728, %parallel_loop3A_729] {strides = array<i32>} : memref<2x300x128xf32, #tpu.memory_space<vmem>>, vector<16xf32>,
      %parallel_loop3A_731 = arith.constant 1 : i32
      %parallel_loop3A_732 = arith.index_cast %parallel_loop3A_731 : i32 to index
      %parallel_loop3A_733 = arith.index_cast %parallel_loop3A_691 : i32 to index
      %parallel_loop3A_734 = arith.constant 96 : index
      %parallel_loop3A_735 = tpu.vector_load %arg4[%parallel_loop3A_732, %parallel_loop3A_733, %parallel_loop3A_734] {strides = array<i32>} : memref<2x300x128xf32, #tpu.memory_space<vmem>>, vector<16xf32>,
      %parallel_loop3A_736 = tpu.pack_subelements %parallel_loop3A_730, %parallel_loop3A_735 {pack_format = #tpu.pack_format<interleaved>, positions = array<i32: 0, 1>} : vector<16xf32>, vector<16xf32> -> vector<32xbf16>
      %parallel_loop3A_737 = vector.bitcast %parallel_loop3A_736 : vector<32xbf16> to vector<16xi32>
      %parallel_loop3A_738 = arith.constant 1 : i32
      %parallel_loop3A_739 = arith.index_cast %parallel_loop3A_738 : i32 to index
      %parallel_loop3A_740 = arith.index_cast %parallel_loop3A_691 : i32 to index
      %parallel_loop3A_741 = arith.constant 32 : index
      %parallel_loop3A_742 = tpu.vector_load %arg5[%parallel_loop3A_739, %parallel_loop3A_740, %parallel_loop3A_741] {strides = array<i32>} : memref<2x300x64xi32, #tpu.memory_space<vmem>>, vector<16xi32>,
      tpu.vector_store %arg5[%parallel_loop3A_739, %parallel_loop3A_740, %parallel_loop3A_741], %parallel_loop3A_737 {strides = array<i32>} : memref<2x300x64xi32, #tpu.memory_space<vmem>>, vector<16xi32>,
      %parallel_loop3A_743 = arith.constant 1 : i32
      %parallel_loop3A_744 = arith.index_cast %parallel_loop3A_743 : i32 to index
      %parallel_loop3A_745 = arith.index_cast %parallel_loop3A_691 : i32 to index
      %parallel_loop3A_746 = arith.constant 48 : index
      %parallel_loop3A_747 = tpu.vector_load %arg4[%parallel_loop3A_744, %parallel_loop3A_745, %parallel_loop3A_746] {strides = array<i32>} : memref<2x300x128xf32, #tpu.memory_space<vmem>>, vector<16xf32>,
      %parallel_loop3A_748 = arith.constant 1 : i32
      %parallel_loop3A_749 = arith.index_cast %parallel_loop3A_748 : i32 to index
      %parallel_loop3A_750 = arith.index_cast %parallel_loop3A_691 : i32 to index
      %parallel_loop3A_751 = arith.constant 112 : index
      %parallel_loop3A_752 = tpu.vector_load %arg4[%parallel_loop3A_749, %parallel_loop3A_750, %parallel_loop3A_751] {strides = array<i32>} : memref<2x300x128xf32, #tpu.memory_space<vmem>>, vector<16xf32>,
      %parallel_loop3A_753 = tpu.pack_subelements %parallel_loop3A_747, %parallel_loop3A_752 {pack_format = #tpu.pack_format<interleaved>, positions = array<i32: 0, 1>} : vector<16xf32>, vector<16xf32> -> vector<32xbf16>
      %parallel_loop3A_754 = vector.bitcast %parallel_loop3A_753 : vector<32xbf16> to vector<16xi32>
      %parallel_loop3A_755 = arith.constant 1 : i32
      %parallel_loop3A_756 = arith.index_cast %parallel_loop3A_755 : i32 to index
      %parallel_loop3A_757 = arith.index_cast %parallel_loop3A_691 : i32 to index
      %parallel_loop3A_758 = arith.constant 48 : index
      %parallel_loop3A_759 = tpu.vector_load %arg5[%parallel_loop3A_756, %parallel_loop3A_757, %parallel_loop3A_758] {strides = array<i32>} : memref<2x300x64xi32, #tpu.memory_space<vmem>>, vector<16xi32>,
      tpu.vector_store %arg5[%parallel_loop3A_756, %parallel_loop3A_757, %parallel_loop3A_758], %parallel_loop3A_754 {strides = array<i32>} : memref<2x300x64xi32, #tpu.memory_space<vmem>>, vector<16xi32>,
    } {sc.loop_unroll_factor = 5 : i64, sc.parallel_access}
    %add3A_94 = arith.constant 300 : i32
    %add3A_95 = arith.addi %mul3A_2, %add3A_94 : i32
    %dma_start3A_96 = arith.constant 1 : i32
    %dma_start3A_97 = arith.constant 0 : i32
    %dma_start3A_98 = arith.constant 0 : i32
    %dma_start3A_99 = tpu.memref_slice %arg5[%dma_start3A_96, %dma_start3A_97, %dma_start3A_98] : memref<2x300x64xi32, #tpu.memory_space<vmem>> -> memref<1x300x64xi32, #tpu.memory_space<vmem>>
    %dma_start3A_100 = tpu.memref_squeeze %dma_start3A_99 : memref<1x300x64xi32, #tpu.memory_space<vmem>> -> memref<300x64xi32, #tpu.memory_space<vmem>>
    %dma_start3A_101 = arith.constant 0 : i32
    %dma_start3A_102 = tpu.memref_slice %arg3[%add3A_95, %dma_start3A_101] : memref<100000x64xi32, #tpu.memory_space<hbm>> -> memref<300x64xi32, #tpu.memory_space<hbm>>
    %dma_start3A_103 = arith.constant 0 : i32
    %dma_start3A_104 = tpu.memref_slice %arg3[%add3A_95, %dma_start3A_103] : memref<100000x64xi32, #tpu.memory_space<hbm>> -> memref<300x64xi32, #tpu.memory_space<hbm>>
    %dma_start3A_105 = arith.constant 0 : i32
    %dma_start3A_106 = arith.constant 0 : i32
    %dma_start3A_107 = tpu.memref_slice %arg5[%dma_start3A_96, %dma_start3A_105, %dma_start3A_106] : memref<2x300x64xi32, #tpu.memory_space<vmem>> -> memref<1x300x64xi32, #tpu.memory_space<vmem>>
    %dma_start3A_108 = tpu.memref_squeeze %dma_start3A_107 : memref<1x300x64xi32, #tpu.memory_space<vmem>> -> memref<300x64xi32, #tpu.memory_space<vmem>>
    tpu.enqueue_dma source(%dma_start3A_108 : memref<300x64xi32, #tpu.memory_space<vmem>>) target(%dma_start3A_104 : memref<300x64xi32, #tpu.memory_space<hbm>>) target_semaphore(%arg7 : memref<!tpu.dma_semaphore, #tpu.memory_space<semaphore_mem>>)
    %add3A_109 = arith.constant 600 : i32
    %add3A_110 = arith.addi %mul3A_2, %add3A_109 : i32
    %dma_wait3A_111 = arith.constant 0 : i32
    %dma_wait3A_112 = arith.constant 0 : i32
    %dma_wait3A_113 = arith.constant 0 : i32
    %dma_wait3A_114 = tpu.memref_slice %arg4[%dma_wait3A_111, %dma_wait3A_112, %dma_wait3A_113] : memref<2x300x128xf32, #tpu.memory_space<vmem>> -> memref<1x300x128xf32, #tpu.memory_space<vmem>>
    %dma_wait3A_115 = tpu.memref_squeeze %dma_wait3A_114 : memref<1x300x128xf32, #tpu.memory_space<vmem>> -> memref<300x128xf32, #tpu.memory_space<vmem>>
    %dma_wait3A_116 = arith.constant 0 : i32
    %dma_wait3A_117 = tpu.memref_slice %arg2[%add3A_110, %dma_wait3A_116] : memref<100000x128xf32, #tpu.memory_space<hbm>> -> memref<300x128xf32, #tpu.memory_space<hbm>>
    %dma_wait3A_118 = arith.constant 0 : i32
    %dma_wait3A_119 = arith.constant 0 : i32
    %dma_wait3A_120 = tpu.memref_slice %arg4[%dma_wait3A_111, %dma_wait3A_118, %dma_wait3A_119] : memref<2x300x128xf32, #tpu.memory_space<vmem>> -> memref<1x300x128xf32, #tpu.memory_space<vmem>>
    %dma_wait3A_121 = tpu.memref_squeeze %dma_wait3A_120 : memref<1x300x128xf32, #tpu.memory_space<vmem>> -> memref<300x128xf32, #tpu.memory_space<vmem>>
    %dma_wait3A_122 = arith.constant 0 : i32
    %dma_wait3A_123 = tpu.memref_slice %arg2[%add3A_110, %dma_wait3A_122] : memref<100000x128xf32, #tpu.memory_space<hbm>> -> memref<300x128xf32, #tpu.memory_space<hbm>>
    tpu.wait_dma2 semaphore(%arg6 : memref<!tpu.dma_semaphore, #tpu.memory_space<semaphore_mem>>) src(%dma_wait3A_123 : memref<300x128xf32, #tpu.memory_space<hbm>>) dst(%dma_wait3A_121 : memref<300x128xf32, #tpu.memory_space<vmem>>)
    %add3A_124 = arith.constant 900 : i32
    %add3A_125 = arith.addi %mul3A_2, %add3A_124 : i32
    %dma_start3A_126 = arith.constant 1 : i32
    %dma_start3A_127 = arith.constant 0 : i32
    %dma_start3A_128 = arith.constant 0 : i32
    %dma_start3A_129 = tpu.memref_slice %arg4[%dma_start3A_126, %dma_start3A_127, %dma_start3A_128] : memref<2x300x128xf32, #tpu.memory_space<vmem>> -> memref<1x300x128xf32, #tpu.memory_space<vmem>>
    %dma_start3A_130 = tpu.memref_squeeze %dma_start3A_129 : memref<1x300x128xf32, #tpu.memory_space<vmem>> -> memref<300x128xf32, #tpu.memory_space<vmem>>
    %dma_start3A_131 = arith.constant 0 : i32
    %dma_start3A_132 = tpu.memref_slice %arg2[%add3A_125, %dma_start3A_131] : memref<100000x128xf32, #tpu.memory_space<hbm>> -> memref<300x128xf32, #tpu.memory_space<hbm>>
    %dma_start3A_133 = arith.constant 0 : i32
    %dma_start3A_134 = arith.constant 0 : i32
    %dma_start3A_135 = tpu.memref_slice %arg4[%dma_start3A_126, %dma_start3A_133, %dma_start3A_134] : memref<2x300x128xf32, #tpu.memory_space<vmem>> -> memref<1x300x128xf32, #tpu.memory_space<vmem>>
    %dma_start3A_136 = tpu.memref_squeeze %dma_start3A_135 : memref<1x300x128xf32, #tpu.memory_space<vmem>> -> memref<300x128xf32, #tpu.memory_space<vmem>>
    %dma_start3A_137 = arith.constant 0 : i32
    %dma_start3A_138 = tpu.memref_slice %arg2[%add3A_125, %dma_start3A_137] : memref<100000x128xf32, #tpu.memory_space<hbm>> -> memref<300x128xf32, #tpu.memory_space<hbm>>
    tpu.enqueue_dma source(%dma_start3A_138 : memref<300x128xf32, #tpu.memory_space<hbm>>) target(%dma_start3A_136 : memref<300x128xf32, #tpu.memory_space<vmem>>) target_semaphore(%arg6 : memref<!tpu.dma_semaphore, #tpu.memory_space<semaphore_mem>>)
    %add3A_139 = arith.constant 0 : i32
    %add3A_140 = arith.addi %mul3A_2, %add3A_139 : i32
    %dma_wait3A_141 = arith.constant 0 : i32
    %dma_wait3A_142 = arith.constant 0 : i32
    %dma_wait3A_143 = arith.constant 0 : i32
    %dma_wait3A_144 = tpu.memref_slice %arg5[%dma_wait3A_141, %dma_wait3A_142, %dma_wait3A_143] : memref<2x300x64xi32, #tpu.memory_space<vmem>> -> memref<1x300x64xi32, #tpu.memory_space<vmem>>
    %dma_wait3A_145 = tpu.memref_squeeze %dma_wait3A_144 : memref<1x300x64xi32, #tpu.memory_space<vmem>> -> memref<300x64xi32, #tpu.memory_space<vmem>>
    %dma_wait3A_146 = arith.constant 0 : i32
    %dma_wait3A_147 = tpu.memref_slice %arg3[%add3A_140, %dma_wait3A_146] : memref<100000x64xi32, #tpu.memory_space<hbm>> -> memref<300x64xi32, #tpu.memory_space<hbm>>
    %dma_wait3A_148 = arith.constant 0 : i32
    %dma_wait3A_149 = tpu.memref_slice %arg3[%add3A_140, %dma_wait3A_148] : memref<100000x64xi32, #tpu.memory_space<hbm>> -> memref<300x64xi32, #tpu.memory_space<hbm>>
    %dma_wait3A_150 = arith.constant 0 : i32
    %dma_wait3A_151 = arith.constant 0 : i32
    %dma_wait3A_152 = tpu.memref_slice %arg5[%dma_wait3A_141, %dma_wait3A_150, %dma_wait3A_151] : memref<2x300x64xi32, #tpu.memory_space<vmem>> -> memref<1x300x64xi32, #tpu.memory_space<vmem>>
    %dma_wait3A_153 = tpu.memref_squeeze %dma_wait3A_152 : memref<1x300x64xi32, #tpu.memory_space<vmem>> -> memref<300x64xi32, #tpu.memory_space<vmem>>
    tpu.wait_dma2 semaphore(%arg7 : memref<!tpu.dma_semaphore, #tpu.memory_space<semaphore_mem>>) src(%dma_wait3A_153 : memref<300x64xi32, #tpu.memory_space<vmem>>) dst(%dma_wait3A_149 : memref<300x64xi32, #tpu.memory_space<hbm>>)
    %parallel_loop3A_154 = arith.constant 0 : i32
    %parallel_loop3A_155 = arith.constant 300 : i32
    %parallel_loop3A_156 = arith.constant 1 : i32
    scf.for %parallel_loop3A_691 = %parallel_loop3A_154 to %parallel_loop3A_155 step %parallel_loop3A_156  : i32 {
      %parallel_loop3A_692 = arith.constant 0 : i32
      %parallel_loop3A_693 = arith.index_cast %parallel_loop3A_692 : i32 to index
      %parallel_loop3A_694 = arith.index_cast %parallel_loop3A_691 : i32 to index
      %parallel_loop3A_695 = arith.constant 0 : index
      %parallel_loop3A_696 = tpu.vector_load %arg4[%parallel_loop3A_693, %parallel_loop3A_694, %parallel_loop3A_695] {strides = array<i32>} : memref<2x300x128xf32, #tpu.memory_space<vmem>>, vector<16xf32>,
      %parallel_loop3A_697 = arith.constant 0 : i32
      %parallel_loop3A_698 = arith.index_cast %parallel_loop3A_697 : i32 to index
      %parallel_loop3A_699 = arith.index_cast %parallel_loop3A_691 : i32 to index
      %parallel_loop3A_700 = arith.constant 64 : index
      %parallel_loop3A_701 = tpu.vector_load %arg4[%parallel_loop3A_698, %parallel_loop3A_699, %parallel_loop3A_700] {strides = array<i32>} : memref<2x300x128xf32, #tpu.memory_space<vmem>>, vector<16xf32>,
      %parallel_loop3A_702 = tpu.pack_subelements %parallel_loop3A_696, %parallel_loop3A_701 {pack_format = #tpu.pack_format<interleaved>, positions = array<i32: 0, 1>} : vector<16xf32>, vector<16xf32> -> vector<32xbf16>
      %parallel_loop3A_703 = vector.bitcast %parallel_loop3A_702 : vector<32xbf16> to vector<16xi32>
      %parallel_loop3A_704 = arith.constant 0 : i32
      %parallel_loop3A_705 = arith.index_cast %parallel_loop3A_704 : i32 to index
      %parallel_loop3A_706 = arith.index_cast %parallel_loop3A_691 : i32 to index
      %parallel_loop3A_707 = arith.constant 0 : index
      %parallel_loop3A_708 = tpu.vector_load %arg5[%parallel_loop3A_705, %parallel_loop3A_706, %parallel_loop3A_707] {strides = array<i32>} : memref<2x300x64xi32, #tpu.memory_space<vmem>>, vector<16xi32>,
      tpu.vector_store %arg5[%parallel_loop3A_705, %parallel_loop3A_706, %parallel_loop3A_707], %parallel_loop3A_703 {strides = array<i32>} : memref<2x300x64xi32, #tpu.memory_space<vmem>>, vector<16xi32>,
      %parallel_loop3A_709 = arith.constant 0 : i32
      %parallel_loop3A_710 = arith.index_cast %parallel_loop3A_709 : i32 to index
      %parallel_loop3A_711 = arith.index_cast %parallel_loop3A_691 : i32 to index
      %parallel_loop3A_712 = arith.constant 16 : index
      %parallel_loop3A_713 = tpu.vector_load %arg4[%parallel_loop3A_710, %parallel_loop3A_711, %parallel_loop3A_712] {strides = array<i32>} : memref<2x300x128xf32, #tpu.memory_space<vmem>>, vector<16xf32>,
      %parallel_loop3A_714 = arith.constant 0 : i32
      %parallel_loop3A_715 = arith.index_cast %parallel_loop3A_714 : i32 to index
      %parallel_loop3A_716 = arith.index_cast %parallel_loop3A_691 : i32 to index
      %parallel_loop3A_717 = arith.constant 80 : index
      %parallel_loop3A_718 = tpu.vector_load %arg4[%parallel_loop3A_715, %parallel_loop3A_716, %parallel_loop3A_717] {strides = array<i32>} : memref<2x300x128xf32, #tpu.memory_space<vmem>>, vector<16xf32>,
      %parallel_loop3A_719 = tpu.pack_subelements %parallel_loop3A_713, %parallel_loop3A_718 {pack_format = #tpu.pack_format<interleaved>, positions = array<i32: 0, 1>} : vector<16xf32>, vector<16xf32> -> vector<32xbf16>
      %parallel_loop3A_720 = vector.bitcast %parallel_loop3A_719 : vector<32xbf16> to vector<16xi32>
      %parallel_loop3A_721 = arith.constant 0 : i32
      %parallel_loop3A_722 = arith.index_cast %parallel_loop3A_721 : i32 to index
      %parallel_loop3A_723 = arith.index_cast %parallel_loop3A_691 : i32 to index
      %parallel_loop3A_724 = arith.constant 16 : index
      %parallel_loop3A_725 = tpu.vector_load %arg5[%parallel_loop3A_722, %parallel_loop3A_723, %parallel_loop3A_724] {strides = array<i32>} : memref<2x300x64xi32, #tpu.memory_space<vmem>>, vector<16xi32>,
      tpu.vector_store %arg5[%parallel_loop3A_722, %parallel_loop3A_723, %parallel_loop3A_724], %parallel_loop3A_720 {strides = array<i32>} : memref<2x300x64xi32, #tpu.memory_space<vmem>>, vector<16xi32>,
      %parallel_loop3A_726 = arith.constant 0 : i32
      %parallel_loop3A_727 = arith.index_cast %parallel_loop3A_726 : i32 to index
      %parallel_loop3A_728 = arith.index_cast %parallel_loop3A_691 : i32 to index
      %parallel_loop3A_729 = arith.constant 32 : index
      %parallel_loop3A_730 = tpu.vector_load %arg4[%parallel_loop3A_727, %parallel_loop3A_728, %parallel_loop3A_729] {strides = array<i32>} : memref<2x300x128xf32, #tpu.memory_space<vmem>>, vector<16xf32>,
      %parallel_loop3A_731 = arith.constant 0 : i32
      %parallel_loop3A_732 = arith.index_cast %parallel_loop3A_731 : i32 to index
      %parallel_loop3A_733 = arith.index_cast %parallel_loop3A_691 : i32 to index
      %parallel_loop3A_734 = arith.constant 96 : index
      %parallel_loop3A_735 = tpu.vector_load %arg4[%parallel_loop3A_732, %parallel_loop3A_733, %parallel_loop3A_734] {strides = array<i32>} : memref<2x300x128xf32, #tpu.memory_space<vmem>>, vector<16xf32>,
      %parallel_loop3A_736 = tpu.pack_subelements %parallel_loop3A_730, %parallel_loop3A_735 {pack_format = #tpu.pack_format<interleaved>, positions = array<i32: 0, 1>} : vector<16xf32>, vector<16xf32> -> vector<32xbf16>
      %parallel_loop3A_737 = vector.bitcast %parallel_loop3A_736 : vector<32xbf16> to vector<16xi32>
      %parallel_loop3A_738 = arith.constant 0 : i32
      %parallel_loop3A_739 = arith.index_cast %parallel_loop3A_738 : i32 to index
      %parallel_loop3A_740 = arith.index_cast %parallel_loop3A_691 : i32 to index
      %parallel_loop3A_741 = arith.constant 32 : index
      %parallel_loop3A_742 = tpu.vector_load %arg5[%parallel_loop3A_739, %parallel_loop3A_740, %parallel_loop3A_741] {strides = array<i32>} : memref<2x300x64xi32, #tpu.memory_space<vmem>>, vector<16xi32>,
      tpu.vector_store %arg5[%parallel_loop3A_739, %parallel_loop3A_740, %parallel_loop3A_741], %parallel_loop3A_737 {strides = array<i32>} : memref<2x300x64xi32, #tpu.memory_space<vmem>>, vector<16xi32>,
      %parallel_loop3A_743 = arith.constant 0 : i32
      %parallel_loop3A_744 = arith.index_cast %parallel_loop3A_743 : i32 to index
      %parallel_loop3A_745 = arith.index_cast %parallel_loop3A_691 : i32 to index
      %parallel_loop3A_746 = arith.constant 48 : index
      %parallel_loop3A_747 = tpu.vector_load %arg4[%parallel_loop3A_744, %parallel_loop3A_745, %parallel_loop3A_746] {strides = array<i32>} : memref<2x300x128xf32, #tpu.memory_space<vmem>>, vector<16xf32>,
      %parallel_loop3A_748 = arith.constant 0 : i32
      %parallel_loop3A_749 = arith.index_cast %parallel_loop3A_748 : i32 to index
      %parallel_loop3A_750 = arith.index_cast %parallel_loop3A_691 : i32 to index
      %parallel_loop3A_751 = arith.constant 112 : index
      %parallel_loop3A_752 = tpu.vector_load %arg4[%parallel_loop3A_749, %parallel_loop3A_750, %parallel_loop3A_751] {strides = array<i32>} : memref<2x300x128xf32, #tpu.memory_space<vmem>>, vector<16xf32>,
      %parallel_loop3A_753 = tpu.pack_subelements %parallel_loop3A_747, %parallel_loop3A_752 {pack_format = #tpu.pack_format<interleaved>, positions = array<i32: 0, 1>} : vector<16xf32>, vector<16xf32> -> vector<32xbf16>
      %parallel_loop3A_754 = vector.bitcast %parallel_loop3A_753 : vector<32xbf16> to vector<16xi32>
      %parallel_loop3A_755 = arith.constant 0 : i32
      %parallel_loop3A_756 = arith.index_cast %parallel_loop3A_755 : i32 to index
      %parallel_loop3A_757 = arith.index_cast %parallel_loop3A_691 : i32 to index
      %parallel_loop3A_758 = arith.constant 48 : index
      %parallel_loop3A_759 = tpu.vector_load %arg5[%parallel_loop3A_756, %parallel_loop3A_757, %parallel_loop3A_758] {strides = array<i32>} : memref<2x300x64xi32, #tpu.memory_space<vmem>>, vector<16xi32>,
      tpu.vector_store %arg5[%parallel_loop3A_756, %parallel_loop3A_757, %parallel_loop3A_758], %parallel_loop3A_754 {strides = array<i32>} : memref<2x300x64xi32, #tpu.memory_space<vmem>>, vector<16xi32>,
    } {sc.loop_unroll_factor = 5 : i64, sc.parallel_access}
    %add3A_157 = arith.constant 600 : i32
    %add3A_158 = arith.addi %mul3A_2, %add3A_157 : i32
    %dma_start3A_159 = arith.constant 0 : i32
    %dma_start3A_160 = arith.constant 0 : i32
    %dma_start3A_161 = arith.constant 0 : i32
    %dma_start3A_162 = tpu.memref_slice %arg5[%dma_start3A_159, %dma_start3A_160, %dma_start3A_161] : memref<2x300x64xi32, #tpu.memory_space<vmem>> -> memref<1x300x64xi32, #tpu.memory_space<vmem>>
    %dma_start3A_163 = tpu.memref_squeeze %dma_start3A_162 : memref<1x300x64xi32, #tpu.memory_space<vmem>> -> memref<300x64xi32, #tpu.memory_space<vmem>>
    %dma_start3A_164 = arith.constant 0 : i32
    %dma_start3A_165 = tpu.memref_slice %arg3[%add3A_158, %dma_start3A_164] : memref<100000x64xi32, #tpu.memory_space<hbm>> -> memref<300x64xi32, #tpu.memory_space<hbm>>
    %dma_start3A_166 = arith.constant 0 : i32
    %dma_start3A_167 = tpu.memref_slice %arg3[%add3A_158, %dma_start3A_166] : memref<100000x64xi32, #tpu.memory_space<hbm>> -> memref<300x64xi32, #tpu.memory_space<hbm>>
    %dma_start3A_168 = arith.constant 0 : i32
    %dma_start3A_169 = arith.constant 0 : i32
    %dma_start3A_170 = tpu.memref_slice %arg5[%dma_start3A_159, %dma_start3A_168, %dma_start3A_169] : memref<2x300x64xi32, #tpu.memory_space<vmem>> -> memref<1x300x64xi32, #tpu.memory_space<vmem>>
    %dma_start3A_171 = tpu.memref_squeeze %dma_start3A_170 : memref<1x300x64xi32, #tpu.memory_space<vmem>> -> memref<300x64xi32, #tpu.memory_space<vmem>>
    tpu.enqueue_dma source(%dma_start3A_171 : memref<300x64xi32, #tpu.memory_space<vmem>>) target(%dma_start3A_167 : memref<300x64xi32, #tpu.memory_space<hbm>>) target_semaphore(%arg7 : memref<!tpu.dma_semaphore, #tpu.memory_space<semaphore_mem>>)
    %add3A_172 = arith.constant 900 : i32
    %add3A_173 = arith.addi %mul3A_2, %add3A_172 : i32
    %dma_wait3A_174 = arith.constant 1 : i32
    %dma_wait3A_175 = arith.constant 0 : i32
    %dma_wait3A_176 = arith.constant 0 : i32
    %dma_wait3A_177 = tpu.memref_slice %arg4[%dma_wait3A_174, %dma_wait3A_175, %dma_wait3A_176] : memref<2x300x128xf32, #tpu.memory_space<vmem>> -> memref<1x300x128xf32, #tpu.memory_space<vmem>>
    %dma_wait3A_178 = tpu.memref_squeeze %dma_wait3A_177 : memref<1x300x128xf32, #tpu.memory_space<vmem>> -> memref<300x128xf32, #tpu.memory_space<vmem>>
    %dma_wait3A_179 = arith.constant 0 : i32
    %dma_wait3A_180 = tpu.memref_slice %arg2[%add3A_173, %dma_wait3A_179] : memref<100000x128xf32, #tpu.memory_space<hbm>> -> memref<300x128xf32, #tpu.memory_space<hbm>>
    %dma_wait3A_181 = arith.constant 0 : i32
    %dma_wait3A_182 = arith.constant 0 : i32
    %dma_wait3A_183 = tpu.memref_slice %arg4[%dma_wait3A_174, %dma_wait3A_181, %dma_wait3A_182] : memref<2x300x128xf32, #tpu.memory_space<vmem>> -> memref<1x300x128xf32, #tpu.memory_space<vmem>>
    %dma_wait3A_184 = tpu.memref_squeeze %dma_wait3A_183 : memref<1x300x128xf32, #tpu.memory_space<vmem>> -> memref<300x128xf32, #tpu.memory_space<vmem>>
    %dma_wait3A_185 = arith.constant 0 : i32
    %dma_wait3A_186 = tpu.memref_slice %arg2[%add3A_173, %dma_wait3A_185] : memref<100000x128xf32, #tpu.memory_space<hbm>> -> memref<300x128xf32, #tpu.memory_space<hbm>>
    tpu.wait_dma2 semaphore(%arg6 : memref<!tpu.dma_semaphore, #tpu.memory_space<semaphore_mem>>) src(%dma_wait3A_186 : memref<300x128xf32, #tpu.memory_space<hbm>>) dst(%dma_wait3A_184 : memref<300x128xf32, #tpu.memory_space<vmem>>)
    %add3A_187 = arith.constant 1200 : i32
    %add3A_188 = arith.addi %mul3A_2, %add3A_187 : i32
    %dma_start3A_189 = arith.constant 0 : i32
    %dma_start3A_190 = arith.constant 0 : i32
    %dma_start3A_191 = arith.constant 0 : i32
    %dma_start3A_192 = tpu.memref_slice %arg4[%dma_start3A_189, %dma_start3A_190, %dma_start3A_191] : memref<2x300x128xf32, #tpu.memory_space<vmem>> -> memref<1x300x128xf32, #tpu.memory_space<vmem>>
    %dma_start3A_193 = tpu.memref_squeeze %dma_start3A_192 : memref<1x300x128xf32, #tpu.memory_space<vmem>> -> memref<300x128xf32, #tpu.memory_space<vmem>>
    %dma_start3A_194 = arith.constant 0 : i32
    %dma_start3A_195 = tpu.memref_slice %arg2[%add3A_188, %dma_start3A_194] : memref<100000x128xf32, #tpu.memory_space<hbm>> -> memref<300x128xf32, #tpu.memory_space<hbm>>
    %dma_start3A_196 = arith.constant 0 : i32
    %dma_start3A_197 = arith.constant 0 : i32
    %dma_start3A_198 = tpu.memref_slice %arg4[%dma_start3A_189, %dma_start3A_196, %dma_start3A_197] : memref<2x300x128xf32, #tpu.memory_space<vmem>> -> memref<1x300x128xf32, #tpu.memory_space<vmem>>
    %dma_start3A_199 = tpu.memref_squeeze %dma_start3A_198 : memref<1x300x128xf32, #tpu.memory_space<vmem>> -> memref<300x128xf32, #tpu.memory_space<vmem>>
    %dma_start3A_200 = arith.constant 0 : i32
    %dma_start3A_201 = tpu.memref_slice %arg2[%add3A_188, %dma_start3A_200] : memref<100000x128xf32, #tpu.memory_space<hbm>> -> memref<300x128xf32, #tpu.memory_space<hbm>>
    tpu.enqueue_dma source(%dma_start3A_201 : memref<300x128xf32, #tpu.memory_space<hbm>>) target(%dma_start3A_199 : memref<300x128xf32, #tpu.memory_space<vmem>>) target_semaphore(%arg6 : memref<!tpu.dma_semaphore, #tpu.memory_space<semaphore_mem>>)
    %add3A_202 = arith.constant 300 : i32
    %add3A_203 = arith.addi %mul3A_2, %add3A_202 : i32
    %dma_wait3A_204 = arith.constant 1 : i32
    %dma_wait3A_205 = arith.constant 0 : i32
    %dma_wait3A_206 = arith.constant 0 : i32
    %dma_wait3A_207 = tpu.memref_slice %arg5[%dma_wait3A_204, %dma_wait3A_205, %dma_wait3A_206] : memref<2x300x64xi32, #tpu.memory_space<vmem>> -> memref<1x300x64xi32, #tpu.memory_space<vmem>>
    %dma_wait3A_208 = tpu.memref_squeeze %dma_wait3A_207 : memref<1x300x64xi32, #tpu.memory_space<vmem>> -> memref<300x64xi32, #tpu.memory_space<vmem>>
    %dma_wait3A_209 = arith.constant 0 : i32
    %dma_wait3A_210 = tpu.memref_slice %arg3[%add3A_203, %dma_wait3A_209] : memref<100000x64xi32, #tpu.memory_space<hbm>> -> memref<300x64xi32, #tpu.memory_space<hbm>>
    %dma_wait3A_211 = arith.constant 0 : i32
    %dma_wait3A_212 = tpu.memref_slice %arg3[%add3A_203, %dma_wait3A_211] : memref<100000x64xi32, #tpu.memory_space<hbm>> -> memref<300x64xi32, #tpu.memory_space<hbm>>
    %dma_wait3A_213 = arith.constant 0 : i32
    %dma_wait3A_214 = arith.constant 0 : i32
    %dma_wait3A_215 = tpu.memref_slice %arg5[%dma_wait3A_204, %dma_wait3A_213, %dma_wait3A_214] : memref<2x300x64xi32, #tpu.memory_space<vmem>> -> memref<1x300x64xi32, #tpu.memory_space<vmem>>
    %dma_wait3A_216 = tpu.memref_squeeze %dma_wait3A_215 : memref<1x300x64xi32, #tpu.memory_space<vmem>> -> memref<300x64xi32, #tpu.memory_space<vmem>>
    tpu.wait_dma2 semaphore(%arg7 : memref<!tpu.dma_semaphore, #tpu.memory_space<semaphore_mem>>) src(%dma_wait3A_216 : memref<300x64xi32, #tpu.memory_space<vmem>>) dst(%dma_wait3A_212 : memref<300x64xi32, #tpu.memory_space<hbm>>)
    %parallel_loop3A_217 = arith.constant 0 : i32
    %parallel_loop3A_218 = arith.constant 300 : i32
    %parallel_loop3A_219 = arith.constant 1 : i32
    scf.for %parallel_loop3A_691 = %parallel_loop3A_217 to %parallel_loop3A_218 step %parallel_loop3A_219  : i32 {
      %parallel_loop3A_692 = arith.constant 1 : i32
      %parallel_loop3A_693 = arith.index_cast %parallel_loop3A_692 : i32 to index
      %parallel_loop3A_694 = arith.index_cast %parallel_loop3A_691 : i32 to index
      %parallel_loop3A_695 = arith.constant 0 : index
      %parallel_loop3A_696 = tpu.vector_load %arg4[%parallel_loop3A_693, %parallel_loop3A_694, %parallel_loop3A_695] {strides = array<i32>} : memref<2x300x128xf32, #tpu.memory_space<vmem>>, vector<16xf32>,
      %parallel_loop3A_697 = arith.constant 1 : i32
      %parallel_loop3A_698 = arith.index_cast %parallel_loop3A_697 : i32 to index
      %parallel_loop3A_699 = arith.index_cast %parallel_loop3A_691 : i32 to index
      %parallel_loop3A_700 = arith.constant 64 : index
      %parallel_loop3A_701 = tpu.vector_load %arg4[%parallel_loop3A_698, %parallel_loop3A_699, %parallel_loop3A_700] {strides = array<i32>} : memref<2x300x128xf32, #tpu.memory_space<vmem>>, vector<16xf32>,
      %parallel_loop3A_702 = tpu.pack_subelements %parallel_loop3A_696, %parallel_loop3A_701 {pack_format = #tpu.pack_format<interleaved>, positions = array<i32: 0, 1>} : vector<16xf32>, vector<16xf32> -> vector<32xbf16>
      %parallel_loop3A_703 = vector.bitcast %parallel_loop3A_702 : vector<32xbf16> to vector<16xi32>
      %parallel_loop3A_704 = arith.constant 1 : i32
      %parallel_loop3A_705 = arith.index_cast %parallel_loop3A_704 : i32 to index
      %parallel_loop3A_706 = arith.index_cast %parallel_loop3A_691 : i32 to index
      %parallel_loop3A_707 = arith.constant 0 : index
      %parallel_loop3A_708 = tpu.vector_load %arg5[%parallel_loop3A_705, %parallel_loop3A_706, %parallel_loop3A_707] {strides = array<i32>} : memref<2x300x64xi32, #tpu.memory_space<vmem>>, vector<16xi32>,
      tpu.vector_store %arg5[%parallel_loop3A_705, %parallel_loop3A_706, %parallel_loop3A_707], %parallel_loop3A_703 {strides = array<i32>} : memref<2x300x64xi32, #tpu.memory_space<vmem>>, vector<16xi32>,
      %parallel_loop3A_709 = arith.constant 1 : i32
      %parallel_loop3A_710 = arith.index_cast %parallel_loop3A_709 : i32 to index
      %parallel_loop3A_711 = arith.index_cast %parallel_loop3A_691 : i32 to index
      %parallel_loop3A_712 = arith.constant 16 : index
      %parallel_loop3A_713 = tpu.vector_load %arg4[%parallel_loop3A_710, %parallel_loop3A_711, %parallel_loop3A_712] {strides = array<i32>} : memref<2x300x128xf32, #tpu.memory_space<vmem>>, vector<16xf32>,
      %parallel_loop3A_714 = arith.constant 1 : i32
      %parallel_loop3A_715 = arith.index_cast %parallel_loop3A_714 : i32 to index
      %parallel_loop3A_716 = arith.index_cast %parallel_loop3A_691 : i32 to index
      %parallel_loop3A_717 = arith.constant 80 : index
      %parallel_loop3A_718 = tpu.vector_load %arg4[%parallel_loop3A_715, %parallel_loop3A_716, %parallel_loop3A_717] {strides = array<i32>} : memref<2x300x128xf32, #tpu.memory_space<vmem>>, vector<16xf32>,
      %parallel_loop3A_719 = tpu.pack_subelements %parallel_loop3A_713, %parallel_loop3A_718 {pack_format = #tpu.pack_format<interleaved>, positions = array<i32: 0, 1>} : vector<16xf32>, vector<16xf32> -> vector<32xbf16>
      %parallel_loop3A_720 = vector.bitcast %parallel_loop3A_719 : vector<32xbf16> to vector<16xi32>
      %parallel_loop3A_721 = arith.constant 1 : i32
      %parallel_loop3A_722 = arith.index_cast %parallel_loop3A_721 : i32 to index
      %parallel_loop3A_723 = arith.index_cast %parallel_loop3A_691 : i32 to index
      %parallel_loop3A_724 = arith.constant 16 : index
      %parallel_loop3A_725 = tpu.vector_load %arg5[%parallel_loop3A_722, %parallel_loop3A_723, %parallel_loop3A_724] {strides = array<i32>} : memref<2x300x64xi32, #tpu.memory_space<vmem>>, vector<16xi32>,
      tpu.vector_store %arg5[%parallel_loop3A_722, %parallel_loop3A_723, %parallel_loop3A_724], %parallel_loop3A_720 {strides = array<i32>} : memref<2x300x64xi32, #tpu.memory_space<vmem>>, vector<16xi32>,
      %parallel_loop3A_726 = arith.constant 1 : i32
      %parallel_loop3A_727 = arith.index_cast %parallel_loop3A_726 : i32 to index
      %parallel_loop3A_728 = arith.index_cast %parallel_loop3A_691 : i32 to index
      %parallel_loop3A_729 = arith.constant 32 : index
      %parallel_loop3A_730 = tpu.vector_load %arg4[%parallel_loop3A_727, %parallel_loop3A_728, %parallel_loop3A_729] {strides = array<i32>} : memref<2x300x128xf32, #tpu.memory_space<vmem>>, vector<16xf32>,
      %parallel_loop3A_731 = arith.constant 1 : i32
      %parallel_loop3A_732 = arith.index_cast %parallel_loop3A_731 : i32 to index
      %parallel_loop3A_733 = arith.index_cast %parallel_loop3A_691 : i32 to index
      %parallel_loop3A_734 = arith.constant 96 : index
      %parallel_loop3A_735 = tpu.vector_load %arg4[%parallel_loop3A_732, %parallel_loop3A_733, %parallel_loop3A_734] {strides = array<i32>} : memref<2x300x128xf32, #tpu.memory_space<vmem>>, vector<16xf32>,
      %parallel_loop3A_736 = tpu.pack_subelements %parallel_loop3A_730, %parallel_loop3A_735 {pack_format = #tpu.pack_format<interleaved>, positions = array<i32: 0, 1>} : vector<16xf32>, vector<16xf32> -> vector<32xbf16>
      %parallel_loop3A_737 = vector.bitcast %parallel_loop3A_736 : vector<32xbf16> to vector<16xi32>
      %parallel_loop3A_738 = arith.constant 1 : i32
      %parallel_loop3A_739 = arith.index_cast %parallel_loop3A_738 : i32 to index
      %parallel_loop3A_740 = arith.index_cast %parallel_loop3A_691 : i32 to index
      %parallel_loop3A_741 = arith.constant 32 : index
      %parallel_loop3A_742 = tpu.vector_load %arg5[%parallel_loop3A_739, %parallel_loop3A_740, %parallel_loop3A_741] {strides = array<i32>} : memref<2x300x64xi32, #tpu.memory_space<vmem>>, vector<16xi32>,
      tpu.vector_store %arg5[%parallel_loop3A_739, %parallel_loop3A_740, %parallel_loop3A_741], %parallel_loop3A_737 {strides = array<i32>} : memref<2x300x64xi32, #tpu.memory_space<vmem>>, vector<16xi32>,
      %parallel_loop3A_743 = arith.constant 1 : i32
      %parallel_loop3A_744 = arith.index_cast %parallel_loop3A_743 : i32 to index
      %parallel_loop3A_745 = arith.index_cast %parallel_loop3A_691 : i32 to index
      %parallel_loop3A_746 = arith.constant 48 : index
      %parallel_loop3A_747 = tpu.vector_load %arg4[%parallel_loop3A_744, %parallel_loop3A_745, %parallel_loop3A_746] {strides = array<i32>} : memref<2x300x128xf32, #tpu.memory_space<vmem>>, vector<16xf32>,
      %parallel_loop3A_748 = arith.constant 1 : i32
      %parallel_loop3A_749 = arith.index_cast %parallel_loop3A_748 : i32 to index
      %parallel_loop3A_750 = arith.index_cast %parallel_loop3A_691 : i32 to index
      %parallel_loop3A_751 = arith.constant 112 : index
      %parallel_loop3A_752 = tpu.vector_load %arg4[%parallel_loop3A_749, %parallel_loop3A_750, %parallel_loop3A_751] {strides = array<i32>} : memref<2x300x128xf32, #tpu.memory_space<vmem>>, vector<16xf32>,
      %parallel_loop3A_753 = tpu.pack_subelements %parallel_loop3A_747, %parallel_loop3A_752 {pack_format = #tpu.pack_format<interleaved>, positions = array<i32: 0, 1>} : vector<16xf32>, vector<16xf32> -> vector<32xbf16>
      %parallel_loop3A_754 = vector.bitcast %parallel_loop3A_753 : vector<32xbf16> to vector<16xi32>
      %parallel_loop3A_755 = arith.constant 1 : i32
      %parallel_loop3A_756 = arith.index_cast %parallel_loop3A_755 : i32 to index
      %parallel_loop3A_757 = arith.index_cast %parallel_loop3A_691 : i32 to index
      %parallel_loop3A_758 = arith.constant 48 : index
      %parallel_loop3A_759 = tpu.vector_load %arg5[%parallel_loop3A_756, %parallel_loop3A_757, %parallel_loop3A_758] {strides = array<i32>} : memref<2x300x64xi32, #tpu.memory_space<vmem>>, vector<16xi32>,
      tpu.vector_store %arg5[%parallel_loop3A_756, %parallel_loop3A_757, %parallel_loop3A_758], %parallel_loop3A_754 {strides = array<i32>} : memref<2x300x64xi32, #tpu.memory_space<vmem>>, vector<16xi32>,
    } {sc.loop_unroll_factor = 5 : i64, sc.parallel_access}
    %add3A_220 = arith.constant 900 : i32
    %add3A_221 = arith.addi %mul3A_2, %add3A_220 : i32
    %dma_start3A_222 = arith.constant 1 : i32
    %dma_start3A_223 = arith.constant 0 : i32
    %dma_start3A_224 = arith.constant 0 : i32
    %dma_start3A_225 = tpu.memref_slice %arg5[%dma_start3A_222, %dma_start3A_223, %dma_start3A_224] : memref<2x300x64xi32, #tpu.memory_space<vmem>> -> memref<1x300x64xi32, #tpu.memory_space<vmem>>
    %dma_start3A_226 = tpu.memref_squeeze %dma_start3A_225 : memref<1x300x64xi32, #tpu.memory_space<vmem>> -> memref<300x64xi32, #tpu.memory_space<vmem>>
    %dma_start3A_227 = arith.constant 0 : i32
    %dma_start3A_228 = tpu.memref_slice %arg3[%add3A_221, %dma_start3A_227] : memref<100000x64xi32, #tpu.memory_space<hbm>> -> memref<300x64xi32, #tpu.memory_space<hbm>>
    %dma_start3A_229 = arith.constant 0 : i32
    %dma_start3A_230 = tpu.memref_slice %arg3[%add3A_221, %dma_start3A_229] : memref<100000x64xi32, #tpu.memory_space<hbm>> -> memref<300x64xi32, #tpu.memory_space<hbm>>
    %dma_start3A_231 = arith.constant 0 : i32
    %dma_start3A_232 = arith.constant 0 : i32
    %dma_start3A_233 = tpu.memref_slice %arg5[%dma_start3A_222, %dma_start3A_231, %dma_start3A_232] : memref<2x300x64xi32, #tpu.memory_space<vmem>> -> memref<1x300x64xi32, #tpu.memory_space<vmem>>
    %dma_start3A_234 = tpu.memref_squeeze %dma_start3A_233 : memref<1x300x64xi32, #tpu.memory_space<vmem>> -> memref<300x64xi32, #tpu.memory_space<vmem>>
    tpu.enqueue_dma source(%dma_start3A_234 : memref<300x64xi32, #tpu.memory_space<vmem>>) target(%dma_start3A_230 : memref<300x64xi32, #tpu.memory_space<hbm>>) target_semaphore(%arg7 : memref<!tpu.dma_semaphore, #tpu.memory_space<semaphore_mem>>)
    %add3A_235 = arith.constant 1200 : i32
    %add3A_236 = arith.addi %mul3A_2, %add3A_235 : i32
    %dma_wait3A_237 = arith.constant 0 : i32
    %dma_wait3A_238 = arith.constant 0 : i32
    %dma_wait3A_239 = arith.constant 0 : i32
    %dma_wait3A_240 = tpu.memref_slice %arg4[%dma_wait3A_237, %dma_wait3A_238, %dma_wait3A_239] : memref<2x300x128xf32, #tpu.memory_space<vmem>> -> memref<1x300x128xf32, #tpu.memory_space<vmem>>
    %dma_wait3A_241 = tpu.memref_squeeze %dma_wait3A_240 : memref<1x300x128xf32, #tpu.memory_space<vmem>> -> memref<300x128xf32, #tpu.memory_space<vmem>>
    %dma_wait3A_242 = arith.constant 0 : i32
    %dma_wait3A_243 = tpu.memref_slice %arg2[%add3A_236, %dma_wait3A_242] : memref<100000x128xf32, #tpu.memory_space<hbm>> -> memref<300x128xf32, #tpu.memory_space<hbm>>
    %dma_wait3A_244 = arith.constant 0 : i32
    %dma_wait3A_245 = arith.constant 0 : i32
    %dma_wait3A_246 = tpu.memref_slice %arg4[%dma_wait3A_237, %dma_wait3A_244, %dma_wait3A_245] : memref<2x300x128xf32, #tpu.memory_space<vmem>> -> memref<1x300x128xf32, #tpu.memory_space<vmem>>
    %dma_wait3A_247 = tpu.memref_squeeze %dma_wait3A_246 : memref<1x300x128xf32, #tpu.memory_space<vmem>> -> memref<300x128xf32, #tpu.memory_space<vmem>>
    %dma_wait3A_248 = arith.constant 0 : i32
    %dma_wait3A_249 = tpu.memref_slice %arg2[%add3A_236, %dma_wait3A_248] : memref<100000x128xf32, #tpu.memory_space<hbm>> -> memref<300x128xf32, #tpu.memory_space<hbm>>
    tpu.wait_dma2 semaphore(%arg6 : memref<!tpu.dma_semaphore, #tpu.memory_space<semaphore_mem>>) src(%dma_wait3A_249 : memref<300x128xf32, #tpu.memory_space<hbm>>) dst(%dma_wait3A_247 : memref<300x128xf32, #tpu.memory_space<vmem>>)
    %add3A_250 = arith.constant 1500 : i32
    %add3A_251 = arith.addi %mul3A_2, %add3A_250 : i32
    %dma_start3A_252 = arith.constant 1 : i32
    %dma_start3A_253 = arith.constant 0 : i32
    %dma_start3A_254 = arith.constant 0 : i32
    %dma_start3A_255 = tpu.memref_slice %arg4[%dma_start3A_252, %dma_start3A_253, %dma_start3A_254] : memref<2x300x128xf32, #tpu.memory_space<vmem>> -> memref<1x300x128xf32, #tpu.memory_space<vmem>>
    %dma_start3A_256 = tpu.memref_squeeze %dma_start3A_255 : memref<1x300x128xf32, #tpu.memory_space<vmem>> -> memref<300x128xf32, #tpu.memory_space<vmem>>
    %dma_start3A_257 = arith.constant 0 : i32
    %dma_start3A_258 = tpu.memref_slice %arg2[%add3A_251, %dma_start3A_257] : memref<100000x128xf32, #tpu.memory_space<hbm>> -> memref<300x128xf32, #tpu.memory_space<hbm>>
    %dma_start3A_259 = arith.constant 0 : i32
    %dma_start3A_260 = arith.constant 0 : i32
    %dma_start3A_261 = tpu.memref_slice %arg4[%dma_start3A_252, %dma_start3A_259, %dma_start3A_260] : memref<2x300x128xf32, #tpu.memory_space<vmem>> -> memref<1x300x128xf32, #tpu.memory_space<vmem>>
    %dma_start3A_262 = tpu.memref_squeeze %dma_start3A_261 : memref<1x300x128xf32, #tpu.memory_space<vmem>> -> memref<300x128xf32, #tpu.memory_space<vmem>>
    %dma_start3A_263 = arith.constant 0 : i32
    %dma_start3A_264 = tpu.memref_slice %arg2[%add3A_251, %dma_start3A_263] : memref<100000x128xf32, #tpu.memory_space<hbm>> -> memref<300x128xf32, #tpu.memory_space<hbm>>
    tpu.enqueue_dma source(%dma_start3A_264 : memref<300x128xf32, #tpu.memory_space<hbm>>) target(%dma_start3A_262 : memref<300x128xf32, #tpu.memory_space<vmem>>) target_semaphore(%arg6 : memref<!tpu.dma_semaphore, #tpu.memory_space<semaphore_mem>>)
    %add3A_265 = arith.constant 600 : i32
    %add3A_266 = arith.addi %mul3A_2, %add3A_265 : i32
    %dma_wait3A_267 = arith.constant 0 : i32
    %dma_wait3A_268 = arith.constant 0 : i32
    %dma_wait3A_269 = arith.constant 0 : i32
    %dma_wait3A_270 = tpu.memref_slice %arg5[%dma_wait3A_267, %dma_wait3A_268, %dma_wait3A_269] : memref<2x300x64xi32, #tpu.memory_space<vmem>> -> memref<1x300x64xi32, #tpu.memory_space<vmem>>
    %dma_wait3A_271 = tpu.memref_squeeze %dma_wait3A_270 : memref<1x300x64xi32, #tpu.memory_space<vmem>> -> memref<300x64xi32, #tpu.memory_space<vmem>>
    %dma_wait3A_272 = arith.constant 0 : i32
    %dma_wait3A_273 = tpu.memref_slice %arg3[%add3A_266, %dma_wait3A_272] : memref<100000x64xi32, #tpu.memory_space<hbm>> -> memref<300x64xi32, #tpu.memory_space<hbm>>
    %dma_wait3A_274 = arith.constant 0 : i32
    %dma_wait3A_275 = tpu.memref_slice %arg3[%add3A_266, %dma_wait3A_274] : memref<100000x64xi32, #tpu.memory_space<hbm>> -> memref<300x64xi32, #tpu.memory_space<hbm>>
    %dma_wait3A_276 = arith.constant 0 : i32
    %dma_wait3A_277 = arith.constant 0 : i32
    %dma_wait3A_278 = tpu.memref_slice %arg5[%dma_wait3A_267, %dma_wait3A_276, %dma_wait3A_277] : memref<2x300x64xi32, #tpu.memory_space<vmem>> -> memref<1x300x64xi32, #tpu.memory_space<vmem>>
    %dma_wait3A_279 = tpu.memref_squeeze %dma_wait3A_278 : memref<1x300x64xi32, #tpu.memory_space<vmem>> -> memref<300x64xi32, #tpu.memory_space<vmem>>
    tpu.wait_dma2 semaphore(%arg7 : memref<!tpu.dma_semaphore, #tpu.memory_space<semaphore_mem>>) src(%dma_wait3A_279 : memref<300x64xi32, #tpu.memory_space<vmem>>) dst(%dma_wait3A_275 : memref<300x64xi32, #tpu.memory_space<hbm>>)
    %parallel_loop3A_280 = arith.constant 0 : i32
    %parallel_loop3A_281 = arith.constant 300 : i32
    %parallel_loop3A_282 = arith.constant 1 : i32
    scf.for %parallel_loop3A_691 = %parallel_loop3A_280 to %parallel_loop3A_281 step %parallel_loop3A_282  : i32 {
      %parallel_loop3A_692 = arith.constant 0 : i32
      %parallel_loop3A_693 = arith.index_cast %parallel_loop3A_692 : i32 to index
      %parallel_loop3A_694 = arith.index_cast %parallel_loop3A_691 : i32 to index
      %parallel_loop3A_695 = arith.constant 0 : index
      %parallel_loop3A_696 = tpu.vector_load %arg4[%parallel_loop3A_693, %parallel_loop3A_694, %parallel_loop3A_695] {strides = array<i32>} : memref<2x300x128xf32, #tpu.memory_space<vmem>>, vector<16xf32>,
      %parallel_loop3A_697 = arith.constant 0 : i32
      %parallel_loop3A_698 = arith.index_cast %parallel_loop3A_697 : i32 to index
      %parallel_loop3A_699 = arith.index_cast %parallel_loop3A_691 : i32 to index
      %parallel_loop3A_700 = arith.constant 64 : index
      %parallel_loop3A_701 = tpu.vector_load %arg4[%parallel_loop3A_698, %parallel_loop3A_699, %parallel_loop3A_700] {strides = array<i32>} : memref<2x300x128xf32, #tpu.memory_space<vmem>>, vector<16xf32>,
      %parallel_loop3A_702 = tpu.pack_subelements %parallel_loop3A_696, %parallel_loop3A_701 {pack_format = #tpu.pack_format<interleaved>, positions = array<i32: 0, 1>} : vector<16xf32>, vector<16xf32> -> vector<32xbf16>
      %parallel_loop3A_703 = vector.bitcast %parallel_loop3A_702 : vector<32xbf16> to vector<16xi32>
      %parallel_loop3A_704 = arith.constant 0 : i32
      %parallel_loop3A_705 = arith.index_cast %parallel_loop3A_704 : i32 to index
      %parallel_loop3A_706 = arith.index_cast %parallel_loop3A_691 : i32 to index
      %parallel_loop3A_707 = arith.constant 0 : index
      %parallel_loop3A_708 = tpu.vector_load %arg5[%parallel_loop3A_705, %parallel_loop3A_706, %parallel_loop3A_707] {strides = array<i32>} : memref<2x300x64xi32, #tpu.memory_space<vmem>>, vector<16xi32>,
      tpu.vector_store %arg5[%parallel_loop3A_705, %parallel_loop3A_706, %parallel_loop3A_707], %parallel_loop3A_703 {strides = array<i32>} : memref<2x300x64xi32, #tpu.memory_space<vmem>>, vector<16xi32>,
      %parallel_loop3A_709 = arith.constant 0 : i32
      %parallel_loop3A_710 = arith.index_cast %parallel_loop3A_709 : i32 to index
      %parallel_loop3A_711 = arith.index_cast %parallel_loop3A_691 : i32 to index
      %parallel_loop3A_712 = arith.constant 16 : index
      %parallel_loop3A_713 = tpu.vector_load %arg4[%parallel_loop3A_710, %parallel_loop3A_711, %parallel_loop3A_712] {strides = array<i32>} : memref<2x300x128xf32, #tpu.memory_space<vmem>>, vector<16xf32>,
      %parallel_loop3A_714 = arith.constant 0 : i32
      %parallel_loop3A_715 = arith.index_cast %parallel_loop3A_714 : i32 to index
      %parallel_loop3A_716 = arith.index_cast %parallel_loop3A_691 : i32 to index
      %parallel_loop3A_717 = arith.constant 80 : index
      %parallel_loop3A_718 = tpu.vector_load %arg4[%parallel_loop3A_715, %parallel_loop3A_716, %parallel_loop3A_717] {strides = array<i32>} : memref<2x300x128xf32, #tpu.memory_space<vmem>>, vector<16xf32>,
      %parallel_loop3A_719 = tpu.pack_subelements %parallel_loop3A_713, %parallel_loop3A_718 {pack_format = #tpu.pack_format<interleaved>, positions = array<i32: 0, 1>} : vector<16xf32>, vector<16xf32> -> vector<32xbf16>
      %parallel_loop3A_720 = vector.bitcast %parallel_loop3A_719 : vector<32xbf16> to vector<16xi32>
      %parallel_loop3A_721 = arith.constant 0 : i32
      %parallel_loop3A_722 = arith.index_cast %parallel_loop3A_721 : i32 to index
      %parallel_loop3A_723 = arith.index_cast %parallel_loop3A_691 : i32 to index
      %parallel_loop3A_724 = arith.constant 16 : index
      %parallel_loop3A_725 = tpu.vector_load %arg5[%parallel_loop3A_722, %parallel_loop3A_723, %parallel_loop3A_724] {strides = array<i32>} : memref<2x300x64xi32, #tpu.memory_space<vmem>>, vector<16xi32>,
      tpu.vector_store %arg5[%parallel_loop3A_722, %parallel_loop3A_723, %parallel_loop3A_724], %parallel_loop3A_720 {strides = array<i32>} : memref<2x300x64xi32, #tpu.memory_space<vmem>>, vector<16xi32>,
      %parallel_loop3A_726 = arith.constant 0 : i32
      %parallel_loop3A_727 = arith.index_cast %parallel_loop3A_726 : i32 to index
      %parallel_loop3A_728 = arith.index_cast %parallel_loop3A_691 : i32 to index
      %parallel_loop3A_729 = arith.constant 32 : index
      %parallel_loop3A_730 = tpu.vector_load %arg4[%parallel_loop3A_727, %parallel_loop3A_728, %parallel_loop3A_729] {strides = array<i32>} : memref<2x300x128xf32, #tpu.memory_space<vmem>>, vector<16xf32>,
      %parallel_loop3A_731 = arith.constant 0 : i32
      %parallel_loop3A_732 = arith.index_cast %parallel_loop3A_731 : i32 to index
      %parallel_loop3A_733 = arith.index_cast %parallel_loop3A_691 : i32 to index
      %parallel_loop3A_734 = arith.constant 96 : index
      %parallel_loop3A_735 = tpu.vector_load %arg4[%parallel_loop3A_732, %parallel_loop3A_733, %parallel_loop3A_734] {strides = array<i32>} : memref<2x300x128xf32, #tpu.memory_space<vmem>>, vector<16xf32>,
      %parallel_loop3A_736 = tpu.pack_subelements %parallel_loop3A_730, %parallel_loop3A_735 {pack_format = #tpu.pack_format<interleaved>, positions = array<i32: 0, 1>} : vector<16xf32>, vector<16xf32> -> vector<32xbf16>
      %parallel_loop3A_737 = vector.bitcast %parallel_loop3A_736 : vector<32xbf16> to vector<16xi32>
      %parallel_loop3A_738 = arith.constant 0 : i32
      %parallel_loop3A_739 = arith.index_cast %parallel_loop3A_738 : i32 to index
      %parallel_loop3A_740 = arith.index_cast %parallel_loop3A_691 : i32 to index
      %parallel_loop3A_741 = arith.constant 32 : index
      %parallel_loop3A_742 = tpu.vector_load %arg5[%parallel_loop3A_739, %parallel_loop3A_740, %parallel_loop3A_741] {strides = array<i32>} : memref<2x300x64xi32, #tpu.memory_space<vmem>>, vector<16xi32>,
      tpu.vector_store %arg5[%parallel_loop3A_739, %parallel_loop3A_740, %parallel_loop3A_741], %parallel_loop3A_737 {strides = array<i32>} : memref<2x300x64xi32, #tpu.memory_space<vmem>>, vector<16xi32>,
      %parallel_loop3A_743 = arith.constant 0 : i32
      %parallel_loop3A_744 = arith.index_cast %parallel_loop3A_743 : i32 to index
      %parallel_loop3A_745 = arith.index_cast %parallel_loop3A_691 : i32 to index
      %parallel_loop3A_746 = arith.constant 48 : index
      %parallel_loop3A_747 = tpu.vector_load %arg4[%parallel_loop3A_744, %parallel_loop3A_745, %parallel_loop3A_746] {strides = array<i32>} : memref<2x300x128xf32, #tpu.memory_space<vmem>>, vector<16xf32>,
      %parallel_loop3A_748 = arith.constant 0 : i32
      %parallel_loop3A_749 = arith.index_cast %parallel_loop3A_748 : i32 to index
      %parallel_loop3A_750 = arith.index_cast %parallel_loop3A_691 : i32 to index
      %parallel_loop3A_751 = arith.constant 112 : index
      %parallel_loop3A_752 = tpu.vector_load %arg4[%parallel_loop3A_749, %parallel_loop3A_750, %parallel_loop3A_751] {strides = array<i32>} : memref<2x300x128xf32, #tpu.memory_space<vmem>>, vector<16xf32>,
      %parallel_loop3A_753 = tpu.pack_subelements %parallel_loop3A_747, %parallel_loop3A_752 {pack_format = #tpu.pack_format<interleaved>, positions = array<i32: 0, 1>} : vector<16xf32>, vector<16xf32> -> vector<32xbf16>
      %parallel_loop3A_754 = vector.bitcast %parallel_loop3A_753 : vector<32xbf16> to vector<16xi32>
      %parallel_loop3A_755 = arith.constant 0 : i32
      %parallel_loop3A_756 = arith.index_cast %parallel_loop3A_755 : i32 to index
      %parallel_loop3A_757 = arith.index_cast %parallel_loop3A_691 : i32 to index
      %parallel_loop3A_758 = arith.constant 48 : index
      %parallel_loop3A_759 = tpu.vector_load %arg5[%parallel_loop3A_756, %parallel_loop3A_757, %parallel_loop3A_758] {strides = array<i32>} : memref<2x300x64xi32, #tpu.memory_space<vmem>>, vector<16xi32>,
      tpu.vector_store %arg5[%parallel_loop3A_756, %parallel_loop3A_757, %parallel_loop3A_758], %parallel_loop3A_754 {strides = array<i32>} : memref<2x300x64xi32, #tpu.memory_space<vmem>>, vector<16xi32>,
    } {sc.loop_unroll_factor = 5 : i64, sc.parallel_access}
    %add3A_283 = arith.constant 1200 : i32
    %add3A_284 = arith.addi %mul3A_2, %add3A_283 : i32
    %dma_start3A_285 = arith.constant 0 : i32
    %dma_start3A_286 = arith.constant 0 : i32
    %dma_start3A_287 = arith.constant 0 : i32
    %dma_start3A_288 = tpu.memref_slice %arg5[%dma_start3A_285, %dma_start3A_286, %dma_start3A_287] : memref<2x300x64xi32, #tpu.memory_space<vmem>> -> memref<1x300x64xi32, #tpu.memory_space<vmem>>
    %dma_start3A_289 = tpu.memref_squeeze %dma_start3A_288 : memref<1x300x64xi32, #tpu.memory_space<vmem>> -> memref<300x64xi32, #tpu.memory_space<vmem>>
    %dma_start3A_290 = arith.constant 0 : i32
    %dma_start3A_291 = tpu.memref_slice %arg3[%add3A_284, %dma_start3A_290] : memref<100000x64xi32, #tpu.memory_space<hbm>> -> memref<300x64xi32, #tpu.memory_space<hbm>>
    %dma_start3A_292 = arith.constant 0 : i32
    %dma_start3A_293 = tpu.memref_slice %arg3[%add3A_284, %dma_start3A_292] : memref<100000x64xi32, #tpu.memory_space<hbm>> -> memref<300x64xi32, #tpu.memory_space<hbm>>
    %dma_start3A_294 = arith.constant 0 : i32
    %dma_start3A_295 = arith.constant 0 : i32
    %dma_start3A_296 = tpu.memref_slice %arg5[%dma_start3A_285, %dma_start3A_294, %dma_start3A_295] : memref<2x300x64xi32, #tpu.memory_space<vmem>> -> memref<1x300x64xi32, #tpu.memory_space<vmem>>
    %dma_start3A_297 = tpu.memref_squeeze %dma_start3A_296 : memref<1x300x64xi32, #tpu.memory_space<vmem>> -> memref<300x64xi32, #tpu.memory_space<vmem>>
    tpu.enqueue_dma source(%dma_start3A_297 : memref<300x64xi32, #tpu.memory_space<vmem>>) target(%dma_start3A_293 : memref<300x64xi32, #tpu.memory_space<hbm>>) target_semaphore(%arg7 : memref<!tpu.dma_semaphore, #tpu.memory_space<semaphore_mem>>)
    %add3A_298 = arith.constant 1500 : i32
    %add3A_299 = arith.addi %mul3A_2, %add3A_298 : i32
    %dma_wait3A_300 = arith.constant 1 : i32
    %dma_wait3A_301 = arith.constant 0 : i32
    %dma_wait3A_302 = arith.constant 0 : i32
    %dma_wait3A_303 = tpu.memref_slice %arg4[%dma_wait3A_300, %dma_wait3A_301, %dma_wait3A_302] : memref<2x300x128xf32, #tpu.memory_space<vmem>> -> memref<1x300x128xf32, #tpu.memory_space<vmem>>
    %dma_wait3A_304 = tpu.memref_squeeze %dma_wait3A_303 : memref<1x300x128xf32, #tpu.memory_space<vmem>> -> memref<300x128xf32, #tpu.memory_space<vmem>>
    %dma_wait3A_305 = arith.constant 0 : i32
    %dma_wait3A_306 = tpu.memref_slice %arg2[%add3A_299, %dma_wait3A_305] : memref<100000x128xf32, #tpu.memory_space<hbm>> -> memref<300x128xf32, #tpu.memory_space<hbm>>
    %dma_wait3A_307 = arith.constant 0 : i32
    %dma_wait3A_308 = arith.constant 0 : i32
    %dma_wait3A_309 = tpu.memref_slice %arg4[%dma_wait3A_300, %dma_wait3A_307, %dma_wait3A_308] : memref<2x300x128xf32, #tpu.memory_space<vmem>> -> memref<1x300x128xf32, #tpu.memory_space<vmem>>
    %dma_wait3A_310 = tpu.memref_squeeze %dma_wait3A_309 : memref<1x300x128xf32, #tpu.memory_space<vmem>> -> memref<300x128xf32, #tpu.memory_space<vmem>>
    %dma_wait3A_311 = arith.constant 0 : i32
    %dma_wait3A_312 = tpu.memref_slice %arg2[%add3A_299, %dma_wait3A_311] : memref<100000x128xf32, #tpu.memory_space<hbm>> -> memref<300x128xf32, #tpu.memory_space<hbm>>
    tpu.wait_dma2 semaphore(%arg6 : memref<!tpu.dma_semaphore, #tpu.memory_space<semaphore_mem>>) src(%dma_wait3A_312 : memref<300x128xf32, #tpu.memory_space<hbm>>) dst(%dma_wait3A_310 : memref<300x128xf32, #tpu.memory_space<vmem>>)
    %add3A_313 = arith.constant 1800 : i32
    %add3A_314 = arith.addi %mul3A_2, %add3A_313 : i32
    %dma_start3A_315 = arith.constant 0 : i32
    %dma_start3A_316 = arith.constant 0 : i32
    %dma_start3A_317 = arith.constant 0 : i32
    %dma_start3A_318 = tpu.memref_slice %arg4[%dma_start3A_315, %dma_start3A_316, %dma_start3A_317] : memref<2x300x128xf32, #tpu.memory_space<vmem>> -> memref<1x300x128xf32, #tpu.memory_space<vmem>>
    %dma_start3A_319 = tpu.memref_squeeze %dma_start3A_318 : memref<1x300x128xf32, #tpu.memory_space<vmem>> -> memref<300x128xf32, #tpu.memory_space<vmem>>
    %dma_start3A_320 = arith.constant 0 : i32
    %dma_start3A_321 = tpu.memref_slice %arg2[%add3A_314, %dma_start3A_320] : memref<100000x128xf32, #tpu.memory_space<hbm>> -> memref<300x128xf32, #tpu.memory_space<hbm>>
    %dma_start3A_322 = arith.constant 0 : i32
    %dma_start3A_323 = arith.constant 0 : i32
    %dma_start3A_324 = tpu.memref_slice %arg4[%dma_start3A_315, %dma_start3A_322, %dma_start3A_323] : memref<2x300x128xf32, #tpu.memory_space<vmem>> -> memref<1x300x128xf32, #tpu.memory_space<vmem>>
    %dma_start3A_325 = tpu.memref_squeeze %dma_start3A_324 : memref<1x300x128xf32, #tpu.memory_space<vmem>> -> memref<300x128xf32, #tpu.memory_space<vmem>>
    %dma_start3A_326 = arith.constant 0 : i32
    %dma_start3A_327 = tpu.memref_slice %arg2[%add3A_314, %dma_start3A_326] : memref<100000x128xf32, #tpu.memory_space<hbm>> -> memref<300x128xf32, #tpu.memory_space<hbm>>
    tpu.enqueue_dma source(%dma_start3A_327 : memref<300x128xf32, #tpu.memory_space<hbm>>) target(%dma_start3A_325 : memref<300x128xf32, #tpu.memory_space<vmem>>) target_semaphore(%arg6 : memref<!tpu.dma_semaphore, #tpu.memory_space<semaphore_mem>>)
    %add3A_328 = arith.constant 900 : i32
    %add3A_329 = arith.addi %mul3A_2, %add3A_328 : i32
    %dma_wait3A_330 = arith.constant 1 : i32
    %dma_wait3A_331 = arith.constant 0 : i32
    %dma_wait3A_332 = arith.constant 0 : i32
    %dma_wait3A_333 = tpu.memref_slice %arg5[%dma_wait3A_330, %dma_wait3A_331, %dma_wait3A_332] : memref<2x300x64xi32, #tpu.memory_space<vmem>> -> memref<1x300x64xi32, #tpu.memory_space<vmem>>
    %dma_wait3A_334 = tpu.memref_squeeze %dma_wait3A_333 : memref<1x300x64xi32, #tpu.memory_space<vmem>> -> memref<300x64xi32, #tpu.memory_space<vmem>>
    %dma_wait3A_335 = arith.constant 0 : i32
    %dma_wait3A_336 = tpu.memref_slice %arg3[%add3A_329, %dma_wait3A_335] : memref<100000x64xi32, #tpu.memory_space<hbm>> -> memref<300x64xi32, #tpu.memory_space<hbm>>
    %dma_wait3A_337 = arith.constant 0 : i32
    %dma_wait3A_338 = tpu.memref_slice %arg3[%add3A_329, %dma_wait3A_337] : memref<100000x64xi32, #tpu.memory_space<hbm>> -> memref<300x64xi32, #tpu.memory_space<hbm>>
    %dma_wait3A_339 = arith.constant 0 : i32
    %dma_wait3A_340 = arith.constant 0 : i32
    %dma_wait3A_341 = tpu.memref_slice %arg5[%dma_wait3A_330, %dma_wait3A_339, %dma_wait3A_340] : memref<2x300x64xi32, #tpu.memory_space<vmem>> -> memref<1x300x64xi32, #tpu.memory_space<vmem>>
    %dma_wait3A_342 = tpu.memref_squeeze %dma_wait3A_341 : memref<1x300x64xi32, #tpu.memory_space<vmem>> -> memref<300x64xi32, #tpu.memory_space<vmem>>
    tpu.wait_dma2 semaphore(%arg7 : memref<!tpu.dma_semaphore, #tpu.memory_space<semaphore_mem>>) src(%dma_wait3A_342 : memref<300x64xi32, #tpu.memory_space<vmem>>) dst(%dma_wait3A_338 : memref<300x64xi32, #tpu.memory_space<hbm>>)
    %parallel_loop3A_343 = arith.constant 0 : i32
    %parallel_loop3A_344 = arith.constant 300 : i32
    %parallel_loop3A_345 = arith.constant 1 : i32
    scf.for %parallel_loop3A_691 = %parallel_loop3A_343 to %parallel_loop3A_344 step %parallel_loop3A_345  : i32 {
      %parallel_loop3A_692 = arith.constant 1 : i32
      %parallel_loop3A_693 = arith.index_cast %parallel_loop3A_692 : i32 to index
      %parallel_loop3A_694 = arith.index_cast %parallel_loop3A_691 : i32 to index
      %parallel_loop3A_695 = arith.constant 0 : index
      %parallel_loop3A_696 = tpu.vector_load %arg4[%parallel_loop3A_693, %parallel_loop3A_694, %parallel_loop3A_695] {strides = array<i32>} : memref<2x300x128xf32, #tpu.memory_space<vmem>>, vector<16xf32>,
      %parallel_loop3A_697 = arith.constant 1 : i32
      %parallel_loop3A_698 = arith.index_cast %parallel_loop3A_697 : i32 to index
      %parallel_loop3A_699 = arith.index_cast %parallel_loop3A_691 : i32 to index
      %parallel_loop3A_700 = arith.constant 64 : index
      %parallel_loop3A_701 = tpu.vector_load %arg4[%parallel_loop3A_698, %parallel_loop3A_699, %parallel_loop3A_700] {strides = array<i32>} : memref<2x300x128xf32, #tpu.memory_space<vmem>>, vector<16xf32>,
      %parallel_loop3A_702 = tpu.pack_subelements %parallel_loop3A_696, %parallel_loop3A_701 {pack_format = #tpu.pack_format<interleaved>, positions = array<i32: 0, 1>} : vector<16xf32>, vector<16xf32> -> vector<32xbf16>
      %parallel_loop3A_703 = vector.bitcast %parallel_loop3A_702 : vector<32xbf16> to vector<16xi32>
      %parallel_loop3A_704 = arith.constant 1 : i32
      %parallel_loop3A_705 = arith.index_cast %parallel_loop3A_704 : i32 to index
      %parallel_loop3A_706 = arith.index_cast %parallel_loop3A_691 : i32 to index
      %parallel_loop3A_707 = arith.constant 0 : index
      %parallel_loop3A_708 = tpu.vector_load %arg5[%parallel_loop3A_705, %parallel_loop3A_706, %parallel_loop3A_707] {strides = array<i32>} : memref<2x300x64xi32, #tpu.memory_space<vmem>>, vector<16xi32>,
      tpu.vector_store %arg5[%parallel_loop3A_705, %parallel_loop3A_706, %parallel_loop3A_707], %parallel_loop3A_703 {strides = array<i32>} : memref<2x300x64xi32, #tpu.memory_space<vmem>>, vector<16xi32>,
      %parallel_loop3A_709 = arith.constant 1 : i32
      %parallel_loop3A_710 = arith.index_cast %parallel_loop3A_709 : i32 to index
      %parallel_loop3A_711 = arith.index_cast %parallel_loop3A_691 : i32 to index
      %parallel_loop3A_712 = arith.constant 16 : index
      %parallel_loop3A_713 = tpu.vector_load %arg4[%parallel_loop3A_710, %parallel_loop3A_711, %parallel_loop3A_712] {strides = array<i32>} : memref<2x300x128xf32, #tpu.memory_space<vmem>>, vector<16xf32>,
      %parallel_loop3A_714 = arith.constant 1 : i32
      %parallel_loop3A_715 = arith.index_cast %parallel_loop3A_714 : i32 to index
      %parallel_loop3A_716 = arith.index_cast %parallel_loop3A_691 : i32 to index
      %parallel_loop3A_717 = arith.constant 80 : index
      %parallel_loop3A_718 = tpu.vector_load %arg4[%parallel_loop3A_715, %parallel_loop3A_716, %parallel_loop3A_717] {strides = array<i32>} : memref<2x300x128xf32, #tpu.memory_space<vmem>>, vector<16xf32>,
      %parallel_loop3A_719 = tpu.pack_subelements %parallel_loop3A_713, %parallel_loop3A_718 {pack_format = #tpu.pack_format<interleaved>, positions = array<i32: 0, 1>} : vector<16xf32>, vector<16xf32> -> vector<32xbf16>
      %parallel_loop3A_720 = vector.bitcast %parallel_loop3A_719 : vector<32xbf16> to vector<16xi32>
      %parallel_loop3A_721 = arith.constant 1 : i32
      %parallel_loop3A_722 = arith.index_cast %parallel_loop3A_721 : i32 to index
      %parallel_loop3A_723 = arith.index_cast %parallel_loop3A_691 : i32 to index
      %parallel_loop3A_724 = arith.constant 16 : index
      %parallel_loop3A_725 = tpu.vector_load %arg5[%parallel_loop3A_722, %parallel_loop3A_723, %parallel_loop3A_724] {strides = array<i32>} : memref<2x300x64xi32, #tpu.memory_space<vmem>>, vector<16xi32>,
      tpu.vector_store %arg5[%parallel_loop3A_722, %parallel_loop3A_723, %parallel_loop3A_724], %parallel_loop3A_720 {strides = array<i32>} : memref<2x300x64xi32, #tpu.memory_space<vmem>>, vector<16xi32>,
      %parallel_loop3A_726 = arith.constant 1 : i32
      %parallel_loop3A_727 = arith.index_cast %parallel_loop3A_726 : i32 to index
      %parallel_loop3A_728 = arith.index_cast %parallel_loop3A_691 : i32 to index
      %parallel_loop3A_729 = arith.constant 32 : index
      %parallel_loop3A_730 = tpu.vector_load %arg4[%parallel_loop3A_727, %parallel_loop3A_728, %parallel_loop3A_729] {strides = array<i32>} : memref<2x300x128xf32, #tpu.memory_space<vmem>>, vector<16xf32>,
      %parallel_loop3A_731 = arith.constant 1 : i32
      %parallel_loop3A_732 = arith.index_cast %parallel_loop3A_731 : i32 to index
      %parallel_loop3A_733 = arith.index_cast %parallel_loop3A_691 : i32 to index
      %parallel_loop3A_734 = arith.constant 96 : index
      %parallel_loop3A_735 = tpu.vector_load %arg4[%parallel_loop3A_732, %parallel_loop3A_733, %parallel_loop3A_734] {strides = array<i32>} : memref<2x300x128xf32, #tpu.memory_space<vmem>>, vector<16xf32>,
      %parallel_loop3A_736 = tpu.pack_subelements %parallel_loop3A_730, %parallel_loop3A_735 {pack_format = #tpu.pack_format<interleaved>, positions = array<i32: 0, 1>} : vector<16xf32>, vector<16xf32> -> vector<32xbf16>
      %parallel_loop3A_737 = vector.bitcast %parallel_loop3A_736 : vector<32xbf16> to vector<16xi32>
      %parallel_loop3A_738 = arith.constant 1 : i32
      %parallel_loop3A_739 = arith.index_cast %parallel_loop3A_738 : i32 to index
      %parallel_loop3A_740 = arith.index_cast %parallel_loop3A_691 : i32 to index
      %parallel_loop3A_741 = arith.constant 32 : index
      %parallel_loop3A_742 = tpu.vector_load %arg5[%parallel_loop3A_739, %parallel_loop3A_740, %parallel_loop3A_741] {strides = array<i32>} : memref<2x300x64xi32, #tpu.memory_space<vmem>>, vector<16xi32>,
      tpu.vector_store %arg5[%parallel_loop3A_739, %parallel_loop3A_740, %parallel_loop3A_741], %parallel_loop3A_737 {strides = array<i32>} : memref<2x300x64xi32, #tpu.memory_space<vmem>>, vector<16xi32>,
      %parallel_loop3A_743 = arith.constant 1 : i32
      %parallel_loop3A_744 = arith.index_cast %parallel_loop3A_743 : i32 to index
      %parallel_loop3A_745 = arith.index_cast %parallel_loop3A_691 : i32 to index
      %parallel_loop3A_746 = arith.constant 48 : index
      %parallel_loop3A_747 = tpu.vector_load %arg4[%parallel_loop3A_744, %parallel_loop3A_745, %parallel_loop3A_746] {strides = array<i32>} : memref<2x300x128xf32, #tpu.memory_space<vmem>>, vector<16xf32>,
      %parallel_loop3A_748 = arith.constant 1 : i32
      %parallel_loop3A_749 = arith.index_cast %parallel_loop3A_748 : i32 to index
      %parallel_loop3A_750 = arith.index_cast %parallel_loop3A_691 : i32 to index
      %parallel_loop3A_751 = arith.constant 112 : index
      %parallel_loop3A_752 = tpu.vector_load %arg4[%parallel_loop3A_749, %parallel_loop3A_750, %parallel_loop3A_751] {strides = array<i32>} : memref<2x300x128xf32, #tpu.memory_space<vmem>>, vector<16xf32>,
      %parallel_loop3A_753 = tpu.pack_subelements %parallel_loop3A_747, %parallel_loop3A_752 {pack_format = #tpu.pack_format<interleaved>, positions = array<i32: 0, 1>} : vector<16xf32>, vector<16xf32> -> vector<32xbf16>
      %parallel_loop3A_754 = vector.bitcast %parallel_loop3A_753 : vector<32xbf16> to vector<16xi32>
      %parallel_loop3A_755 = arith.constant 1 : i32
      %parallel_loop3A_756 = arith.index_cast %parallel_loop3A_755 : i32 to index
      %parallel_loop3A_757 = arith.index_cast %parallel_loop3A_691 : i32 to index
      %parallel_loop3A_758 = arith.constant 48 : index
      %parallel_loop3A_759 = tpu.vector_load %arg5[%parallel_loop3A_756, %parallel_loop3A_757, %parallel_loop3A_758] {strides = array<i32>} : memref<2x300x64xi32, #tpu.memory_space<vmem>>, vector<16xi32>,
      tpu.vector_store %arg5[%parallel_loop3A_756, %parallel_loop3A_757, %parallel_loop3A_758], %parallel_loop3A_754 {strides = array<i32>} : memref<2x300x64xi32, #tpu.memory_space<vmem>>, vector<16xi32>,
    } {sc.loop_unroll_factor = 5 : i64, sc.parallel_access}
    %add3A_346 = arith.constant 1500 : i32
    %add3A_347 = arith.addi %mul3A_2, %add3A_346 : i32
    %dma_start3A_348 = arith.constant 1 : i32
    %dma_start3A_349 = arith.constant 0 : i32
    %dma_start3A_350 = arith.constant 0 : i32
    %dma_start3A_351 = tpu.memref_slice %arg5[%dma_start3A_348, %dma_start3A_349, %dma_start3A_350] : memref<2x300x64xi32, #tpu.memory_space<vmem>> -> memref<1x300x64xi32, #tpu.memory_space<vmem>>
    %dma_start3A_352 = tpu.memref_squeeze %dma_start3A_351 : memref<1x300x64xi32, #tpu.memory_space<vmem>> -> memref<300x64xi32, #tpu.memory_space<vmem>>
    %dma_start3A_353 = arith.constant 0 : i32
    %dma_start3A_354 = tpu.memref_slice %arg3[%add3A_347, %dma_start3A_353] : memref<100000x64xi32, #tpu.memory_space<hbm>> -> memref<300x64xi32, #tpu.memory_space<hbm>>
    %dma_start3A_355 = arith.constant 0 : i32
    %dma_start3A_356 = tpu.memref_slice %arg3[%add3A_347, %dma_start3A_355] : memref<100000x64xi32, #tpu.memory_space<hbm>> -> memref<300x64xi32, #tpu.memory_space<hbm>>
    %dma_start3A_357 = arith.constant 0 : i32
    %dma_start3A_358 = arith.constant 0 : i32
    %dma_start3A_359 = tpu.memref_slice %arg5[%dma_start3A_348, %dma_start3A_357, %dma_start3A_358] : memref<2x300x64xi32, #tpu.memory_space<vmem>> -> memref<1x300x64xi32, #tpu.memory_space<vmem>>
    %dma_start3A_360 = tpu.memref_squeeze %dma_start3A_359 : memref<1x300x64xi32, #tpu.memory_space<vmem>> -> memref<300x64xi32, #tpu.memory_space<vmem>>
    tpu.enqueue_dma source(%dma_start3A_360 : memref<300x64xi32, #tpu.memory_space<vmem>>) target(%dma_start3A_356 : memref<300x64xi32, #tpu.memory_space<hbm>>) target_semaphore(%arg7 : memref<!tpu.dma_semaphore, #tpu.memory_space<semaphore_mem>>)
    %add3A_361 = arith.constant 1800 : i32
    %add3A_362 = arith.addi %mul3A_2, %add3A_361 : i32
    %dma_wait3A_363 = arith.constant 0 : i32
    %dma_wait3A_364 = arith.constant 0 : i32
    %dma_wait3A_365 = arith.constant 0 : i32
    %dma_wait3A_366 = tpu.memref_slice %arg4[%dma_wait3A_363, %dma_wait3A_364, %dma_wait3A_365] : memref<2x300x128xf32, #tpu.memory_space<vmem>> -> memref<1x300x128xf32, #tpu.memory_space<vmem>>
    %dma_wait3A_367 = tpu.memref_squeeze %dma_wait3A_366 : memref<1x300x128xf32, #tpu.memory_space<vmem>> -> memref<300x128xf32, #tpu.memory_space<vmem>>
    %dma_wait3A_368 = arith.constant 0 : i32
    %dma_wait3A_369 = tpu.memref_slice %arg2[%add3A_362, %dma_wait3A_368] : memref<100000x128xf32, #tpu.memory_space<hbm>> -> memref<300x128xf32, #tpu.memory_space<hbm>>
    %dma_wait3A_370 = arith.constant 0 : i32
    %dma_wait3A_371 = arith.constant 0 : i32
    %dma_wait3A_372 = tpu.memref_slice %arg4[%dma_wait3A_363, %dma_wait3A_370, %dma_wait3A_371] : memref<2x300x128xf32, #tpu.memory_space<vmem>> -> memref<1x300x128xf32, #tpu.memory_space<vmem>>
    %dma_wait3A_373 = tpu.memref_squeeze %dma_wait3A_372 : memref<1x300x128xf32, #tpu.memory_space<vmem>> -> memref<300x128xf32, #tpu.memory_space<vmem>>
    %dma_wait3A_374 = arith.constant 0 : i32
    %dma_wait3A_375 = tpu.memref_slice %arg2[%add3A_362, %dma_wait3A_374] : memref<100000x128xf32, #tpu.memory_space<hbm>> -> memref<300x128xf32, #tpu.memory_space<hbm>>
    tpu.wait_dma2 semaphore(%arg6 : memref<!tpu.dma_semaphore, #tpu.memory_space<semaphore_mem>>) src(%dma_wait3A_375 : memref<300x128xf32, #tpu.memory_space<hbm>>) dst(%dma_wait3A_373 : memref<300x128xf32, #tpu.memory_space<vmem>>)
    %add3A_376 = arith.constant 2100 : i32
    %add3A_377 = arith.addi %mul3A_2, %add3A_376 : i32
    %dma_start3A_378 = arith.constant 1 : i32
    %dma_start3A_379 = arith.constant 0 : i32
    %dma_start3A_380 = arith.constant 0 : i32
    %dma_start3A_381 = tpu.memref_slice %arg4[%dma_start3A_378, %dma_start3A_379, %dma_start3A_380] : memref<2x300x128xf32, #tpu.memory_space<vmem>> -> memref<1x300x128xf32, #tpu.memory_space<vmem>>
    %dma_start3A_382 = tpu.memref_squeeze %dma_start3A_381 : memref<1x300x128xf32, #tpu.memory_space<vmem>> -> memref<300x128xf32, #tpu.memory_space<vmem>>
    %dma_start3A_383 = arith.constant 0 : i32
    %dma_start3A_384 = tpu.memref_slice %arg2[%add3A_377, %dma_start3A_383] : memref<100000x128xf32, #tpu.memory_space<hbm>> -> memref<300x128xf32, #tpu.memory_space<hbm>>
    %dma_start3A_385 = arith.constant 0 : i32
    %dma_start3A_386 = arith.constant 0 : i32
    %dma_start3A_387 = tpu.memref_slice %arg4[%dma_start3A_378, %dma_start3A_385, %dma_start3A_386] : memref<2x300x128xf32, #tpu.memory_space<vmem>> -> memref<1x300x128xf32, #tpu.memory_space<vmem>>
    %dma_start3A_388 = tpu.memref_squeeze %dma_start3A_387 : memref<1x300x128xf32, #tpu.memory_space<vmem>> -> memref<300x128xf32, #tpu.memory_space<vmem>>
    %dma_start3A_389 = arith.constant 0 : i32
    %dma_start3A_390 = tpu.memref_slice %arg2[%add3A_377, %dma_start3A_389] : memref<100000x128xf32, #tpu.memory_space<hbm>> -> memref<300x128xf32, #tpu.memory_space<hbm>>
    tpu.enqueue_dma source(%dma_start3A_390 : memref<300x128xf32, #tpu.memory_space<hbm>>) target(%dma_start3A_388 : memref<300x128xf32, #tpu.memory_space<vmem>>) target_semaphore(%arg6 : memref<!tpu.dma_semaphore, #tpu.memory_space<semaphore_mem>>)
    %add3A_391 = arith.constant 1200 : i32
    %add3A_392 = arith.addi %mul3A_2, %add3A_391 : i32
    %dma_wait3A_393 = arith.constant 0 : i32
    %dma_wait3A_394 = arith.constant 0 : i32
    %dma_wait3A_395 = arith.constant 0 : i32
    %dma_wait3A_396 = tpu.memref_slice %arg5[%dma_wait3A_393, %dma_wait3A_394, %dma_wait3A_395] : memref<2x300x64xi32, #tpu.memory_space<vmem>> -> memref<1x300x64xi32, #tpu.memory_space<vmem>>
    %dma_wait3A_397 = tpu.memref_squeeze %dma_wait3A_396 : memref<1x300x64xi32, #tpu.memory_space<vmem>> -> memref<300x64xi32, #tpu.memory_space<vmem>>
    %dma_wait3A_398 = arith.constant 0 : i32
    %dma_wait3A_399 = tpu.memref_slice %arg3[%add3A_392, %dma_wait3A_398] : memref<100000x64xi32, #tpu.memory_space<hbm>> -> memref<300x64xi32, #tpu.memory_space<hbm>>
    %dma_wait3A_400 = arith.constant 0 : i32
    %dma_wait3A_401 = tpu.memref_slice %arg3[%add3A_392, %dma_wait3A_400] : memref<100000x64xi32, #tpu.memory_space<hbm>> -> memref<300x64xi32, #tpu.memory_space<hbm>>
    %dma_wait3A_402 = arith.constant 0 : i32
    %dma_wait3A_403 = arith.constant 0 : i32
    %dma_wait3A_404 = tpu.memref_slice %arg5[%dma_wait3A_393, %dma_wait3A_402, %dma_wait3A_403] : memref<2x300x64xi32, #tpu.memory_space<vmem>> -> memref<1x300x64xi32, #tpu.memory_space<vmem>>
    %dma_wait3A_405 = tpu.memref_squeeze %dma_wait3A_404 : memref<1x300x64xi32, #tpu.memory_space<vmem>> -> memref<300x64xi32, #tpu.memory_space<vmem>>
    tpu.wait_dma2 semaphore(%arg7 : memref<!tpu.dma_semaphore, #tpu.memory_space<semaphore_mem>>) src(%dma_wait3A_405 : memref<300x64xi32, #tpu.memory_space<vmem>>) dst(%dma_wait3A_401 : memref<300x64xi32, #tpu.memory_space<hbm>>)
    %parallel_loop3A_406 = arith.constant 0 : i32
    %parallel_loop3A_407 = arith.constant 300 : i32
    %parallel_loop3A_408 = arith.constant 1 : i32
    scf.for %parallel_loop3A_691 = %parallel_loop3A_406 to %parallel_loop3A_407 step %parallel_loop3A_408  : i32 {
      %parallel_loop3A_692 = arith.constant 0 : i32
      %parallel_loop3A_693 = arith.index_cast %parallel_loop3A_692 : i32 to index
      %parallel_loop3A_694 = arith.index_cast %parallel_loop3A_691 : i32 to index
      %parallel_loop3A_695 = arith.constant 0 : index
      %parallel_loop3A_696 = tpu.vector_load %arg4[%parallel_loop3A_693, %parallel_loop3A_694, %parallel_loop3A_695] {strides = array<i32>} : memref<2x300x128xf32, #tpu.memory_space<vmem>>, vector<16xf32>,
      %parallel_loop3A_697 = arith.constant 0 : i32
      %parallel_loop3A_698 = arith.index_cast %parallel_loop3A_697 : i32 to index
      %parallel_loop3A_699 = arith.index_cast %parallel_loop3A_691 : i32 to index
      %parallel_loop3A_700 = arith.constant 64 : index
      %parallel_loop3A_701 = tpu.vector_load %arg4[%parallel_loop3A_698, %parallel_loop3A_699, %parallel_loop3A_700] {strides = array<i32>} : memref<2x300x128xf32, #tpu.memory_space<vmem>>, vector<16xf32>,
      %parallel_loop3A_702 = tpu.pack_subelements %parallel_loop3A_696, %parallel_loop3A_701 {pack_format = #tpu.pack_format<interleaved>, positions = array<i32: 0, 1>} : vector<16xf32>, vector<16xf32> -> vector<32xbf16>
      %parallel_loop3A_703 = vector.bitcast %parallel_loop3A_702 : vector<32xbf16> to vector<16xi32>
      %parallel_loop3A_704 = arith.constant 0 : i32
      %parallel_loop3A_705 = arith.index_cast %parallel_loop3A_704 : i32 to index
      %parallel_loop3A_706 = arith.index_cast %parallel_loop3A_691 : i32 to index
      %parallel_loop3A_707 = arith.constant 0 : index
      %parallel_loop3A_708 = tpu.vector_load %arg5[%parallel_loop3A_705, %parallel_loop3A_706, %parallel_loop3A_707] {strides = array<i32>} : memref<2x300x64xi32, #tpu.memory_space<vmem>>, vector<16xi32>,
      tpu.vector_store %arg5[%parallel_loop3A_705, %parallel_loop3A_706, %parallel_loop3A_707], %parallel_loop3A_703 {strides = array<i32>} : memref<2x300x64xi32, #tpu.memory_space<vmem>>, vector<16xi32>,
      %parallel_loop3A_709 = arith.constant 0 : i32
      %parallel_loop3A_710 = arith.index_cast %parallel_loop3A_709 : i32 to index
      %parallel_loop3A_711 = arith.index_cast %parallel_loop3A_691 : i32 to index
      %parallel_loop3A_712 = arith.constant 16 : index
      %parallel_loop3A_713 = tpu.vector_load %arg4[%parallel_loop3A_710, %parallel_loop3A_711, %parallel_loop3A_712] {strides = array<i32>} : memref<2x300x128xf32, #tpu.memory_space<vmem>>, vector<16xf32>,
      %parallel_loop3A_714 = arith.constant 0 : i32
      %parallel_loop3A_715 = arith.index_cast %parallel_loop3A_714 : i32 to index
      %parallel_loop3A_716 = arith.index_cast %parallel_loop3A_691 : i32 to index
      %parallel_loop3A_717 = arith.constant 80 : index
      %parallel_loop3A_718 = tpu.vector_load %arg4[%parallel_loop3A_715, %parallel_loop3A_716, %parallel_loop3A_717] {strides = array<i32>} : memref<2x300x128xf32, #tpu.memory_space<vmem>>, vector<16xf32>,
      %parallel_loop3A_719 = tpu.pack_subelements %parallel_loop3A_713, %parallel_loop3A_718 {pack_format = #tpu.pack_format<interleaved>, positions = array<i32: 0, 1>} : vector<16xf32>, vector<16xf32> -> vector<32xbf16>
      %parallel_loop3A_720 = vector.bitcast %parallel_loop3A_719 : vector<32xbf16> to vector<16xi32>
      %parallel_loop3A_721 = arith.constant 0 : i32
      %parallel_loop3A_722 = arith.index_cast %parallel_loop3A_721 : i32 to index
      %parallel_loop3A_723 = arith.index_cast %parallel_loop3A_691 : i32 to index
      %parallel_loop3A_724 = arith.constant 16 : index
      %parallel_loop3A_725 = tpu.vector_load %arg5[%parallel_loop3A_722, %parallel_loop3A_723, %parallel_loop3A_724] {strides = array<i32>} : memref<2x300x64xi32, #tpu.memory_space<vmem>>, vector<16xi32>,
      tpu.vector_store %arg5[%parallel_loop3A_722, %parallel_loop3A_723, %parallel_loop3A_724], %parallel_loop3A_720 {strides = array<i32>} : memref<2x300x64xi32, #tpu.memory_space<vmem>>, vector<16xi32>,
      %parallel_loop3A_726 = arith.constant 0 : i32
      %parallel_loop3A_727 = arith.index_cast %parallel_loop3A_726 : i32 to index
      %parallel_loop3A_728 = arith.index_cast %parallel_loop3A_691 : i32 to index
      %parallel_loop3A_729 = arith.constant 32 : index
      %parallel_loop3A_730 = tpu.vector_load %arg4[%parallel_loop3A_727, %parallel_loop3A_728, %parallel_loop3A_729] {strides = array<i32>} : memref<2x300x128xf32, #tpu.memory_space<vmem>>, vector<16xf32>,
      %parallel_loop3A_731 = arith.constant 0 : i32
      %parallel_loop3A_732 = arith.index_cast %parallel_loop3A_731 : i32 to index
      %parallel_loop3A_733 = arith.index_cast %parallel_loop3A_691 : i32 to index
      %parallel_loop3A_734 = arith.constant 96 : index
      %parallel_loop3A_735 = tpu.vector_load %arg4[%parallel_loop3A_732, %parallel_loop3A_733, %parallel_loop3A_734] {strides = array<i32>} : memref<2x300x128xf32, #tpu.memory_space<vmem>>, vector<16xf32>,
      %parallel_loop3A_736 = tpu.pack_subelements %parallel_loop3A_730, %parallel_loop3A_735 {pack_format = #tpu.pack_format<interleaved>, positions = array<i32: 0, 1>} : vector<16xf32>, vector<16xf32> -> vector<32xbf16>
      %parallel_loop3A_737 = vector.bitcast %parallel_loop3A_736 : vector<32xbf16> to vector<16xi32>
      %parallel_loop3A_738 = arith.constant 0 : i32
      %parallel_loop3A_739 = arith.index_cast %parallel_loop3A_738 : i32 to index
      %parallel_loop3A_740 = arith.index_cast %parallel_loop3A_691 : i32 to index
      %parallel_loop3A_741 = arith.constant 32 : index
      %parallel_loop3A_742 = tpu.vector_load %arg5[%parallel_loop3A_739, %parallel_loop3A_740, %parallel_loop3A_741] {strides = array<i32>} : memref<2x300x64xi32, #tpu.memory_space<vmem>>, vector<16xi32>,
      tpu.vector_store %arg5[%parallel_loop3A_739, %parallel_loop3A_740, %parallel_loop3A_741], %parallel_loop3A_737 {strides = array<i32>} : memref<2x300x64xi32, #tpu.memory_space<vmem>>, vector<16xi32>,
      %parallel_loop3A_743 = arith.constant 0 : i32
      %parallel_loop3A_744 = arith.index_cast %parallel_loop3A_743 : i32 to index
      %parallel_loop3A_745 = arith.index_cast %parallel_loop3A_691 : i32 to index
      %parallel_loop3A_746 = arith.constant 48 : index
      %parallel_loop3A_747 = tpu.vector_load %arg4[%parallel_loop3A_744, %parallel_loop3A_745, %parallel_loop3A_746] {strides = array<i32>} : memref<2x300x128xf32, #tpu.memory_space<vmem>>, vector<16xf32>,
      %parallel_loop3A_748 = arith.constant 0 : i32
      %parallel_loop3A_749 = arith.index_cast %parallel_loop3A_748 : i32 to index
      %parallel_loop3A_750 = arith.index_cast %parallel_loop3A_691 : i32 to index
      %parallel_loop3A_751 = arith.constant 112 : index
      %parallel_loop3A_752 = tpu.vector_load %arg4[%parallel_loop3A_749, %parallel_loop3A_750, %parallel_loop3A_751] {strides = array<i32>} : memref<2x300x128xf32, #tpu.memory_space<vmem>>, vector<16xf32>,
      %parallel_loop3A_753 = tpu.pack_subelements %parallel_loop3A_747, %parallel_loop3A_752 {pack_format = #tpu.pack_format<interleaved>, positions = array<i32: 0, 1>} : vector<16xf32>, vector<16xf32> -> vector<32xbf16>
      %parallel_loop3A_754 = vector.bitcast %parallel_loop3A_753 : vector<32xbf16> to vector<16xi32>
      %parallel_loop3A_755 = arith.constant 0 : i32
      %parallel_loop3A_756 = arith.index_cast %parallel_loop3A_755 : i32 to index
      %parallel_loop3A_757 = arith.index_cast %parallel_loop3A_691 : i32 to index
      %parallel_loop3A_758 = arith.constant 48 : index
      %parallel_loop3A_759 = tpu.vector_load %arg5[%parallel_loop3A_756, %parallel_loop3A_757, %parallel_loop3A_758] {strides = array<i32>} : memref<2x300x64xi32, #tpu.memory_space<vmem>>, vector<16xi32>,
      tpu.vector_store %arg5[%parallel_loop3A_756, %parallel_loop3A_757, %parallel_loop3A_758], %parallel_loop3A_754 {strides = array<i32>} : memref<2x300x64xi32, #tpu.memory_space<vmem>>, vector<16xi32>,
    } {sc.loop_unroll_factor = 5 : i64, sc.parallel_access}
    %add3A_409 = arith.constant 1800 : i32
    %add3A_410 = arith.addi %mul3A_2, %add3A_409 : i32
    %dma_start3A_411 = arith.constant 0 : i32
    %dma_start3A_412 = arith.constant 0 : i32
    %dma_start3A_413 = arith.constant 0 : i32
    %dma_start3A_414 = tpu.memref_slice %arg5[%dma_start3A_411, %dma_start3A_412, %dma_start3A_413] : memref<2x300x64xi32, #tpu.memory_space<vmem>> -> memref<1x300x64xi32, #tpu.memory_space<vmem>>
    %dma_start3A_415 = tpu.memref_squeeze %dma_start3A_414 : memref<1x300x64xi32, #tpu.memory_space<vmem>> -> memref<300x64xi32, #tpu.memory_space<vmem>>
    %dma_start3A_416 = arith.constant 0 : i32
    %dma_start3A_417 = tpu.memref_slice %arg3[%add3A_410, %dma_start3A_416] : memref<100000x64xi32, #tpu.memory_space<hbm>> -> memref<300x64xi32, #tpu.memory_space<hbm>>
    %dma_start3A_418 = arith.constant 0 : i32
    %dma_start3A_419 = tpu.memref_slice %arg3[%add3A_410, %dma_start3A_418] : memref<100000x64xi32, #tpu.memory_space<hbm>> -> memref<300x64xi32, #tpu.memory_space<hbm>>
    %dma_start3A_420 = arith.constant 0 : i32
    %dma_start3A_421 = arith.constant 0 : i32
    %dma_start3A_422 = tpu.memref_slice %arg5[%dma_start3A_411, %dma_start3A_420, %dma_start3A_421] : memref<2x300x64xi32, #tpu.memory_space<vmem>> -> memref<1x300x64xi32, #tpu.memory_space<vmem>>
    %dma_start3A_423 = tpu.memref_squeeze %dma_start3A_422 : memref<1x300x64xi32, #tpu.memory_space<vmem>> -> memref<300x64xi32, #tpu.memory_space<vmem>>
    tpu.enqueue_dma source(%dma_start3A_423 : memref<300x64xi32, #tpu.memory_space<vmem>>) target(%dma_start3A_419 : memref<300x64xi32, #tpu.memory_space<hbm>>) target_semaphore(%arg7 : memref<!tpu.dma_semaphore, #tpu.memory_space<semaphore_mem>>)
    %add3A_424 = arith.constant 2100 : i32
    %add3A_425 = arith.addi %mul3A_2, %add3A_424 : i32
    %dma_wait3A_426 = arith.constant 1 : i32
    %dma_wait3A_427 = arith.constant 0 : i32
    %dma_wait3A_428 = arith.constant 0 : i32
    %dma_wait3A_429 = tpu.memref_slice %arg4[%dma_wait3A_426, %dma_wait3A_427, %dma_wait3A_428] : memref<2x300x128xf32, #tpu.memory_space<vmem>> -> memref<1x300x128xf32, #tpu.memory_space<vmem>>
    %dma_wait3A_430 = tpu.memref_squeeze %dma_wait3A_429 : memref<1x300x128xf32, #tpu.memory_space<vmem>> -> memref<300x128xf32, #tpu.memory_space<vmem>>
    %dma_wait3A_431 = arith.constant 0 : i32
    %dma_wait3A_432 = tpu.memref_slice %arg2[%add3A_425, %dma_wait3A_431] : memref<100000x128xf32, #tpu.memory_space<hbm>> -> memref<300x128xf32, #tpu.memory_space<hbm>>
    %dma_wait3A_433 = arith.constant 0 : i32
    %dma_wait3A_434 = arith.constant 0 : i32
    %dma_wait3A_435 = tpu.memref_slice %arg4[%dma_wait3A_426, %dma_wait3A_433, %dma_wait3A_434] : memref<2x300x128xf32, #tpu.memory_space<vmem>> -> memref<1x300x128xf32, #tpu.memory_space<vmem>>
    %dma_wait3A_436 = tpu.memref_squeeze %dma_wait3A_435 : memref<1x300x128xf32, #tpu.memory_space<vmem>> -> memref<300x128xf32, #tpu.memory_space<vmem>>
    %dma_wait3A_437 = arith.constant 0 : i32
    %dma_wait3A_438 = tpu.memref_slice %arg2[%add3A_425, %dma_wait3A_437] : memref<100000x128xf32, #tpu.memory_space<hbm>> -> memref<300x128xf32, #tpu.memory_space<hbm>>
    tpu.wait_dma2 semaphore(%arg6 : memref<!tpu.dma_semaphore, #tpu.memory_space<semaphore_mem>>) src(%dma_wait3A_438 : memref<300x128xf32, #tpu.memory_space<hbm>>) dst(%dma_wait3A_436 : memref<300x128xf32, #tpu.memory_space<vmem>>)
    %add3A_439 = arith.constant 2400 : i32
    %add3A_440 = arith.addi %mul3A_2, %add3A_439 : i32
    %dma_start3A_441 = arith.constant 0 : i32
    %dma_start3A_442 = arith.constant 0 : i32
    %dma_start3A_443 = arith.constant 0 : i32
    %dma_start3A_444 = tpu.memref_slice %arg4[%dma_start3A_441, %dma_start3A_442, %dma_start3A_443] : memref<2x300x128xf32, #tpu.memory_space<vmem>> -> memref<1x300x128xf32, #tpu.memory_space<vmem>>
    %dma_start3A_445 = tpu.memref_squeeze %dma_start3A_444 : memref<1x300x128xf32, #tpu.memory_space<vmem>> -> memref<300x128xf32, #tpu.memory_space<vmem>>
    %dma_start3A_446 = arith.constant 0 : i32
    %dma_start3A_447 = tpu.memref_slice %arg2[%add3A_440, %dma_start3A_446] : memref<100000x128xf32, #tpu.memory_space<hbm>> -> memref<300x128xf32, #tpu.memory_space<hbm>>
    %dma_start3A_448 = arith.constant 0 : i32
    %dma_start3A_449 = arith.constant 0 : i32
    %dma_start3A_450 = tpu.memref_slice %arg4[%dma_start3A_441, %dma_start3A_448, %dma_start3A_449] : memref<2x300x128xf32, #tpu.memory_space<vmem>> -> memref<1x300x128xf32, #tpu.memory_space<vmem>>
    %dma_start3A_451 = tpu.memref_squeeze %dma_start3A_450 : memref<1x300x128xf32, #tpu.memory_space<vmem>> -> memref<300x128xf32, #tpu.memory_space<vmem>>
    %dma_start3A_452 = arith.constant 0 : i32
    %dma_start3A_453 = tpu.memref_slice %arg2[%add3A_440, %dma_start3A_452] : memref<100000x128xf32, #tpu.memory_space<hbm>> -> memref<300x128xf32, #tpu.memory_space<hbm>>
    tpu.enqueue_dma source(%dma_start3A_453 : memref<300x128xf32, #tpu.memory_space<hbm>>) target(%dma_start3A_451 : memref<300x128xf32, #tpu.memory_space<vmem>>) target_semaphore(%arg6 : memref<!tpu.dma_semaphore, #tpu.memory_space<semaphore_mem>>)
    %add3A_454 = arith.constant 1500 : i32
    %add3A_455 = arith.addi %mul3A_2, %add3A_454 : i32
    %dma_wait3A_456 = arith.constant 1 : i32
    %dma_wait3A_457 = arith.constant 0 : i32
    %dma_wait3A_458 = arith.constant 0 : i32
    %dma_wait3A_459 = tpu.memref_slice %arg5[%dma_wait3A_456, %dma_wait3A_457, %dma_wait3A_458] : memref<2x300x64xi32, #tpu.memory_space<vmem>> -> memref<1x300x64xi32, #tpu.memory_space<vmem>>
    %dma_wait3A_460 = tpu.memref_squeeze %dma_wait3A_459 : memref<1x300x64xi32, #tpu.memory_space<vmem>> -> memref<300x64xi32, #tpu.memory_space<vmem>>
    %dma_wait3A_461 = arith.constant 0 : i32
    %dma_wait3A_462 = tpu.memref_slice %arg3[%add3A_455, %dma_wait3A_461] : memref<100000x64xi32, #tpu.memory_space<hbm>> -> memref<300x64xi32, #tpu.memory_space<hbm>>
    %dma_wait3A_463 = arith.constant 0 : i32
    %dma_wait3A_464 = tpu.memref_slice %arg3[%add3A_455, %dma_wait3A_463] : memref<100000x64xi32, #tpu.memory_space<hbm>> -> memref<300x64xi32, #tpu.memory_space<hbm>>
    %dma_wait3A_465 = arith.constant 0 : i32
    %dma_wait3A_466 = arith.constant 0 : i32
    %dma_wait3A_467 = tpu.memref_slice %arg5[%dma_wait3A_456, %dma_wait3A_465, %dma_wait3A_466] : memref<2x300x64xi32, #tpu.memory_space<vmem>> -> memref<1x300x64xi32, #tpu.memory_space<vmem>>
    %dma_wait3A_468 = tpu.memref_squeeze %dma_wait3A_467 : memref<1x300x64xi32, #tpu.memory_space<vmem>> -> memref<300x64xi32, #tpu.memory_space<vmem>>
    tpu.wait_dma2 semaphore(%arg7 : memref<!tpu.dma_semaphore, #tpu.memory_space<semaphore_mem>>) src(%dma_wait3A_468 : memref<300x64xi32, #tpu.memory_space<vmem>>) dst(%dma_wait3A_464 : memref<300x64xi32, #tpu.memory_space<hbm>>)
    %parallel_loop3A_469 = arith.constant 0 : i32
    %parallel_loop3A_470 = arith.constant 300 : i32
    %parallel_loop3A_471 = arith.constant 1 : i32
    scf.for %parallel_loop3A_691 = %parallel_loop3A_469 to %parallel_loop3A_470 step %parallel_loop3A_471  : i32 {
      %parallel_loop3A_692 = arith.constant 1 : i32
      %parallel_loop3A_693 = arith.index_cast %parallel_loop3A_692 : i32 to index
      %parallel_loop3A_694 = arith.index_cast %parallel_loop3A_691 : i32 to index
      %parallel_loop3A_695 = arith.constant 0 : index
      %parallel_loop3A_696 = tpu.vector_load %arg4[%parallel_loop3A_693, %parallel_loop3A_694, %parallel_loop3A_695] {strides = array<i32>} : memref<2x300x128xf32, #tpu.memory_space<vmem>>, vector<16xf32>,
      %parallel_loop3A_697 = arith.constant 1 : i32
      %parallel_loop3A_698 = arith.index_cast %parallel_loop3A_697 : i32 to index
      %parallel_loop3A_699 = arith.index_cast %parallel_loop3A_691 : i32 to index
      %parallel_loop3A_700 = arith.constant 64 : index
      %parallel_loop3A_701 = tpu.vector_load %arg4[%parallel_loop3A_698, %parallel_loop3A_699, %parallel_loop3A_700] {strides = array<i32>} : memref<2x300x128xf32, #tpu.memory_space<vmem>>, vector<16xf32>,
      %parallel_loop3A_702 = tpu.pack_subelements %parallel_loop3A_696, %parallel_loop3A_701 {pack_format = #tpu.pack_format<interleaved>, positions = array<i32: 0, 1>} : vector<16xf32>, vector<16xf32> -> vector<32xbf16>
      %parallel_loop3A_703 = vector.bitcast %parallel_loop3A_702 : vector<32xbf16> to vector<16xi32>
      %parallel_loop3A_704 = arith.constant 1 : i32
      %parallel_loop3A_705 = arith.index_cast %parallel_loop3A_704 : i32 to index
      %parallel_loop3A_706 = arith.index_cast %parallel_loop3A_691 : i32 to index
      %parallel_loop3A_707 = arith.constant 0 : index
      %parallel_loop3A_708 = tpu.vector_load %arg5[%parallel_loop3A_705, %parallel_loop3A_706, %parallel_loop3A_707] {strides = array<i32>} : memref<2x300x64xi32, #tpu.memory_space<vmem>>, vector<16xi32>,
      tpu.vector_store %arg5[%parallel_loop3A_705, %parallel_loop3A_706, %parallel_loop3A_707], %parallel_loop3A_703 {strides = array<i32>} : memref<2x300x64xi32, #tpu.memory_space<vmem>>, vector<16xi32>,
      %parallel_loop3A_709 = arith.constant 1 : i32
      %parallel_loop3A_710 = arith.index_cast %parallel_loop3A_709 : i32 to index
      %parallel_loop3A_711 = arith.index_cast %parallel_loop3A_691 : i32 to index
      %parallel_loop3A_712 = arith.constant 16 : index
      %parallel_loop3A_713 = tpu.vector_load %arg4[%parallel_loop3A_710, %parallel_loop3A_711, %parallel_loop3A_712] {strides = array<i32>} : memref<2x300x128xf32, #tpu.memory_space<vmem>>, vector<16xf32>,
      %parallel_loop3A_714 = arith.constant 1 : i32
      %parallel_loop3A_715 = arith.index_cast %parallel_loop3A_714 : i32 to index
      %parallel_loop3A_716 = arith.index_cast %parallel_loop3A_691 : i32 to index
      %parallel_loop3A_717 = arith.constant 80 : index
      %parallel_loop3A_718 = tpu.vector_load %arg4[%parallel_loop3A_715, %parallel_loop3A_716, %parallel_loop3A_717] {strides = array<i32>} : memref<2x300x128xf32, #tpu.memory_space<vmem>>, vector<16xf32>,
      %parallel_loop3A_719 = tpu.pack_subelements %parallel_loop3A_713, %parallel_loop3A_718 {pack_format = #tpu.pack_format<interleaved>, positions = array<i32: 0, 1>} : vector<16xf32>, vector<16xf32> -> vector<32xbf16>
      %parallel_loop3A_720 = vector.bitcast %parallel_loop3A_719 : vector<32xbf16> to vector<16xi32>
      %parallel_loop3A_721 = arith.constant 1 : i32
      %parallel_loop3A_722 = arith.index_cast %parallel_loop3A_721 : i32 to index
      %parallel_loop3A_723 = arith.index_cast %parallel_loop3A_691 : i32 to index
      %parallel_loop3A_724 = arith.constant 16 : index
      %parallel_loop3A_725 = tpu.vector_load %arg5[%parallel_loop3A_722, %parallel_loop3A_723, %parallel_loop3A_724] {strides = array<i32>} : memref<2x300x64xi32, #tpu.memory_space<vmem>>, vector<16xi32>,
      tpu.vector_store %arg5[%parallel_loop3A_722, %parallel_loop3A_723, %parallel_loop3A_724], %parallel_loop3A_720 {strides = array<i32>} : memref<2x300x64xi32, #tpu.memory_space<vmem>>, vector<16xi32>,
      %parallel_loop3A_726 = arith.constant 1 : i32
      %parallel_loop3A_727 = arith.index_cast %parallel_loop3A_726 : i32 to index
      %parallel_loop3A_728 = arith.index_cast %parallel_loop3A_691 : i32 to index
      %parallel_loop3A_729 = arith.constant 32 : index
      %parallel_loop3A_730 = tpu.vector_load %arg4[%parallel_loop3A_727, %parallel_loop3A_728, %parallel_loop3A_729] {strides = array<i32>} : memref<2x300x128xf32, #tpu.memory_space<vmem>>, vector<16xf32>,
      %parallel_loop3A_731 = arith.constant 1 : i32
      %parallel_loop3A_732 = arith.index_cast %parallel_loop3A_731 : i32 to index
      %parallel_loop3A_733 = arith.index_cast %parallel_loop3A_691 : i32 to index
      %parallel_loop3A_734 = arith.constant 96 : index
      %parallel_loop3A_735 = tpu.vector_load %arg4[%parallel_loop3A_732, %parallel_loop3A_733, %parallel_loop3A_734] {strides = array<i32>} : memref<2x300x128xf32, #tpu.memory_space<vmem>>, vector<16xf32>,
      %parallel_loop3A_736 = tpu.pack_subelements %parallel_loop3A_730, %parallel_loop3A_735 {pack_format = #tpu.pack_format<interleaved>, positions = array<i32: 0, 1>} : vector<16xf32>, vector<16xf32> -> vector<32xbf16>
      %parallel_loop3A_737 = vector.bitcast %parallel_loop3A_736 : vector<32xbf16> to vector<16xi32>
      %parallel_loop3A_738 = arith.constant 1 : i32
      %parallel_loop3A_739 = arith.index_cast %parallel_loop3A_738 : i32 to index
      %parallel_loop3A_740 = arith.index_cast %parallel_loop3A_691 : i32 to index
      %parallel_loop3A_741 = arith.constant 32 : index
      %parallel_loop3A_742 = tpu.vector_load %arg5[%parallel_loop3A_739, %parallel_loop3A_740, %parallel_loop3A_741] {strides = array<i32>} : memref<2x300x64xi32, #tpu.memory_space<vmem>>, vector<16xi32>,
      tpu.vector_store %arg5[%parallel_loop3A_739, %parallel_loop3A_740, %parallel_loop3A_741], %parallel_loop3A_737 {strides = array<i32>} : memref<2x300x64xi32, #tpu.memory_space<vmem>>, vector<16xi32>,
      %parallel_loop3A_743 = arith.constant 1 : i32
      %parallel_loop3A_744 = arith.index_cast %parallel_loop3A_743 : i32 to index
      %parallel_loop3A_745 = arith.index_cast %parallel_loop3A_691 : i32 to index
      %parallel_loop3A_746 = arith.constant 48 : index
      %parallel_loop3A_747 = tpu.vector_load %arg4[%parallel_loop3A_744, %parallel_loop3A_745, %parallel_loop3A_746] {strides = array<i32>} : memref<2x300x128xf32, #tpu.memory_space<vmem>>, vector<16xf32>,
      %parallel_loop3A_748 = arith.constant 1 : i32
      %parallel_loop3A_749 = arith.index_cast %parallel_loop3A_748 : i32 to index
      %parallel_loop3A_750 = arith.index_cast %parallel_loop3A_691 : i32 to index
      %parallel_loop3A_751 = arith.constant 112 : index
      %parallel_loop3A_752 = tpu.vector_load %arg4[%parallel_loop3A_749, %parallel_loop3A_750, %parallel_loop3A_751] {strides = array<i32>} : memref<2x300x128xf32, #tpu.memory_space<vmem>>, vector<16xf32>,
      %parallel_loop3A_753 = tpu.pack_subelements %parallel_loop3A_747, %parallel_loop3A_752 {pack_format = #tpu.pack_format<interleaved>, positions = array<i32: 0, 1>} : vector<16xf32>, vector<16xf32> -> vector<32xbf16>
      %parallel_loop3A_754 = vector.bitcast %parallel_loop3A_753 : vector<32xbf16> to vector<16xi32>
      %parallel_loop3A_755 = arith.constant 1 : i32
      %parallel_loop3A_756 = arith.index_cast %parallel_loop3A_755 : i32 to index
      %parallel_loop3A_757 = arith.index_cast %parallel_loop3A_691 : i32 to index
      %parallel_loop3A_758 = arith.constant 48 : index
      %parallel_loop3A_759 = tpu.vector_load %arg5[%parallel_loop3A_756, %parallel_loop3A_757, %parallel_loop3A_758] {strides = array<i32>} : memref<2x300x64xi32, #tpu.memory_space<vmem>>, vector<16xi32>,
      tpu.vector_store %arg5[%parallel_loop3A_756, %parallel_loop3A_757, %parallel_loop3A_758], %parallel_loop3A_754 {strides = array<i32>} : memref<2x300x64xi32, #tpu.memory_space<vmem>>, vector<16xi32>,
    } {sc.loop_unroll_factor = 5 : i64, sc.parallel_access}
    %add3A_472 = arith.constant 2100 : i32
    %add3A_473 = arith.addi %mul3A_2, %add3A_472 : i32
    %dma_start3A_474 = arith.constant 1 : i32
    %dma_start3A_475 = arith.constant 0 : i32
    %dma_start3A_476 = arith.constant 0 : i32
    %dma_start3A_477 = tpu.memref_slice %arg5[%dma_start3A_474, %dma_start3A_475, %dma_start3A_476] : memref<2x300x64xi32, #tpu.memory_space<vmem>> -> memref<1x300x64xi32, #tpu.memory_space<vmem>>
    %dma_start3A_478 = tpu.memref_squeeze %dma_start3A_477 : memref<1x300x64xi32, #tpu.memory_space<vmem>> -> memref<300x64xi32, #tpu.memory_space<vmem>>
    %dma_start3A_479 = arith.constant 0 : i32
    %dma_start3A_480 = tpu.memref_slice %arg3[%add3A_473, %dma_start3A_479] : memref<100000x64xi32, #tpu.memory_space<hbm>> -> memref<300x64xi32, #tpu.memory_space<hbm>>
    %dma_start3A_481 = arith.constant 0 : i32
    %dma_start3A_482 = tpu.memref_slice %arg3[%add3A_473, %dma_start3A_481] : memref<100000x64xi32, #tpu.memory_space<hbm>> -> memref<300x64xi32, #tpu.memory_space<hbm>>
    %dma_start3A_483 = arith.constant 0 : i32
    %dma_start3A_484 = arith.constant 0 : i32
    %dma_start3A_485 = tpu.memref_slice %arg5[%dma_start3A_474, %dma_start3A_483, %dma_start3A_484] : memref<2x300x64xi32, #tpu.memory_space<vmem>> -> memref<1x300x64xi32, #tpu.memory_space<vmem>>
    %dma_start3A_486 = tpu.memref_squeeze %dma_start3A_485 : memref<1x300x64xi32, #tpu.memory_space<vmem>> -> memref<300x64xi32, #tpu.memory_space<vmem>>
    tpu.enqueue_dma source(%dma_start3A_486 : memref<300x64xi32, #tpu.memory_space<vmem>>) target(%dma_start3A_482 : memref<300x64xi32, #tpu.memory_space<hbm>>) target_semaphore(%arg7 : memref<!tpu.dma_semaphore, #tpu.memory_space<semaphore_mem>>)
    %add3A_487 = arith.constant 2400 : i32
    %add3A_488 = arith.addi %mul3A_2, %add3A_487 : i32
    %dma_wait3A_489 = arith.constant 0 : i32
    %dma_wait3A_490 = arith.constant 0 : i32
    %dma_wait3A_491 = arith.constant 0 : i32
    %dma_wait3A_492 = tpu.memref_slice %arg4[%dma_wait3A_489, %dma_wait3A_490, %dma_wait3A_491] : memref<2x300x128xf32, #tpu.memory_space<vmem>> -> memref<1x300x128xf32, #tpu.memory_space<vmem>>
    %dma_wait3A_493 = tpu.memref_squeeze %dma_wait3A_492 : memref<1x300x128xf32, #tpu.memory_space<vmem>> -> memref<300x128xf32, #tpu.memory_space<vmem>>
    %dma_wait3A_494 = arith.constant 0 : i32
    %dma_wait3A_495 = tpu.memref_slice %arg2[%add3A_488, %dma_wait3A_494] : memref<100000x128xf32, #tpu.memory_space<hbm>> -> memref<300x128xf32, #tpu.memory_space<hbm>>
    %dma_wait3A_496 = arith.constant 0 : i32
    %dma_wait3A_497 = arith.constant 0 : i32
    %dma_wait3A_498 = tpu.memref_slice %arg4[%dma_wait3A_489, %dma_wait3A_496, %dma_wait3A_497] : memref<2x300x128xf32, #tpu.memory_space<vmem>> -> memref<1x300x128xf32, #tpu.memory_space<vmem>>
    %dma_wait3A_499 = tpu.memref_squeeze %dma_wait3A_498 : memref<1x300x128xf32, #tpu.memory_space<vmem>> -> memref<300x128xf32, #tpu.memory_space<vmem>>
    %dma_wait3A_500 = arith.constant 0 : i32
    %dma_wait3A_501 = tpu.memref_slice %arg2[%add3A_488, %dma_wait3A_500] : memref<100000x128xf32, #tpu.memory_space<hbm>> -> memref<300x128xf32, #tpu.memory_space<hbm>>
    tpu.wait_dma2 semaphore(%arg6 : memref<!tpu.dma_semaphore, #tpu.memory_space<semaphore_mem>>) src(%dma_wait3A_501 : memref<300x128xf32, #tpu.memory_space<hbm>>) dst(%dma_wait3A_499 : memref<300x128xf32, #tpu.memory_space<vmem>>)
    %add3A_502 = arith.constant 2700 : i32
    %add3A_503 = arith.addi %mul3A_2, %add3A_502 : i32
    %dma_start3A_504 = arith.constant 1 : i32
    %dma_start3A_505 = arith.constant 0 : i32
    %dma_start3A_506 = arith.constant 0 : i32
    %dma_start3A_507 = tpu.memref_slice %arg4[%dma_start3A_504, %dma_start3A_505, %dma_start3A_506] : memref<2x300x128xf32, #tpu.memory_space<vmem>> -> memref<1x300x128xf32, #tpu.memory_space<vmem>>
    %dma_start3A_508 = tpu.memref_squeeze %dma_start3A_507 : memref<1x300x128xf32, #tpu.memory_space<vmem>> -> memref<300x128xf32, #tpu.memory_space<vmem>>
    %dma_start3A_509 = arith.constant 0 : i32
    %dma_start3A_510 = tpu.memref_slice %arg2[%add3A_503, %dma_start3A_509] : memref<100000x128xf32, #tpu.memory_space<hbm>> -> memref<300x128xf32, #tpu.memory_space<hbm>>
    %dma_start3A_511 = arith.constant 0 : i32
    %dma_start3A_512 = arith.constant 0 : i32
    %dma_start3A_513 = tpu.memref_slice %arg4[%dma_start3A_504, %dma_start3A_511, %dma_start3A_512] : memref<2x300x128xf32, #tpu.memory_space<vmem>> -> memref<1x300x128xf32, #tpu.memory_space<vmem>>
    %dma_start3A_514 = tpu.memref_squeeze %dma_start3A_513 : memref<1x300x128xf32, #tpu.memory_space<vmem>> -> memref<300x128xf32, #tpu.memory_space<vmem>>
    %dma_start3A_515 = arith.constant 0 : i32
    %dma_start3A_516 = tpu.memref_slice %arg2[%add3A_503, %dma_start3A_515] : memref<100000x128xf32, #tpu.memory_space<hbm>> -> memref<300x128xf32, #tpu.memory_space<hbm>>
    tpu.enqueue_dma source(%dma_start3A_516 : memref<300x128xf32, #tpu.memory_space<hbm>>) target(%dma_start3A_514 : memref<300x128xf32, #tpu.memory_space<vmem>>) target_semaphore(%arg6 : memref<!tpu.dma_semaphore, #tpu.memory_space<semaphore_mem>>)
    %add3A_517 = arith.constant 1800 : i32
    %add3A_518 = arith.addi %mul3A_2, %add3A_517 : i32
    %dma_wait3A_519 = arith.constant 0 : i32
    %dma_wait3A_520 = arith.constant 0 : i32
    %dma_wait3A_521 = arith.constant 0 : i32
    %dma_wait3A_522 = tpu.memref_slice %arg5[%dma_wait3A_519, %dma_wait3A_520, %dma_wait3A_521] : memref<2x300x64xi32, #tpu.memory_space<vmem>> -> memref<1x300x64xi32, #tpu.memory_space<vmem>>
    %dma_wait3A_523 = tpu.memref_squeeze %dma_wait3A_522 : memref<1x300x64xi32, #tpu.memory_space<vmem>> -> memref<300x64xi32, #tpu.memory_space<vmem>>
    %dma_wait3A_524 = arith.constant 0 : i32
    %dma_wait3A_525 = tpu.memref_slice %arg3[%add3A_518, %dma_wait3A_524] : memref<100000x64xi32, #tpu.memory_space<hbm>> -> memref<300x64xi32, #tpu.memory_space<hbm>>
    %dma_wait3A_526 = arith.constant 0 : i32
    %dma_wait3A_527 = tpu.memref_slice %arg3[%add3A_518, %dma_wait3A_526] : memref<100000x64xi32, #tpu.memory_space<hbm>> -> memref<300x64xi32, #tpu.memory_space<hbm>>
    %dma_wait3A_528 = arith.constant 0 : i32
    %dma_wait3A_529 = arith.constant 0 : i32
    %dma_wait3A_530 = tpu.memref_slice %arg5[%dma_wait3A_519, %dma_wait3A_528, %dma_wait3A_529] : memref<2x300x64xi32, #tpu.memory_space<vmem>> -> memref<1x300x64xi32, #tpu.memory_space<vmem>>
    %dma_wait3A_531 = tpu.memref_squeeze %dma_wait3A_530 : memref<1x300x64xi32, #tpu.memory_space<vmem>> -> memref<300x64xi32, #tpu.memory_space<vmem>>
    tpu.wait_dma2 semaphore(%arg7 : memref<!tpu.dma_semaphore, #tpu.memory_space<semaphore_mem>>) src(%dma_wait3A_531 : memref<300x64xi32, #tpu.memory_space<vmem>>) dst(%dma_wait3A_527 : memref<300x64xi32, #tpu.memory_space<hbm>>)
    %parallel_loop3A_532 = arith.constant 0 : i32
    %parallel_loop3A_533 = arith.constant 300 : i32
    %parallel_loop3A_534 = arith.constant 1 : i32
    scf.for %parallel_loop3A_691 = %parallel_loop3A_532 to %parallel_loop3A_533 step %parallel_loop3A_534  : i32 {
      %parallel_loop3A_692 = arith.constant 0 : i32
      %parallel_loop3A_693 = arith.index_cast %parallel_loop3A_692 : i32 to index
      %parallel_loop3A_694 = arith.index_cast %parallel_loop3A_691 : i32 to index
      %parallel_loop3A_695 = arith.constant 0 : index
      %parallel_loop3A_696 = tpu.vector_load %arg4[%parallel_loop3A_693, %parallel_loop3A_694, %parallel_loop3A_695] {strides = array<i32>} : memref<2x300x128xf32, #tpu.memory_space<vmem>>, vector<16xf32>,
      %parallel_loop3A_697 = arith.constant 0 : i32
      %parallel_loop3A_698 = arith.index_cast %parallel_loop3A_697 : i32 to index
      %parallel_loop3A_699 = arith.index_cast %parallel_loop3A_691 : i32 to index
      %parallel_loop3A_700 = arith.constant 64 : index
      %parallel_loop3A_701 = tpu.vector_load %arg4[%parallel_loop3A_698, %parallel_loop3A_699, %parallel_loop3A_700] {strides = array<i32>} : memref<2x300x128xf32, #tpu.memory_space<vmem>>, vector<16xf32>,
      %parallel_loop3A_702 = tpu.pack_subelements %parallel_loop3A_696, %parallel_loop3A_701 {pack_format = #tpu.pack_format<interleaved>, positions = array<i32: 0, 1>} : vector<16xf32>, vector<16xf32> -> vector<32xbf16>
      %parallel_loop3A_703 = vector.bitcast %parallel_loop3A_702 : vector<32xbf16> to vector<16xi32>
      %parallel_loop3A_704 = arith.constant 0 : i32
      %parallel_loop3A_705 = arith.index_cast %parallel_loop3A_704 : i32 to index
      %parallel_loop3A_706 = arith.index_cast %parallel_loop3A_691 : i32 to index
      %parallel_loop3A_707 = arith.constant 0 : index
      %parallel_loop3A_708 = tpu.vector_load %arg5[%parallel_loop3A_705, %parallel_loop3A_706, %parallel_loop3A_707] {strides = array<i32>} : memref<2x300x64xi32, #tpu.memory_space<vmem>>, vector<16xi32>,
      tpu.vector_store %arg5[%parallel_loop3A_705, %parallel_loop3A_706, %parallel_loop3A_707], %parallel_loop3A_703 {strides = array<i32>} : memref<2x300x64xi32, #tpu.memory_space<vmem>>, vector<16xi32>,
      %parallel_loop3A_709 = arith.constant 0 : i32
      %parallel_loop3A_710 = arith.index_cast %parallel_loop3A_709 : i32 to index
      %parallel_loop3A_711 = arith.index_cast %parallel_loop3A_691 : i32 to index
      %parallel_loop3A_712 = arith.constant 16 : index
      %parallel_loop3A_713 = tpu.vector_load %arg4[%parallel_loop3A_710, %parallel_loop3A_711, %parallel_loop3A_712] {strides = array<i32>} : memref<2x300x128xf32, #tpu.memory_space<vmem>>, vector<16xf32>,
      %parallel_loop3A_714 = arith.constant 0 : i32
      %parallel_loop3A_715 = arith.index_cast %parallel_loop3A_714 : i32 to index
      %parallel_loop3A_716 = arith.index_cast %parallel_loop3A_691 : i32 to index
      %parallel_loop3A_717 = arith.constant 80 : index
      %parallel_loop3A_718 = tpu.vector_load %arg4[%parallel_loop3A_715, %parallel_loop3A_716, %parallel_loop3A_717] {strides = array<i32>} : memref<2x300x128xf32, #tpu.memory_space<vmem>>, vector<16xf32>,
      %parallel_loop3A_719 = tpu.pack_subelements %parallel_loop3A_713, %parallel_loop3A_718 {pack_format = #tpu.pack_format<interleaved>, positions = array<i32: 0, 1>} : vector<16xf32>, vector<16xf32> -> vector<32xbf16>
      %parallel_loop3A_720 = vector.bitcast %parallel_loop3A_719 : vector<32xbf16> to vector<16xi32>
      %parallel_loop3A_721 = arith.constant 0 : i32
      %parallel_loop3A_722 = arith.index_cast %parallel_loop3A_721 : i32 to index
      %parallel_loop3A_723 = arith.index_cast %parallel_loop3A_691 : i32 to index
      %parallel_loop3A_724 = arith.constant 16 : index
      %parallel_loop3A_725 = tpu.vector_load %arg5[%parallel_loop3A_722, %parallel_loop3A_723, %parallel_loop3A_724] {strides = array<i32>} : memref<2x300x64xi32, #tpu.memory_space<vmem>>, vector<16xi32>,
      tpu.vector_store %arg5[%parallel_loop3A_722, %parallel_loop3A_723, %parallel_loop3A_724], %parallel_loop3A_720 {strides = array<i32>} : memref<2x300x64xi32, #tpu.memory_space<vmem>>, vector<16xi32>,
      %parallel_loop3A_726 = arith.constant 0 : i32
      %parallel_loop3A_727 = arith.index_cast %parallel_loop3A_726 : i32 to index
      %parallel_loop3A_728 = arith.index_cast %parallel_loop3A_691 : i32 to index
      %parallel_loop3A_729 = arith.constant 32 : index
      %parallel_loop3A_730 = tpu.vector_load %arg4[%parallel_loop3A_727, %parallel_loop3A_728, %parallel_loop3A_729] {strides = array<i32>} : memref<2x300x128xf32, #tpu.memory_space<vmem>>, vector<16xf32>,
      %parallel_loop3A_731 = arith.constant 0 : i32
      %parallel_loop3A_732 = arith.index_cast %parallel_loop3A_731 : i32 to index
      %parallel_loop3A_733 = arith.index_cast %parallel_loop3A_691 : i32 to index
      %parallel_loop3A_734 = arith.constant 96 : index
      %parallel_loop3A_735 = tpu.vector_load %arg4[%parallel_loop3A_732, %parallel_loop3A_733, %parallel_loop3A_734] {strides = array<i32>} : memref<2x300x128xf32, #tpu.memory_space<vmem>>, vector<16xf32>,
      %parallel_loop3A_736 = tpu.pack_subelements %parallel_loop3A_730, %parallel_loop3A_735 {pack_format = #tpu.pack_format<interleaved>, positions = array<i32: 0, 1>} : vector<16xf32>, vector<16xf32> -> vector<32xbf16>
      %parallel_loop3A_737 = vector.bitcast %parallel_loop3A_736 : vector<32xbf16> to vector<16xi32>
      %parallel_loop3A_738 = arith.constant 0 : i32
      %parallel_loop3A_739 = arith.index_cast %parallel_loop3A_738 : i32 to index
      %parallel_loop3A_740 = arith.index_cast %parallel_loop3A_691 : i32 to index
      %parallel_loop3A_741 = arith.constant 32 : index
      %parallel_loop3A_742 = tpu.vector_load %arg5[%parallel_loop3A_739, %parallel_loop3A_740, %parallel_loop3A_741] {strides = array<i32>} : memref<2x300x64xi32, #tpu.memory_space<vmem>>, vector<16xi32>,
      tpu.vector_store %arg5[%parallel_loop3A_739, %parallel_loop3A_740, %parallel_loop3A_741], %parallel_loop3A_737 {strides = array<i32>} : memref<2x300x64xi32, #tpu.memory_space<vmem>>, vector<16xi32>,
      %parallel_loop3A_743 = arith.constant 0 : i32
      %parallel_loop3A_744 = arith.index_cast %parallel_loop3A_743 : i32 to index
      %parallel_loop3A_745 = arith.index_cast %parallel_loop3A_691 : i32 to index
      %parallel_loop3A_746 = arith.constant 48 : index
      %parallel_loop3A_747 = tpu.vector_load %arg4[%parallel_loop3A_744, %parallel_loop3A_745, %parallel_loop3A_746] {strides = array<i32>} : memref<2x300x128xf32, #tpu.memory_space<vmem>>, vector<16xf32>,
      %parallel_loop3A_748 = arith.constant 0 : i32
      %parallel_loop3A_749 = arith.index_cast %parallel_loop3A_748 : i32 to index
      %parallel_loop3A_750 = arith.index_cast %parallel_loop3A_691 : i32 to index
      %parallel_loop3A_751 = arith.constant 112 : index
      %parallel_loop3A_752 = tpu.vector_load %arg4[%parallel_loop3A_749, %parallel_loop3A_750, %parallel_loop3A_751] {strides = array<i32>} : memref<2x300x128xf32, #tpu.memory_space<vmem>>, vector<16xf32>,
      %parallel_loop3A_753 = tpu.pack_subelements %parallel_loop3A_747, %parallel_loop3A_752 {pack_format = #tpu.pack_format<interleaved>, positions = array<i32: 0, 1>} : vector<16xf32>, vector<16xf32> -> vector<32xbf16>
      %parallel_loop3A_754 = vector.bitcast %parallel_loop3A_753 : vector<32xbf16> to vector<16xi32>
      %parallel_loop3A_755 = arith.constant 0 : i32
      %parallel_loop3A_756 = arith.index_cast %parallel_loop3A_755 : i32 to index
      %parallel_loop3A_757 = arith.index_cast %parallel_loop3A_691 : i32 to index
      %parallel_loop3A_758 = arith.constant 48 : index
      %parallel_loop3A_759 = tpu.vector_load %arg5[%parallel_loop3A_756, %parallel_loop3A_757, %parallel_loop3A_758] {strides = array<i32>} : memref<2x300x64xi32, #tpu.memory_space<vmem>>, vector<16xi32>,
      tpu.vector_store %arg5[%parallel_loop3A_756, %parallel_loop3A_757, %parallel_loop3A_758], %parallel_loop3A_754 {strides = array<i32>} : memref<2x300x64xi32, #tpu.memory_space<vmem>>, vector<16xi32>,
    } {sc.loop_unroll_factor = 5 : i64, sc.parallel_access}
    %add3A_535 = arith.constant 2400 : i32
    %add3A_536 = arith.addi %mul3A_2, %add3A_535 : i32
    %dma_start3A_537 = arith.constant 0 : i32
    %dma_start3A_538 = arith.constant 0 : i32
    %dma_start3A_539 = arith.constant 0 : i32
    %dma_start3A_540 = tpu.memref_slice %arg5[%dma_start3A_537, %dma_start3A_538, %dma_start3A_539] : memref<2x300x64xi32, #tpu.memory_space<vmem>> -> memref<1x300x64xi32, #tpu.memory_space<vmem>>
    %dma_start3A_541 = tpu.memref_squeeze %dma_start3A_540 : memref<1x300x64xi32, #tpu.memory_space<vmem>> -> memref<300x64xi32, #tpu.memory_space<vmem>>
    %dma_start3A_542 = arith.constant 0 : i32
    %dma_start3A_543 = tpu.memref_slice %arg3[%add3A_536, %dma_start3A_542] : memref<100000x64xi32, #tpu.memory_space<hbm>> -> memref<300x64xi32, #tpu.memory_space<hbm>>
    %dma_start3A_544 = arith.constant 0 : i32
    %dma_start3A_545 = tpu.memref_slice %arg3[%add3A_536, %dma_start3A_544] : memref<100000x64xi32, #tpu.memory_space<hbm>> -> memref<300x64xi32, #tpu.memory_space<hbm>>
    %dma_start3A_546 = arith.constant 0 : i32
    %dma_start3A_547 = arith.constant 0 : i32
    %dma_start3A_548 = tpu.memref_slice %arg5[%dma_start3A_537, %dma_start3A_546, %dma_start3A_547] : memref<2x300x64xi32, #tpu.memory_space<vmem>> -> memref<1x300x64xi32, #tpu.memory_space<vmem>>
    %dma_start3A_549 = tpu.memref_squeeze %dma_start3A_548 : memref<1x300x64xi32, #tpu.memory_space<vmem>> -> memref<300x64xi32, #tpu.memory_space<vmem>>
    tpu.enqueue_dma source(%dma_start3A_549 : memref<300x64xi32, #tpu.memory_space<vmem>>) target(%dma_start3A_545 : memref<300x64xi32, #tpu.memory_space<hbm>>) target_semaphore(%arg7 : memref<!tpu.dma_semaphore, #tpu.memory_space<semaphore_mem>>)
    %add3A_550 = arith.constant 2700 : i32
    %add3A_551 = arith.addi %mul3A_2, %add3A_550 : i32
    %dma_wait3A_552 = arith.constant 1 : i32
    %dma_wait3A_553 = arith.constant 0 : i32
    %dma_wait3A_554 = arith.constant 0 : i32
    %dma_wait3A_555 = tpu.memref_slice %arg4[%dma_wait3A_552, %dma_wait3A_553, %dma_wait3A_554] : memref<2x300x128xf32, #tpu.memory_space<vmem>> -> memref<1x300x128xf32, #tpu.memory_space<vmem>>
    %dma_wait3A_556 = tpu.memref_squeeze %dma_wait3A_555 : memref<1x300x128xf32, #tpu.memory_space<vmem>> -> memref<300x128xf32, #tpu.memory_space<vmem>>
    %dma_wait3A_557 = arith.constant 0 : i32
    %dma_wait3A_558 = tpu.memref_slice %arg2[%add3A_551, %dma_wait3A_557] : memref<100000x128xf32, #tpu.memory_space<hbm>> -> memref<300x128xf32, #tpu.memory_space<hbm>>
    %dma_wait3A_559 = arith.constant 0 : i32
    %dma_wait3A_560 = arith.constant 0 : i32
    %dma_wait3A_561 = tpu.memref_slice %arg4[%dma_wait3A_552, %dma_wait3A_559, %dma_wait3A_560] : memref<2x300x128xf32, #tpu.memory_space<vmem>> -> memref<1x300x128xf32, #tpu.memory_space<vmem>>
    %dma_wait3A_562 = tpu.memref_squeeze %dma_wait3A_561 : memref<1x300x128xf32, #tpu.memory_space<vmem>> -> memref<300x128xf32, #tpu.memory_space<vmem>>
    %dma_wait3A_563 = arith.constant 0 : i32
    %dma_wait3A_564 = tpu.memref_slice %arg2[%add3A_551, %dma_wait3A_563] : memref<100000x128xf32, #tpu.memory_space<hbm>> -> memref<300x128xf32, #tpu.memory_space<hbm>>
    tpu.wait_dma2 semaphore(%arg6 : memref<!tpu.dma_semaphore, #tpu.memory_space<semaphore_mem>>) src(%dma_wait3A_564 : memref<300x128xf32, #tpu.memory_space<hbm>>) dst(%dma_wait3A_562 : memref<300x128xf32, #tpu.memory_space<vmem>>)
    %add3A_565 = arith.constant 3000 : i32
    %add3A_566 = arith.addi %mul3A_2, %add3A_565 : i32
    %dma_start3A_567 = arith.constant 0 : i32
    %dma_start3A_568 = arith.constant 0 : i32
    %dma_start3A_569 = arith.constant 0 : i32
    %dma_start3A_570 = tpu.memref_slice %arg4[%dma_start3A_567, %dma_start3A_568, %dma_start3A_569] : memref<2x300x128xf32, #tpu.memory_space<vmem>> -> memref<1x125x128xf32, #tpu.memory_space<vmem>>
    %dma_start3A_571 = tpu.memref_squeeze %dma_start3A_570 : memref<1x125x128xf32, #tpu.memory_space<vmem>> -> memref<125x128xf32, #tpu.memory_space<vmem>>
    %dma_start3A_572 = arith.constant 0 : i32
    %dma_start3A_573 = tpu.memref_slice %arg2[%add3A_566, %dma_start3A_572] : memref<100000x128xf32, #tpu.memory_space<hbm>> -> memref<125x128xf32, #tpu.memory_space<hbm>>
    %dma_start3A_574 = arith.constant 0 : i32
    %dma_start3A_575 = arith.constant 0 : i32
    %dma_start3A_576 = tpu.memref_slice %arg4[%dma_start3A_567, %dma_start3A_574, %dma_start3A_575] : memref<2x300x128xf32, #tpu.memory_space<vmem>> -> memref<1x125x128xf32, #tpu.memory_space<vmem>>
    %dma_start3A_577 = tpu.memref_squeeze %dma_start3A_576 : memref<1x125x128xf32, #tpu.memory_space<vmem>> -> memref<125x128xf32, #tpu.memory_space<vmem>>
    %dma_start3A_578 = arith.constant 0 : i32
    %dma_start3A_579 = tpu.memref_slice %arg2[%add3A_566, %dma_start3A_578] : memref<100000x128xf32, #tpu.memory_space<hbm>> -> memref<125x128xf32, #tpu.memory_space<hbm>>
    tpu.enqueue_dma source(%dma_start3A_579 : memref<125x128xf32, #tpu.memory_space<hbm>>) target(%dma_start3A_577 : memref<125x128xf32, #tpu.memory_space<vmem>>) target_semaphore(%arg6 : memref<!tpu.dma_semaphore, #tpu.memory_space<semaphore_mem>>)
    %add3A_580 = arith.constant 2100 : i32
    %add3A_581 = arith.addi %mul3A_2, %add3A_580 : i32
    %dma_wait3A_582 = arith.constant 1 : i32
    %dma_wait3A_583 = arith.constant 0 : i32
    %dma_wait3A_584 = arith.constant 0 : i32
    %dma_wait3A_585 = tpu.memref_slice %arg5[%dma_wait3A_582, %dma_wait3A_583, %dma_wait3A_584] : memref<2x300x64xi32, #tpu.memory_space<vmem>> -> memref<1x300x64xi32, #tpu.memory_space<vmem>>
    %dma_wait3A_586 = tpu.memref_squeeze %dma_wait3A_585 : memref<1x300x64xi32, #tpu.memory_space<vmem>> -> memref<300x64xi32, #tpu.memory_space<vmem>>
    %dma_wait3A_587 = arith.constant 0 : i32
    %dma_wait3A_588 = tpu.memref_slice %arg3[%add3A_581, %dma_wait3A_587] : memref<100000x64xi32, #tpu.memory_space<hbm>> -> memref<300x64xi32, #tpu.memory_space<hbm>>
    %dma_wait3A_589 = arith.constant 0 : i32
    %dma_wait3A_590 = tpu.memref_slice %arg3[%add3A_581, %dma_wait3A_589] : memref<100000x64xi32, #tpu.memory_space<hbm>> -> memref<300x64xi32, #tpu.memory_space<hbm>>
    %dma_wait3A_591 = arith.constant 0 : i32
    %dma_wait3A_592 = arith.constant 0 : i32
    %dma_wait3A_593 = tpu.memref_slice %arg5[%dma_wait3A_582, %dma_wait3A_591, %dma_wait3A_592] : memref<2x300x64xi32, #tpu.memory_space<vmem>> -> memref<1x300x64xi32, #tpu.memory_space<vmem>>
    %dma_wait3A_594 = tpu.memref_squeeze %dma_wait3A_593 : memref<1x300x64xi32, #tpu.memory_space<vmem>> -> memref<300x64xi32, #tpu.memory_space<vmem>>
    tpu.wait_dma2 semaphore(%arg7 : memref<!tpu.dma_semaphore, #tpu.memory_space<semaphore_mem>>) src(%dma_wait3A_594 : memref<300x64xi32, #tpu.memory_space<vmem>>) dst(%dma_wait3A_590 : memref<300x64xi32, #tpu.memory_space<hbm>>)
    %parallel_loop3A_595 = arith.constant 0 : i32
    %parallel_loop3A_596 = arith.constant 300 : i32
    %parallel_loop3A_597 = arith.constant 1 : i32
    scf.for %parallel_loop3A_691 = %parallel_loop3A_595 to %parallel_loop3A_596 step %parallel_loop3A_597  : i32 {
      %parallel_loop3A_692 = arith.constant 1 : i32
      %parallel_loop3A_693 = arith.index_cast %parallel_loop3A_692 : i32 to index
      %parallel_loop3A_694 = arith.index_cast %parallel_loop3A_691 : i32 to index
      %parallel_loop3A_695 = arith.constant 0 : index
      %parallel_loop3A_696 = tpu.vector_load %arg4[%parallel_loop3A_693, %parallel_loop3A_694, %parallel_loop3A_695] {strides = array<i32>} : memref<2x300x128xf32, #tpu.memory_space<vmem>>, vector<16xf32>,
      %parallel_loop3A_697 = arith.constant 1 : i32
      %parallel_loop3A_698 = arith.index_cast %parallel_loop3A_697 : i32 to index
      %parallel_loop3A_699 = arith.index_cast %parallel_loop3A_691 : i32 to index
      %parallel_loop3A_700 = arith.constant 64 : index
      %parallel_loop3A_701 = tpu.vector_load %arg4[%parallel_loop3A_698, %parallel_loop3A_699, %parallel_loop3A_700] {strides = array<i32>} : memref<2x300x128xf32, #tpu.memory_space<vmem>>, vector<16xf32>,
      %parallel_loop3A_702 = tpu.pack_subelements %parallel_loop3A_696, %parallel_loop3A_701 {pack_format = #tpu.pack_format<interleaved>, positions = array<i32: 0, 1>} : vector<16xf32>, vector<16xf32> -> vector<32xbf16>
      %parallel_loop3A_703 = vector.bitcast %parallel_loop3A_702 : vector<32xbf16> to vector<16xi32>
      %parallel_loop3A_704 = arith.constant 1 : i32
      %parallel_loop3A_705 = arith.index_cast %parallel_loop3A_704 : i32 to index
      %parallel_loop3A_706 = arith.index_cast %parallel_loop3A_691 : i32 to index
      %parallel_loop3A_707 = arith.constant 0 : index
      %parallel_loop3A_708 = tpu.vector_load %arg5[%parallel_loop3A_705, %parallel_loop3A_706, %parallel_loop3A_707] {strides = array<i32>} : memref<2x300x64xi32, #tpu.memory_space<vmem>>, vector<16xi32>,
      tpu.vector_store %arg5[%parallel_loop3A_705, %parallel_loop3A_706, %parallel_loop3A_707], %parallel_loop3A_703 {strides = array<i32>} : memref<2x300x64xi32, #tpu.memory_space<vmem>>, vector<16xi32>,
      %parallel_loop3A_709 = arith.constant 1 : i32
      %parallel_loop3A_710 = arith.index_cast %parallel_loop3A_709 : i32 to index
      %parallel_loop3A_711 = arith.index_cast %parallel_loop3A_691 : i32 to index
      %parallel_loop3A_712 = arith.constant 16 : index
      %parallel_loop3A_713 = tpu.vector_load %arg4[%parallel_loop3A_710, %parallel_loop3A_711, %parallel_loop3A_712] {strides = array<i32>} : memref<2x300x128xf32, #tpu.memory_space<vmem>>, vector<16xf32>,
      %parallel_loop3A_714 = arith.constant 1 : i32
      %parallel_loop3A_715 = arith.index_cast %parallel_loop3A_714 : i32 to index
      %parallel_loop3A_716 = arith.index_cast %parallel_loop3A_691 : i32 to index
      %parallel_loop3A_717 = arith.constant 80 : index
      %parallel_loop3A_718 = tpu.vector_load %arg4[%parallel_loop3A_715, %parallel_loop3A_716, %parallel_loop3A_717] {strides = array<i32>} : memref<2x300x128xf32, #tpu.memory_space<vmem>>, vector<16xf32>,
      %parallel_loop3A_719 = tpu.pack_subelements %parallel_loop3A_713, %parallel_loop3A_718 {pack_format = #tpu.pack_format<interleaved>, positions = array<i32: 0, 1>} : vector<16xf32>, vector<16xf32> -> vector<32xbf16>
      %parallel_loop3A_720 = vector.bitcast %parallel_loop3A_719 : vector<32xbf16> to vector<16xi32>
      %parallel_loop3A_721 = arith.constant 1 : i32
      %parallel_loop3A_722 = arith.index_cast %parallel_loop3A_721 : i32 to index
      %parallel_loop3A_723 = arith.index_cast %parallel_loop3A_691 : i32 to index
      %parallel_loop3A_724 = arith.constant 16 : index
      %parallel_loop3A_725 = tpu.vector_load %arg5[%parallel_loop3A_722, %parallel_loop3A_723, %parallel_loop3A_724] {strides = array<i32>} : memref<2x300x64xi32, #tpu.memory_space<vmem>>, vector<16xi32>,
      tpu.vector_store %arg5[%parallel_loop3A_722, %parallel_loop3A_723, %parallel_loop3A_724], %parallel_loop3A_720 {strides = array<i32>} : memref<2x300x64xi32, #tpu.memory_space<vmem>>, vector<16xi32>,
      %parallel_loop3A_726 = arith.constant 1 : i32
      %parallel_loop3A_727 = arith.index_cast %parallel_loop3A_726 : i32 to index
      %parallel_loop3A_728 = arith.index_cast %parallel_loop3A_691 : i32 to index
      %parallel_loop3A_729 = arith.constant 32 : index
      %parallel_loop3A_730 = tpu.vector_load %arg4[%parallel_loop3A_727, %parallel_loop3A_728, %parallel_loop3A_729] {strides = array<i32>} : memref<2x300x128xf32, #tpu.memory_space<vmem>>, vector<16xf32>,
      %parallel_loop3A_731 = arith.constant 1 : i32
      %parallel_loop3A_732 = arith.index_cast %parallel_loop3A_731 : i32 to index
      %parallel_loop3A_733 = arith.index_cast %parallel_loop3A_691 : i32 to index
      %parallel_loop3A_734 = arith.constant 96 : index
      %parallel_loop3A_735 = tpu.vector_load %arg4[%parallel_loop3A_732, %parallel_loop3A_733, %parallel_loop3A_734] {strides = array<i32>} : memref<2x300x128xf32, #tpu.memory_space<vmem>>, vector<16xf32>,
      %parallel_loop3A_736 = tpu.pack_subelements %parallel_loop3A_730, %parallel_loop3A_735 {pack_format = #tpu.pack_format<interleaved>, positions = array<i32: 0, 1>} : vector<16xf32>, vector<16xf32> -> vector<32xbf16>
      %parallel_loop3A_737 = vector.bitcast %parallel_loop3A_736 : vector<32xbf16> to vector<16xi32>
      %parallel_loop3A_738 = arith.constant 1 : i32
      %parallel_loop3A_739 = arith.index_cast %parallel_loop3A_738 : i32 to index
      %parallel_loop3A_740 = arith.index_cast %parallel_loop3A_691 : i32 to index
      %parallel_loop3A_741 = arith.constant 32 : index
      %parallel_loop3A_742 = tpu.vector_load %arg5[%parallel_loop3A_739, %parallel_loop3A_740, %parallel_loop3A_741] {strides = array<i32>} : memref<2x300x64xi32, #tpu.memory_space<vmem>>, vector<16xi32>,
      tpu.vector_store %arg5[%parallel_loop3A_739, %parallel_loop3A_740, %parallel_loop3A_741], %parallel_loop3A_737 {strides = array<i32>} : memref<2x300x64xi32, #tpu.memory_space<vmem>>, vector<16xi32>,
      %parallel_loop3A_743 = arith.constant 1 : i32
      %parallel_loop3A_744 = arith.index_cast %parallel_loop3A_743 : i32 to index
      %parallel_loop3A_745 = arith.index_cast %parallel_loop3A_691 : i32 to index
      %parallel_loop3A_746 = arith.constant 48 : index
      %parallel_loop3A_747 = tpu.vector_load %arg4[%parallel_loop3A_744, %parallel_loop3A_745, %parallel_loop3A_746] {strides = array<i32>} : memref<2x300x128xf32, #tpu.memory_space<vmem>>, vector<16xf32>,
      %parallel_loop3A_748 = arith.constant 1 : i32
      %parallel_loop3A_749 = arith.index_cast %parallel_loop3A_748 : i32 to index
      %parallel_loop3A_750 = arith.index_cast %parallel_loop3A_691 : i32 to index
      %parallel_loop3A_751 = arith.constant 112 : index
      %parallel_loop3A_752 = tpu.vector_load %arg4[%parallel_loop3A_749, %parallel_loop3A_750, %parallel_loop3A_751] {strides = array<i32>} : memref<2x300x128xf32, #tpu.memory_space<vmem>>, vector<16xf32>,
      %parallel_loop3A_753 = tpu.pack_subelements %parallel_loop3A_747, %parallel_loop3A_752 {pack_format = #tpu.pack_format<interleaved>, positions = array<i32: 0, 1>} : vector<16xf32>, vector<16xf32> -> vector<32xbf16>
      %parallel_loop3A_754 = vector.bitcast %parallel_loop3A_753 : vector<32xbf16> to vector<16xi32>
      %parallel_loop3A_755 = arith.constant 1 : i32
      %parallel_loop3A_756 = arith.index_cast %parallel_loop3A_755 : i32 to index
      %parallel_loop3A_757 = arith.index_cast %parallel_loop3A_691 : i32 to index
      %parallel_loop3A_758 = arith.constant 48 : index
      %parallel_loop3A_759 = tpu.vector_load %arg5[%parallel_loop3A_756, %parallel_loop3A_757, %parallel_loop3A_758] {strides = array<i32>} : memref<2x300x64xi32, #tpu.memory_space<vmem>>, vector<16xi32>,
      tpu.vector_store %arg5[%parallel_loop3A_756, %parallel_loop3A_757, %parallel_loop3A_758], %parallel_loop3A_754 {strides = array<i32>} : memref<2x300x64xi32, #tpu.memory_space<vmem>>, vector<16xi32>,
    } {sc.loop_unroll_factor = 5 : i64, sc.parallel_access}
    %add3A_598 = arith.constant 2700 : i32
    %add3A_599 = arith.addi %mul3A_2, %add3A_598 : i32
    %dma_start3A_600 = arith.constant 1 : i32
    %dma_start3A_601 = arith.constant 0 : i32
    %dma_start3A_602 = arith.constant 0 : i32
    %dma_start3A_603 = tpu.memref_slice %arg5[%dma_start3A_600, %dma_start3A_601, %dma_start3A_602] : memref<2x300x64xi32, #tpu.memory_space<vmem>> -> memref<1x300x64xi32, #tpu.memory_space<vmem>>
    %dma_start3A_604 = tpu.memref_squeeze %dma_start3A_603 : memref<1x300x64xi32, #tpu.memory_space<vmem>> -> memref<300x64xi32, #tpu.memory_space<vmem>>
    %dma_start3A_605 = arith.constant 0 : i32
    %dma_start3A_606 = tpu.memref_slice %arg3[%add3A_599, %dma_start3A_605] : memref<100000x64xi32, #tpu.memory_space<hbm>> -> memref<300x64xi32, #tpu.memory_space<hbm>>
    %dma_start3A_607 = arith.constant 0 : i32
    %dma_start3A_608 = tpu.memref_slice %arg3[%add3A_599, %dma_start3A_607] : memref<100000x64xi32, #tpu.memory_space<hbm>> -> memref<300x64xi32, #tpu.memory_space<hbm>>
    %dma_start3A_609 = arith.constant 0 : i32
    %dma_start3A_610 = arith.constant 0 : i32
    %dma_start3A_611 = tpu.memref_slice %arg5[%dma_start3A_600, %dma_start3A_609, %dma_start3A_610] : memref<2x300x64xi32, #tpu.memory_space<vmem>> -> memref<1x300x64xi32, #tpu.memory_space<vmem>>
    %dma_start3A_612 = tpu.memref_squeeze %dma_start3A_611 : memref<1x300x64xi32, #tpu.memory_space<vmem>> -> memref<300x64xi32, #tpu.memory_space<vmem>>
    tpu.enqueue_dma source(%dma_start3A_612 : memref<300x64xi32, #tpu.memory_space<vmem>>) target(%dma_start3A_608 : memref<300x64xi32, #tpu.memory_space<hbm>>) target_semaphore(%arg7 : memref<!tpu.dma_semaphore, #tpu.memory_space<semaphore_mem>>)
    %add3A_613 = arith.constant 3000 : i32
    %add3A_614 = arith.addi %mul3A_2, %add3A_613 : i32
    %dma_wait3A_615 = arith.constant 0 : i32
    %dma_wait3A_616 = arith.constant 0 : i32
    %dma_wait3A_617 = arith.constant 0 : i32
    %dma_wait3A_618 = tpu.memref_slice %arg4[%dma_wait3A_615, %dma_wait3A_616, %dma_wait3A_617] : memref<2x300x128xf32, #tpu.memory_space<vmem>> -> memref<1x125x128xf32, #tpu.memory_space<vmem>>
    %dma_wait3A_619 = tpu.memref_squeeze %dma_wait3A_618 : memref<1x125x128xf32, #tpu.memory_space<vmem>> -> memref<125x128xf32, #tpu.memory_space<vmem>>
    %dma_wait3A_620 = arith.constant 0 : i32
    %dma_wait3A_621 = tpu.memref_slice %arg2[%add3A_614, %dma_wait3A_620] : memref<100000x128xf32, #tpu.memory_space<hbm>> -> memref<125x128xf32, #tpu.memory_space<hbm>>
    %dma_wait3A_622 = arith.constant 0 : i32
    %dma_wait3A_623 = arith.constant 0 : i32
    %dma_wait3A_624 = tpu.memref_slice %arg4[%dma_wait3A_615, %dma_wait3A_622, %dma_wait3A_623] : memref<2x300x128xf32, #tpu.memory_space<vmem>> -> memref<1x125x128xf32, #tpu.memory_space<vmem>>
    %dma_wait3A_625 = tpu.memref_squeeze %dma_wait3A_624 : memref<1x125x128xf32, #tpu.memory_space<vmem>> -> memref<125x128xf32, #tpu.memory_space<vmem>>
    %dma_wait3A_626 = arith.constant 0 : i32
    %dma_wait3A_627 = tpu.memref_slice %arg2[%add3A_614, %dma_wait3A_626] : memref<100000x128xf32, #tpu.memory_space<hbm>> -> memref<125x128xf32, #tpu.memory_space<hbm>>
    tpu.wait_dma2 semaphore(%arg6 : memref<!tpu.dma_semaphore, #tpu.memory_space<semaphore_mem>>) src(%dma_wait3A_627 : memref<125x128xf32, #tpu.memory_space<hbm>>) dst(%dma_wait3A_625 : memref<125x128xf32, #tpu.memory_space<vmem>>)
    %add3A_628 = arith.constant 2400 : i32
    %add3A_629 = arith.addi %mul3A_2, %add3A_628 : i32
    %dma_wait3A_630 = arith.constant 0 : i32
    %dma_wait3A_631 = arith.constant 0 : i32
    %dma_wait3A_632 = arith.constant 0 : i32
    %dma_wait3A_633 = tpu.memref_slice %arg5[%dma_wait3A_630, %dma_wait3A_631, %dma_wait3A_632] : memref<2x300x64xi32, #tpu.memory_space<vmem>> -> memref<1x300x64xi32, #tpu.memory_space<vmem>>
    %dma_wait3A_634 = tpu.memref_squeeze %dma_wait3A_633 : memref<1x300x64xi32, #tpu.memory_space<vmem>> -> memref<300x64xi32, #tpu.memory_space<vmem>>
    %dma_wait3A_635 = arith.constant 0 : i32
    %dma_wait3A_636 = tpu.memref_slice %arg3[%add3A_629, %dma_wait3A_635] : memref<100000x64xi32, #tpu.memory_space<hbm>> -> memref<300x64xi32, #tpu.memory_space<hbm>>
    %dma_wait3A_637 = arith.constant 0 : i32
    %dma_wait3A_638 = tpu.memref_slice %arg3[%add3A_629, %dma_wait3A_637] : memref<100000x64xi32, #tpu.memory_space<hbm>> -> memref<300x64xi32, #tpu.memory_space<hbm>>
    %dma_wait3A_639 = arith.constant 0 : i32
    %dma_wait3A_640 = arith.constant 0 : i32
    %dma_wait3A_641 = tpu.memref_slice %arg5[%dma_wait3A_630, %dma_wait3A_639, %dma_wait3A_640] : memref<2x300x64xi32, #tpu.memory_space<vmem>> -> memref<1x300x64xi32, #tpu.memory_space<vmem>>
    %dma_wait3A_642 = tpu.memref_squeeze %dma_wait3A_641 : memref<1x300x64xi32, #tpu.memory_space<vmem>> -> memref<300x64xi32, #tpu.memory_space<vmem>>
    tpu.wait_dma2 semaphore(%arg7 : memref<!tpu.dma_semaphore, #tpu.memory_space<semaphore_mem>>) src(%dma_wait3A_642 : memref<300x64xi32, #tpu.memory_space<vmem>>) dst(%dma_wait3A_638 : memref<300x64xi32, #tpu.memory_space<hbm>>)
    %parallel_loop3A_643 = arith.constant 0 : i32
    %parallel_loop3A_644 = arith.constant 125 : i32
    %parallel_loop3A_645 = arith.constant 1 : i32
    scf.for %parallel_loop3A_691 = %parallel_loop3A_643 to %parallel_loop3A_644 step %parallel_loop3A_645  : i32 {
      %parallel_loop3A_692 = arith.constant 0 : i32
      %parallel_loop3A_693 = arith.index_cast %parallel_loop3A_692 : i32 to index
      %parallel_loop3A_694 = arith.index_cast %parallel_loop3A_691 : i32 to index
      %parallel_loop3A_695 = arith.constant 0 : index
      %parallel_loop3A_696 = tpu.vector_load %arg4[%parallel_loop3A_693, %parallel_loop3A_694, %parallel_loop3A_695] {strides = array<i32>} : memref<2x300x128xf32, #tpu.memory_space<vmem>>, vector<16xf32>,
      %parallel_loop3A_697 = arith.constant 0 : i32
      %parallel_loop3A_698 = arith.index_cast %parallel_loop3A_697 : i32 to index
      %parallel_loop3A_699 = arith.index_cast %parallel_loop3A_691 : i32 to index
      %parallel_loop3A_700 = arith.constant 64 : index
      %parallel_loop3A_701 = tpu.vector_load %arg4[%parallel_loop3A_698, %parallel_loop3A_699, %parallel_loop3A_700] {strides = array<i32>} : memref<2x300x128xf32, #tpu.memory_space<vmem>>, vector<16xf32>,
      %parallel_loop3A_702 = tpu.pack_subelements %parallel_loop3A_696, %parallel_loop3A_701 {pack_format = #tpu.pack_format<interleaved>, positions = array<i32: 0, 1>} : vector<16xf32>, vector<16xf32> -> vector<32xbf16>
      %parallel_loop3A_703 = vector.bitcast %parallel_loop3A_702 : vector<32xbf16> to vector<16xi32>
      %parallel_loop3A_704 = arith.constant 0 : i32
      %parallel_loop3A_705 = arith.index_cast %parallel_loop3A_704 : i32 to index
      %parallel_loop3A_706 = arith.index_cast %parallel_loop3A_691 : i32 to index
      %parallel_loop3A_707 = arith.constant 0 : index
      %parallel_loop3A_708 = tpu.vector_load %arg5[%parallel_loop3A_705, %parallel_loop3A_706, %parallel_loop3A_707] {strides = array<i32>} : memref<2x300x64xi32, #tpu.memory_space<vmem>>, vector<16xi32>,
      tpu.vector_store %arg5[%parallel_loop3A_705, %parallel_loop3A_706, %parallel_loop3A_707], %parallel_loop3A_703 {strides = array<i32>} : memref<2x300x64xi32, #tpu.memory_space<vmem>>, vector<16xi32>,
      %parallel_loop3A_709 = arith.constant 0 : i32
      %parallel_loop3A_710 = arith.index_cast %parallel_loop3A_709 : i32 to index
      %parallel_loop3A_711 = arith.index_cast %parallel_loop3A_691 : i32 to index
      %parallel_loop3A_712 = arith.constant 16 : index
      %parallel_loop3A_713 = tpu.vector_load %arg4[%parallel_loop3A_710, %parallel_loop3A_711, %parallel_loop3A_712] {strides = array<i32>} : memref<2x300x128xf32, #tpu.memory_space<vmem>>, vector<16xf32>,
      %parallel_loop3A_714 = arith.constant 0 : i32
      %parallel_loop3A_715 = arith.index_cast %parallel_loop3A_714 : i32 to index
      %parallel_loop3A_716 = arith.index_cast %parallel_loop3A_691 : i32 to index
      %parallel_loop3A_717 = arith.constant 80 : index
      %parallel_loop3A_718 = tpu.vector_load %arg4[%parallel_loop3A_715, %parallel_loop3A_716, %parallel_loop3A_717] {strides = array<i32>} : memref<2x300x128xf32, #tpu.memory_space<vmem>>, vector<16xf32>,
      %parallel_loop3A_719 = tpu.pack_subelements %parallel_loop3A_713, %parallel_loop3A_718 {pack_format = #tpu.pack_format<interleaved>, positions = array<i32: 0, 1>} : vector<16xf32>, vector<16xf32> -> vector<32xbf16>
      %parallel_loop3A_720 = vector.bitcast %parallel_loop3A_719 : vector<32xbf16> to vector<16xi32>
      %parallel_loop3A_721 = arith.constant 0 : i32
      %parallel_loop3A_722 = arith.index_cast %parallel_loop3A_721 : i32 to index
      %parallel_loop3A_723 = arith.index_cast %parallel_loop3A_691 : i32 to index
      %parallel_loop3A_724 = arith.constant 16 : index
      %parallel_loop3A_725 = tpu.vector_load %arg5[%parallel_loop3A_722, %parallel_loop3A_723, %parallel_loop3A_724] {strides = array<i32>} : memref<2x300x64xi32, #tpu.memory_space<vmem>>, vector<16xi32>,
      tpu.vector_store %arg5[%parallel_loop3A_722, %parallel_loop3A_723, %parallel_loop3A_724], %parallel_loop3A_720 {strides = array<i32>} : memref<2x300x64xi32, #tpu.memory_space<vmem>>, vector<16xi32>,
      %parallel_loop3A_726 = arith.constant 0 : i32
      %parallel_loop3A_727 = arith.index_cast %parallel_loop3A_726 : i32 to index
      %parallel_loop3A_728 = arith.index_cast %parallel_loop3A_691 : i32 to index
      %parallel_loop3A_729 = arith.constant 32 : index
      %parallel_loop3A_730 = tpu.vector_load %arg4[%parallel_loop3A_727, %parallel_loop3A_728, %parallel_loop3A_729] {strides = array<i32>} : memref<2x300x128xf32, #tpu.memory_space<vmem>>, vector<16xf32>,
      %parallel_loop3A_731 = arith.constant 0 : i32
      %parallel_loop3A_732 = arith.index_cast %parallel_loop3A_731 : i32 to index
      %parallel_loop3A_733 = arith.index_cast %parallel_loop3A_691 : i32 to index
      %parallel_loop3A_734 = arith.constant 96 : index
      %parallel_loop3A_735 = tpu.vector_load %arg4[%parallel_loop3A_732, %parallel_loop3A_733, %parallel_loop3A_734] {strides = array<i32>} : memref<2x300x128xf32, #tpu.memory_space<vmem>>, vector<16xf32>,
      %parallel_loop3A_736 = tpu.pack_subelements %parallel_loop3A_730, %parallel_loop3A_735 {pack_format = #tpu.pack_format<interleaved>, positions = array<i32: 0, 1>} : vector<16xf32>, vector<16xf32> -> vector<32xbf16>
      %parallel_loop3A_737 = vector.bitcast %parallel_loop3A_736 : vector<32xbf16> to vector<16xi32>
      %parallel_loop3A_738 = arith.constant 0 : i32
      %parallel_loop3A_739 = arith.index_cast %parallel_loop3A_738 : i32 to index
      %parallel_loop3A_740 = arith.index_cast %parallel_loop3A_691 : i32 to index
      %parallel_loop3A_741 = arith.constant 32 : index
      %parallel_loop3A_742 = tpu.vector_load %arg5[%parallel_loop3A_739, %parallel_loop3A_740, %parallel_loop3A_741] {strides = array<i32>} : memref<2x300x64xi32, #tpu.memory_space<vmem>>, vector<16xi32>,
      tpu.vector_store %arg5[%parallel_loop3A_739, %parallel_loop3A_740, %parallel_loop3A_741], %parallel_loop3A_737 {strides = array<i32>} : memref<2x300x64xi32, #tpu.memory_space<vmem>>, vector<16xi32>,
      %parallel_loop3A_743 = arith.constant 0 : i32
      %parallel_loop3A_744 = arith.index_cast %parallel_loop3A_743 : i32 to index
      %parallel_loop3A_745 = arith.index_cast %parallel_loop3A_691 : i32 to index
      %parallel_loop3A_746 = arith.constant 48 : index
      %parallel_loop3A_747 = tpu.vector_load %arg4[%parallel_loop3A_744, %parallel_loop3A_745, %parallel_loop3A_746] {strides = array<i32>} : memref<2x300x128xf32, #tpu.memory_space<vmem>>, vector<16xf32>,
      %parallel_loop3A_748 = arith.constant 0 : i32
      %parallel_loop3A_749 = arith.index_cast %parallel_loop3A_748 : i32 to index
      %parallel_loop3A_750 = arith.index_cast %parallel_loop3A_691 : i32 to index
      %parallel_loop3A_751 = arith.constant 112 : index
      %parallel_loop3A_752 = tpu.vector_load %arg4[%parallel_loop3A_749, %parallel_loop3A_750, %parallel_loop3A_751] {strides = array<i32>} : memref<2x300x128xf32, #tpu.memory_space<vmem>>, vector<16xf32>,
      %parallel_loop3A_753 = tpu.pack_subelements %parallel_loop3A_747, %parallel_loop3A_752 {pack_format = #tpu.pack_format<interleaved>, positions = array<i32: 0, 1>} : vector<16xf32>, vector<16xf32> -> vector<32xbf16>
      %parallel_loop3A_754 = vector.bitcast %parallel_loop3A_753 : vector<32xbf16> to vector<16xi32>
      %parallel_loop3A_755 = arith.constant 0 : i32
      %parallel_loop3A_756 = arith.index_cast %parallel_loop3A_755 : i32 to index
      %parallel_loop3A_757 = arith.index_cast %parallel_loop3A_691 : i32 to index
      %parallel_loop3A_758 = arith.constant 48 : index
      %parallel_loop3A_759 = tpu.vector_load %arg5[%parallel_loop3A_756, %parallel_loop3A_757, %parallel_loop3A_758] {strides = array<i32>} : memref<2x300x64xi32, #tpu.memory_space<vmem>>, vector<16xi32>,
      tpu.vector_store %arg5[%parallel_loop3A_756, %parallel_loop3A_757, %parallel_loop3A_758], %parallel_loop3A_754 {strides = array<i32>} : memref<2x300x64xi32, #tpu.memory_space<vmem>>, vector<16xi32>,
    } {sc.loop_unroll_factor = 5 : i64, sc.parallel_access}
    %add3A_646 = arith.constant 3000 : i32
    %add3A_647 = arith.addi %mul3A_2, %add3A_646 : i32
    %dma_start3A_648 = arith.constant 0 : i32
    %dma_start3A_649 = arith.constant 0 : i32
    %dma_start3A_650 = arith.constant 0 : i32
    %dma_start3A_651 = tpu.memref_slice %arg5[%dma_start3A_648, %dma_start3A_649, %dma_start3A_650] : memref<2x300x64xi32, #tpu.memory_space<vmem>> -> memref<1x125x64xi32, #tpu.memory_space<vmem>>
    %dma_start3A_652 = tpu.memref_squeeze %dma_start3A_651 : memref<1x125x64xi32, #tpu.memory_space<vmem>> -> memref<125x64xi32, #tpu.memory_space<vmem>>
    %dma_start3A_653 = arith.constant 0 : i32
    %dma_start3A_654 = tpu.memref_slice %arg3[%add3A_647, %dma_start3A_653] : memref<100000x64xi32, #tpu.memory_space<hbm>> -> memref<125x64xi32, #tpu.memory_space<hbm>>
    %dma_start3A_655 = arith.constant 0 : i32
    %dma_start3A_656 = tpu.memref_slice %arg3[%add3A_647, %dma_start3A_655] : memref<100000x64xi32, #tpu.memory_space<hbm>> -> memref<125x64xi32, #tpu.memory_space<hbm>>
    %dma_start3A_657 = arith.constant 0 : i32
    %dma_start3A_658 = arith.constant 0 : i32
    %dma_start3A_659 = tpu.memref_slice %arg5[%dma_start3A_648, %dma_start3A_657, %dma_start3A_658] : memref<2x300x64xi32, #tpu.memory_space<vmem>> -> memref<1x125x64xi32, #tpu.memory_space<vmem>>
    %dma_start3A_660 = tpu.memref_squeeze %dma_start3A_659 : memref<1x125x64xi32, #tpu.memory_space<vmem>> -> memref<125x64xi32, #tpu.memory_space<vmem>>
    tpu.enqueue_dma source(%dma_start3A_660 : memref<125x64xi32, #tpu.memory_space<vmem>>) target(%dma_start3A_656 : memref<125x64xi32, #tpu.memory_space<hbm>>) target_semaphore(%arg7 : memref<!tpu.dma_semaphore, #tpu.memory_space<semaphore_mem>>)
    %add3A_661 = arith.constant 2700 : i32
    %add3A_662 = arith.addi %mul3A_2, %add3A_661 : i32
    %dma_wait3A_663 = arith.constant 1 : i32
    %dma_wait3A_664 = arith.constant 0 : i32
    %dma_wait3A_665 = arith.constant 0 : i32
    %dma_wait3A_666 = tpu.memref_slice %arg5[%dma_wait3A_663, %dma_wait3A_664, %dma_wait3A_665] : memref<2x300x64xi32, #tpu.memory_space<vmem>> -> memref<1x300x64xi32, #tpu.memory_space<vmem>>
    %dma_wait3A_667 = tpu.memref_squeeze %dma_wait3A_666 : memref<1x300x64xi32, #tpu.memory_space<vmem>> -> memref<300x64xi32, #tpu.memory_space<vmem>>
    %dma_wait3A_668 = arith.constant 0 : i32
    %dma_wait3A_669 = tpu.memref_slice %arg3[%add3A_662, %dma_wait3A_668] : memref<100000x64xi32, #tpu.memory_space<hbm>> -> memref<300x64xi32, #tpu.memory_space<hbm>>
    %dma_wait3A_670 = arith.constant 0 : i32
    %dma_wait3A_671 = tpu.memref_slice %arg3[%add3A_662, %dma_wait3A_670] : memref<100000x64xi32, #tpu.memory_space<hbm>> -> memref<300x64xi32, #tpu.memory_space<hbm>>
    %dma_wait3A_672 = arith.constant 0 : i32
    %dma_wait3A_673 = arith.constant 0 : i32
    %dma_wait3A_674 = tpu.memref_slice %arg5[%dma_wait3A_663, %dma_wait3A_672, %dma_wait3A_673] : memref<2x300x64xi32, #tpu.memory_space<vmem>> -> memref<1x300x64xi32, #tpu.memory_space<vmem>>
    %dma_wait3A_675 = tpu.memref_squeeze %dma_wait3A_674 : memref<1x300x64xi32, #tpu.memory_space<vmem>> -> memref<300x64xi32, #tpu.memory_space<vmem>>
    tpu.wait_dma2 semaphore(%arg7 : memref<!tpu.dma_semaphore, #tpu.memory_space<semaphore_mem>>) src(%dma_wait3A_675 : memref<300x64xi32, #tpu.memory_space<vmem>>) dst(%dma_wait3A_671 : memref<300x64xi32, #tpu.memory_space<hbm>>)
    %add3A_676 = arith.constant 3000 : i32
    %add3A_677 = arith.addi %mul3A_2, %add3A_676 : i32
    %dma_wait3A_678 = arith.constant 0 : i32
    %dma_wait3A_679 = arith.constant 0 : i32
    %dma_wait3A_680 = arith.constant 0 : i32
    %dma_wait3A_681 = tpu.memref_slice %arg5[%dma_wait3A_678, %dma_wait3A_679, %dma_wait3A_680] : memref<2x300x64xi32, #tpu.memory_space<vmem>> -> memref<1x125x64xi32, #tpu.memory_space<vmem>>
    %dma_wait3A_682 = tpu.memref_squeeze %dma_wait3A_681 : memref<1x125x64xi32, #tpu.memory_space<vmem>> -> memref<125x64xi32, #tpu.memory_space<vmem>>
    %dma_wait3A_683 = arith.constant 0 : i32
    %dma_wait3A_684 = tpu.memref_slice %arg3[%add3A_677, %dma_wait3A_683] : memref<100000x64xi32, #tpu.memory_space<hbm>> -> memref<125x64xi32, #tpu.memory_space<hbm>>
    %dma_wait3A_685 = arith.constant 0 : i32
    %dma_wait3A_686 = tpu.memref_slice %arg3[%add3A_677, %dma_wait3A_685] : memref<100000x64xi32, #tpu.memory_space<hbm>> -> memref<125x64xi32, #tpu.memory_space<hbm>>
    %dma_wait3A_687 = arith.constant 0 : i32
    %dma_wait3A_688 = arith.constant 0 : i32
    %dma_wait3A_689 = tpu.memref_slice %arg5[%dma_wait3A_678, %dma_wait3A_687, %dma_wait3A_688] : memref<2x300x64xi32, #tpu.memory_space<vmem>> -> memref<1x125x64xi32, #tpu.memory_space<vmem>>
    %dma_wait3A_690 = tpu.memref_squeeze %dma_wait3A_689 : memref<1x125x64xi32, #tpu.memory_space<vmem>> -> memref<125x64xi32, #tpu.memory_space<vmem>>
    tpu.wait_dma2 semaphore(%arg7 : memref<!tpu.dma_semaphore, #tpu.memory_space<semaphore_mem>>) src(%dma_wait3A_690 : memref<125x64xi32, #tpu.memory_space<vmem>>) dst(%dma_wait3A_686 : memref<125x64xi32, #tpu.memory_space<hbm>>)
    return
  }
}

module attributes {stable_mosaic.version = 14 : i64} {
  func.func @_mlp_body(%arg0: i32, %arg1: memref<1024x64xi32, #tpu.memory_space<vmem>>, %arg2: memref<128x256xf32, #tpu.memory_space<vmem>>, %arg3: memref<1x256xf32, #tpu.memory_space<vmem>>, %arg4: memref<256x128xf32, #tpu.memory_space<vmem>>, %arg5: memref<1x128xf32, #tpu.memory_space<vmem>>, %arg6: memref<1024x2xf32, #tpu.memory_space<vmem>>) attributes {dimension_semantics = [#tpu.dimension_semantics<arbitrary>], iteration_bounds = array<i64: 4>, scalar_prefetch = 0 : i64, scratch_operands = 0 : i64, tpu.core_type = #tpu.core_type<tc>, window_params = [{transform_indices = @transform_0, window_bounds = array<i64: 1024, 64>}, {pipeline_mode = #tpu.pipeline_mode<synchronous>, transform_indices = @transform_1, window_bounds = array<i64: 128, 256>}, {pipeline_mode = #tpu.pipeline_mode<synchronous>, transform_indices = @transform_2, window_bounds = array<i64: 1, 256>}, {pipeline_mode = #tpu.pipeline_mode<synchronous>, transform_indices = @transform_3, window_bounds = array<i64: 256, 128>}, {pipeline_mode = #tpu.pipeline_mode<synchronous>, transform_indices = @transform_4, window_bounds = array<i64: 1, 128>}, {transform_indices = @transform_5, window_bounds = array<i64: 1024, 2>}]} {
    %get3A = arith.constant 0 : index
    %get3A_0 = arith.constant 0 : index
    %get3A_1 = vector.load %arg1[%get3A, %get3A_0] : memref<1024x64xi32, #tpu.memory_space<vmem>>, vector<1024x64xi32>
    %shift_left3A = arith.constant 16 : i32
    %shift_left3A_2 = vector.broadcast %shift_left3A : i32 to vector<1024x64xi32>
    %shift_left3A_3 = arith.shli %get3A_1, %shift_left3A_2 : vector<1024x64xi32>
    %bitcast_convert_type3A = tpu.bitcast %shift_left3A_3 : vector<1024x64xi32> -> vector<1024x64xf32>
    %and3A = arith.constant -65536 : i32
    %and3A_4 = vector.broadcast %and3A : i32 to vector<1024x64xi32>
    %and3A_5 = arith.andi %get3A_1, %and3A_4 : vector<1024x64xi32>
    %bitcast_convert_type3A_6 = tpu.bitcast %and3A_5 : vector<1024x64xi32> -> vector<1024x64xf32>
    %concatenate3A = tpu.concatenate %bitcast_convert_type3A, %bitcast_convert_type3A_6 in 1 : vector<1024x64xf32>, vector<1024x64xf32> -> vector<1024x128xf32>
    %mul3A = arith.constant 5.000000e-03 : f32
    %mul3A_7 = vector.broadcast %mul3A : f32 to vector<1024x128xf32>
    %mul3A_8 = arith.mulf %concatenate3A, %mul3A_7 : vector<1024x128xf32>
    %get3A_9 = arith.constant 0 : index
    %get3A_10 = arith.constant 0 : index
    %get3A_11 = vector.load %arg2[%get3A_9, %get3A_10] : memref<128x256xf32, #tpu.memory_space<vmem>>, vector<128x256xf32>
    %dot_general3A = arith.constant dense<0.000000e+00> : vector<1024x256xf32>
    %dot_general3A_12 = tpu.matmul %mul3A_8, %get3A_11, %dot_general3A {dimension_numbers = #tpu.dot_dimension_numbers<[1], [0], [0], [1], [0, 0, 1, 1], [], []>, transpose_lhs_hint = false} : vector<1024x128xf32>, vector<128x256xf32>, vector<1024x256xf32> -> vector<1024x256xf32>
    %get3A_13 = arith.constant 0 : index
    %get3A_14 = arith.constant 0 : index
    %get3A_15 = vector.load %arg3[%get3A_13, %get3A_14] : memref<1x256xf32, #tpu.memory_space<vmem>>, vector<1x256xf32>
    %add3A = vector.broadcast %get3A_15 : vector<1x256xf32> to vector<1024x256xf32>
    %add3A_16 = arith.addf %dot_general3A_12, %add3A : vector<1024x256xf32>
    %max3A = arith.constant 0.000000e+00 : f32
    %max3A_17 = vector.broadcast %max3A : f32 to vector<1024x256xf32>
    %max3A_18 = arith.maximumf %add3A_16, %max3A_17 : vector<1024x256xf32>
    %get3A_19 = arith.constant 0 : index
    %get3A_20 = arith.constant 0 : index
    %get3A_21 = vector.load %arg4[%get3A_19, %get3A_20] : memref<256x128xf32, #tpu.memory_space<vmem>>, vector<256x128xf32>
    %dot_general3A_22 = arith.constant dense<0.000000e+00> : vector<1024x128xf32>
    %dot_general3A_23 = tpu.matmul %max3A_18, %get3A_21, %dot_general3A_22 {dimension_numbers = #tpu.dot_dimension_numbers<[1], [0], [0], [1], [0, 0, 1, 1], [], []>, transpose_lhs_hint = false} : vector<1024x256xf32>, vector<256x128xf32>, vector<1024x128xf32> -> vector<1024x128xf32>
    %get3A_24 = arith.constant 0 : index
    %get3A_25 = arith.constant 0 : index
    %get3A_26 = vector.load %arg5[%get3A_24, %get3A_25] : memref<1x128xf32, #tpu.memory_space<vmem>>, vector<1x128xf32>
    %add3A_27 = vector.broadcast %get3A_26 : vector<1x128xf32> to vector<1024x128xf32>
    %add3A_28 = arith.addf %dot_general3A_23, %add3A_27 : vector<1024x128xf32>
    %reduce_max3A = arith.constant dense<0xFF800000> : vector<1024xf32>
    %reduce_max3A_29 = vector.multi_reduction <maximumf>, %add3A_28, %reduce_max3A [1] : vector<1024x128xf32> to vector<1024xf32>
    %broadcast_in_dim3A = vector.shape_cast %reduce_max3A_29 : vector<1024xf32> to vector<1024x1xf32>
    %sub3A = vector.broadcast %broadcast_in_dim3A : vector<1024x1xf32> to vector<1024x128xf32>
    %sub3A_30 = arith.subf %add3A_28, %sub3A : vector<1024x128xf32>
    %exp3A = math.exp %sub3A_30 : vector<1024x128xf32>
    %reduce_sum3A = arith.constant dense<0.000000e+00> : vector<1024xf32>
    %reduce_sum3A_31 = vector.multi_reduction <add>, %exp3A, %reduce_sum3A [1] : vector<1024x128xf32> to vector<1024xf32>
    %broadcast_in_dim3A_32 = vector.shape_cast %reduce_sum3A_31 : vector<1024xf32> to vector<1024x1xf32>
    %log3A = math.log %broadcast_in_dim3A_32 : vector<1024x1xf32>
    %add3A_33 = arith.addf %broadcast_in_dim3A, %log3A : vector<1024x1xf32>
    %sub3A_34 = vector.broadcast %add3A_33 : vector<1024x1xf32> to vector<1024x128xf32>
    %sub3A_35 = arith.subf %add3A_28, %sub3A_34 : vector<1024x128xf32>
    %slice3A = vector.extract_strided_slice %sub3A_35 {offsets = [0, 0], sizes = [1024, 2], strides = [1, 1]} : vector<1024x128xf32> to vector<1024x2xf32>
    %swap3A = arith.constant 0 : index
    %swap3A_36 = arith.constant 0 : index
    %swap3A_37 = vector.load %arg6[%swap3A, %swap3A_36] : memref<1024x2xf32, #tpu.memory_space<vmem>>, vector<1024x2xf32>
    tpu.vector_store %arg6[%swap3A, %swap3A_36], %slice3A {strides = array<i32>} : memref<1024x2xf32, #tpu.memory_space<vmem>>, vector<1024x2xf32>,
    return
  }
  func.func @transform_0(%arg0: i32) -> (i32, i32) {
    %c0_i32 = arith.constant 0 : i32
    %c0_i32_0 = arith.constant 0 : i32
    return %arg0, %c0_i32 : i32, i32
  }
  func.func @transform_1(%arg0: i32) -> (i32, i32) {
    %c0_i32 = arith.constant 0 : i32
    %c0_i32_0 = arith.constant 0 : i32
    %c0_i32_1 = arith.constant 0 : i32
    return %c0_i32, %c0_i32_0 : i32, i32
  }
  func.func @transform_2(%arg0: i32) -> (i32, i32) {
    %c0_i32 = arith.constant 0 : i32
    %c0_i32_0 = arith.constant 0 : i32
    %c0_i32_1 = arith.constant 0 : i32
    return %c0_i32, %c0_i32_0 : i32, i32
  }
  func.func @transform_3(%arg0: i32) -> (i32, i32) {
    %c0_i32 = arith.constant 0 : i32
    %c0_i32_0 = arith.constant 0 : i32
    %c0_i32_1 = arith.constant 0 : i32
    return %c0_i32, %c0_i32_0 : i32, i32
  }
  func.func @transform_4(%arg0: i32) -> (i32, i32) {
    %c0_i32 = arith.constant 0 : i32
    %c0_i32_0 = arith.constant 0 : i32
    %c0_i32_1 = arith.constant 0 : i32
    return %c0_i32, %c0_i32_0 : i32, i32
  }
  func.func @transform_5(%arg0: i32) -> (i32, i32) {
    %c0_i32 = arith.constant 0 : i32
    %c0_i32_0 = arith.constant 0 : i32
    return %arg0, %c0_i32 : i32, i32
  }
}

</mosaic_0001>

<sc_bundles>
// kernel: kernel.5.cloned.1.call-start
scs
__scs_entry_jumppad:
0x0: {  	(pc) =	sbr.rel $0x88, $3  }
0x1: {  	(tag) =	ssettag $0x0;
	lr =	simm.s32 $0x1  }
0x2: {  	[smem:$0x3F9B] =	sst lr;
	_ =	strace $0xD0000000  }
0x3: {  	_ = 	snop  }
0x4: {  	_ = 	snop  }
0x5: {  	_ = 	snop  }
0x6: {  	_ = 	snop  }
0x7: {  	_ = 	snop  }
__scs_overlays_trampoline_lowered:
0x8: {  	[smem:$0x3FAA] =	sst s0  }
0x9: {  	[smem:$0x3FAB] =	sst s1  }
0xa: {  	[smem:$0x3FAC] =	sst s2  }
0xb: {  	[smem:$0x3FAD] =	sst s3  }
0xc: {  	[smem:$0x3FAE] =	sst s4  }
0xd: {  	[smem:$0x3FAF] =	sst s5  }
0xe: {  	[smem:$0x3FB0] =	sst s6  }
0xf: {  	[smem:$0x3FB1] =	sst s7  }
0x10: {  	[smem:$0x3FB2] =	sst s8  }
0x11: {  	[smem:$0x3FB3] =	sst s9;
	s0 =	simm.s32 @!p0 $0x0  }
0x12: {  	s1 =	sld [smem:$0x3F99];
	s0 =	simm.s32 @p0 $0x1  }
0x13: {  	[smem:$0x3FB4] =	sst s0;
	s0 =	simm.s32 @!p1 $0x0  }
0x14: {  	s2 =	sld [smem:$0x3F98];
	s0 =	simm.s32 @p1 $0x1  }
0x15: {  	[smem:$0x3FB5] =	sst s0;
	s0 =	simm.s32 @!p2 $0x0  }
0x16: {  	s3 =	sld [smem:$0x3FDB];
	s0 =	simm.s32 @p2 $0x1  }
0x17: {  	s4 =	simm.s32 $0x1BF5;
	[smem:$0x3FB7] =	sst s0  }
0x18: {  	s0 =	sld [smem:$0x3F9A];
	_ =	swait.ge [sflag:s4], $0x0  }
0x19: {  	s7 =	sld [smem:$0x3F9B]  }
0x1a: {  	s8 =	sadd.s32 $0xFFFFE003, lr  }
0x1b: {  	s9 =	sadd.s32 $0xFFFFFEF7, lr;
	s5 =	simm.s32 $0xFFFFFFFF;
	p2 =	slt.u32 s8, $0xFFFFF086  }
0x1c: {  	p1 =	slt.u32 s9, $0xF7A;
	s5 =	simm.s32 @!p2 $0x0  }
0x1d: {  	s5 =	simm.s32 @p1 $0x1;
	p0 =	seq.s32 s7, s2  }
0x1e: {  	s7 =	smul.u32 @!p0 $0xF7A, s2;
	p2 =	seq.s32 @!p0 s5, $0x0  }
0x1f: {  	s9 =	smul.u32 $0xF7A, s1;
	s8 =	simm.s32 @!p0 $0x1BF5;
	p2 =	por !p2, p0  }
0x20: {  	[sflag:s8] =	ssyncset.s32 @!p0 $0xFFFFF086;
	s6 =	sadd.s32 @!p0 s3, s7;
	s7 =	simm.s32 @!p0 $0x108  }
0x21: {  	s3 =	sadd.s32 s3, s9;
	s6 =	sadd.s32 @!p0 $0x88, s6;
	s7 =	simm.s32 @p2 $0x1082  }
0x22: {  	[simem:s7], [sflag:s8] =	dma.local @!p0 [hbm:s6], $0xF7A  }
0x23: {  	s9 =	sor.u32 $0xD0000000, s2;
	s6 =	simm.s32 $0x108;
	_ =	swait.ge @!p0 [sflag:s8], $0x0  }
0x24: {  	s3 =	sadd.s32 $0x88, s3;
	s6 =	simm.s32 @!p1 $0x1082;
	[sflag:s4] =	ssyncset.s32 $0xFFFFF086  }
0x25: {  	[simem:s6], [sflag:s4] =	dma.local [hbm:s3], $0xF7A  }
0x26: {  	[smem:$0x3F9B] =	sst s1;
	(tag) =	ssettag s2;
	_ =	strace s9  }
0x27: {  	s1 =	sld [smem:$0x3FAB]  }
0x28: {  	s2 =	sld [smem:$0x3FAC]  }
0x29: {  	s4 =	sld [smem:$0x3FAE]  }
0x2a: {  	p0 =	seq.s32 s5, $0x0;
	s5 =	sld [smem:$0x3FAF]  }
0x2b: {  	s6 =	sld [smem:$0x3FB0]  }
0x2c: {  	s7 =	sld [smem:$0x3FB1]  }
0x2d: {  	s3 =	simm.s32 $0x108;
	s8 =	sld [smem:$0x3FB2]  }
0x2e: {  	s3 =	simm.s32 @!p0 $0x1082;
	s9 =	sld [smem:$0x3FB3]  }
0x2f: {  	lr =	sadd.s32 s0, s3;
	s0 =	sld [smem:$0x3FAA]  }
0x30: {  	s3 =	sld [smem:$0x3FAD]  }
0x31: {  	[smem:$0x3FB6] =	sst s10  }
0x32: {  	s10 =	sld [smem:$0x3FB4];
	_ =	sdelay $0x3  }
0x33: {  	p0 =	seq.s32 s10, $0x1;
	s10 =	sld [smem:$0x3FB6];
	_ =	sdelay $0x3  }
0x34: {  	[smem:$0x3FB6] =	sst s10  }
0x35: {  	s10 =	sld [smem:$0x3FB5];
	_ =	sdelay $0x3  }
0x36: {  	p1 =	seq.s32 s10, $0x1;
	s10 =	sld [smem:$0x3FB6];
	_ =	sdelay $0x3  }
0x37: {  	[smem:$0x3FB6] =	sst s10  }
0x38: {  	s10 =	sld [smem:$0x3FB7]  }
0x39: {  	_ = 	snop;
	(pc) =	sbr.ind lr, $3  }
0x3a: {  	_ = 	snop  }
0x3b: {  	_ = 	snop  }
0x3c: {  	p2 =	seq.s32 s10, $0x1;
	s10 =	sld [smem:$0x3FB6]  }
0x3d: {  	_ =	shalt  }
0x3e: {  	_ =	shalt  }
0x3f: {  	_ =	shalt  }
0x40: {  	_ =	shalt  }
0x41: {  	_ =	shalt  }
0x42: {  	_ =	shalt  }
0x43: {  	_ =	shalt  }
0x44: {  	_ =	shalt  }
0x45: {  	_ =	shalt  }
0x46: {  	_ =	shalt  }
0x47: {  	_ =	shalt  }
0x48: {  	_ =	shalt  }
0x49: {  	_ =	shalt  }
0x4a: {  	_ =	shalt  }
0x4b: {  	_ =	shalt  }
0x4c: {  	_ =	shalt  }
0x4d: {  	_ =	shalt  }
0x4e: {  	_ =	shalt  }
0x4f: {  	_ =	shalt  }
0x50: {  	_ =	shalt  }
0x51: {  	_ =	shalt  }
0x52: {  	_ =	shalt  }
0x53: {  	_ =	shalt  }
0x54: {  	_ =	shalt  }
0x55: {  	_ =	shalt  }
0x56: {  	_ =	shalt  }
0x57: {  	_ =	shalt  }
0x58: {  	_ =	shalt  }
0x59: {  	_ =	shalt  }
0x5a: {  	_ =	shalt  }
0x5b: {  	_ =	shalt  }
0x5c: {  	_ =	shalt  }
0x5d: {  	_ =	shalt  }
0x5e: {  	_ =	shalt  }
0x5f: {  	_ =	shalt  }
0x60: {  	_ =	shalt  }
0x61: {  	_ =	shalt  }
0x62: {  	_ =	shalt  }
0x63: {  	_ =	shalt  }
0x64: {  	_ =	shalt  }
0x65: {  	_ =	shalt  }
0x66: {  	_ =	shalt  }
0x67: {  	_ =	shalt  }
0x68: {  	_ =	shalt  }
0x69: {  	_ =	shalt  }
0x6a: {  	_ =	shalt  }
0x6b: {  	_ =	shalt  }
0x6c: {  	_ =	shalt  }
0x6d: {  	_ =	shalt  }
0x6e: {  	_ =	shalt  }
0x6f: {  	_ =	shalt  }
0x70: {  	_ =	shalt  }
0x71: {  	_ =	shalt  }
0x72: {  	_ =	shalt  }
0x73: {  	_ =	shalt  }
0x74: {  	_ =	shalt  }
0x75: {  	_ =	shalt  }
0x76: {  	_ =	shalt  }
0x77: {  	_ =	shalt  }
0x78: {  	_ =	shalt  }
0x79: {  	_ =	shalt  }
0x7a: {  	_ =	shalt  }
0x7b: {  	_ =	shalt  }
0x7c: {  	_ =	shalt  }
0x7d: {  	_ =	shalt  }
0x7e: {  	_ =	shalt  }
0x7f: {  	_ =	shalt  }
0x80: {  	_ =	shalt  }
0x81: {  	_ =	shalt  }
0x82: {  	_ =	shalt  }
0x83: {  	_ =	shalt  }
0x84: {  	_ =	shalt  }
0x85: {  	_ =	shalt  }
0x86: {  	_ =	shalt  }
0x87: {  	_ =	shalt  }
.Lfunc_end0:
.L_simem_size_0:
called_computation_lowered:
.L_overlay_start_0:
0x88: {  	s2 =	sld [smem:$0x3FD9]  }
0x89: {  	s3 =	sld [smem:$0x3FFE];
	_ =	sdelay $0x1  }
0x8a: {  	s1 =	srdreg.scid  }
0x8b: {  	s0 =	sand.u32 $0x1, s1  }
0x8c: {  	s17 =	sshll.u32 s0, $0xA;
	s2 =	sadd.s32 s3, s2  }
0x8d: {  	s2 =	sadd.s32 s2, s17  }
0x8e: {  	[smem:$0x3FC2] =	sst s2  }
0x8f: {  	_ = 	snop  }
0x90: {  	s2 =	sld [smem:$0x3FC8];
	(tm) =	ssettm $0x1  }
0x91: {  	s18 =	sld [smem:$0x3FFB];
	_ =	sdelay $0x3  }
0x92: {  	_ =	strace s18  }
0x93: {  	s3 =	sld [smem:$0x3FFC];
	_ =	sdelay $0x3  }
0x94: {  	_ =	strace s3  }
0x95: {  	s3 =	sld [smem:$0x3FFD];
	_ =	sdelay $0x3  }
0x96: {  	_ =	strace s3  }
0x97: {  	_ =	strace $0x8FFFFFFF  }
0x98: {  	s19 =	sld [smem:$0x3FDB];
	_ =	sdelay $0x1  }
0x99: {  	s4 =	simm.s32 $_scs_section_size  }
0x9a: {  	s5 =	simm.s32 $_size__tile_overlayer_lowered;
	s6 =	simm.s32 $_tile_overlayer_lowered  }
0x9b: {  	s22 =	simm.s32 $0x1BFF;
	s21 =	sshll.u32 s6, $0x1;
	s3 =	sadd.s32 s4, s19  }
0x9c: {  	s7 =	simm.s32 $0x0;
	s20 =	sshll.u32 s5, $0x1;
	s5 =	sadd.s32 s21, s3  }
0x9d: {  	[timem:s7], [sflag:s22] =	dma.local [hbm:s5], s20  }
0x9e: {  	_ =	swait.ge [sflag:s22], s20  }
0x9f: {  	s4 =	ssub.s32 $0x0, s20;
	[sflag:s22] =	ssyncset.done $0x0  }
0xa0: {  	[sflag:s22] =	ssyncadd.s32 s4;
	_ =	sdelay $0x1  }
0xa1: {  	s23 =	simm.s32 $0x1B8B  }
0xa2: {  	_ =	swait.ge [sflag:s23], $0x1  }
0xa3: {  	[sflag:s23] =	ssyncset.done $0x0  }
0xa4: {  	s25 =	simm.s32 $0x1B8E;
	s24 =	sld [smem:$0x3FFE];
	[sflag:s23] =	ssyncadd.s32 $0xFFFFFFFF  }
0xa5: {  	s26 =	simm.s32 $execute0_lowered;
	[smem:$0x3FD2] =	sst s25  }
0xa6: {  	s5 =	sshll.u32 s26, $0x1;
	_ =	strace $0x80000046;
	[dreg:$0x1] =	wrdreg $0xFFFFFFFF  }
0xa7: {  	s28 =	simm.s32 $_size_execute0_lowered;
	s3 =	sadd.s32 s3, s5;
	[dreg:$0x0] =	wrdreg $0x0  }
0xa8: {  	s5 =	sshll.u32 s28, $0x1;
	[dreg:$0x2] =	wrdreg s3  }
0xa9: {  	[dreg:$0x3] =	wrdreg s5  }
0xaa: {  	[dreg:$0x4] =	wrdreg $0xC0  }
0xab: {  	_ =	task [dreg:s7], $0x5FFFF  }
0xac: {  	[dreg:$0x1] =	wrdreg $0xFFFFFFFF  }
0xad: {  	[dreg:$0x0] =	wrdreg $0x60  }
0xae: {  	[dreg:$0x2] =	wrdreg s2  }
0xaf: {  	[dreg:$0x3] =	wrdreg s24  }
0xb0: {  	[dreg:$0x4] =	wrdreg $0x9  }
0xb1: {  	_ =	task.clear_ibuf [dreg:s7], $0x5FFFF;
	_ =	strace $0x90000046  }
0xb2: {  	s29 =	simm.s32 $0x9;
	_ =	strace $0x80000048  }
0xb3: {  	_ =	swait.ge [sflag:s29], $0x1  }
0xb4: {  	[sflag:s29] =	ssyncadd.s32 $0xFFFFFFFF  }
0xb5: {  	_ =	strace $0x90000048  }
0xb6: {  	_ =	sfence  }
0xb7: {  	s30 =	sld [smem:$0x0];
	_ =	sdelay $0x2  }
0xb8: {  	s31 =	sshll.u32 s1, $0xD;
	s1 =	sshrl.u32 s1, $0x2  }
0xb9: {  	s3 =	sand.u32 $0x4000, s31;
	s1 =	sadd.s32 s1, s30  }
0xba: {  	s0 =	sor.u32 s3, s0;
	s1 =	sshll.u32 s1, $0x11  }
0xbb: {  	s0 =	sor.u32 s1, s0  }
0xbc: {  	s0 =	sadd.s32 $0x8F2B, s0  }
0xbd: {  	[sflag:s0] =	ssyncadd.remote.s32 $0x1  }
0xbe: {  	_ =	sfence.sel $0xFFFF  }
0xbf: {  	[dreg:$0x0] =	wrdreg $0xFFFFFFFF;
	(pc) =	sbr.abs _section_cstart, $3  }
0xc0: {  	[dreg:$0x1] =	wrdreg $0xFFFFFFFF  }
0xc1: {  	_ =	task.clear_ibuf [dreg:s7], $0x2FFFF;
	_ =	strace $0x9FFFFFFF  }
0xc2: {  	(tm) =	ssettm $0x7FFFFFFF  }
0xc3: {  	_ =	shalt  }
tec
execute0_lowered:
.L_overlay_start_1:
0x0: {  	(tag) =	ssettag $0x1  }
0x1: {  	s0 =	srdreg.scid  }
0x2: {  	s1 =	stileid.u32;
	s3 =	rddreg [dreg:$0x0]  }
0x3: {  	s13 =	rddreg [dreg:$0x1];
	s0 =	sand.u32 $0x1, s0;
	s1 =	sshll.u32 s1, $0x1  }
0x4: {  	s28 =	simm.s32 $0x9600;
	s29 =	simm.s32 $0x12C00;
	s2 =	sor.u32 s0, s1  }
0x5: {  	s30 =	simm.s32 $0x17700;
	s31 =	simm.s32 $0x2;
	s10 =	smul.u32 $0xC35, s2  }
0x6: {  	s0 =	ssub.s32 $0x2, s0;
	s1 =	simm.s32 $0x0;
	s4 =	smul.u32 $0xC350, s2  }
0x7: {  	s5 =	sshrl.u32 s0, $0x1;
	s2 =	smul.u32 $0x61A8, s2;
	[smem:$0x7FF] =	sst s1  }
0x8: {  	s0 =	ssub.s32 s0, s5;
	s14 =	sadd.s32 $0x12C, s10;
	s4 =	sadd.s32 s3, s4  }
0x9: {  	s15 =	sadd.s32 $0x258, s10;
	s16 =	sadd.s32 $0x384, s10;
	s17 =	sadd.s32 $0x4B0, s10  }
0xa: {  	s18 =	sadd.s32 $0x5DC, s10;
	s19 =	sadd.s32 $0x708, s10;
	s20 =	sadd.s32 $0x834, s10  }
0xb: {  	s21 =	sadd.s32 $0x960, s10;
	s6 =	sshll.u32 s14, $0x4;
	[dreg:$0x3] =	wrdreg s4  }
0xc: {  	s23 =	sshll.u32 s15, $0x4;
	s24 =	sshll.u32 s16, $0x4;
	s25 =	sshll.u32 s17, $0x4  }
0xd: {  	s7 =	sshll.u32 s18, $0x4;
	s8 =	sshll.u32 s19, $0x4;
	s9 =	sshll.u32 s20, $0x4  }
0xe: {  	s11 =	sshll.u32 s21, $0x4;
	s14 =	sshll.u32 s14, $0x3;
	s15 =	sshll.u32 s15, $0x3  }
0xf: {  	s16 =	sshll.u32 s16, $0x3;
	s17 =	sshll.u32 s17, $0x3;
	s18 =	sshll.u32 s18, $0x3  }
0x10: {  	s19 =	sshll.u32 s19, $0x3;
	s20 =	sshll.u32 s20, $0x3;
	s22 =	sadd.s32 s3, s6  }
0x11: {  	s4 =	sadd.s32 s3, s23;
	s5 =	sadd.s32 s3, s24;
	s6 =	sadd.s32 s3, s25  }
0x12: {  	s7 =	sadd.s32 s3, s7;
	s8 =	sadd.s32 s3, s8;
	s9 =	sadd.s32 s3, s9  }
0x13: {  	s23 =	sadd.s32 $0xA8C, s10;
	s24 =	sadd.s32 $0xBB8, s10;
	s10 =	sadd.s32 s3, s11  }
0x14: {  	[dreg:$0x4] =	wrdreg s22;
	s12 =	sshll.u32 s23, $0x4;
	s26 =	sshll.u32 s24, $0x4  }
0x15: {  	s22 =	sshll.u32 s21, $0x3;
	s25 =	sshll.u32 s23, $0x3;
	s11 =	sadd.s32 s3, s12  }
0x16: {  	s12 =	sadd.s32 s3, s26;
	s3 =	sadd.s32 $0x1200, s13;
	s26 =	sshll.u32 s24, $0x3  }
0x17: {  	_ =	strace $0x80000047;
	s13 =	sadd.s32 s3, s2;
	s14 =	sadd.s32 s3, s14  }
0x18: {  	s15 =	sadd.s32 s3, s15;
	s16 =	sadd.s32 s3, s16;
	s17 =	sadd.s32 s3, s17  }
0x19: {  	s18 =	sadd.s32 s3, s18;
	s19 =	sadd.s32 s3, s19;
	s21 =	sadd.s32 s3, s20  }
0x1a: {  	s22 =	sadd.s32 s3, s22;
	s23 =	sadd.s32 s3, s25;
	s24 =	sadd.s32 s3, s26  }
0x1b: {  	s25 =	smax.u32 s0, $0x1;
	s26 =	simm.s32 $0x1;
	s20 =	simm.s32 $0x0  }
.LBB2_1:
0x1c: {  	s0 =	rddreg [dreg:$0x3]  }
0x1d: {  	[tilespmem:s1], [sflag:$0x1] =	stream.linear.gather [hbm4b:s0+s1], $0x9600, $0x38;
	[tilespmem:$0x1C200] =	vst v63  }
0x1e: {  	_ =	swait.ge [sflag:s26], $0x9600  }
0x1f: {  	[sflag:s26] =	ssyncset.done $0x0  }
0x20: {  	s3 =	rddreg [dreg:$0x4];
	[sflag:s26] =	ssyncadd.s32 $0xFFFF6A00  }
0x21: {  	[tilespmem:s28], [sflag:$0x1] =	stream.linear.gather [hbm4b:s3+s1], $0x9600, $0x38;
	[tilespmem:$0x1C200] =	vst v63  }
0x22: {  	s3 =	simm.s32 $0x140  }
0x23: {  	v0 =	vld [tilespmem:s3+$0xC0]  }
0x24: {  	v1 =	vld [tilespmem:s3+$0x100]  }
0x25: {  	v2 =	vld [tilespmem:s3+$0xFFFFFF00]  }
0x26: {  	v3 =	vld [tilespmem:s3+$0xFFFFFF40]  }
0x27: {  	v4 =	vld [tilespmem:s3+$0xFFFFFF80]  }
0x28: {  	v5 =	vld [tilespmem:s3+$0xFFFFFFC0]  }
0x29: {  	s0 =	simm.s32 $0x12CA0;
	v6 =	vld [tilespmem:s3+$0x0];
	v0 =	vpack.i.f32.bf16 v1, v0  }
0x2a: {  	v1 =	vld [tilespmem:s3+$0x40];
	[tilespmem:s0+$0x60] =	vst v0  }
0x2b: {  	v0 =	vld [tilespmem:s3+$0xD0]  }
0x2c: {  	v7 =	vld [tilespmem:s3+$0x110]  }
0x2d: {  	v3 =	vpack.i.f32.bf16 v4, v3;
	v4 =	vld [tilespmem:s3+$0x80]  }
0x2e: {  	[tilespmem:s0+$0xFFFFFFA0] =	vst v3;
	v3 =	vld [tilespmem:s3+$0xFFFFFEC0]  }
0x2f: {  	v5 =	vpack.i.f32.bf16 v6, v5;
	v6 =	vld [tilespmem:s3+$0xFFFFFF50]  }
0x30: {  	[tilespmem:s0+$0xFFFFFFE0] =	vst v5;
	v5 =	vld [tilespmem:s3+$0xFFFFFF90]  }
0x31: {  	v8 =	vld [tilespmem:s3+$0xFFFFFFD0];
	v0 =	vpack.i.f32.bf16 v7, v0  }
0x32: {  	v7 =	vld [tilespmem:s3+$0x10];
	[tilespmem:s0+$0x70] =	vst v0  }
0x33: {  	v0 =	vpack.i.f32.bf16 v2, v3;
	v2 =	vld [tilespmem:s3+$0xE0]  }
0x34: {  	[tilespmem:s0+$0xFFFFFF60] =	vst v0;
	v0 =	vld [tilespmem:s3+$0x120]  }
0x35: {  	v1 =	vpack.i.f32.bf16 v4, v1;
	v3 =	vld [tilespmem:s3+$0xFFFFFED0]  }
0x36: {  	[tilespmem:s0+$0x20] =	vst v1;
	v1 =	vld [tilespmem:s3+$0xFFFFFF10]  }
0x37: {  	v4 =	vpack.i.f32.bf16 v5, v6;
	v5 =	vld [tilespmem:s3+$0x50]  }
0x38: {  	[tilespmem:s0+$0xFFFFFFB0] =	vst v4;
	v4 =	vld [tilespmem:s3+$0x90]  }
0x39: {  	v6 =	vld [tilespmem:s3+$0xFFFFFF60];
	v0 =	vpack.i.f32.bf16 v0, v2  }
0x3a: {  	v2 =	vld [tilespmem:s3+$0xFFFFFFA0];
	[tilespmem:s0+$0x80] =	vst v0  }
0x3b: {  	v0 =	vpack.i.f32.bf16 v1, v3;
	v3 =	vld [tilespmem:s3+$0xF0]  }
0x3c: {  	[tilespmem:s0+$0xFFFFFF70] =	vst v0;
	v9 =	vld [tilespmem:s3+$0x130]  }
0x3d: {  	v0 =	vpack.i.f32.bf16 v7, v8;
	v1 =	vld [tilespmem:s3+$0xFFFFFEE0]  }
0x3e: {  	[tilespmem:s0+$0xFFFFFFF0] =	vst v0;
	v0 =	vld [tilespmem:s3+$0xFFFFFF20]  }
0x3f: {  	v4 =	vpack.i.f32.bf16 v4, v5;
	v5 =	vld [tilespmem:s3+$0xFFFFFFE0]  }
0x40: {  	[tilespmem:s0+$0x30] =	vst v4;
	v4 =	vld [tilespmem:s3+$0x20]  }
0x41: {  	v7 =	vld [tilespmem:s3+$0xA0];
	v2 =	vpack.i.f32.bf16 v2, v6  }
0x42: {  	v6 =	vld [tilespmem:s3+$0x60];
	[tilespmem:s0+$0xFFFFFFC0] =	vst v2  }
0x43: {  	v63 =	vld [tilespmem:s3+$0xFFFFFF70];
	v0 =	vpack.i.f32.bf16 v0, v1  }
0x44: {  	v10 =	vld [tilespmem:s3+$0xFFFFFFB0];
	[tilespmem:s0+$0xFFFFFF80] =	vst v0  }
0x45: {  	v1 =	vpack.i.f32.bf16 v4, v5;
	v0 =	vld [tilespmem:s3+$0xFFFFFEF0]  }
0x46: {  	v2 =	vld [tilespmem:s3+$0xFFFFFF30];
	[tilespmem:s0+$0x0] =	vst v1  }
0x47: {  	v5 =	vpack.i.f32.bf16 v7, v6;
	v1 =	vld [tilespmem:s3+$0xFFFFFFF0]  }
0x48: {  	v3 =	vpack.i.f32.bf16 v9, v3;
	v4 =	vld [tilespmem:s3+$0x30];
	[tilespmem:s0+$0x40] =	vst v5  }
0x49: {  	[tilespmem:s0+$0x90] =	vst v3;
	v5 =	vpack.i.f32.bf16 v10, v63;
	v3 =	vld [tilespmem:s3+$0x70]  }
0x4a: {  	s2 =	simm.s32 $0x0;
	[tilespmem:s0+$0xFFFFFFD0] =	vst v5;
	v5 =	vld [tilespmem:s3+$0xB0];
	s3 =	simm.s32 $0x3C0  }
.LBB2_2:
0x4b: {  	v6 =	vld [tilespmem:s3+$0xC0];
	v0 =	vpack.i.f32.bf16 v2, v0  }
0x4c: {  	v2 =	vld [tilespmem:s3+$0x100];
	[tilespmem:s0+$0xFFFFFF90] =	vst v0  }
0x4d: {  	v0 =	vld [tilespmem:s3+$0xFFFFFF00];
	v1 =	vpack.i.f32.bf16 v4, v1  }
0x4e: {  	v4 =	vld [tilespmem:s3+$0xFFFFFF40];
	[tilespmem:s0+$0x10] =	vst v1  }
0x4f: {  	s2 =	sadd.s32 $0x5, s2;
	v1 =	vld [tilespmem:s3+$0xFFFFFF80];
	v3 =	vpack.i.f32.bf16 v5, v3  }
0x50: {  	p0 =	slt.u32 s2, $0x127;
	v5 =	vld [tilespmem:s3+$0xFFFFFFC0];
	[tilespmem:s0+$0x50] =	vst v3  }
0x51: {  	s0 =	sadd.s32 $0x140, s0;
	v3 =	vld [tilespmem:s3+$0x0];
	v2 =	vpack.i.f32.bf16 v2, v6  }
0x52: {  	v6 =	vld [tilespmem:s3+$0x40];
	[tilespmem:s0+$0x60] =	vst v2  }
0x53: {  	v2 =	vld [tilespmem:s3+$0xD0]  }
0x54: {  	v1 =	vpack.i.f32.bf16 v1, v4;
	v4 =	vld [tilespmem:s3+$0x110]  }
0x55: {  	[tilespmem:s0+$0xFFFFFFA0] =	vst v1;
	v1 =	vld [tilespmem:s3+$0x80]  }
0x56: {  	v7 =	vld [tilespmem:s3+$0xFFFFFEC0];
	v3 =	vpack.i.f32.bf16 v3, v5  }
0x57: {  	v5 =	vld [tilespmem:s3+$0xFFFFFF50];
	[tilespmem:s0+$0xFFFFFFE0] =	vst v3  }
0x58: {  	v3 =	vld [tilespmem:s3+$0xFFFFFF90]  }
0x59: {  	v8 =	vld [tilespmem:s3+$0xFFFFFFD0];
	v2 =	vpack.i.f32.bf16 v4, v2  }
0x5a: {  	v4 =	vld [tilespmem:s3+$0x10];
	v1 =	vpack.i.f32.bf16 v1, v6;
	[tilespmem:s0+$0x70] =	vst v2  }
0x5b: {  	v0 =	vpack.i.f32.bf16 v0, v7;
	[tilespmem:s0+$0x20] =	vst v1;
	v1 =	vld [tilespmem:s3+$0xE0]  }
0x5c: {  	[tilespmem:s0+$0xFFFFFF60] =	vst v0;
	v0 =	vld [tilespmem:s3+$0x120]  }
0x5d: {  	v2 =	vld [tilespmem:s3+$0xFFFFFED0];
	v3 =	vpack.i.f32.bf16 v3, v5  }
0x5e: {  	v5 =	vld [tilespmem:s3+$0xFFFFFF10];
	[tilespmem:s0+$0xFFFFFFB0] =	vst v3  }
0x5f: {  	v3 =	vpack.i.f32.bf16 v4, v8;
	v4 =	vld [tilespmem:s3+$0x50]  }
0x60: {  	[tilespmem:s0+$0xFFFFFFF0] =	vst v3;
	v3 =	vld [tilespmem:s3+$0x90]  }
0x61: {  	v6 =	vld [tilespmem:s3+$0xFFFFFF60];
	v0 =	vpack.i.f32.bf16 v0, v1  }
0x62: {  	v1 =	vld [tilespmem:s3+$0xFFFFFFA0];
	[tilespmem:s0+$0x80] =	vst v0  }
0x63: {  	v0 =	vpack.i.f32.bf16 v5, v2;
	v2 =	vld [tilespmem:s3+$0xF0]  }
0x64: {  	[tilespmem:s0+$0xFFFFFF70] =	vst v0;
	v0 =	vld [tilespmem:s3+$0x130]  }
0x65: {  	v5 =	vld [tilespmem:s3+$0xFFFFFEE0];
	v3 =	vpack.i.f32.bf16 v3, v4  }
0x66: {  	v4 =	vld [tilespmem:s3+$0xFFFFFF20];
	[tilespmem:s0+$0x30] =	vst v3  }
0x67: {  	v1 =	vpack.i.f32.bf16 v1, v6;
	v3 =	vld [tilespmem:s3+$0xFFFFFFE0]  }
0x68: {  	[tilespmem:s0+$0xFFFFFFC0] =	vst v1;
	v1 =	vld [tilespmem:s3+$0x20]  }
0x69: {  	v6 =	vld [tilespmem:s3+$0x60];
	v0 =	vpack.i.f32.bf16 v0, v2  }
0x6a: {  	v7 =	vld [tilespmem:s3+$0xA0];
	[tilespmem:s0+$0x90] =	vst v0  }
0x6b: {  	v0 =	vpack.i.f32.bf16 v4, v5;
	v5 =	vld [tilespmem:s3+$0xFFFFFF70]  }
0x6c: {  	[tilespmem:s0+$0xFFFFFF80] =	vst v0;
	v8 =	vld [tilespmem:s3+$0xFFFFFFB0]  }
0x6d: {  	v0 =	vld [tilespmem:s3+$0xFFFFFEF0];
	v1 =	vpack.i.f32.bf16 v1, v3  }
.Ltmp0:
0x6e: {  	v2 =	vld [tilespmem:s3+$0xFFFFFF30];
	[tilespmem:s0+$0x0] =	vst v1;
	(pc) =	sbr.rel @p0 .LBB2_2-.Ltmp0, $4  }
0x6f: {  	v1 =	vld [tilespmem:s3+$0xFFFFFFF0];
	v3 =	vpack.i.f32.bf16 v7, v6  }
0x70: {  	v4 =	vld [tilespmem:s3+$0x30];
	[tilespmem:s0+$0x40] =	vst v3  }
0x71: {  	v5 =	vpack.i.f32.bf16 v8, v5;
	v3 =	vld [tilespmem:s3+$0x70]  }
0x72: {  	[tilespmem:s0+$0xFFFFFFD0] =	vst v5;
	v5 =	vld [tilespmem:s3+$0xB0];
	s3 =	sadd.s32 $0x280, s3  }
0x73: {  	_ =	sdelay $0x1  }
0x74: {  	v0 =	vpack.i.f32.bf16 v2, v0  }
0x75: {  	[tilespmem:s0+$0xFFFFFF90] =	vst v0;
	v0 =	vpack.i.f32.bf16 v4, v1  }
0x76: {  	[tilespmem:s0+$0x10] =	vst v0;
	v0 =	vpack.i.f32.bf16 v5, v3  }
0x77: {  	[tilespmem:s0+$0x50] =	vst v0  }
0x78: {  	[hbm4b:s13+s1] =	stream.linear.scatter [tilespmem:s29], [sflag:$0x2], $0x4B00, $0x38;
	[tilespmem:$0x1C200] =	vst v63  }
0x79: {  	_ =	swait.ge [sflag:s26], $0x9600  }
0x7a: {  	[sflag:s26] =	ssyncset.done $0x0  }
0x7b: {  	s3 =	simm.s32 $0x9870;
	[sflag:s26] =	ssyncadd.s32 $0xFFFF6A00  }
0x7c: {  	[tilespmem:s1], [sflag:$0x1] =	stream.linear.gather [hbm4b:s4+s1], $0x9600, $0x38;
	[tilespmem:$0x1C200] =	vst v63  }
0x7d: {  	v0 =	vld [tilespmem:s3+$0xFFFFFF90]  }
0x7e: {  	v1 =	vld [tilespmem:s3+$0xFFFFFFD0]  }
0x7f: {  	v2 =	vld [tilespmem:s3+$0xFFFFFDD0]  }
0x80: {  	v3 =	vld [tilespmem:s3+$0xFFFFFE10]  }
0x81: {  	v4 =	vld [tilespmem:s3+$0xFFFFFE50]  }
0x82: {  	v5 =	vld [tilespmem:s3+$0xFFFFFE90]  }
0x83: {  	s0 =	simm.s32 $0x17830;
	v6 =	vld [tilespmem:s3+$0xFFFFFED0];
	v0 =	vpack.i.f32.bf16 v1, v0  }
0x84: {  	v1 =	vld [tilespmem:s3+$0xFFFFFF10];
	[tilespmem:s0+$0xFFFFFFD0] =	vst v0  }
0x85: {  	v0 =	vld [tilespmem:s3+$0xFFFFFFA0]  }
0x86: {  	v7 =	vld [tilespmem:s3+$0xFFFFFFE0]  }
0x87: {  	v3 =	vpack.i.f32.bf16 v4, v3;
	v4 =	vld [tilespmem:s3+$0xFFFFFF50]  }
0x88: {  	[tilespmem:s0+$0xFFFFFF10] =	vst v3;
	v3 =	vld [tilespmem:s3+$0xFFFFFD90]  }
0x89: {  	v5 =	vpack.i.f32.bf16 v6, v5;
	v6 =	vld [tilespmem:s3+$0xFFFFFE20]  }
0x8a: {  	[tilespmem:s0+$0xFFFFFF50] =	vst v5;
	v5 =	vld [tilespmem:s3+$0xFFFFFE60]  }
0x8b: {  	v8 =	vld [tilespmem:s3+$0xFFFFFEA0];
	v0 =	vpack.i.f32.bf16 v7, v0  }
0x8c: {  	v7 =	vld [tilespmem:s3+$0xFFFFFEE0];
	[tilespmem:s0+$0xFFFFFFE0] =	vst v0  }
0x8d: {  	v0 =	vpack.i.f32.bf16 v2, v3;
	v2 =	vld [tilespmem:s3+$0xFFFFFFB0]  }
0x8e: {  	[tilespmem:s0+$0xFFFFFED0] =	vst v0;
	v0 =	vld [tilespmem:s3+$0xFFFFFFF0]  }
0x8f: {  	v1 =	vpack.i.f32.bf16 v4, v1;
	v3 =	vld [tilespmem:s3+$0xFFFFFDA0]  }
0x90: {  	[tilespmem:s0+$0xFFFFFF90] =	vst v1;
	v1 =	vld [tilespmem:s3+$0xFFFFFDE0]  }
0x91: {  	v4 =	vpack.i.f32.bf16 v5, v6;
	v5 =	vld [tilespmem:s3+$0xFFFFFF20]  }
0x92: {  	[tilespmem:s0+$0xFFFFFF20] =	vst v4;
	v4 =	vld [tilespmem:s3+$0xFFFFFF60]  }
0x93: {  	v6 =	vld [tilespmem:s3+$0xFFFFFE30];
	v0 =	vpack.i.f32.bf16 v0, v2  }
0x94: {  	v2 =	vld [tilespmem:s3+$0xFFFFFE70];
	[tilespmem:s0+$0xFFFFFFF0] =	vst v0  }
0x95: {  	v0 =	vpack.i.f32.bf16 v1, v3;
	v3 =	vld [tilespmem:s3+$0xFFFFFFC0]  }
0x96: {  	[tilespmem:s0+$0xFFFFFEE0] =	vst v0;
	v9 =	vld [tilespmem:s3+$0x0]  }
0x97: {  	v0 =	vpack.i.f32.bf16 v7, v8;
	v1 =	vld [tilespmem:s3+$0xFFFFFDB0]  }
0x98: {  	[tilespmem:s0+$0xFFFFFF60] =	vst v0;
	v0 =	vld [tilespmem:s3+$0xFFFFFDF0]  }
0x99: {  	v4 =	vpack.i.f32.bf16 v4, v5;
	v5 =	vld [tilespmem:s3+$0xFFFFFEB0]  }
0x9a: {  	[tilespmem:s0+$0xFFFFFFA0] =	vst v4;
	v4 =	vld [tilespmem:s3+$0xFFFFFEF0]  }
0x9b: {  	v7 =	vld [tilespmem:s3+$0xFFFFFF70];
	v2 =	vpack.i.f32.bf16 v2, v6  }
0x9c: {  	v6 =	vld [tilespmem:s3+$0xFFFFFF30];
	[tilespmem:s0+$0xFFFFFF30] =	vst v2  }
0x9d: {  	v63 =	vld [tilespmem:s3+$0xFFFFFE40];
	v0 =	vpack.i.f32.bf16 v0, v1  }
0x9e: {  	v10 =	vld [tilespmem:s3+$0xFFFFFE80];
	[tilespmem:s0+$0xFFFFFEF0] =	vst v0  }
0x9f: {  	v1 =	vpack.i.f32.bf16 v4, v5;
	v0 =	vld [tilespmem:s3+$0xFFFFFDC0]  }
0xa0: {  	v2 =	vld [tilespmem:s3+$0xFFFFFE00];
	[tilespmem:s0+$0xFFFFFF70] =	vst v1  }
0xa1: {  	v5 =	vpack.i.f32.bf16 v7, v6;
	v1 =	vld [tilespmem:s3+$0xFFFFFEC0]  }
0xa2: {  	v3 =	vpack.i.f32.bf16 v9, v3;
	v4 =	vld [tilespmem:s3+$0xFFFFFF00];
	[tilespmem:s0+$0xFFFFFFB0] =	vst v5  }
0xa3: {  	[tilespmem:s0+$0x0] =	vst v3;
	v5 =	vpack.i.f32.bf16 v10, v63;
	v3 =	vld [tilespmem:s3+$0xFFFFFF40]  }
0xa4: {  	s2 =	simm.s32 $0x0;
	[tilespmem:s0+$0xFFFFFF40] =	vst v5;
	v5 =	vld [tilespmem:s3+$0xFFFFFF80];
	s3 =	simm.s32 $0x9AF0  }
.LBB2_4:
0xa5: {  	v6 =	vld [tilespmem:s3+$0xFFFFFF90];
	v0 =	vpack.i.f32.bf16 v2, v0  }
0xa6: {  	v2 =	vld [tilespmem:s3+$0xFFFFFFD0];
	[tilespmem:s0+$0xFFFFFF00] =	vst v0  }
0xa7: {  	v0 =	vld [tilespmem:s3+$0xFFFFFDD0];
	v1 =	vpack.i.f32.bf16 v4, v1  }
0xa8: {  	v4 =	vld [tilespmem:s3+$0xFFFFFE10];
	[tilespmem:s0+$0xFFFFFF80] =	vst v1  }
0xa9: {  	s2 =	sadd.s32 $0x5, s2;
	v1 =	vld [tilespmem:s3+$0xFFFFFE50];
	v3 =	vpack.i.f32.bf16 v5, v3  }
0xaa: {  	p0 =	slt.u32 s2, $0x127;
	v5 =	vld [tilespmem:s3+$0xFFFFFE90];
	[tilespmem:s0+$0xFFFFFFC0] =	vst v3  }
0xab: {  	s0 =	sadd.s32 $0x140, s0;
	v3 =	vld [tilespmem:s3+$0xFFFFFED0];
	v2 =	vpack.i.f32.bf16 v2, v6  }
0xac: {  	v6 =	vld [tilespmem:s3+$0xFFFFFF10];
	[tilespmem:s0+$0xFFFFFFD0] =	vst v2  }
0xad: {  	v2 =	vld [tilespmem:s3+$0xFFFFFFA0]  }
0xae: {  	v1 =	vpack.i.f32.bf16 v1, v4;
	v4 =	vld [tilespmem:s3+$0xFFFFFFE0]  }
0xaf: {  	[tilespmem:s0+$0xFFFFFF10] =	vst v1;
	v1 =	vld [tilespmem:s3+$0xFFFFFF50]  }
0xb0: {  	v7 =	vld [tilespmem:s3+$0xFFFFFD90];
	v3 =	vpack.i.f32.bf16 v3, v5  }
0xb1: {  	v5 =	vld [tilespmem:s3+$0xFFFFFE20];
	[tilespmem:s0+$0xFFFFFF50] =	vst v3  }
0xb2: {  	v3 =	vld [tilespmem:s3+$0xFFFFFE60]  }
0xb3: {  	v8 =	vld [tilespmem:s3+$0xFFFFFEA0];
	v2 =	vpack.i.f32.bf16 v4, v2  }
0xb4: {  	v4 =	vld [tilespmem:s3+$0xFFFFFEE0];
	v1 =	vpack.i.f32.bf16 v1, v6;
	[tilespmem:s0+$0xFFFFFFE0] =	vst v2  }
0xb5: {  	v0 =	vpack.i.f32.bf16 v0, v7;
	[tilespmem:s0+$0xFFFFFF90] =	vst v1;
	v1 =	vld [tilespmem:s3+$0xFFFFFFB0]  }
0xb6: {  	[tilespmem:s0+$0xFFFFFED0] =	vst v0;
	v0 =	vld [tilespmem:s3+$0xFFFFFFF0]  }
0xb7: {  	v2 =	vld [tilespmem:s3+$0xFFFFFDA0];
	v3 =	vpack.i.f32.bf16 v3, v5  }
0xb8: {  	v5 =	vld [tilespmem:s3+$0xFFFFFDE0];
	[tilespmem:s0+$0xFFFFFF20] =	vst v3  }
0xb9: {  	v3 =	vpack.i.f32.bf16 v4, v8;
	v4 =	vld [tilespmem:s3+$0xFFFFFF20]  }
0xba: {  	[tilespmem:s0+$0xFFFFFF60] =	vst v3;
	v3 =	vld [tilespmem:s3+$0xFFFFFF60]  }
0xbb: {  	v6 =	vld [tilespmem:s3+$0xFFFFFE30];
	v0 =	vpack.i.f32.bf16 v0, v1  }
0xbc: {  	v1 =	vld [tilespmem:s3+$0xFFFFFE70];
	[tilespmem:s0+$0xFFFFFFF0] =	vst v0  }
0xbd: {  	v0 =	vpack.i.f32.bf16 v5, v2;
	v2 =	vld [tilespmem:s3+$0xFFFFFFC0]  }
0xbe: {  	[tilespmem:s0+$0xFFFFFEE0] =	vst v0;
	v0 =	vld [tilespmem:s3+$0x0]  }
0xbf: {  	v5 =	vld [tilespmem:s3+$0xFFFFFDB0];
	v3 =	vpack.i.f32.bf16 v3, v4  }
0xc0: {  	v4 =	vld [tilespmem:s3+$0xFFFFFDF0];
	[tilespmem:s0+$0xFFFFFFA0] =	vst v3  }
0xc1: {  	v1 =	vpack.i.f32.bf16 v1, v6;
	v3 =	vld [tilespmem:s3+$0xFFFFFEB0]  }
0xc2: {  	[tilespmem:s0+$0xFFFFFF30] =	vst v1;
	v1 =	vld [tilespmem:s3+$0xFFFFFEF0]  }
0xc3: {  	v6 =	vld [tilespmem:s3+$0xFFFFFF30];
	v0 =	vpack.i.f32.bf16 v0, v2  }
0xc4: {  	v7 =	vld [tilespmem:s3+$0xFFFFFF70];
	[tilespmem:s0+$0x0] =	vst v0  }
0xc5: {  	v0 =	vpack.i.f32.bf16 v4, v5;
	v5 =	vld [tilespmem:s3+$0xFFFFFE40]  }
0xc6: {  	[tilespmem:s0+$0xFFFFFEF0] =	vst v0;
	v8 =	vld [tilespmem:s3+$0xFFFFFE80]  }
0xc7: {  	v0 =	vld [tilespmem:s3+$0xFFFFFDC0];
	v1 =	vpack.i.f32.bf16 v1, v3  }
.Ltmp1:
0xc8: {  	v2 =	vld [tilespmem:s3+$0xFFFFFE00];
	[tilespmem:s0+$0xFFFFFF70] =	vst v1;
	(pc) =	sbr.rel @p0 .LBB2_4-.Ltmp1, $4  }
0xc9: {  	v1 =	vld [tilespmem:s3+$0xFFFFFEC0];
	v3 =	vpack.i.f32.bf16 v7, v6  }
0xca: {  	v4 =	vld [tilespmem:s3+$0xFFFFFF00];
	[tilespmem:s0+$0xFFFFFFB0] =	vst v3  }
0xcb: {  	v5 =	vpack.i.f32.bf16 v8, v5;
	v3 =	vld [tilespmem:s3+$0xFFFFFF40]  }
0xcc: {  	[tilespmem:s0+$0xFFFFFF40] =	vst v5;
	v5 =	vld [tilespmem:s3+$0xFFFFFF80];
	s3 =	sadd.s32 $0x280, s3  }
0xcd: {  	_ =	sdelay $0x1  }
0xce: {  	v0 =	vpack.i.f32.bf16 v2, v0  }
0xcf: {  	[tilespmem:s0+$0xFFFFFF00] =	vst v0;
	v0 =	vpack.i.f32.bf16 v4, v1  }
0xd0: {  	[tilespmem:s0+$0xFFFFFF80] =	vst v0;
	v0 =	vpack.i.f32.bf16 v5, v3  }
0xd1: {  	[tilespmem:s0+$0xFFFFFFC0] =	vst v0  }
0xd2: {  	[hbm4b:s14+s1] =	stream.linear.scatter [tilespmem:s30], [sflag:$0x2], $0x4B00, $0x38;
	[tilespmem:$0x1C200] =	vst v63  }
0xd3: {  	_ =	swait.ge [sflag:s26], $0x9600  }
0xd4: {  	[sflag:s26] =	ssyncset.done $0x0  }
0xd5: {  	[sflag:s26] =	ssyncadd.s32 $0xFFFF6A00  }
0xd6: {  	[tilespmem:s28], [sflag:$0x1] =	stream.linear.gather [hbm4b:s5+s1], $0x9600, $0x38;
	[tilespmem:$0x1C200] =	vst v63  }
0xd7: {  	_ =	swait.ge [sflag:s31], $0x4B00  }
0xd8: {  	[sflag:s31] =	ssyncset.done $0x0  }
0xd9: {  	s3 =	simm.s32 $0x140;
	[sflag:s31] =	ssyncadd.s32 $0xFFFFB500  }
0xda: {  	v0 =	vld [tilespmem:s3+$0xC0]  }
0xdb: {  	v1 =	vld [tilespmem:s3+$0x100]  }
0xdc: {  	v2 =	vld [tilespmem:s3+$0xFFFFFF00]  }
0xdd: {  	v3 =	vld [tilespmem:s3+$0xFFFFFF40]  }
0xde: {  	v4 =	vld [tilespmem:s3+$0xFFFFFF80]  }
0xdf: {  	v5 =	vld [tilespmem:s3+$0xFFFFFFC0]  }
0xe0: {  	s0 =	simm.s32 $0x12CA0;
	v6 =	vld [tilespmem:s3+$0x0];
	v0 =	vpack.i.f32.bf16 v1, v0  }
0xe1: {  	v1 =	vld [tilespmem:s3+$0x40];
	[tilespmem:s0+$0x60] =	vst v0  }
0xe2: {  	v0 =	vld [tilespmem:s3+$0xD0]  }
0xe3: {  	v7 =	vld [tilespmem:s3+$0x110]  }
0xe4: {  	v3 =	vpack.i.f32.bf16 v4, v3;
	v4 =	vld [tilespmem:s3+$0x80]  }
0xe5: {  	[tilespmem:s0+$0xFFFFFFA0] =	vst v3;
	v3 =	vld [tilespmem:s3+$0xFFFFFEC0]  }
0xe6: {  	v5 =	vpack.i.f32.bf16 v6, v5;
	v6 =	vld [tilespmem:s3+$0xFFFFFF50]  }
0xe7: {  	[tilespmem:s0+$0xFFFFFFE0] =	vst v5;
	v5 =	vld [tilespmem:s3+$0xFFFFFF90]  }
0xe8: {  	v8 =	vld [tilespmem:s3+$0xFFFFFFD0];
	v0 =	vpack.i.f32.bf16 v7, v0  }
0xe9: {  	v7 =	vld [tilespmem:s3+$0x10];
	[tilespmem:s0+$0x70] =	vst v0  }
0xea: {  	v0 =	vpack.i.f32.bf16 v2, v3;
	v2 =	vld [tilespmem:s3+$0xE0]  }
0xeb: {  	[tilespmem:s0+$0xFFFFFF60] =	vst v0;
	v0 =	vld [tilespmem:s3+$0x120]  }
0xec: {  	v1 =	vpack.i.f32.bf16 v4, v1;
	v3 =	vld [tilespmem:s3+$0xFFFFFED0]  }
0xed: {  	[tilespmem:s0+$0x20] =	vst v1;
	v1 =	vld [tilespmem:s3+$0xFFFFFF10]  }
0xee: {  	v4 =	vpack.i.f32.bf16 v5, v6;
	v5 =	vld [tilespmem:s3+$0x50]  }
0xef: {  	[tilespmem:s0+$0xFFFFFFB0] =	vst v4;
	v4 =	vld [tilespmem:s3+$0x90]  }
0xf0: {  	v6 =	vld [tilespmem:s3+$0xFFFFFF60];
	v0 =	vpack.i.f32.bf16 v0, v2  }
0xf1: {  	v2 =	vld [tilespmem:s3+$0xFFFFFFA0];
	[tilespmem:s0+$0x80] =	vst v0  }
0xf2: {  	v0 =	vpack.i.f32.bf16 v1, v3;
	v3 =	vld [tilespmem:s3+$0xF0]  }
0xf3: {  	[tilespmem:s0+$0xFFFFFF70] =	vst v0;
	v9 =	vld [tilespmem:s3+$0x130]  }
0xf4: {  	v0 =	vpack.i.f32.bf16 v7, v8;
	v1 =	vld [tilespmem:s3+$0xFFFFFEE0]  }
0xf5: {  	[tilespmem:s0+$0xFFFFFFF0] =	vst v0;
	v0 =	vld [tilespmem:s3+$0xFFFFFF20]  }
0xf6: {  	v4 =	vpack.i.f32.bf16 v4, v5;
	v5 =	vld [tilespmem:s3+$0xFFFFFFE0]  }
0xf7: {  	[tilespmem:s0+$0x30] =	vst v4;
	v4 =	vld [tilespmem:s3+$0x20]  }
0xf8: {  	v7 =	vld [tilespmem:s3+$0xA0];
	v2 =	vpack.i.f32.bf16 v2, v6  }
0xf9: {  	v6 =	vld [tilespmem:s3+$0x60];
	[tilespmem:s0+$0xFFFFFFC0] =	vst v2  }
0xfa: {  	v63 =	vld [tilespmem:s3+$0xFFFFFF70];
	v0 =	vpack.i.f32.bf16 v0, v1  }
0xfb: {  	v10 =	vld [tilespmem:s3+$0xFFFFFFB0];
	[tilespmem:s0+$0xFFFFFF80] =	vst v0  }
0xfc: {  	v1 =	vpack.i.f32.bf16 v4, v5;
	v0 =	vld [tilespmem:s3+$0xFFFFFEF0]  }
0xfd: {  	v2 =	vld [tilespmem:s3+$0xFFFFFF30];
	[tilespmem:s0+$0x0] =	vst v1  }
0xfe: {  	v5 =	vpack.i.f32.bf16 v7, v6;
	v1 =	vld [tilespmem:s3+$0xFFFFFFF0]  }
0xff: {  	v3 =	vpack.i.f32.bf16 v9, v3;
	v4 =	vld [tilespmem:s3+$0x30];
	[tilespmem:s0+$0x40] =	vst v5  }
0x100: {  	[tilespmem:s0+$0x90] =	vst v3;
	v5 =	vpack.i.f32.bf16 v10, v63;
	v3 =	vld [tilespmem:s3+$0x70]  }
0x101: {  	s2 =	simm.s32 $0x0;
	[tilespmem:s0+$0xFFFFFFD0] =	vst v5;
	v5 =	vld [tilespmem:s3+$0xB0];
	s3 =	simm.s32 $0x3C0  }
.LBB2_6:
0x102: {  	v6 =	vld [tilespmem:s3+$0xC0];
	v0 =	vpack.i.f32.bf16 v2, v0  }
0x103: {  	v2 =	vld [tilespmem:s3+$0x100];
	[tilespmem:s0+$0xFFFFFF90] =	vst v0  }
0x104: {  	v0 =	vld [tilespmem:s3+$0xFFFFFF00];
	v1 =	vpack.i.f32.bf16 v4, v1  }
0x105: {  	v4 =	vld [tilespmem:s3+$0xFFFFFF40];
	[tilespmem:s0+$0x10] =	vst v1  }
0x106: {  	s2 =	sadd.s32 $0x5, s2;
	v1 =	vld [tilespmem:s3+$0xFFFFFF80];
	v3 =	vpack.i.f32.bf16 v5, v3  }
0x107: {  	p0 =	slt.u32 s2, $0x127;
	v5 =	vld [tilespmem:s3+$0xFFFFFFC0];
	[tilespmem:s0+$0x50] =	vst v3  }
0x108: {  	s0 =	sadd.s32 $0x140, s0;
	v3 =	vld [tilespmem:s3+$0x0];
	v2 =	vpack.i.f32.bf16 v2, v6  }
0x109: {  	v6 =	vld [tilespmem:s3+$0x40];
	[tilespmem:s0+$0x60] =	vst v2  }
0x10a: {  	v2 =	vld [tilespmem:s3+$0xD0]  }
0x10b: {  	v1 =	vpack.i.f32.bf16 v1, v4;
	v4 =	vld [tilespmem:s3+$0x110]  }
0x10c: {  	[tilespmem:s0+$0xFFFFFFA0] =	vst v1;
	v1 =	vld [tilespmem:s3+$0x80]  }
0x10d: {  	v7 =	vld [tilespmem:s3+$0xFFFFFEC0];
	v3 =	vpack.i.f32.bf16 v3, v5  }
0x10e: {  	v5 =	vld [tilespmem:s3+$0xFFFFFF50];
	[tilespmem:s0+$0xFFFFFFE0] =	vst v3  }
0x10f: {  	v3 =	vld [tilespmem:s3+$0xFFFFFF90]  }
0x110: {  	v8 =	vld [tilespmem:s3+$0xFFFFFFD0];
	v2 =	vpack.i.f32.bf16 v4, v2  }
0x111: {  	v4 =	vld [tilespmem:s3+$0x10];
	v1 =	vpack.i.f32.bf16 v1, v6;
	[tilespmem:s0+$0x70] =	vst v2  }
0x112: {  	v0 =	vpack.i.f32.bf16 v0, v7;
	[tilespmem:s0+$0x20] =	vst v1;
	v1 =	vld [tilespmem:s3+$0xE0]  }
0x113: {  	[tilespmem:s0+$0xFFFFFF60] =	vst v0;
	v0 =	vld [tilespmem:s3+$0x120]  }
0x114: {  	v2 =	vld [tilespmem:s3+$0xFFFFFED0];
	v3 =	vpack.i.f32.bf16 v3, v5  }
0x115: {  	v5 =	vld [tilespmem:s3+$0xFFFFFF10];
	[tilespmem:s0+$0xFFFFFFB0] =	vst v3  }
0x116: {  	v3 =	vpack.i.f32.bf16 v4, v8;
	v4 =	vld [tilespmem:s3+$0x50]  }
0x117: {  	[tilespmem:s0+$0xFFFFFFF0] =	vst v3;
	v3 =	vld [tilespmem:s3+$0x90]  }
0x118: {  	v6 =	vld [tilespmem:s3+$0xFFFFFF60];
	v0 =	vpack.i.f32.bf16 v0, v1  }
0x119: {  	v1 =	vld [tilespmem:s3+$0xFFFFFFA0];
	[tilespmem:s0+$0x80] =	vst v0  }
0x11a: {  	v0 =	vpack.i.f32.bf16 v5, v2;
	v2 =	vld [tilespmem:s3+$0xF0]  }
0x11b: {  	[tilespmem:s0+$0xFFFFFF70] =	vst v0;
	v0 =	vld [tilespmem:s3+$0x130]  }
0x11c: {  	v5 =	vld [tilespmem:s3+$0xFFFFFEE0];
	v3 =	vpack.i.f32.bf16 v3, v4  }
0x11d: {  	v4 =	vld [tilespmem:s3+$0xFFFFFF20];
	[tilespmem:s0+$0x30] =	vst v3  }
0x11e: {  	v1 =	vpack.i.f32.bf16 v1, v6;
	v3 =	vld [tilespmem:s3+$0xFFFFFFE0]  }
0x11f: {  	[tilespmem:s0+$0xFFFFFFC0] =	vst v1;
	v1 =	vld [tilespmem:s3+$0x20]  }
0x120: {  	v6 =	vld [tilespmem:s3+$0x60];
	v0 =	vpack.i.f32.bf16 v0, v2  }
0x121: {  	v7 =	vld [tilespmem:s3+$0xA0];
	[tilespmem:s0+$0x90] =	vst v0  }
0x122: {  	v0 =	vpack.i.f32.bf16 v4, v5;
	v5 =	vld [tilespmem:s3+$0xFFFFFF70]  }
0x123: {  	[tilespmem:s0+$0xFFFFFF80] =	vst v0;
	v8 =	vld [tilespmem:s3+$0xFFFFFFB0]  }
0x124: {  	v0 =	vld [tilespmem:s3+$0xFFFFFEF0];
	v1 =	vpack.i.f32.bf16 v1, v3  }
.Ltmp2:
0x125: {  	v2 =	vld [tilespmem:s3+$0xFFFFFF30];
	[tilespmem:s0+$0x0] =	vst v1;
	(pc) =	sbr.rel @p0 .LBB2_6-.Ltmp2, $4  }
0x126: {  	v1 =	vld [tilespmem:s3+$0xFFFFFFF0];
	v3 =	vpack.i.f32.bf16 v7, v6  }
0x127: {  	v4 =	vld [tilespmem:s3+$0x30];
	[tilespmem:s0+$0x40] =	vst v3  }
0x128: {  	v5 =	vpack.i.f32.bf16 v8, v5;
	v3 =	vld [tilespmem:s3+$0x70]  }
0x129: {  	[tilespmem:s0+$0xFFFFFFD0] =	vst v5;
	v5 =	vld [tilespmem:s3+$0xB0];
	s3 =	sadd.s32 $0x280, s3  }
0x12a: {  	_ =	sdelay $0x1  }
0x12b: {  	v0 =	vpack.i.f32.bf16 v2, v0  }
0x12c: {  	[tilespmem:s0+$0xFFFFFF90] =	vst v0;
	v0 =	vpack.i.f32.bf16 v4, v1  }
0x12d: {  	[tilespmem:s0+$0x10] =	vst v0;
	v0 =	vpack.i.f32.bf16 v5, v3  }
0x12e: {  	[tilespmem:s0+$0x50] =	vst v0  }
0x12f: {  	[hbm4b:s15+s1] =	stream.linear.scatter [tilespmem:s29], [sflag:$0x2], $0x4B00, $0x38;
	[tilespmem:$0x1C200] =	vst v63  }
0x130: {  	_ =	swait.ge [sflag:s26], $0x9600  }
0x131: {  	[sflag:s26] =	ssyncset.done $0x0  }
0x132: {  	[sflag:s26] =	ssyncadd.s32 $0xFFFF6A00  }
0x133: {  	[tilespmem:s1], [sflag:$0x1] =	stream.linear.gather [hbm4b:s6+s1], $0x9600, $0x38;
	[tilespmem:$0x1C200] =	vst v63  }
0x134: {  	_ =	swait.ge [sflag:s31], $0x4B00  }
0x135: {  	[sflag:s31] =	ssyncset.done $0x0  }
0x136: {  	s3 =	simm.s32 $0x9870;
	[sflag:s31] =	ssyncadd.s32 $0xFFFFB500  }
0x137: {  	v0 =	vld [tilespmem:s3+$0xFFFFFF90]  }
0x138: {  	v1 =	vld [tilespmem:s3+$0xFFFFFFD0]  }
0x139: {  	v2 =	vld [tilespmem:s3+$0xFFFFFDD0]  }
0x13a: {  	v3 =	vld [tilespmem:s3+$0xFFFFFE10]  }
0x13b: {  	v4 =	vld [tilespmem:s3+$0xFFFFFE50]  }
0x13c: {  	v5 =	vld [tilespmem:s3+$0xFFFFFE90]  }
0x13d: {  	s0 =	simm.s32 $0x17830;
	v6 =	vld [tilespmem:s3+$0xFFFFFED0];
	v0 =	vpack.i.f32.bf16 v1, v0  }
0x13e: {  	v1 =	vld [tilespmem:s3+$0xFFFFFF10];
	[tilespmem:s0+$0xFFFFFFD0] =	vst v0  }
0x13f: {  	v0 =	vld [tilespmem:s3+$0xFFFFFFA0]  }
0x140: {  	v7 =	vld [tilespmem:s3+$0xFFFFFFE0]  }
0x141: {  	v3 =	vpack.i.f32.bf16 v4, v3;
	v4 =	vld [tilespmem:s3+$0xFFFFFF50]  }
0x142: {  	[tilespmem:s0+$0xFFFFFF10] =	vst v3;
	v3 =	vld [tilespmem:s3+$0xFFFFFD90]  }
0x143: {  	v5 =	vpack.i.f32.bf16 v6, v5;
	v6 =	vld [tilespmem:s3+$0xFFFFFE20]  }
0x144: {  	[tilespmem:s0+$0xFFFFFF50] =	vst v5;
	v5 =	vld [tilespmem:s3+$0xFFFFFE60]  }
0x145: {  	v8 =	vld [tilespmem:s3+$0xFFFFFEA0];
	v0 =	vpack.i.f32.bf16 v7, v0  }
0x146: {  	v7 =	vld [tilespmem:s3+$0xFFFFFEE0];
	[tilespmem:s0+$0xFFFFFFE0] =	vst v0  }
0x147: {  	v0 =	vpack.i.f32.bf16 v2, v3;
	v2 =	vld [tilespmem:s3+$0xFFFFFFB0]  }
0x148: {  	[tilespmem:s0+$0xFFFFFED0] =	vst v0;
	v0 =	vld [tilespmem:s3+$0xFFFFFFF0]  }
0x149: {  	v1 =	vpack.i.f32.bf16 v4, v1;
	v3 =	vld [tilespmem:s3+$0xFFFFFDA0]  }
0x14a: {  	[tilespmem:s0+$0xFFFFFF90] =	vst v1;
	v1 =	vld [tilespmem:s3+$0xFFFFFDE0]  }
0x14b: {  	v4 =	vpack.i.f32.bf16 v5, v6;
	v5 =	vld [tilespmem:s3+$0xFFFFFF20]  }
0x14c: {  	[tilespmem:s0+$0xFFFFFF20] =	vst v4;
	v4 =	vld [tilespmem:s3+$0xFFFFFF60]  }
0x14d: {  	v6 =	vld [tilespmem:s3+$0xFFFFFE30];
	v0 =	vpack.i.f32.bf16 v0, v2  }
0x14e: {  	v2 =	vld [tilespmem:s3+$0xFFFFFE70];
	[tilespmem:s0+$0xFFFFFFF0] =	vst v0  }
0x14f: {  	v0 =	vpack.i.f32.bf16 v1, v3;
	v3 =	vld [tilespmem:s3+$0xFFFFFFC0]  }
0x150: {  	[tilespmem:s0+$0xFFFFFEE0] =	vst v0;
	v9 =	vld [tilespmem:s3+$0x0]  }
0x151: {  	v0 =	vpack.i.f32.bf16 v7, v8;
	v1 =	vld [tilespmem:s3+$0xFFFFFDB0]  }
0x152: {  	[tilespmem:s0+$0xFFFFFF60] =	vst v0;
	v0 =	vld [tilespmem:s3+$0xFFFFFDF0]  }
0x153: {  	v4 =	vpack.i.f32.bf16 v4, v5;
	v5 =	vld [tilespmem:s3+$0xFFFFFEB0]  }
0x154: {  	[tilespmem:s0+$0xFFFFFFA0] =	vst v4;
	v4 =	vld [tilespmem:s3+$0xFFFFFEF0]  }
0x155: {  	v7 =	vld [tilespmem:s3+$0xFFFFFF70];
	v2 =	vpack.i.f32.bf16 v2, v6  }
0x156: {  	v6 =	vld [tilespmem:s3+$0xFFFFFF30];
	[tilespmem:s0+$0xFFFFFF30] =	vst v2  }
0x157: {  	v63 =	vld [tilespmem:s3+$0xFFFFFE40];
	v0 =	vpack.i.f32.bf16 v0, v1  }
0x158: {  	v10 =	vld [tilespmem:s3+$0xFFFFFE80];
	[tilespmem:s0+$0xFFFFFEF0] =	vst v0  }
0x159: {  	v1 =	vpack.i.f32.bf16 v4, v5;
	v0 =	vld [tilespmem:s3+$0xFFFFFDC0]  }
0x15a: {  	v2 =	vld [tilespmem:s3+$0xFFFFFE00];
	[tilespmem:s0+$0xFFFFFF70] =	vst v1  }
0x15b: {  	v5 =	vpack.i.f32.bf16 v7, v6;
	v1 =	vld [tilespmem:s3+$0xFFFFFEC0]  }
0x15c: {  	v3 =	vpack.i.f32.bf16 v9, v3;
	v4 =	vld [tilespmem:s3+$0xFFFFFF00];
	[tilespmem:s0+$0xFFFFFFB0] =	vst v5  }
0x15d: {  	[tilespmem:s0+$0x0] =	vst v3;
	v5 =	vpack.i.f32.bf16 v10, v63;
	v3 =	vld [tilespmem:s3+$0xFFFFFF40]  }
0x15e: {  	s2 =	simm.s32 $0x0;
	[tilespmem:s0+$0xFFFFFF40] =	vst v5;
	v5 =	vld [tilespmem:s3+$0xFFFFFF80];
	s3 =	simm.s32 $0x9AF0  }
.LBB2_8:
0x15f: {  	v6 =	vld [tilespmem:s3+$0xFFFFFF90];
	v0 =	vpack.i.f32.bf16 v2, v0  }
0x160: {  	v2 =	vld [tilespmem:s3+$0xFFFFFFD0];
	[tilespmem:s0+$0xFFFFFF00] =	vst v0  }
0x161: {  	v0 =	vld [tilespmem:s3+$0xFFFFFDD0];
	v1 =	vpack.i.f32.bf16 v4, v1  }
0x162: {  	v4 =	vld [tilespmem:s3+$0xFFFFFE10];
	[tilespmem:s0+$0xFFFFFF80] =	vst v1  }
0x163: {  	s2 =	sadd.s32 $0x5, s2;
	v1 =	vld [tilespmem:s3+$0xFFFFFE50];
	v3 =	vpack.i.f32.bf16 v5, v3  }
0x164: {  	p0 =	slt.u32 s2, $0x127;
	v5 =	vld [tilespmem:s3+$0xFFFFFE90];
	[tilespmem:s0+$0xFFFFFFC0] =	vst v3  }
0x165: {  	s0 =	sadd.s32 $0x140, s0;
	v3 =	vld [tilespmem:s3+$0xFFFFFED0];
	v2 =	vpack.i.f32.bf16 v2, v6  }
0x166: {  	v6 =	vld [tilespmem:s3+$0xFFFFFF10];
	[tilespmem:s0+$0xFFFFFFD0] =	vst v2  }
0x167: {  	v2 =	vld [tilespmem:s3+$0xFFFFFFA0]  }
0x168: {  	v1 =	vpack.i.f32.bf16 v1, v4;
	v4 =	vld [tilespmem:s3+$0xFFFFFFE0]  }
0x169: {  	[tilespmem:s0+$0xFFFFFF10] =	vst v1;
	v1 =	vld [tilespmem:s3+$0xFFFFFF50]  }
0x16a: {  	v7 =	vld [tilespmem:s3+$0xFFFFFD90];
	v3 =	vpack.i.f32.bf16 v3, v5  }
0x16b: {  	v5 =	vld [tilespmem:s3+$0xFFFFFE20];
	[tilespmem:s0+$0xFFFFFF50] =	vst v3  }
0x16c: {  	v3 =	vld [tilespmem:s3+$0xFFFFFE60]  }
0x16d: {  	v8 =	vld [tilespmem:s3+$0xFFFFFEA0];
	v2 =	vpack.i.f32.bf16 v4, v2  }
0x16e: {  	v4 =	vld [tilespmem:s3+$0xFFFFFEE0];
	v1 =	vpack.i.f32.bf16 v1, v6;
	[tilespmem:s0+$0xFFFFFFE0] =	vst v2  }
0x16f: {  	v0 =	vpack.i.f32.bf16 v0, v7;
	[tilespmem:s0+$0xFFFFFF90] =	vst v1;
	v1 =	vld [tilespmem:s3+$0xFFFFFFB0]  }
0x170: {  	[tilespmem:s0+$0xFFFFFED0] =	vst v0;
	v0 =	vld [tilespmem:s3+$0xFFFFFFF0]  }
0x171: {  	v2 =	vld [tilespmem:s3+$0xFFFFFDA0];
	v3 =	vpack.i.f32.bf16 v3, v5  }
0x172: {  	v5 =	vld [tilespmem:s3+$0xFFFFFDE0];
	[tilespmem:s0+$0xFFFFFF20] =	vst v3  }
0x173: {  	v3 =	vpack.i.f32.bf16 v4, v8;
	v4 =	vld [tilespmem:s3+$0xFFFFFF20]  }
0x174: {  	[tilespmem:s0+$0xFFFFFF60] =	vst v3;
	v3 =	vld [tilespmem:s3+$0xFFFFFF60]  }
0x175: {  	v6 =	vld [tilespmem:s3+$0xFFFFFE30];
	v0 =	vpack.i.f32.bf16 v0, v1  }
0x176: {  	v1 =	vld [tilespmem:s3+$0xFFFFFE70];
	[tilespmem:s0+$0xFFFFFFF0] =	vst v0  }
0x177: {  	v0 =	vpack.i.f32.bf16 v5, v2;
	v2 =	vld [tilespmem:s3+$0xFFFFFFC0]  }
0x178: {  	[tilespmem:s0+$0xFFFFFEE0] =	vst v0;
	v0 =	vld [tilespmem:s3+$0x0]  }
0x179: {  	v5 =	vld [tilespmem:s3+$0xFFFFFDB0];
	v3 =	vpack.i.f32.bf16 v3, v4  }
0x17a: {  	v4 =	vld [tilespmem:s3+$0xFFFFFDF0];
	[tilespmem:s0+$0xFFFFFFA0] =	vst v3  }
0x17b: {  	v1 =	vpack.i.f32.bf16 v1, v6;
	v3 =	vld [tilespmem:s3+$0xFFFFFEB0]  }
0x17c: {  	[tilespmem:s0+$0xFFFFFF30] =	vst v1;
	v1 =	vld [tilespmem:s3+$0xFFFFFEF0]  }
0x17d: {  	v6 =	vld [tilespmem:s3+$0xFFFFFF30];
	v0 =	vpack.i.f32.bf16 v0, v2  }
0x17e: {  	v7 =	vld [tilespmem:s3+$0xFFFFFF70];
	[tilespmem:s0+$0x0] =	vst v0  }
0x17f: {  	v0 =	vpack.i.f32.bf16 v4, v5;
	v5 =	vld [tilespmem:s3+$0xFFFFFE40]  }
0x180: {  	[tilespmem:s0+$0xFFFFFEF0] =	vst v0;
	v8 =	vld [tilespmem:s3+$0xFFFFFE80]  }
0x181: {  	v0 =	vld [tilespmem:s3+$0xFFFFFDC0];
	v1 =	vpack.i.f32.bf16 v1, v3  }
.Ltmp3:
0x182: {  	v2 =	vld [tilespmem:s3+$0xFFFFFE00];
	[tilespmem:s0+$0xFFFFFF70] =	vst v1;
	(pc) =	sbr.rel @p0 .LBB2_8-.Ltmp3, $4  }
0x183: {  	v1 =	vld [tilespmem:s3+$0xFFFFFEC0];
	v3 =	vpack.i.f32.bf16 v7, v6  }
0x184: {  	v4 =	vld [tilespmem:s3+$0xFFFFFF00];
	[tilespmem:s0+$0xFFFFFFB0] =	vst v3  }
0x185: {  	v5 =	vpack.i.f32.bf16 v8, v5;
	v3 =	vld [tilespmem:s3+$0xFFFFFF40]  }
0x186: {  	[tilespmem:s0+$0xFFFFFF40] =	vst v5;
	v5 =	vld [tilespmem:s3+$0xFFFFFF80];
	s3 =	sadd.s32 $0x280, s3  }
0x187: {  	_ =	sdelay $0x1  }
0x188: {  	v0 =	vpack.i.f32.bf16 v2, v0  }
0x189: {  	[tilespmem:s0+$0xFFFFFF00] =	vst v0;
	v0 =	vpack.i.f32.bf16 v4, v1  }
0x18a: {  	[tilespmem:s0+$0xFFFFFF80] =	vst v0;
	v0 =	vpack.i.f32.bf16 v5, v3  }
0x18b: {  	[tilespmem:s0+$0xFFFFFFC0] =	vst v0  }
0x18c: {  	[hbm4b:s16+s1] =	stream.linear.scatter [tilespmem:s30], [sflag:$0x2], $0x4B00, $0x38;
	[tilespmem:$0x1C200] =	vst v63  }
0x18d: {  	_ =	swait.ge [sflag:s26], $0x9600  }
0x18e: {  	[sflag:s26] =	ssyncset.done $0x0  }
0x18f: {  	[sflag:s26] =	ssyncadd.s32 $0xFFFF6A00  }
0x190: {  	[tilespmem:s28], [sflag:$0x1] =	stream.linear.gather [hbm4b:s7+s1], $0x9600, $0x38;
	[tilespmem:$0x1C200] =	vst v63  }
0x191: {  	_ =	swait.ge [sflag:s31], $0x4B00  }
0x192: {  	[sflag:s31] =	ssyncset.done $0x0  }
0x193: {  	s3 =	simm.s32 $0x140;
	[sflag:s31] =	ssyncadd.s32 $0xFFFFB500  }
0x194: {  	v0 =	vld [tilespmem:s3+$0xC0]  }
0x195: {  	v1 =	vld [tilespmem:s3+$0x100]  }
0x196: {  	v2 =	vld [tilespmem:s3+$0xFFFFFF00]  }
0x197: {  	v3 =	vld [tilespmem:s3+$0xFFFFFF40]  }
0x198: {  	v4 =	vld [tilespmem:s3+$0xFFFFFF80]  }
0x199: {  	v5 =	vld [tilespmem:s3+$0xFFFFFFC0]  }
0x19a: {  	s0 =	simm.s32 $0x12CA0;
	v6 =	vld [tilespmem:s3+$0x0];
	v0 =	vpack.i.f32.bf16 v1, v0  }
0x19b: {  	v1 =	vld [tilespmem:s3+$0x40];
	[tilespmem:s0+$0x60] =	vst v0  }
0x19c: {  	v0 =	vld [tilespmem:s3+$0xD0]  }
0x19d: {  	v7 =	vld [tilespmem:s3+$0x110]  }
0x19e: {  	v3 =	vpack.i.f32.bf16 v4, v3;
	v4 =	vld [tilespmem:s3+$0x80]  }
0x19f: {  	[tilespmem:s0+$0xFFFFFFA0] =	vst v3;
	v3 =	vld [tilespmem:s3+$0xFFFFFEC0]  }
0x1a0: {  	v5 =	vpack.i.f32.bf16 v6, v5;
	v6 =	vld [tilespmem:s3+$0xFFFFFF50]  }
0x1a1: {  	[tilespmem:s0+$0xFFFFFFE0] =	vst v5;
	v5 =	vld [tilespmem:s3+$0xFFFFFF90]  }
0x1a2: {  	v8 =	vld [tilespmem:s3+$0xFFFFFFD0];
	v0 =	vpack.i.f32.bf16 v7, v0  }
0x1a3: {  	v7 =	vld [tilespmem:s3+$0x10];
	[tilespmem:s0+$0x70] =	vst v0  }
0x1a4: {  	v0 =	vpack.i.f32.bf16 v2, v3;
	v2 =	vld [tilespmem:s3+$0xE0]  }
0x1a5: {  	[tilespmem:s0+$0xFFFFFF60] =	vst v0;
	v0 =	vld [tilespmem:s3+$0x120]  }
0x1a6: {  	v1 =	vpack.i.f32.bf16 v4, v1;
	v3 =	vld [tilespmem:s3+$0xFFFFFED0]  }
0x1a7: {  	[tilespmem:s0+$0x20] =	vst v1;
	v1 =	vld [tilespmem:s3+$0xFFFFFF10]  }
0x1a8: {  	v4 =	vpack.i.f32.bf16 v5, v6;
	v5 =	vld [tilespmem:s3+$0x50]  }
0x1a9: {  	[tilespmem:s0+$0xFFFFFFB0] =	vst v4;
	v4 =	vld [tilespmem:s3+$0x90]  }
0x1aa: {  	v6 =	vld [tilespmem:s3+$0xFFFFFF60];
	v0 =	vpack.i.f32.bf16 v0, v2  }
0x1ab: {  	v2 =	vld [tilespmem:s3+$0xFFFFFFA0];
	[tilespmem:s0+$0x80] =	vst v0  }
0x1ac: {  	v0 =	vpack.i.f32.bf16 v1, v3;
	v3 =	vld [tilespmem:s3+$0xF0]  }
0x1ad: {  	[tilespmem:s0+$0xFFFFFF70] =	vst v0;
	v9 =	vld [tilespmem:s3+$0x130]  }
0x1ae: {  	v0 =	vpack.i.f32.bf16 v7, v8;
	v1 =	vld [tilespmem:s3+$0xFFFFFEE0]  }
0x1af: {  	[tilespmem:s0+$0xFFFFFFF0] =	vst v0;
	v0 =	vld [tilespmem:s3+$0xFFFFFF20]  }
0x1b0: {  	v4 =	vpack.i.f32.bf16 v4, v5;
	v5 =	vld [tilespmem:s3+$0xFFFFFFE0]  }
0x1b1: {  	[tilespmem:s0+$0x30] =	vst v4;
	v4 =	vld [tilespmem:s3+$0x20]  }
0x1b2: {  	v7 =	vld [tilespmem:s3+$0xA0];
	v2 =	vpack.i.f32.bf16 v2, v6  }
0x1b3: {  	v6 =	vld [tilespmem:s3+$0x60];
	[tilespmem:s0+$0xFFFFFFC0] =	vst v2  }
0x1b4: {  	v63 =	vld [tilespmem:s3+$0xFFFFFF70];
	v0 =	vpack.i.f32.bf16 v0, v1  }
0x1b5: {  	v10 =	vld [tilespmem:s3+$0xFFFFFFB0];
	[tilespmem:s0+$0xFFFFFF80] =	vst v0  }
0x1b6: {  	v1 =	vpack.i.f32.bf16 v4, v5;
	v0 =	vld [tilespmem:s3+$0xFFFFFEF0]  }
0x1b7: {  	v2 =	vld [tilespmem:s3+$0xFFFFFF30];
	[tilespmem:s0+$0x0] =	vst v1  }
0x1b8: {  	v5 =	vpack.i.f32.bf16 v7, v6;
	v1 =	vld [tilespmem:s3+$0xFFFFFFF0]  }
0x1b9: {  	v3 =	vpack.i.f32.bf16 v9, v3;
	v4 =	vld [tilespmem:s3+$0x30];
	[tilespmem:s0+$0x40] =	vst v5  }
0x1ba: {  	[tilespmem:s0+$0x90] =	vst v3;
	v5 =	vpack.i.f32.bf16 v10, v63;
	v3 =	vld [tilespmem:s3+$0x70]  }
0x1bb: {  	s2 =	simm.s32 $0x0;
	[tilespmem:s0+$0xFFFFFFD0] =	vst v5;
	v5 =	vld [tilespmem:s3+$0xB0];
	s3 =	simm.s32 $0x3C0  }
.LBB2_10:
0x1bc: {  	v6 =	vld [tilespmem:s3+$0xC0];
	v0 =	vpack.i.f32.bf16 v2, v0  }
0x1bd: {  	v2 =	vld [tilespmem:s3+$0x100];
	[tilespmem:s0+$0xFFFFFF90] =	vst v0  }
0x1be: {  	v0 =	vld [tilespmem:s3+$0xFFFFFF00];
	v1 =	vpack.i.f32.bf16 v4, v1  }
0x1bf: {  	v4 =	vld [tilespmem:s3+$0xFFFFFF40];
	[tilespmem:s0+$0x10] =	vst v1  }
0x1c0: {  	s2 =	sadd.s32 $0x5, s2;
	v1 =	vld [tilespmem:s3+$0xFFFFFF80];
	v3 =	vpack.i.f32.bf16 v5, v3  }
0x1c1: {  	p0 =	slt.u32 s2, $0x127;
	v5 =	vld [tilespmem:s3+$0xFFFFFFC0];
	[tilespmem:s0+$0x50] =	vst v3  }
0x1c2: {  	s0 =	sadd.s32 $0x140, s0;
	v3 =	vld [tilespmem:s3+$0x0];
	v2 =	vpack.i.f32.bf16 v2, v6  }
0x1c3: {  	v6 =	vld [tilespmem:s3+$0x40];
	[tilespmem:s0+$0x60] =	vst v2  }
0x1c4: {  	v2 =	vld [tilespmem:s3+$0xD0]  }
0x1c5: {  	v1 =	vpack.i.f32.bf16 v1, v4;
	v4 =	vld [tilespmem:s3+$0x110]  }
0x1c6: {  	[tilespmem:s0+$0xFFFFFFA0] =	vst v1;
	v1 =	vld [tilespmem:s3+$0x80]  }
0x1c7: {  	v7 =	vld [tilespmem:s3+$0xFFFFFEC0];
	v3 =	vpack.i.f32.bf16 v3, v5  }
0x1c8: {  	v5 =	vld [tilespmem:s3+$0xFFFFFF50];
	[tilespmem:s0+$0xFFFFFFE0] =	vst v3  }
0x1c9: {  	v3 =	vld [tilespmem:s3+$0xFFFFFF90]  }
0x1ca: {  	v8 =	vld [tilespmem:s3+$0xFFFFFFD0];
	v2 =	vpack.i.f32.bf16 v4, v2  }
0x1cb: {  	v4 =	vld [tilespmem:s3+$0x10];
	v1 =	vpack.i.f32.bf16 v1, v6;
	[tilespmem:s0+$0x70] =	vst v2  }
0x1cc: {  	v0 =	vpack.i.f32.bf16 v0, v7;
	[tilespmem:s0+$0x20] =	vst v1;
	v1 =	vld [tilespmem:s3+$0xE0]  }
0x1cd: {  	[tilespmem:s0+$0xFFFFFF60] =	vst v0;
	v0 =	vld [tilespmem:s3+$0x120]  }
0x1ce: {  	v2 =	vld [tilespmem:s3+$0xFFFFFED0];
	v3 =	vpack.i.f32.bf16 v3, v5  }
0x1cf: {  	v5 =	vld [tilespmem:s3+$0xFFFFFF10];
	[tilespmem:s0+$0xFFFFFFB0] =	vst v3  }
0x1d0: {  	v3 =	vpack.i.f32.bf16 v4, v8;
	v4 =	vld [tilespmem:s3+$0x50]  }
0x1d1: {  	[tilespmem:s0+$0xFFFFFFF0] =	vst v3;
	v3 =	vld [tilespmem:s3+$0x90]  }
0x1d2: {  	v6 =	vld [tilespmem:s3+$0xFFFFFF60];
	v0 =	vpack.i.f32.bf16 v0, v1  }
0x1d3: {  	v1 =	vld [tilespmem:s3+$0xFFFFFFA0];
	[tilespmem:s0+$0x80] =	vst v0  }
0x1d4: {  	v0 =	vpack.i.f32.bf16 v5, v2;
	v2 =	vld [tilespmem:s3+$0xF0]  }
0x1d5: {  	[tilespmem:s0+$0xFFFFFF70] =	vst v0;
	v0 =	vld [tilespmem:s3+$0x130]  }
0x1d6: {  	v5 =	vld [tilespmem:s3+$0xFFFFFEE0];
	v3 =	vpack.i.f32.bf16 v3, v4  }
0x1d7: {  	v4 =	vld [tilespmem:s3+$0xFFFFFF20];
	[tilespmem:s0+$0x30] =	vst v3  }
0x1d8: {  	v1 =	vpack.i.f32.bf16 v1, v6;
	v3 =	vld [tilespmem:s3+$0xFFFFFFE0]  }
0x1d9: {  	[tilespmem:s0+$0xFFFFFFC0] =	vst v1;
	v1 =	vld [tilespmem:s3+$0x20]  }
0x1da: {  	v6 =	vld [tilespmem:s3+$0x60];
	v0 =	vpack.i.f32.bf16 v0, v2  }
0x1db: {  	v7 =	vld [tilespmem:s3+$0xA0];
	[tilespmem:s0+$0x90] =	vst v0  }
0x1dc: {  	v0 =	vpack.i.f32.bf16 v4, v5;
	v5 =	vld [tilespmem:s3+$0xFFFFFF70]  }
0x1dd: {  	[tilespmem:s0+$0xFFFFFF80] =	vst v0;
	v8 =	vld [tilespmem:s3+$0xFFFFFFB0]  }
0x1de: {  	v0 =	vld [tilespmem:s3+$0xFFFFFEF0];
	v1 =	vpack.i.f32.bf16 v1, v3  }
.Ltmp4:
0x1df: {  	v2 =	vld [tilespmem:s3+$0xFFFFFF30];
	[tilespmem:s0+$0x0] =	vst v1;
	(pc) =	sbr.rel @p0 .LBB2_10-.Ltmp4, $4  }
0x1e0: {  	v1 =	vld [tilespmem:s3+$0xFFFFFFF0];
	v3 =	vpack.i.f32.bf16 v7, v6  }
0x1e1: {  	v4 =	vld [tilespmem:s3+$0x30];
	[tilespmem:s0+$0x40] =	vst v3  }
0x1e2: {  	v5 =	vpack.i.f32.bf16 v8, v5;
	v3 =	vld [tilespmem:s3+$0x70]  }
0x1e3: {  	[tilespmem:s0+$0xFFFFFFD0] =	vst v5;
	v5 =	vld [tilespmem:s3+$0xB0];
	s3 =	sadd.s32 $0x280, s3  }
0x1e4: {  	_ =	sdelay $0x1  }
0x1e5: {  	v0 =	vpack.i.f32.bf16 v2, v0  }
0x1e6: {  	[tilespmem:s0+$0xFFFFFF90] =	vst v0;
	v0 =	vpack.i.f32.bf16 v4, v1  }
0x1e7: {  	[tilespmem:s0+$0x10] =	vst v0;
	v0 =	vpack.i.f32.bf16 v5, v3  }
0x1e8: {  	[tilespmem:s0+$0x50] =	vst v0  }
0x1e9: {  	[hbm4b:s17+s1] =	stream.linear.scatter [tilespmem:s29], [sflag:$0x2], $0x4B00, $0x38;
	[tilespmem:$0x1C200] =	vst v63  }
0x1ea: {  	_ =	swait.ge [sflag:s26], $0x9600  }
0x1eb: {  	[sflag:s26] =	ssyncset.done $0x0  }
0x1ec: {  	[sflag:s26] =	ssyncadd.s32 $0xFFFF6A00  }
0x1ed: {  	[tilespmem:s1], [sflag:$0x1] =	stream.linear.gather [hbm4b:s8+s1], $0x9600, $0x38;
	[tilespmem:$0x1C200] =	vst v63  }
0x1ee: {  	_ =	swait.ge [sflag:s31], $0x4B00  }
0x1ef: {  	[sflag:s31] =	ssyncset.done $0x0  }
0x1f0: {  	s3 =	simm.s32 $0x9870;
	[sflag:s31] =	ssyncadd.s32 $0xFFFFB500  }
0x1f1: {  	v0 =	vld [tilespmem:s3+$0xFFFFFF90]  }
0x1f2: {  	v1 =	vld [tilespmem:s3+$0xFFFFFFD0]  }
0x1f3: {  	v2 =	vld [tilespmem:s3+$0xFFFFFDD0]  }
0x1f4: {  	v3 =	vld [tilespmem:s3+$0xFFFFFE10]  }
0x1f5: {  	v4 =	vld [tilespmem:s3+$0xFFFFFE50]  }
0x1f6: {  	v5 =	vld [tilespmem:s3+$0xFFFFFE90]  }
0x1f7: {  	s0 =	simm.s32 $0x17830;
	v6 =	vld [tilespmem:s3+$0xFFFFFED0];
	v0 =	vpack.i.f32.bf16 v1, v0  }
0x1f8: {  	v1 =	vld [tilespmem:s3+$0xFFFFFF10];
	[tilespmem:s0+$0xFFFFFFD0] =	vst v0  }
0x1f9: {  	v0 =	vld [tilespmem:s3+$0xFFFFFFA0]  }
0x1fa: {  	v7 =	vld [tilespmem:s3+$0xFFFFFFE0]  }
0x1fb: {  	v3 =	vpack.i.f32.bf16 v4, v3;
	v4 =	vld [tilespmem:s3+$0xFFFFFF50]  }
0x1fc: {  	[tilespmem:s0+$0xFFFFFF10] =	vst v3;
	v3 =	vld [tilespmem:s3+$0xFFFFFD90]  }
0x1fd: {  	v5 =	vpack.i.f32.bf16 v6, v5;
	v6 =	vld [tilespmem:s3+$0xFFFFFE20]  }
0x1fe: {  	[tilespmem:s0+$0xFFFFFF50] =	vst v5;
	v5 =	vld [tilespmem:s3+$0xFFFFFE60]  }
0x1ff: {  	v8 =	vld [tilespmem:s3+$0xFFFFFEA0];
	v0 =	vpack.i.f32.bf16 v7, v0  }
0x200: {  	v7 =	vld [tilespmem:s3+$0xFFFFFEE0];
	[tilespmem:s0+$0xFFFFFFE0] =	vst v0  }
0x201: {  	v0 =	vpack.i.f32.bf16 v2, v3;
	v2 =	vld [tilespmem:s3+$0xFFFFFFB0]  }
0x202: {  	[tilespmem:s0+$0xFFFFFED0] =	vst v0;
	v0 =	vld [tilespmem:s3+$0xFFFFFFF0]  }
0x203: {  	v1 =	vpack.i.f32.bf16 v4, v1;
	v3 =	vld [tilespmem:s3+$0xFFFFFDA0]  }
0x204: {  	[tilespmem:s0+$0xFFFFFF90] =	vst v1;
	v1 =	vld [tilespmem:s3+$0xFFFFFDE0]  }
0x205: {  	v4 =	vpack.i.f32.bf16 v5, v6;
	v5 =	vld [tilespmem:s3+$0xFFFFFF20]  }
0x206: {  	[tilespmem:s0+$0xFFFFFF20] =	vst v4;
	v4 =	vld [tilespmem:s3+$0xFFFFFF60]  }
0x207: {  	v6 =	vld [tilespmem:s3+$0xFFFFFE30];
	v0 =	vpack.i.f32.bf16 v0, v2  }
0x208: {  	v2 =	vld [tilespmem:s3+$0xFFFFFE70];
	[tilespmem:s0+$0xFFFFFFF0] =	vst v0  }
0x209: {  	v0 =	vpack.i.f32.bf16 v1, v3;
	v3 =	vld [tilespmem:s3+$0xFFFFFFC0]  }
0x20a: {  	[tilespmem:s0+$0xFFFFFEE0] =	vst v0;
	v9 =	vld [tilespmem:s3+$0x0]  }
0x20b: {  	v0 =	vpack.i.f32.bf16 v7, v8;
	v1 =	vld [tilespmem:s3+$0xFFFFFDB0]  }
0x20c: {  	[tilespmem:s0+$0xFFFFFF60] =	vst v0;
	v0 =	vld [tilespmem:s3+$0xFFFFFDF0]  }
0x20d: {  	v4 =	vpack.i.f32.bf16 v4, v5;
	v5 =	vld [tilespmem:s3+$0xFFFFFEB0]  }
0x20e: {  	[tilespmem:s0+$0xFFFFFFA0] =	vst v4;
	v4 =	vld [tilespmem:s3+$0xFFFFFEF0]  }
0x20f: {  	v7 =	vld [tilespmem:s3+$0xFFFFFF70];
	v2 =	vpack.i.f32.bf16 v2, v6  }
0x210: {  	v6 =	vld [tilespmem:s3+$0xFFFFFF30];
	[tilespmem:s0+$0xFFFFFF30] =	vst v2  }
0x211: {  	v63 =	vld [tilespmem:s3+$0xFFFFFE40];
	v0 =	vpack.i.f32.bf16 v0, v1  }
0x212: {  	v10 =	vld [tilespmem:s3+$0xFFFFFE80];
	[tilespmem:s0+$0xFFFFFEF0] =	vst v0  }
0x213: {  	v1 =	vpack.i.f32.bf16 v4, v5;
	v0 =	vld [tilespmem:s3+$0xFFFFFDC0]  }
0x214: {  	v2 =	vld [tilespmem:s3+$0xFFFFFE00];
	[tilespmem:s0+$0xFFFFFF70] =	vst v1  }
0x215: {  	v5 =	vpack.i.f32.bf16 v7, v6;
	v1 =	vld [tilespmem:s3+$0xFFFFFEC0]  }
0x216: {  	v3 =	vpack.i.f32.bf16 v9, v3;
	v4 =	vld [tilespmem:s3+$0xFFFFFF00];
	[tilespmem:s0+$0xFFFFFFB0] =	vst v5  }
0x217: {  	[tilespmem:s0+$0x0] =	vst v3;
	v5 =	vpack.i.f32.bf16 v10, v63;
	v3 =	vld [tilespmem:s3+$0xFFFFFF40]  }
0x218: {  	s2 =	simm.s32 $0x0;
	[tilespmem:s0+$0xFFFFFF40] =	vst v5;
	v5 =	vld [tilespmem:s3+$0xFFFFFF80];
	s3 =	simm.s32 $0x9AF0  }
.LBB2_12:
0x219: {  	v6 =	vld [tilespmem:s3+$0xFFFFFF90];
	v0 =	vpack.i.f32.bf16 v2, v0  }
0x21a: {  	v2 =	vld [tilespmem:s3+$0xFFFFFFD0];
	[tilespmem:s0+$0xFFFFFF00] =	vst v0  }
0x21b: {  	v0 =	vld [tilespmem:s3+$0xFFFFFDD0];
	v1 =	vpack.i.f32.bf16 v4, v1  }
0x21c: {  	v4 =	vld [tilespmem:s3+$0xFFFFFE10];
	[tilespmem:s0+$0xFFFFFF80] =	vst v1  }
0x21d: {  	s2 =	sadd.s32 $0x5, s2;
	v1 =	vld [tilespmem:s3+$0xFFFFFE50];
	v3 =	vpack.i.f32.bf16 v5, v3  }
0x21e: {  	p0 =	slt.u32 s2, $0x127;
	v5 =	vld [tilespmem:s3+$0xFFFFFE90];
	[tilespmem:s0+$0xFFFFFFC0] =	vst v3  }
0x21f: {  	s0 =	sadd.s32 $0x140, s0;
	v3 =	vld [tilespmem:s3+$0xFFFFFED0];
	v2 =	vpack.i.f32.bf16 v2, v6  }
0x220: {  	v6 =	vld [tilespmem:s3+$0xFFFFFF10];
	[tilespmem:s0+$0xFFFFFFD0] =	vst v2  }
0x221: {  	v2 =	vld [tilespmem:s3+$0xFFFFFFA0]  }
0x222: {  	v1 =	vpack.i.f32.bf16 v1, v4;
	v4 =	vld [tilespmem:s3+$0xFFFFFFE0]  }
0x223: {  	[tilespmem:s0+$0xFFFFFF10] =	vst v1;
	v1 =	vld [tilespmem:s3+$0xFFFFFF50]  }
0x224: {  	v7 =	vld [tilespmem:s3+$0xFFFFFD90];
	v3 =	vpack.i.f32.bf16 v3, v5  }
0x225: {  	v5 =	vld [tilespmem:s3+$0xFFFFFE20];
	[tilespmem:s0+$0xFFFFFF50] =	vst v3  }
0x226: {  	v3 =	vld [tilespmem:s3+$0xFFFFFE60]  }
0x227: {  	v8 =	vld [tilespmem:s3+$0xFFFFFEA0];
	v2 =	vpack.i.f32.bf16 v4, v2  }
0x228: {  	v4 =	vld [tilespmem:s3+$0xFFFFFEE0];
	v1 =	vpack.i.f32.bf16 v1, v6;
	[tilespmem:s0+$0xFFFFFFE0] =	vst v2  }
0x229: {  	v0 =	vpack.i.f32.bf16 v0, v7;
	[tilespmem:s0+$0xFFFFFF90] =	vst v1;
	v1 =	vld [tilespmem:s3+$0xFFFFFFB0]  }
0x22a: {  	[tilespmem:s0+$0xFFFFFED0] =	vst v0;
	v0 =	vld [tilespmem:s3+$0xFFFFFFF0]  }
0x22b: {  	v2 =	vld [tilespmem:s3+$0xFFFFFDA0];
	v3 =	vpack.i.f32.bf16 v3, v5  }
0x22c: {  	v5 =	vld [tilespmem:s3+$0xFFFFFDE0];
	[tilespmem:s0+$0xFFFFFF20] =	vst v3  }
0x22d: {  	v3 =	vpack.i.f32.bf16 v4, v8;
	v4 =	vld [tilespmem:s3+$0xFFFFFF20]  }
0x22e: {  	[tilespmem:s0+$0xFFFFFF60] =	vst v3;
	v3 =	vld [tilespmem:s3+$0xFFFFFF60]  }
0x22f: {  	v6 =	vld [tilespmem:s3+$0xFFFFFE30];
	v0 =	vpack.i.f32.bf16 v0, v1  }
0x230: {  	v1 =	vld [tilespmem:s3+$0xFFFFFE70];
	[tilespmem:s0+$0xFFFFFFF0] =	vst v0  }
0x231: {  	v0 =	vpack.i.f32.bf16 v5, v2;
	v2 =	vld [tilespmem:s3+$0xFFFFFFC0]  }
0x232: {  	[tilespmem:s0+$0xFFFFFEE0] =	vst v0;
	v0 =	vld [tilespmem:s3+$0x0]  }
0x233: {  	v5 =	vld [tilespmem:s3+$0xFFFFFDB0];
	v3 =	vpack.i.f32.bf16 v3, v4  }
0x234: {  	v4 =	vld [tilespmem:s3+$0xFFFFFDF0];
	[tilespmem:s0+$0xFFFFFFA0] =	vst v3  }
0x235: {  	v1 =	vpack.i.f32.bf16 v1, v6;
	v3 =	vld [tilespmem:s3+$0xFFFFFEB0]  }
0x236: {  	[tilespmem:s0+$0xFFFFFF30] =	vst v1;
	v1 =	vld [tilespmem:s3+$0xFFFFFEF0]  }
0x237: {  	v6 =	vld [tilespmem:s3+$0xFFFFFF30];
	v0 =	vpack.i.f32.bf16 v0, v2  }
0x238: {  	v7 =	vld [tilespmem:s3+$0xFFFFFF70];
	[tilespmem:s0+$0x0] =	vst v0  }
0x239: {  	v0 =	vpack.i.f32.bf16 v4, v5;
	v5 =	vld [tilespmem:s3+$0xFFFFFE40]  }
0x23a: {  	[tilespmem:s0+$0xFFFFFEF0] =	vst v0;
	v8 =	vld [tilespmem:s3+$0xFFFFFE80]  }
0x23b: {  	v0 =	vld [tilespmem:s3+$0xFFFFFDC0];
	v1 =	vpack.i.f32.bf16 v1, v3  }
.Ltmp5:
0x23c: {  	v2 =	vld [tilespmem:s3+$0xFFFFFE00];
	[tilespmem:s0+$0xFFFFFF70] =	vst v1;
	(pc) =	sbr.rel @p0 .LBB2_12-.Ltmp5, $4  }
0x23d: {  	v1 =	vld [tilespmem:s3+$0xFFFFFEC0];
	v3 =	vpack.i.f32.bf16 v7, v6  }
0x23e: {  	v4 =	vld [tilespmem:s3+$0xFFFFFF00];
	[tilespmem:s0+$0xFFFFFFB0] =	vst v3  }
0x23f: {  	v5 =	vpack.i.f32.bf16 v8, v5;
	v3 =	vld [tilespmem:s3+$0xFFFFFF40]  }
0x240: {  	[tilespmem:s0+$0xFFFFFF40] =	vst v5;
	v5 =	vld [tilespmem:s3+$0xFFFFFF80];
	s3 =	sadd.s32 $0x280, s3  }
0x241: {  	_ =	sdelay $0x1  }
0x242: {  	v0 =	vpack.i.f32.bf16 v2, v0  }
0x243: {  	[tilespmem:s0+$0xFFFFFF00] =	vst v0;
	v0 =	vpack.i.f32.bf16 v4, v1  }
0x244: {  	[tilespmem:s0+$0xFFFFFF80] =	vst v0;
	v0 =	vpack.i.f32.bf16 v5, v3  }
0x245: {  	[tilespmem:s0+$0xFFFFFFC0] =	vst v0  }
0x246: {  	[hbm4b:s18+s1] =	stream.linear.scatter [tilespmem:s30], [sflag:$0x2], $0x4B00, $0x38;
	[tilespmem:$0x1C200] =	vst v63  }
0x247: {  	_ =	swait.ge [sflag:s26], $0x9600  }
0x248: {  	[sflag:s26] =	ssyncset.done $0x0  }
0x249: {  	[sflag:s26] =	ssyncadd.s32 $0xFFFF6A00  }
0x24a: {  	[tilespmem:s28], [sflag:$0x1] =	stream.linear.gather [hbm4b:s9+s1], $0x9600, $0x38;
	[tilespmem:$0x1C200] =	vst v63  }
0x24b: {  	_ =	swait.ge [sflag:s31], $0x4B00  }
0x24c: {  	[sflag:s31] =	ssyncset.done $0x0  }
0x24d: {  	s3 =	simm.s32 $0x140;
	[sflag:s31] =	ssyncadd.s32 $0xFFFFB500  }
0x24e: {  	v0 =	vld [tilespmem:s3+$0xC0]  }
0x24f: {  	v1 =	vld [tilespmem:s3+$0x100]  }
0x250: {  	v2 =	vld [tilespmem:s3+$0xFFFFFF00]  }
0x251: {  	v3 =	vld [tilespmem:s3+$0xFFFFFF40]  }
0x252: {  	v4 =	vld [tilespmem:s3+$0xFFFFFF80]  }
0x253: {  	v5 =	vld [tilespmem:s3+$0xFFFFFFC0]  }
0x254: {  	s0 =	simm.s32 $0x12CA0;
	v6 =	vld [tilespmem:s3+$0x0];
	v0 =	vpack.i.f32.bf16 v1, v0  }
0x255: {  	v1 =	vld [tilespmem:s3+$0x40];
	[tilespmem:s0+$0x60] =	vst v0  }
0x256: {  	v0 =	vld [tilespmem:s3+$0xD0]  }
0x257: {  	v7 =	vld [tilespmem:s3+$0x110]  }
0x258: {  	v3 =	vpack.i.f32.bf16 v4, v3;
	v4 =	vld [tilespmem:s3+$0x80]  }
0x259: {  	[tilespmem:s0+$0xFFFFFFA0] =	vst v3;
	v3 =	vld [tilespmem:s3+$0xFFFFFEC0]  }
0x25a: {  	v5 =	vpack.i.f32.bf16 v6, v5;
	v6 =	vld [tilespmem:s3+$0xFFFFFF50]  }
0x25b: {  	[tilespmem:s0+$0xFFFFFFE0] =	vst v5;
	v5 =	vld [tilespmem:s3+$0xFFFFFF90]  }
0x25c: {  	v8 =	vld [tilespmem:s3+$0xFFFFFFD0];
	v0 =	vpack.i.f32.bf16 v7, v0  }
0x25d: {  	v7 =	vld [tilespmem:s3+$0x10];
	[tilespmem:s0+$0x70] =	vst v0  }
0x25e: {  	v0 =	vpack.i.f32.bf16 v2, v3;
	v2 =	vld [tilespmem:s3+$0xE0]  }
0x25f: {  	[tilespmem:s0+$0xFFFFFF60] =	vst v0;
	v0 =	vld [tilespmem:s3+$0x120]  }
0x260: {  	v1 =	vpack.i.f32.bf16 v4, v1;
	v3 =	vld [tilespmem:s3+$0xFFFFFED0]  }
0x261: {  	[tilespmem:s0+$0x20] =	vst v1;
	v1 =	vld [tilespmem:s3+$0xFFFFFF10]  }
0x262: {  	v4 =	vpack.i.f32.bf16 v5, v6;
	v5 =	vld [tilespmem:s3+$0x50]  }
0x263: {  	[tilespmem:s0+$0xFFFFFFB0] =	vst v4;
	v4 =	vld [tilespmem:s3+$0x90]  }
0x264: {  	v6 =	vld [tilespmem:s3+$0xFFFFFF60];
	v0 =	vpack.i.f32.bf16 v0, v2  }
0x265: {  	v2 =	vld [tilespmem:s3+$0xFFFFFFA0];
	[tilespmem:s0+$0x80] =	vst v0  }
0x266: {  	v0 =	vpack.i.f32.bf16 v1, v3;
	v3 =	vld [tilespmem:s3+$0xF0]  }
0x267: {  	[tilespmem:s0+$0xFFFFFF70] =	vst v0;
	v9 =	vld [tilespmem:s3+$0x130]  }
0x268: {  	v0 =	vpack.i.f32.bf16 v7, v8;
	v1 =	vld [tilespmem:s3+$0xFFFFFEE0]  }
0x269: {  	[tilespmem:s0+$0xFFFFFFF0] =	vst v0;
	v0 =	vld [tilespmem:s3+$0xFFFFFF20]  }
0x26a: {  	v4 =	vpack.i.f32.bf16 v4, v5;
	v5 =	vld [tilespmem:s3+$0xFFFFFFE0]  }
0x26b: {  	[tilespmem:s0+$0x30] =	vst v4;
	v4 =	vld [tilespmem:s3+$0x20]  }
0x26c: {  	v7 =	vld [tilespmem:s3+$0xA0];
	v2 =	vpack.i.f32.bf16 v2, v6  }
0x26d: {  	v6 =	vld [tilespmem:s3+$0x60];
	[tilespmem:s0+$0xFFFFFFC0] =	vst v2  }
0x26e: {  	v63 =	vld [tilespmem:s3+$0xFFFFFF70];
	v0 =	vpack.i.f32.bf16 v0, v1  }
0x26f: {  	v10 =	vld [tilespmem:s3+$0xFFFFFFB0];
	[tilespmem:s0+$0xFFFFFF80] =	vst v0  }
0x270: {  	v1 =	vpack.i.f32.bf16 v4, v5;
	v0 =	vld [tilespmem:s3+$0xFFFFFEF0]  }
0x271: {  	v2 =	vld [tilespmem:s3+$0xFFFFFF30];
	[tilespmem:s0+$0x0] =	vst v1  }
0x272: {  	v5 =	vpack.i.f32.bf16 v7, v6;
	v1 =	vld [tilespmem:s3+$0xFFFFFFF0]  }
0x273: {  	v3 =	vpack.i.f32.bf16 v9, v3;
	v4 =	vld [tilespmem:s3+$0x30];
	[tilespmem:s0+$0x40] =	vst v5  }
0x274: {  	[tilespmem:s0+$0x90] =	vst v3;
	v5 =	vpack.i.f32.bf16 v10, v63;
	v3 =	vld [tilespmem:s3+$0x70]  }
0x275: {  	s2 =	simm.s32 $0x0;
	[tilespmem:s0+$0xFFFFFFD0] =	vst v5;
	v5 =	vld [tilespmem:s3+$0xB0];
	s3 =	simm.s32 $0x3C0  }
.LBB2_14:
0x276: {  	v6 =	vld [tilespmem:s3+$0xC0];
	v0 =	vpack.i.f32.bf16 v2, v0  }
0x277: {  	v2 =	vld [tilespmem:s3+$0x100];
	[tilespmem:s0+$0xFFFFFF90] =	vst v0  }
0x278: {  	v0 =	vld [tilespmem:s3+$0xFFFFFF00];
	v1 =	vpack.i.f32.bf16 v4, v1  }
0x279: {  	v4 =	vld [tilespmem:s3+$0xFFFFFF40];
	[tilespmem:s0+$0x10] =	vst v1  }
0x27a: {  	s2 =	sadd.s32 $0x5, s2;
	v1 =	vld [tilespmem:s3+$0xFFFFFF80];
	v3 =	vpack.i.f32.bf16 v5, v3  }
0x27b: {  	p0 =	slt.u32 s2, $0x127;
	v5 =	vld [tilespmem:s3+$0xFFFFFFC0];
	[tilespmem:s0+$0x50] =	vst v3  }
0x27c: {  	s0 =	sadd.s32 $0x140, s0;
	v3 =	vld [tilespmem:s3+$0x0];
	v2 =	vpack.i.f32.bf16 v2, v6  }
0x27d: {  	v6 =	vld [tilespmem:s3+$0x40];
	[tilespmem:s0+$0x60] =	vst v2  }
0x27e: {  	v2 =	vld [tilespmem:s3+$0xD0]  }
0x27f: {  	v1 =	vpack.i.f32.bf16 v1, v4;
	v4 =	vld [tilespmem:s3+$0x110]  }
0x280: {  	[tilespmem:s0+$0xFFFFFFA0] =	vst v1;
	v1 =	vld [tilespmem:s3+$0x80]  }
0x281: {  	v7 =	vld [tilespmem:s3+$0xFFFFFEC0];
	v3 =	vpack.i.f32.bf16 v3, v5  }
0x282: {  	v5 =	vld [tilespmem:s3+$0xFFFFFF50];
	[tilespmem:s0+$0xFFFFFFE0] =	vst v3  }
0x283: {  	v3 =	vld [tilespmem:s3+$0xFFFFFF90]  }
0x284: {  	v8 =	vld [tilespmem:s3+$0xFFFFFFD0];
	v2 =	vpack.i.f32.bf16 v4, v2  }
0x285: {  	v4 =	vld [tilespmem:s3+$0x10];
	v1 =	vpack.i.f32.bf16 v1, v6;
	[tilespmem:s0+$0x70] =	vst v2  }
0x286: {  	v0 =	vpack.i.f32.bf16 v0, v7;
	[tilespmem:s0+$0x20] =	vst v1;
	v1 =	vld [tilespmem:s3+$0xE0]  }
0x287: {  	[tilespmem:s0+$0xFFFFFF60] =	vst v0;
	v0 =	vld [tilespmem:s3+$0x120]  }
0x288: {  	v2 =	vld [tilespmem:s3+$0xFFFFFED0];
	v3 =	vpack.i.f32.bf16 v3, v5  }
0x289: {  	v5 =	vld [tilespmem:s3+$0xFFFFFF10];
	[tilespmem:s0+$0xFFFFFFB0] =	vst v3  }
0x28a: {  	v3 =	vpack.i.f32.bf16 v4, v8;
	v4 =	vld [tilespmem:s3+$0x50]  }
0x28b: {  	[tilespmem:s0+$0xFFFFFFF0] =	vst v3;
	v3 =	vld [tilespmem:s3+$0x90]  }
0x28c: {  	v6 =	vld [tilespmem:s3+$0xFFFFFF60];
	v0 =	vpack.i.f32.bf16 v0, v1  }
0x28d: {  	v1 =	vld [tilespmem:s3+$0xFFFFFFA0];
	[tilespmem:s0+$0x80] =	vst v0  }
0x28e: {  	v0 =	vpack.i.f32.bf16 v5, v2;
	v2 =	vld [tilespmem:s3+$0xF0]  }
0x28f: {  	[tilespmem:s0+$0xFFFFFF70] =	vst v0;
	v0 =	vld [tilespmem:s3+$0x130]  }
0x290: {  	v5 =	vld [tilespmem:s3+$0xFFFFFEE0];
	v3 =	vpack.i.f32.bf16 v3, v4  }
0x291: {  	v4 =	vld [tilespmem:s3+$0xFFFFFF20];
	[tilespmem:s0+$0x30] =	vst v3  }
0x292: {  	v1 =	vpack.i.f32.bf16 v1, v6;
	v3 =	vld [tilespmem:s3+$0xFFFFFFE0]  }
0x293: {  	[tilespmem:s0+$0xFFFFFFC0] =	vst v1;
	v1 =	vld [tilespmem:s3+$0x20]  }
0x294: {  	v6 =	vld [tilespmem:s3+$0x60];
	v0 =	vpack.i.f32.bf16 v0, v2  }
0x295: {  	v7 =	vld [tilespmem:s3+$0xA0];
	[tilespmem:s0+$0x90] =	vst v0  }
0x296: {  	v0 =	vpack.i.f32.bf16 v4, v5;
	v5 =	vld [tilespmem:s3+$0xFFFFFF70]  }
0x297: {  	[tilespmem:s0+$0xFFFFFF80] =	vst v0;
	v8 =	vld [tilespmem:s3+$0xFFFFFFB0]  }
0x298: {  	v0 =	vld [tilespmem:s3+$0xFFFFFEF0];
	v1 =	vpack.i.f32.bf16 v1, v3  }
.Ltmp6:
0x299: {  	v2 =	vld [tilespmem:s3+$0xFFFFFF30];
	[tilespmem:s0+$0x0] =	vst v1;
	(pc) =	sbr.rel @p0 .LBB2_14-.Ltmp6, $4  }
0x29a: {  	v1 =	vld [tilespmem:s3+$0xFFFFFFF0];
	v3 =	vpack.i.f32.bf16 v7, v6  }
0x29b: {  	v4 =	vld [tilespmem:s3+$0x30];
	[tilespmem:s0+$0x40] =	vst v3  }
0x29c: {  	v5 =	vpack.i.f32.bf16 v8, v5;
	v3 =	vld [tilespmem:s3+$0x70]  }
0x29d: {  	[tilespmem:s0+$0xFFFFFFD0] =	vst v5;
	v5 =	vld [tilespmem:s3+$0xB0];
	s3 =	sadd.s32 $0x280, s3  }
0x29e: {  	_ =	sdelay $0x1  }
0x29f: {  	v0 =	vpack.i.f32.bf16 v2, v0  }
0x2a0: {  	[tilespmem:s0+$0xFFFFFF90] =	vst v0;
	v0 =	vpack.i.f32.bf16 v4, v1  }
0x2a1: {  	[tilespmem:s0+$0x10] =	vst v0;
	v0 =	vpack.i.f32.bf16 v5, v3  }
0x2a2: {  	[tilespmem:s0+$0x50] =	vst v0  }
0x2a3: {  	[hbm4b:s19+s1] =	stream.linear.scatter [tilespmem:s29], [sflag:$0x2], $0x4B00, $0x38;
	[tilespmem:$0x1C200] =	vst v63  }
0x2a4: {  	_ =	swait.ge [sflag:s26], $0x9600  }
0x2a5: {  	[sflag:s26] =	ssyncset.done $0x0  }
0x2a6: {  	[sflag:s26] =	ssyncadd.s32 $0xFFFF6A00  }
0x2a7: {  	[tilespmem:s1], [sflag:$0x1] =	stream.linear.gather [hbm4b:s10+s1], $0x9600, $0x38;
	[tilespmem:$0x1C200] =	vst v63  }
0x2a8: {  	_ =	swait.ge [sflag:s31], $0x4B00  }
0x2a9: {  	[sflag:s31] =	ssyncset.done $0x0  }
0x2aa: {  	s3 =	simm.s32 $0x9870;
	[sflag:s31] =	ssyncadd.s32 $0xFFFFB500  }
0x2ab: {  	v0 =	vld [tilespmem:s3+$0xFFFFFF90]  }
0x2ac: {  	v1 =	vld [tilespmem:s3+$0xFFFFFFD0]  }
0x2ad: {  	v2 =	vld [tilespmem:s3+$0xFFFFFDD0]  }
0x2ae: {  	v3 =	vld [tilespmem:s3+$0xFFFFFE10]  }
0x2af: {  	v4 =	vld [tilespmem:s3+$0xFFFFFE50]  }
0x2b0: {  	v5 =	vld [tilespmem:s3+$0xFFFFFE90]  }
0x2b1: {  	s0 =	simm.s32 $0x17830;
	v6 =	vld [tilespmem:s3+$0xFFFFFED0];
	v0 =	vpack.i.f32.bf16 v1, v0  }
0x2b2: {  	v1 =	vld [tilespmem:s3+$0xFFFFFF10];
	[tilespmem:s0+$0xFFFFFFD0] =	vst v0  }
0x2b3: {  	v0 =	vld [tilespmem:s3+$0xFFFFFFA0]  }
0x2b4: {  	v7 =	vld [tilespmem:s3+$0xFFFFFFE0]  }
0x2b5: {  	v3 =	vpack.i.f32.bf16 v4, v3;
	v4 =	vld [tilespmem:s3+$0xFFFFFF50]  }
0x2b6: {  	[tilespmem:s0+$0xFFFFFF10] =	vst v3;
	v3 =	vld [tilespmem:s3+$0xFFFFFD90]  }
0x2b7: {  	v5 =	vpack.i.f32.bf16 v6, v5;
	v6 =	vld [tilespmem:s3+$0xFFFFFE20]  }
0x2b8: {  	[tilespmem:s0+$0xFFFFFF50] =	vst v5;
	v5 =	vld [tilespmem:s3+$0xFFFFFE60]  }
0x2b9: {  	v8 =	vld [tilespmem:s3+$0xFFFFFEA0];
	v0 =	vpack.i.f32.bf16 v7, v0  }
0x2ba: {  	v7 =	vld [tilespmem:s3+$0xFFFFFEE0];
	[tilespmem:s0+$0xFFFFFFE0] =	vst v0  }
0x2bb: {  	v0 =	vpack.i.f32.bf16 v2, v3;
	v2 =	vld [tilespmem:s3+$0xFFFFFFB0]  }
0x2bc: {  	[tilespmem:s0+$0xFFFFFED0] =	vst v0;
	v0 =	vld [tilespmem:s3+$0xFFFFFFF0]  }
0x2bd: {  	v1 =	vpack.i.f32.bf16 v4, v1;
	v3 =	vld [tilespmem:s3+$0xFFFFFDA0]  }
0x2be: {  	[tilespmem:s0+$0xFFFFFF90] =	vst v1;
	v1 =	vld [tilespmem:s3+$0xFFFFFDE0]  }
0x2bf: {  	v4 =	vpack.i.f32.bf16 v5, v6;
	v5 =	vld [tilespmem:s3+$0xFFFFFF20]  }
0x2c0: {  	[tilespmem:s0+$0xFFFFFF20] =	vst v4;
	v4 =	vld [tilespmem:s3+$0xFFFFFF60]  }
0x2c1: {  	v6 =	vld [tilespmem:s3+$0xFFFFFE30];
	v0 =	vpack.i.f32.bf16 v0, v2  }
0x2c2: {  	v2 =	vld [tilespmem:s3+$0xFFFFFE70];
	[tilespmem:s0+$0xFFFFFFF0] =	vst v0  }
0x2c3: {  	v0 =	vpack.i.f32.bf16 v1, v3;
	v3 =	vld [tilespmem:s3+$0xFFFFFFC0]  }
0x2c4: {  	[tilespmem:s0+$0xFFFFFEE0] =	vst v0;
	v9 =	vld [tilespmem:s3+$0x0]  }
0x2c5: {  	v0 =	vpack.i.f32.bf16 v7, v8;
	v1 =	vld [tilespmem:s3+$0xFFFFFDB0]  }
0x2c6: {  	[tilespmem:s0+$0xFFFFFF60] =	vst v0;
	v0 =	vld [tilespmem:s3+$0xFFFFFDF0]  }
0x2c7: {  	v4 =	vpack.i.f32.bf16 v4, v5;
	v5 =	vld [tilespmem:s3+$0xFFFFFEB0]  }
0x2c8: {  	[tilespmem:s0+$0xFFFFFFA0] =	vst v4;
	v4 =	vld [tilespmem:s3+$0xFFFFFEF0]  }
0x2c9: {  	v7 =	vld [tilespmem:s3+$0xFFFFFF70];
	v2 =	vpack.i.f32.bf16 v2, v6  }
0x2ca: {  	v6 =	vld [tilespmem:s3+$0xFFFFFF30];
	[tilespmem:s0+$0xFFFFFF30] =	vst v2  }
0x2cb: {  	v63 =	vld [tilespmem:s3+$0xFFFFFE40];
	v0 =	vpack.i.f32.bf16 v0, v1  }
0x2cc: {  	v10 =	vld [tilespmem:s3+$0xFFFFFE80];
	[tilespmem:s0+$0xFFFFFEF0] =	vst v0  }
0x2cd: {  	v1 =	vpack.i.f32.bf16 v4, v5;
	v0 =	vld [tilespmem:s3+$0xFFFFFDC0]  }
0x2ce: {  	v2 =	vld [tilespmem:s3+$0xFFFFFE00];
	[tilespmem:s0+$0xFFFFFF70] =	vst v1  }
0x2cf: {  	v5 =	vpack.i.f32.bf16 v7, v6;
	v1 =	vld [tilespmem:s3+$0xFFFFFEC0]  }
0x2d0: {  	v3 =	vpack.i.f32.bf16 v9, v3;
	v4 =	vld [tilespmem:s3+$0xFFFFFF00];
	[tilespmem:s0+$0xFFFFFFB0] =	vst v5  }
0x2d1: {  	[tilespmem:s0+$0x0] =	vst v3;
	v5 =	vpack.i.f32.bf16 v10, v63;
	v3 =	vld [tilespmem:s3+$0xFFFFFF40]  }
0x2d2: {  	s2 =	simm.s32 $0x0;
	[tilespmem:s0+$0xFFFFFF40] =	vst v5;
	v5 =	vld [tilespmem:s3+$0xFFFFFF80];
	s3 =	simm.s32 $0x9AF0  }
.LBB2_16:
0x2d3: {  	v6 =	vld [tilespmem:s3+$0xFFFFFF90];
	v0 =	vpack.i.f32.bf16 v2, v0  }
0x2d4: {  	v2 =	vld [tilespmem:s3+$0xFFFFFFD0];
	[tilespmem:s0+$0xFFFFFF00] =	vst v0  }
0x2d5: {  	v0 =	vld [tilespmem:s3+$0xFFFFFDD0];
	v1 =	vpack.i.f32.bf16 v4, v1  }
0x2d6: {  	v4 =	vld [tilespmem:s3+$0xFFFFFE10];
	[tilespmem:s0+$0xFFFFFF80] =	vst v1  }
0x2d7: {  	s2 =	sadd.s32 $0x5, s2;
	v1 =	vld [tilespmem:s3+$0xFFFFFE50];
	v3 =	vpack.i.f32.bf16 v5, v3  }
0x2d8: {  	p0 =	slt.u32 s2, $0x127;
	v5 =	vld [tilespmem:s3+$0xFFFFFE90];
	[tilespmem:s0+$0xFFFFFFC0] =	vst v3  }
0x2d9: {  	s0 =	sadd.s32 $0x140, s0;
	v3 =	vld [tilespmem:s3+$0xFFFFFED0];
	v2 =	vpack.i.f32.bf16 v2, v6  }
0x2da: {  	v6 =	vld [tilespmem:s3+$0xFFFFFF10];
	[tilespmem:s0+$0xFFFFFFD0] =	vst v2  }
0x2db: {  	v2 =	vld [tilespmem:s3+$0xFFFFFFA0]  }
0x2dc: {  	v1 =	vpack.i.f32.bf16 v1, v4;
	v4 =	vld [tilespmem:s3+$0xFFFFFFE0]  }
0x2dd: {  	[tilespmem:s0+$0xFFFFFF10] =	vst v1;
	v1 =	vld [tilespmem:s3+$0xFFFFFF50]  }
0x2de: {  	v7 =	vld [tilespmem:s3+$0xFFFFFD90];
	v3 =	vpack.i.f32.bf16 v3, v5  }
0x2df: {  	v5 =	vld [tilespmem:s3+$0xFFFFFE20];
	[tilespmem:s0+$0xFFFFFF50] =	vst v3  }
0x2e0: {  	v3 =	vld [tilespmem:s3+$0xFFFFFE60]  }
0x2e1: {  	v8 =	vld [tilespmem:s3+$0xFFFFFEA0];
	v2 =	vpack.i.f32.bf16 v4, v2  }
0x2e2: {  	v4 =	vld [tilespmem:s3+$0xFFFFFEE0];
	v1 =	vpack.i.f32.bf16 v1, v6;
	[tilespmem:s0+$0xFFFFFFE0] =	vst v2  }
0x2e3: {  	v0 =	vpack.i.f32.bf16 v0, v7;
	[tilespmem:s0+$0xFFFFFF90] =	vst v1;
	v1 =	vld [tilespmem:s3+$0xFFFFFFB0]  }
0x2e4: {  	[tilespmem:s0+$0xFFFFFED0] =	vst v0;
	v0 =	vld [tilespmem:s3+$0xFFFFFFF0]  }
0x2e5: {  	v2 =	vld [tilespmem:s3+$0xFFFFFDA0];
	v3 =	vpack.i.f32.bf16 v3, v5  }
0x2e6: {  	v5 =	vld [tilespmem:s3+$0xFFFFFDE0];
	[tilespmem:s0+$0xFFFFFF20] =	vst v3  }
0x2e7: {  	v3 =	vpack.i.f32.bf16 v4, v8;
	v4 =	vld [tilespmem:s3+$0xFFFFFF20]  }
0x2e8: {  	[tilespmem:s0+$0xFFFFFF60] =	vst v3;
	v3 =	vld [tilespmem:s3+$0xFFFFFF60]  }
0x2e9: {  	v6 =	vld [tilespmem:s3+$0xFFFFFE30];
	v0 =	vpack.i.f32.bf16 v0, v1  }
0x2ea: {  	v1 =	vld [tilespmem:s3+$0xFFFFFE70];
	[tilespmem:s0+$0xFFFFFFF0] =	vst v0  }
0x2eb: {  	v0 =	vpack.i.f32.bf16 v5, v2;
	v2 =	vld [tilespmem:s3+$0xFFFFFFC0]  }
0x2ec: {  	[tilespmem:s0+$0xFFFFFEE0] =	vst v0;
	v0 =	vld [tilespmem:s3+$0x0]  }
0x2ed: {  	v5 =	vld [tilespmem:s3+$0xFFFFFDB0];
	v3 =	vpack.i.f32.bf16 v3, v4  }
0x2ee: {  	v4 =	vld [tilespmem:s3+$0xFFFFFDF0];
	[tilespmem:s0+$0xFFFFFFA0] =	vst v3  }
0x2ef: {  	v1 =	vpack.i.f32.bf16 v1, v6;
	v3 =	vld [tilespmem:s3+$0xFFFFFEB0]  }
0x2f0: {  	[tilespmem:s0+$0xFFFFFF30] =	vst v1;
	v1 =	vld [tilespmem:s3+$0xFFFFFEF0]  }
0x2f1: {  	v6 =	vld [tilespmem:s3+$0xFFFFFF30];
	v0 =	vpack.i.f32.bf16 v0, v2  }
0x2f2: {  	v7 =	vld [tilespmem:s3+$0xFFFFFF70];
	[tilespmem:s0+$0x0] =	vst v0  }
0x2f3: {  	v0 =	vpack.i.f32.bf16 v4, v5;
	v5 =	vld [tilespmem:s3+$0xFFFFFE40]  }
0x2f4: {  	[tilespmem:s0+$0xFFFFFEF0] =	vst v0;
	v8 =	vld [tilespmem:s3+$0xFFFFFE80]  }
0x2f5: {  	v0 =	vld [tilespmem:s3+$0xFFFFFDC0];
	v1 =	vpack.i.f32.bf16 v1, v3  }
.Ltmp7:
0x2f6: {  	v2 =	vld [tilespmem:s3+$0xFFFFFE00];
	[tilespmem:s0+$0xFFFFFF70] =	vst v1;
	(pc) =	sbr.rel @p0 .LBB2_16-.Ltmp7, $4  }
0x2f7: {  	v1 =	vld [tilespmem:s3+$0xFFFFFEC0];
	v3 =	vpack.i.f32.bf16 v7, v6  }
0x2f8: {  	v4 =	vld [tilespmem:s3+$0xFFFFFF00];
	[tilespmem:s0+$0xFFFFFFB0] =	vst v3  }
0x2f9: {  	v5 =	vpack.i.f32.bf16 v8, v5;
	v3 =	vld [tilespmem:s3+$0xFFFFFF40]  }
0x2fa: {  	[tilespmem:s0+$0xFFFFFF40] =	vst v5;
	v5 =	vld [tilespmem:s3+$0xFFFFFF80];
	s3 =	sadd.s32 $0x280, s3  }
0x2fb: {  	_ =	sdelay $0x1  }
0x2fc: {  	v0 =	vpack.i.f32.bf16 v2, v0  }
0x2fd: {  	[tilespmem:s0+$0xFFFFFF00] =	vst v0;
	v0 =	vpack.i.f32.bf16 v4, v1  }
0x2fe: {  	[tilespmem:s0+$0xFFFFFF80] =	vst v0;
	v0 =	vpack.i.f32.bf16 v5, v3  }
0x2ff: {  	[tilespmem:s0+$0xFFFFFFC0] =	vst v0  }
0x300: {  	[hbm4b:s21+s1] =	stream.linear.scatter [tilespmem:s30], [sflag:$0x2], $0x4B00, $0x38;
	[tilespmem:$0x1C200] =	vst v63  }
0x301: {  	_ =	swait.ge [sflag:s26], $0x9600  }
0x302: {  	[sflag:s26] =	ssyncset.done $0x0  }
0x303: {  	[sflag:s26] =	ssyncadd.s32 $0xFFFF6A00  }
0x304: {  	[tilespmem:s28], [sflag:$0x1] =	stream.linear.gather [hbm4b:s11+s1], $0x9600, $0x38;
	[tilespmem:$0x1C200] =	vst v63  }
0x305: {  	_ =	swait.ge [sflag:s31], $0x4B00  }
0x306: {  	[sflag:s31] =	ssyncset.done $0x0  }
0x307: {  	s3 =	simm.s32 $0x140;
	[sflag:s31] =	ssyncadd.s32 $0xFFFFB500  }
0x308: {  	v0 =	vld [tilespmem:s3+$0xC0]  }
0x309: {  	v1 =	vld [tilespmem:s3+$0x100]  }
0x30a: {  	v2 =	vld [tilespmem:s3+$0xFFFFFF00]  }
0x30b: {  	v3 =	vld [tilespmem:s3+$0xFFFFFF40]  }
0x30c: {  	v4 =	vld [tilespmem:s3+$0xFFFFFF80]  }
0x30d: {  	v5 =	vld [tilespmem:s3+$0xFFFFFFC0]  }
0x30e: {  	s0 =	simm.s32 $0x12CA0;
	v6 =	vld [tilespmem:s3+$0x0];
	v0 =	vpack.i.f32.bf16 v1, v0  }
0x30f: {  	v1 =	vld [tilespmem:s3+$0x40];
	[tilespmem:s0+$0x60] =	vst v0  }
0x310: {  	v0 =	vld [tilespmem:s3+$0xD0]  }
0x311: {  	v7 =	vld [tilespmem:s3+$0x110]  }
0x312: {  	v3 =	vpack.i.f32.bf16 v4, v3;
	v4 =	vld [tilespmem:s3+$0x80]  }
0x313: {  	[tilespmem:s0+$0xFFFFFFA0] =	vst v3;
	v3 =	vld [tilespmem:s3+$0xFFFFFEC0]  }
0x314: {  	v5 =	vpack.i.f32.bf16 v6, v5;
	v6 =	vld [tilespmem:s3+$0xFFFFFF50]  }
0x315: {  	[tilespmem:s0+$0xFFFFFFE0] =	vst v5;
	v5 =	vld [tilespmem:s3+$0xFFFFFF90]  }
0x316: {  	v8 =	vld [tilespmem:s3+$0xFFFFFFD0];
	v0 =	vpack.i.f32.bf16 v7, v0  }
0x317: {  	v7 =	vld [tilespmem:s3+$0x10];
	[tilespmem:s0+$0x70] =	vst v0  }
0x318: {  	v0 =	vpack.i.f32.bf16 v2, v3;
	v2 =	vld [tilespmem:s3+$0xE0]  }
0x319: {  	[tilespmem:s0+$0xFFFFFF60] =	vst v0;
	v0 =	vld [tilespmem:s3+$0x120]  }
0x31a: {  	v1 =	vpack.i.f32.bf16 v4, v1;
	v3 =	vld [tilespmem:s3+$0xFFFFFED0]  }
0x31b: {  	[tilespmem:s0+$0x20] =	vst v1;
	v1 =	vld [tilespmem:s3+$0xFFFFFF10]  }
0x31c: {  	v4 =	vpack.i.f32.bf16 v5, v6;
	v5 =	vld [tilespmem:s3+$0x50]  }
0x31d: {  	[tilespmem:s0+$0xFFFFFFB0] =	vst v4;
	v4 =	vld [tilespmem:s3+$0x90]  }
0x31e: {  	v6 =	vld [tilespmem:s3+$0xFFFFFF60];
	v0 =	vpack.i.f32.bf16 v0, v2  }
0x31f: {  	v2 =	vld [tilespmem:s3+$0xFFFFFFA0];
	[tilespmem:s0+$0x80] =	vst v0  }
0x320: {  	v0 =	vpack.i.f32.bf16 v1, v3;
	v3 =	vld [tilespmem:s3+$0xF0]  }
0x321: {  	[tilespmem:s0+$0xFFFFFF70] =	vst v0;
	v9 =	vld [tilespmem:s3+$0x130]  }
0x322: {  	v0 =	vpack.i.f32.bf16 v7, v8;
	v1 =	vld [tilespmem:s3+$0xFFFFFEE0]  }
0x323: {  	[tilespmem:s0+$0xFFFFFFF0] =	vst v0;
	v0 =	vld [tilespmem:s3+$0xFFFFFF20]  }
0x324: {  	v4 =	vpack.i.f32.bf16 v4, v5;
	v5 =	vld [tilespmem:s3+$0xFFFFFFE0]  }
0x325: {  	[tilespmem:s0+$0x30] =	vst v4;
	v4 =	vld [tilespmem:s3+$0x20]  }
0x326: {  	v7 =	vld [tilespmem:s3+$0xA0];
	v2 =	vpack.i.f32.bf16 v2, v6  }
0x327: {  	v6 =	vld [tilespmem:s3+$0x60];
	[tilespmem:s0+$0xFFFFFFC0] =	vst v2  }
0x328: {  	v63 =	vld [tilespmem:s3+$0xFFFFFF70];
	v0 =	vpack.i.f32.bf16 v0, v1  }
0x329: {  	v10 =	vld [tilespmem:s3+$0xFFFFFFB0];
	[tilespmem:s0+$0xFFFFFF80] =	vst v0  }
0x32a: {  	v1 =	vpack.i.f32.bf16 v4, v5;
	v0 =	vld [tilespmem:s3+$0xFFFFFEF0]  }
0x32b: {  	v2 =	vld [tilespmem:s3+$0xFFFFFF30];
	[tilespmem:s0+$0x0] =	vst v1  }
0x32c: {  	v5 =	vpack.i.f32.bf16 v7, v6;
	v1 =	vld [tilespmem:s3+$0xFFFFFFF0]  }
0x32d: {  	v3 =	vpack.i.f32.bf16 v9, v3;
	v4 =	vld [tilespmem:s3+$0x30];
	[tilespmem:s0+$0x40] =	vst v5  }
0x32e: {  	[tilespmem:s0+$0x90] =	vst v3;
	v5 =	vpack.i.f32.bf16 v10, v63;
	v3 =	vld [tilespmem:s3+$0x70]  }
0x32f: {  	s2 =	simm.s32 $0x0;
	[tilespmem:s0+$0xFFFFFFD0] =	vst v5;
	v5 =	vld [tilespmem:s3+$0xB0];
	s3 =	simm.s32 $0x3C0  }
.LBB2_18:
0x330: {  	v6 =	vld [tilespmem:s3+$0xC0];
	v0 =	vpack.i.f32.bf16 v2, v0  }
0x331: {  	v2 =	vld [tilespmem:s3+$0x100];
	[tilespmem:s0+$0xFFFFFF90] =	vst v0  }
0x332: {  	v0 =	vld [tilespmem:s3+$0xFFFFFF00];
	v1 =	vpack.i.f32.bf16 v4, v1  }
0x333: {  	v4 =	vld [tilespmem:s3+$0xFFFFFF40];
	[tilespmem:s0+$0x10] =	vst v1  }
0x334: {  	s2 =	sadd.s32 $0x5, s2;
	v1 =	vld [tilespmem:s3+$0xFFFFFF80];
	v3 =	vpack.i.f32.bf16 v5, v3  }
0x335: {  	p0 =	slt.u32 s2, $0x127;
	v5 =	vld [tilespmem:s3+$0xFFFFFFC0];
	[tilespmem:s0+$0x50] =	vst v3  }
0x336: {  	s0 =	sadd.s32 $0x140, s0;
	v3 =	vld [tilespmem:s3+$0x0];
	v2 =	vpack.i.f32.bf16 v2, v6  }
0x337: {  	v6 =	vld [tilespmem:s3+$0x40];
	[tilespmem:s0+$0x60] =	vst v2  }
0x338: {  	v2 =	vld [tilespmem:s3+$0xD0]  }
0x339: {  	v1 =	vpack.i.f32.bf16 v1, v4;
	v4 =	vld [tilespmem:s3+$0x110]  }
0x33a: {  	[tilespmem:s0+$0xFFFFFFA0] =	vst v1;
	v1 =	vld [tilespmem:s3+$0x80]  }
0x33b: {  	v7 =	vld [tilespmem:s3+$0xFFFFFEC0];
	v3 =	vpack.i.f32.bf16 v3, v5  }
0x33c: {  	v5 =	vld [tilespmem:s3+$0xFFFFFF50];
	[tilespmem:s0+$0xFFFFFFE0] =	vst v3  }
0x33d: {  	v3 =	vld [tilespmem:s3+$0xFFFFFF90]  }
0x33e: {  	v8 =	vld [tilespmem:s3+$0xFFFFFFD0];
	v2 =	vpack.i.f32.bf16 v4, v2  }
0x33f: {  	v4 =	vld [tilespmem:s3+$0x10];
	v1 =	vpack.i.f32.bf16 v1, v6;
	[tilespmem:s0+$0x70] =	vst v2  }
0x340: {  	v0 =	vpack.i.f32.bf16 v0, v7;
	[tilespmem:s0+$0x20] =	vst v1;
	v1 =	vld [tilespmem:s3+$0xE0]  }
0x341: {  	[tilespmem:s0+$0xFFFFFF60] =	vst v0;
	v0 =	vld [tilespmem:s3+$0x120]  }
0x342: {  	v2 =	vld [tilespmem:s3+$0xFFFFFED0];
	v3 =	vpack.i.f32.bf16 v3, v5  }
0x343: {  	v5 =	vld [tilespmem:s3+$0xFFFFFF10];
	[tilespmem:s0+$0xFFFFFFB0] =	vst v3  }
0x344: {  	v3 =	vpack.i.f32.bf16 v4, v8;
	v4 =	vld [tilespmem:s3+$0x50]  }
0x345: {  	[tilespmem:s0+$0xFFFFFFF0] =	vst v3;
	v3 =	vld [tilespmem:s3+$0x90]  }
0x346: {  	v6 =	vld [tilespmem:s3+$0xFFFFFF60];
	v0 =	vpack.i.f32.bf16 v0, v1  }
0x347: {  	v1 =	vld [tilespmem:s3+$0xFFFFFFA0];
	[tilespmem:s0+$0x80] =	vst v0  }
0x348: {  	v0 =	vpack.i.f32.bf16 v5, v2;
	v2 =	vld [tilespmem:s3+$0xF0]  }
0x349: {  	[tilespmem:s0+$0xFFFFFF70] =	vst v0;
	v0 =	vld [tilespmem:s3+$0x130]  }
0x34a: {  	v5 =	vld [tilespmem:s3+$0xFFFFFEE0];
	v3 =	vpack.i.f32.bf16 v3, v4  }
0x34b: {  	v4 =	vld [tilespmem:s3+$0xFFFFFF20];
	[tilespmem:s0+$0x30] =	vst v3  }
0x34c: {  	v1 =	vpack.i.f32.bf16 v1, v6;
	v3 =	vld [tilespmem:s3+$0xFFFFFFE0]  }
0x34d: {  	[tilespmem:s0+$0xFFFFFFC0] =	vst v1;
	v1 =	vld [tilespmem:s3+$0x20]  }
0x34e: {  	v6 =	vld [tilespmem:s3+$0x60];
	v0 =	vpack.i.f32.bf16 v0, v2  }
0x34f: {  	v7 =	vld [tilespmem:s3+$0xA0];
	[tilespmem:s0+$0x90] =	vst v0  }
0x350: {  	v0 =	vpack.i.f32.bf16 v4, v5;
	v5 =	vld [tilespmem:s3+$0xFFFFFF70]  }
0x351: {  	[tilespmem:s0+$0xFFFFFF80] =	vst v0;
	v8 =	vld [tilespmem:s3+$0xFFFFFFB0]  }
0x352: {  	v0 =	vld [tilespmem:s3+$0xFFFFFEF0];
	v1 =	vpack.i.f32.bf16 v1, v3  }
.Ltmp8:
0x353: {  	v2 =	vld [tilespmem:s3+$0xFFFFFF30];
	[tilespmem:s0+$0x0] =	vst v1;
	(pc) =	sbr.rel @p0 .LBB2_18-.Ltmp8, $4  }
0x354: {  	v1 =	vld [tilespmem:s3+$0xFFFFFFF0];
	v3 =	vpack.i.f32.bf16 v7, v6  }
0x355: {  	v4 =	vld [tilespmem:s3+$0x30];
	[tilespmem:s0+$0x40] =	vst v3  }
0x356: {  	v5 =	vpack.i.f32.bf16 v8, v5;
	v3 =	vld [tilespmem:s3+$0x70]  }
0x357: {  	[tilespmem:s0+$0xFFFFFFD0] =	vst v5;
	v5 =	vld [tilespmem:s3+$0xB0];
	s3 =	sadd.s32 $0x280, s3  }
0x358: {  	_ =	sdelay $0x1  }
0x359: {  	v0 =	vpack.i.f32.bf16 v2, v0  }
0x35a: {  	[tilespmem:s0+$0xFFFFFF90] =	vst v0;
	v0 =	vpack.i.f32.bf16 v4, v1  }
0x35b: {  	[tilespmem:s0+$0x10] =	vst v0;
	v0 =	vpack.i.f32.bf16 v5, v3  }
0x35c: {  	[tilespmem:s0+$0x50] =	vst v0  }
0x35d: {  	[hbm4b:s22+s1] =	stream.linear.scatter [tilespmem:s29], [sflag:$0x2], $0x4B00, $0x38;
	[tilespmem:$0x1C200] =	vst v63  }
0x35e: {  	_ =	swait.ge [sflag:s26], $0x9600  }
0x35f: {  	[sflag:s26] =	ssyncset.done $0x0  }
0x360: {  	[sflag:s26] =	ssyncadd.s32 $0xFFFF6A00  }
0x361: {  	[tilespmem:s1], [sflag:$0x1] =	stream.linear.gather [hbm4b:s12+s1], $0x3E80, $0x38;
	[tilespmem:$0x1C200] =	vst v63  }
0x362: {  	_ =	swait.ge [sflag:s31], $0x4B00  }
0x363: {  	[sflag:s31] =	ssyncset.done $0x0  }
0x364: {  	s3 =	simm.s32 $0x9870;
	[sflag:s31] =	ssyncadd.s32 $0xFFFFB500  }
0x365: {  	v0 =	vld [tilespmem:s3+$0xFFFFFF90]  }
0x366: {  	v1 =	vld [tilespmem:s3+$0xFFFFFFD0]  }
0x367: {  	v2 =	vld [tilespmem:s3+$0xFFFFFDD0]  }
0x368: {  	v3 =	vld [tilespmem:s3+$0xFFFFFE10]  }
0x369: {  	v4 =	vld [tilespmem:s3+$0xFFFFFE50]  }
0x36a: {  	v5 =	vld [tilespmem:s3+$0xFFFFFE90]  }
0x36b: {  	s0 =	simm.s32 $0x17830;
	v6 =	vld [tilespmem:s3+$0xFFFFFED0];
	v0 =	vpack.i.f32.bf16 v1, v0  }
0x36c: {  	v1 =	vld [tilespmem:s3+$0xFFFFFF10];
	[tilespmem:s0+$0xFFFFFFD0] =	vst v0  }
0x36d: {  	v0 =	vld [tilespmem:s3+$0xFFFFFFA0]  }
0x36e: {  	v7 =	vld [tilespmem:s3+$0xFFFFFFE0]  }
0x36f: {  	v3 =	vpack.i.f32.bf16 v4, v3;
	v4 =	vld [tilespmem:s3+$0xFFFFFF50]  }
0x370: {  	[tilespmem:s0+$0xFFFFFF10] =	vst v3;
	v3 =	vld [tilespmem:s3+$0xFFFFFD90]  }
0x371: {  	v5 =	vpack.i.f32.bf16 v6, v5;
	v6 =	vld [tilespmem:s3+$0xFFFFFE20]  }
0x372: {  	[tilespmem:s0+$0xFFFFFF50] =	vst v5;
	v5 =	vld [tilespmem:s3+$0xFFFFFE60]  }
0x373: {  	v8 =	vld [tilespmem:s3+$0xFFFFFEA0];
	v0 =	vpack.i.f32.bf16 v7, v0  }
0x374: {  	v7 =	vld [tilespmem:s3+$0xFFFFFEE0];
	[tilespmem:s0+$0xFFFFFFE0] =	vst v0  }
0x375: {  	v0 =	vpack.i.f32.bf16 v2, v3;
	v2 =	vld [tilespmem:s3+$0xFFFFFFB0]  }
0x376: {  	[tilespmem:s0+$0xFFFFFED0] =	vst v0;
	v0 =	vld [tilespmem:s3+$0xFFFFFFF0]  }
0x377: {  	v1 =	vpack.i.f32.bf16 v4, v1;
	v3 =	vld [tilespmem:s3+$0xFFFFFDA0]  }
0x378: {  	[tilespmem:s0+$0xFFFFFF90] =	vst v1;
	v1 =	vld [tilespmem:s3+$0xFFFFFDE0]  }
0x379: {  	v4 =	vpack.i.f32.bf16 v5, v6;
	v5 =	vld [tilespmem:s3+$0xFFFFFF20]  }
0x37a: {  	[tilespmem:s0+$0xFFFFFF20] =	vst v4;
	v4 =	vld [tilespmem:s3+$0xFFFFFF60]  }
0x37b: {  	v6 =	vld [tilespmem:s3+$0xFFFFFE30];
	v0 =	vpack.i.f32.bf16 v0, v2  }
0x37c: {  	v2 =	vld [tilespmem:s3+$0xFFFFFE70];
	[tilespmem:s0+$0xFFFFFFF0] =	vst v0  }
0x37d: {  	v0 =	vpack.i.f32.bf16 v1, v3;
	v3 =	vld [tilespmem:s3+$0xFFFFFFC0]  }
0x37e: {  	[tilespmem:s0+$0xFFFFFEE0] =	vst v0;
	v9 =	vld [tilespmem:s3+$0x0]  }
0x37f: {  	v0 =	vpack.i.f32.bf16 v7, v8;
	v1 =	vld [tilespmem:s3+$0xFFFFFDB0]  }
0x380: {  	[tilespmem:s0+$0xFFFFFF60] =	vst v0;
	v0 =	vld [tilespmem:s3+$0xFFFFFDF0]  }
0x381: {  	v4 =	vpack.i.f32.bf16 v4, v5;
	v5 =	vld [tilespmem:s3+$0xFFFFFEB0]  }
0x382: {  	[tilespmem:s0+$0xFFFFFFA0] =	vst v4;
	v4 =	vld [tilespmem:s3+$0xFFFFFEF0]  }
0x383: {  	v7 =	vld [tilespmem:s3+$0xFFFFFF70];
	v2 =	vpack.i.f32.bf16 v2, v6  }
0x384: {  	v6 =	vld [tilespmem:s3+$0xFFFFFF30];
	[tilespmem:s0+$0xFFFFFF30] =	vst v2  }
0x385: {  	v63 =	vld [tilespmem:s3+$0xFFFFFE40];
	v0 =	vpack.i.f32.bf16 v0, v1  }
0x386: {  	v10 =	vld [tilespmem:s3+$0xFFFFFE80];
	[tilespmem:s0+$0xFFFFFEF0] =	vst v0  }
0x387: {  	v1 =	vpack.i.f32.bf16 v4, v5;
	v0 =	vld [tilespmem:s3+$0xFFFFFDC0]  }
0x388: {  	v2 =	vld [tilespmem:s3+$0xFFFFFE00];
	[tilespmem:s0+$0xFFFFFF70] =	vst v1  }
0x389: {  	v5 =	vpack.i.f32.bf16 v7, v6;
	v1 =	vld [tilespmem:s3+$0xFFFFFEC0]  }
0x38a: {  	v3 =	vpack.i.f32.bf16 v9, v3;
	v4 =	vld [tilespmem:s3+$0xFFFFFF00];
	[tilespmem:s0+$0xFFFFFFB0] =	vst v5  }
0x38b: {  	[tilespmem:s0+$0x0] =	vst v3;
	v5 =	vpack.i.f32.bf16 v10, v63;
	v3 =	vld [tilespmem:s3+$0xFFFFFF40]  }
0x38c: {  	s2 =	simm.s32 $0x0;
	[tilespmem:s0+$0xFFFFFF40] =	vst v5;
	v5 =	vld [tilespmem:s3+$0xFFFFFF80];
	s3 =	simm.s32 $0x9AF0  }
.LBB2_20:
0x38d: {  	v6 =	vld [tilespmem:s3+$0xFFFFFF90];
	v0 =	vpack.i.f32.bf16 v2, v0  }
0x38e: {  	v2 =	vld [tilespmem:s3+$0xFFFFFFD0];
	[tilespmem:s0+$0xFFFFFF00] =	vst v0  }
0x38f: {  	v0 =	vld [tilespmem:s3+$0xFFFFFDD0];
	v1 =	vpack.i.f32.bf16 v4, v1  }
0x390: {  	v4 =	vld [tilespmem:s3+$0xFFFFFE10];
	[tilespmem:s0+$0xFFFFFF80] =	vst v1  }
0x391: {  	s2 =	sadd.s32 $0x5, s2;
	v1 =	vld [tilespmem:s3+$0xFFFFFE50];
	v3 =	vpack.i.f32.bf16 v5, v3  }
0x392: {  	p0 =	slt.u32 s2, $0x127;
	v5 =	vld [tilespmem:s3+$0xFFFFFE90];
	[tilespmem:s0+$0xFFFFFFC0] =	vst v3  }
0x393: {  	s0 =	sadd.s32 $0x140, s0;
	v3 =	vld [tilespmem:s3+$0xFFFFFED0];
	v2 =	vpack.i.f32.bf16 v2, v6  }
0x394: {  	v6 =	vld [tilespmem:s3+$0xFFFFFF10];
	[tilespmem:s0+$0xFFFFFFD0] =	vst v2  }
0x395: {  	v2 =	vld [tilespmem:s3+$0xFFFFFFA0]  }
0x396: {  	v1 =	vpack.i.f32.bf16 v1, v4;
	v4 =	vld [tilespmem:s3+$0xFFFFFFE0]  }
0x397: {  	[tilespmem:s0+$0xFFFFFF10] =	vst v1;
	v1 =	vld [tilespmem:s3+$0xFFFFFF50]  }
0x398: {  	v7 =	vld [tilespmem:s3+$0xFFFFFD90];
	v3 =	vpack.i.f32.bf16 v3, v5  }
0x399: {  	v5 =	vld [tilespmem:s3+$0xFFFFFE20];
	[tilespmem:s0+$0xFFFFFF50] =	vst v3  }
0x39a: {  	v3 =	vld [tilespmem:s3+$0xFFFFFE60]  }
0x39b: {  	v8 =	vld [tilespmem:s3+$0xFFFFFEA0];
	v2 =	vpack.i.f32.bf16 v4, v2  }
0x39c: {  	v4 =	vld [tilespmem:s3+$0xFFFFFEE0];
	v1 =	vpack.i.f32.bf16 v1, v6;
	[tilespmem:s0+$0xFFFFFFE0] =	vst v2  }
0x39d: {  	v0 =	vpack.i.f32.bf16 v0, v7;
	[tilespmem:s0+$0xFFFFFF90] =	vst v1;
	v1 =	vld [tilespmem:s3+$0xFFFFFFB0]  }
0x39e: {  	[tilespmem:s0+$0xFFFFFED0] =	vst v0;
	v0 =	vld [tilespmem:s3+$0xFFFFFFF0]  }
0x39f: {  	v2 =	vld [tilespmem:s3+$0xFFFFFDA0];
	v3 =	vpack.i.f32.bf16 v3, v5  }
0x3a0: {  	v5 =	vld [tilespmem:s3+$0xFFFFFDE0];
	[tilespmem:s0+$0xFFFFFF20] =	vst v3  }
0x3a1: {  	v3 =	vpack.i.f32.bf16 v4, v8;
	v4 =	vld [tilespmem:s3+$0xFFFFFF20]  }
0x3a2: {  	[tilespmem:s0+$0xFFFFFF60] =	vst v3;
	v3 =	vld [tilespmem:s3+$0xFFFFFF60]  }
0x3a3: {  	v6 =	vld [tilespmem:s3+$0xFFFFFE30];
	v0 =	vpack.i.f32.bf16 v0, v1  }
0x3a4: {  	v1 =	vld [tilespmem:s3+$0xFFFFFE70];
	[tilespmem:s0+$0xFFFFFFF0] =	vst v0  }
0x3a5: {  	v0 =	vpack.i.f32.bf16 v5, v2;
	v2 =	vld [tilespmem:s3+$0xFFFFFFC0]  }
0x3a6: {  	[tilespmem:s0+$0xFFFFFEE0] =	vst v0;
	v0 =	vld [tilespmem:s3+$0x0]  }
0x3a7: {  	v5 =	vld [tilespmem:s3+$0xFFFFFDB0];
	v3 =	vpack.i.f32.bf16 v3, v4  }
0x3a8: {  	v4 =	vld [tilespmem:s3+$0xFFFFFDF0];
	[tilespmem:s0+$0xFFFFFFA0] =	vst v3  }
0x3a9: {  	v1 =	vpack.i.f32.bf16 v1, v6;
	v3 =	vld [tilespmem:s3+$0xFFFFFEB0]  }
0x3aa: {  	[tilespmem:s0+$0xFFFFFF30] =	vst v1;
	v1 =	vld [tilespmem:s3+$0xFFFFFEF0]  }
0x3ab: {  	v6 =	vld [tilespmem:s3+$0xFFFFFF30];
	v0 =	vpack.i.f32.bf16 v0, v2  }
0x3ac: {  	v7 =	vld [tilespmem:s3+$0xFFFFFF70];
	[tilespmem:s0+$0x0] =	vst v0  }
0x3ad: {  	v0 =	vpack.i.f32.bf16 v4, v5;
	v5 =	vld [tilespmem:s3+$0xFFFFFE40]  }
0x3ae: {  	[tilespmem:s0+$0xFFFFFEF0] =	vst v0;
	v8 =	vld [tilespmem:s3+$0xFFFFFE80]  }
0x3af: {  	v0 =	vld [tilespmem:s3+$0xFFFFFDC0];
	v1 =	vpack.i.f32.bf16 v1, v3  }
.Ltmp9:
0x3b0: {  	v2 =	vld [tilespmem:s3+$0xFFFFFE00];
	[tilespmem:s0+$0xFFFFFF70] =	vst v1;
	(pc) =	sbr.rel @p0 .LBB2_20-.Ltmp9, $4  }
0x3b1: {  	v1 =	vld [tilespmem:s3+$0xFFFFFEC0];
	v3 =	vpack.i.f32.bf16 v7, v6  }
0x3b2: {  	v4 =	vld [tilespmem:s3+$0xFFFFFF00];
	[tilespmem:s0+$0xFFFFFFB0] =	vst v3  }
0x3b3: {  	v5 =	vpack.i.f32.bf16 v8, v5;
	v3 =	vld [tilespmem:s3+$0xFFFFFF40]  }
0x3b4: {  	[tilespmem:s0+$0xFFFFFF40] =	vst v5;
	v5 =	vld [tilespmem:s3+$0xFFFFFF80];
	s3 =	sadd.s32 $0x280, s3  }
0x3b5: {  	_ =	sdelay $0x1  }
0x3b6: {  	v0 =	vpack.i.f32.bf16 v2, v0  }
0x3b7: {  	[tilespmem:s0+$0xFFFFFF00] =	vst v0;
	v0 =	vpack.i.f32.bf16 v4, v1  }
0x3b8: {  	[tilespmem:s0+$0xFFFFFF80] =	vst v0;
	v0 =	vpack.i.f32.bf16 v5, v3  }
0x3b9: {  	[tilespmem:s0+$0xFFFFFFC0] =	vst v0  }
0x3ba: {  	[hbm4b:s23+s1] =	stream.linear.scatter [tilespmem:s30], [sflag:$0x2], $0x4B00, $0x38;
	[tilespmem:$0x1C200] =	vst v63  }
0x3bb: {  	_ =	swait.ge [sflag:s26], $0x3E80  }
0x3bc: {  	[sflag:s26] =	ssyncset.done $0x0  }
0x3bd: {  	[sflag:s26] =	ssyncadd.s32 $0xFFFFC180  }
0x3be: {  	_ =	swait.ge [sflag:s31], $0x4B00  }
0x3bf: {  	[sflag:s31] =	ssyncset.done $0x0  }
0x3c0: {  	s3 =	simm.s32 $0x140;
	[sflag:s31] =	ssyncadd.s32 $0xFFFFB500  }
0x3c1: {  	v0 =	vld [tilespmem:s3+$0xC0]  }
0x3c2: {  	v1 =	vld [tilespmem:s3+$0x100]  }
0x3c3: {  	v2 =	vld [tilespmem:s3+$0xFFFFFF00]  }
0x3c4: {  	v3 =	vld [tilespmem:s3+$0xFFFFFF40]  }
0x3c5: {  	v4 =	vld [tilespmem:s3+$0xFFFFFF80]  }
0x3c6: {  	v5 =	vld [tilespmem:s3+$0xFFFFFFC0]  }
0x3c7: {  	s0 =	simm.s32 $0x12CA0;
	v6 =	vld [tilespmem:s3+$0x0];
	v0 =	vpack.i.f32.bf16 v1, v0  }
0x3c8: {  	v1 =	vld [tilespmem:s3+$0x40];
	[tilespmem:s0+$0x60] =	vst v0  }
0x3c9: {  	v0 =	vld [tilespmem:s3+$0xD0]  }
0x3ca: {  	v7 =	vld [tilespmem:s3+$0x110]  }
0x3cb: {  	v3 =	vpack.i.f32.bf16 v4, v3;
	v4 =	vld [tilespmem:s3+$0x80]  }
0x3cc: {  	[tilespmem:s0+$0xFFFFFFA0] =	vst v3;
	v3 =	vld [tilespmem:s3+$0xFFFFFEC0]  }
0x3cd: {  	v5 =	vpack.i.f32.bf16 v6, v5;
	v6 =	vld [tilespmem:s3+$0xFFFFFF50]  }
0x3ce: {  	[tilespmem:s0+$0xFFFFFFE0] =	vst v5;
	v5 =	vld [tilespmem:s3+$0xFFFFFF90]  }
0x3cf: {  	v8 =	vld [tilespmem:s3+$0xFFFFFFD0];
	v0 =	vpack.i.f32.bf16 v7, v0  }
0x3d0: {  	v7 =	vld [tilespmem:s3+$0x10];
	[tilespmem:s0+$0x70] =	vst v0  }
0x3d1: {  	v0 =	vpack.i.f32.bf16 v2, v3;
	v2 =	vld [tilespmem:s3+$0xE0]  }
0x3d2: {  	[tilespmem:s0+$0xFFFFFF60] =	vst v0;
	v0 =	vld [tilespmem:s3+$0x120]  }
0x3d3: {  	v1 =	vpack.i.f32.bf16 v4, v1;
	v3 =	vld [tilespmem:s3+$0xFFFFFED0]  }
0x3d4: {  	[tilespmem:s0+$0x20] =	vst v1;
	v1 =	vld [tilespmem:s3+$0xFFFFFF10]  }
0x3d5: {  	v4 =	vpack.i.f32.bf16 v5, v6;
	v5 =	vld [tilespmem:s3+$0x50]  }
0x3d6: {  	[tilespmem:s0+$0xFFFFFFB0] =	vst v4;
	v4 =	vld [tilespmem:s3+$0x90]  }
0x3d7: {  	v6 =	vld [tilespmem:s3+$0xFFFFFF60];
	v0 =	vpack.i.f32.bf16 v0, v2  }
0x3d8: {  	v2 =	vld [tilespmem:s3+$0xFFFFFFA0];
	[tilespmem:s0+$0x80] =	vst v0  }
0x3d9: {  	v0 =	vpack.i.f32.bf16 v1, v3;
	v3 =	vld [tilespmem:s3+$0xF0]  }
0x3da: {  	[tilespmem:s0+$0xFFFFFF70] =	vst v0;
	v9 =	vld [tilespmem:s3+$0x130]  }
0x3db: {  	v0 =	vpack.i.f32.bf16 v7, v8;
	v1 =	vld [tilespmem:s3+$0xFFFFFEE0]  }
0x3dc: {  	[tilespmem:s0+$0xFFFFFFF0] =	vst v0;
	v0 =	vld [tilespmem:s3+$0xFFFFFF20]  }
0x3dd: {  	v4 =	vpack.i.f32.bf16 v4, v5;
	v5 =	vld [tilespmem:s3+$0xFFFFFFE0]  }
0x3de: {  	[tilespmem:s0+$0x30] =	vst v4;
	v4 =	vld [tilespmem:s3+$0x20]  }
0x3df: {  	v7 =	vld [tilespmem:s3+$0xA0];
	v2 =	vpack.i.f32.bf16 v2, v6  }
0x3e0: {  	v6 =	vld [tilespmem:s3+$0x60];
	[tilespmem:s0+$0xFFFFFFC0] =	vst v2  }
0x3e1: {  	v63 =	vld [tilespmem:s3+$0xFFFFFF70];
	v0 =	vpack.i.f32.bf16 v0, v1  }
0x3e2: {  	v10 =	vld [tilespmem:s3+$0xFFFFFFB0];
	[tilespmem:s0+$0xFFFFFF80] =	vst v0  }
0x3e3: {  	v1 =	vpack.i.f32.bf16 v4, v5;
	v0 =	vld [tilespmem:s3+$0xFFFFFEF0]  }
0x3e4: {  	v2 =	vld [tilespmem:s3+$0xFFFFFF30];
	[tilespmem:s0+$0x0] =	vst v1  }
0x3e5: {  	v5 =	vpack.i.f32.bf16 v7, v6;
	v1 =	vld [tilespmem:s3+$0xFFFFFFF0]  }
0x3e6: {  	v3 =	vpack.i.f32.bf16 v9, v3;
	v4 =	vld [tilespmem:s3+$0x30];
	[tilespmem:s0+$0x40] =	vst v5  }
0x3e7: {  	[tilespmem:s0+$0x90] =	vst v3;
	v5 =	vpack.i.f32.bf16 v10, v63;
	v3 =	vld [tilespmem:s3+$0x70]  }
0x3e8: {  	s2 =	simm.s32 $0x0;
	[tilespmem:s0+$0xFFFFFFD0] =	vst v5;
	v5 =	vld [tilespmem:s3+$0xB0];
	s3 =	simm.s32 $0x3C0  }
.LBB2_22:
0x3e9: {  	v6 =	vld [tilespmem:s3+$0xC0];
	v0 =	vpack.i.f32.bf16 v2, v0  }
0x3ea: {  	v2 =	vld [tilespmem:s3+$0x100];
	[tilespmem:s0+$0xFFFFFF90] =	vst v0  }
0x3eb: {  	v0 =	vld [tilespmem:s3+$0xFFFFFF00];
	v1 =	vpack.i.f32.bf16 v4, v1  }
0x3ec: {  	v4 =	vld [tilespmem:s3+$0xFFFFFF40];
	[tilespmem:s0+$0x10] =	vst v1  }
0x3ed: {  	s2 =	sadd.s32 $0x5, s2;
	v1 =	vld [tilespmem:s3+$0xFFFFFF80];
	v3 =	vpack.i.f32.bf16 v5, v3  }
0x3ee: {  	p0 =	slt.u32 s2, $0x78;
	v5 =	vld [tilespmem:s3+$0xFFFFFFC0];
	[tilespmem:s0+$0x50] =	vst v3  }
0x3ef: {  	s0 =	sadd.s32 $0x140, s0;
	v3 =	vld [tilespmem:s3+$0x0];
	v2 =	vpack.i.f32.bf16 v2, v6  }
0x3f0: {  	v6 =	vld [tilespmem:s3+$0x40];
	[tilespmem:s0+$0x60] =	vst v2  }
0x3f1: {  	v2 =	vld [tilespmem:s3+$0xD0]  }
0x3f2: {  	v1 =	vpack.i.f32.bf16 v1, v4;
	v4 =	vld [tilespmem:s3+$0x110]  }
0x3f3: {  	[tilespmem:s0+$0xFFFFFFA0] =	vst v1;
	v1 =	vld [tilespmem:s3+$0x80]  }
0x3f4: {  	v7 =	vld [tilespmem:s3+$0xFFFFFEC0];
	v3 =	vpack.i.f32.bf16 v3, v5  }
0x3f5: {  	v5 =	vld [tilespmem:s3+$0xFFFFFF50];
	[tilespmem:s0+$0xFFFFFFE0] =	vst v3  }
0x3f6: {  	v3 =	vld [tilespmem:s3+$0xFFFFFF90]  }
0x3f7: {  	v8 =	vld [tilespmem:s3+$0xFFFFFFD0];
	v2 =	vpack.i.f32.bf16 v4, v2  }
0x3f8: {  	v4 =	vld [tilespmem:s3+$0x10];
	v1 =	vpack.i.f32.bf16 v1, v6;
	[tilespmem:s0+$0x70] =	vst v2  }
0x3f9: {  	v0 =	vpack.i.f32.bf16 v0, v7;
	[tilespmem:s0+$0x20] =	vst v1;
	v1 =	vld [tilespmem:s3+$0xE0]  }
0x3fa: {  	[tilespmem:s0+$0xFFFFFF60] =	vst v0;
	v0 =	vld [tilespmem:s3+$0x120]  }
0x3fb: {  	v2 =	vld [tilespmem:s3+$0xFFFFFED0];
	v3 =	vpack.i.f32.bf16 v3, v5  }
0x3fc: {  	v5 =	vld [tilespmem:s3+$0xFFFFFF10];
	[tilespmem:s0+$0xFFFFFFB0] =	vst v3  }
0x3fd: {  	v3 =	vpack.i.f32.bf16 v4, v8;
	v4 =	vld [tilespmem:s3+$0x50]  }
0x3fe: {  	[tilespmem:s0+$0xFFFFFFF0] =	vst v3;
	v3 =	vld [tilespmem:s3+$0x90]  }
0x3ff: {  	v6 =	vld [tilespmem:s3+$0xFFFFFF60];
	v0 =	vpack.i.f32.bf16 v0, v1  }
0x400: {  	v1 =	vld [tilespmem:s3+$0xFFFFFFA0];
	[tilespmem:s0+$0x80] =	vst v0  }
0x401: {  	v0 =	vpack.i.f32.bf16 v5, v2;
	v2 =	vld [tilespmem:s3+$0xF0]  }
0x402: {  	[tilespmem:s0+$0xFFFFFF70] =	vst v0;
	v0 =	vld [tilespmem:s3+$0x130]  }
0x403: {  	v5 =	vld [tilespmem:s3+$0xFFFFFEE0];
	v3 =	vpack.i.f32.bf16 v3, v4  }
0x404: {  	v4 =	vld [tilespmem:s3+$0xFFFFFF20];
	[tilespmem:s0+$0x30] =	vst v3  }
0x405: {  	v1 =	vpack.i.f32.bf16 v1, v6;
	v3 =	vld [tilespmem:s3+$0xFFFFFFE0]  }
0x406: {  	[tilespmem:s0+$0xFFFFFFC0] =	vst v1;
	v1 =	vld [tilespmem:s3+$0x20]  }
0x407: {  	v6 =	vld [tilespmem:s3+$0x60];
	v0 =	vpack.i.f32.bf16 v0, v2  }
0x408: {  	v7 =	vld [tilespmem:s3+$0xA0];
	[tilespmem:s0+$0x90] =	vst v0  }
0x409: {  	v0 =	vpack.i.f32.bf16 v4, v5;
	v5 =	vld [tilespmem:s3+$0xFFFFFF70]  }
0x40a: {  	[tilespmem:s0+$0xFFFFFF80] =	vst v0;
	v8 =	vld [tilespmem:s3+$0xFFFFFFB0]  }
0x40b: {  	v0 =	vld [tilespmem:s3+$0xFFFFFEF0];
	v1 =	vpack.i.f32.bf16 v1, v3  }
.Ltmp10:
0x40c: {  	v2 =	vld [tilespmem:s3+$0xFFFFFF30];
	[tilespmem:s0+$0x0] =	vst v1;
	(pc) =	sbr.rel @p0 .LBB2_22-.Ltmp10, $4  }
0x40d: {  	v1 =	vld [tilespmem:s3+$0xFFFFFFF0];
	v3 =	vpack.i.f32.bf16 v7, v6  }
0x40e: {  	v4 =	vld [tilespmem:s3+$0x30];
	[tilespmem:s0+$0x40] =	vst v3  }
0x40f: {  	v5 =	vpack.i.f32.bf16 v8, v5;
	v3 =	vld [tilespmem:s3+$0x70]  }
0x410: {  	[tilespmem:s0+$0xFFFFFFD0] =	vst v5;
	v5 =	vld [tilespmem:s3+$0xB0];
	s3 =	sadd.s32 $0x280, s3  }
0x411: {  	_ =	sdelay $0x1  }
0x412: {  	v0 =	vpack.i.f32.bf16 v2, v0  }
0x413: {  	[tilespmem:s0+$0xFFFFFF90] =	vst v0;
	v62 =	vpack.i.f32.bf16 v4, v1  }
0x414: {  	[tilespmem:s0+$0x10] =	vst v62;
	v63 =	vpack.i.f32.bf16 v5, v3  }
0x415: {  	s20 =	sadd.s32 $0x1, s20;
	[tilespmem:s0+$0x50] =	vst v63  }
0x416: {  	[hbm4b:s24+s1] =	stream.linear.scatter [tilespmem:s29], [sflag:$0x2], $0x1F40, $0x38;
	[tilespmem:$0x1C200] =	vst v63  }
0x417: {  	p0 =	sne.s32 s20, s25;
	_ =	swait.ge [sflag:s31], $0x4B00  }
.Ltmp11:
0x418: {  	[sflag:s31] =	ssyncset.done $0x0;
	(pc) =	sbr.rel @p0 .LBB2_1-.Ltmp11, $4  }
0x419: {  	[sflag:s31] =	ssyncadd.s32 $0xFFFFB500  }
0x41a: {  	_ =	swait.ge [sflag:s31], $0x1F40  }
0x41b: {  	[sflag:s31] =	ssyncset.done $0x0  }
0x41c: {  	[sflag:s31] =	ssyncadd.s32 $0xFFFFE0C0  }
0x41d: {  	_ =	sfence.sel $0x180000  }
0x41e: {  	[bflag:$0x0] =	sbarrier.arrive $0xFFFF  }
0x41f: {  	_ =	strace $0x90000047  }
0x420: {  	s0 =	stileid.u32;
	[bflag:$0x2] =	sbarrier.arrive $0xFFFF  }
0x421: {  	p0 =	sne.s32 s0, $0x0;
	s0 =	rddreg [dreg:$0x2]  }
0x422: {  	s0 =	sadd.s32 @!p0 $0x100000, s0  }
0x423: {  	[sflag:s0] =	ssyncadd.tile.s32 @!p0 $0x1;
	_ =	shalt  }
.Lfunc_end2:
_tile_overlayer_lowered:
.L_overlay_start_2:
0x424: {  	(tag) =	ssettag $0x2  }
0x425: {  	s0 =	rddreg [dreg:$0x0];
	s2 =	stileid.u32  }
0x426: {  	s1 =	rddreg [dreg:$0x1];
	p0 =	sne.s32 s2, $0x0  }
0x427: {  	s3 =	rddreg [dreg:$0x2];
	[bflag:$0x3] =	sbarrier.arrive $0xFFFF;
	s2 =	simm.s32 @!p0 $0x1C03  }
0x428: {  	[timem:s3], [sflag:s2] =	dma.local @!p0 [hbm:s0], s1  }
0x429: {  	s0 =	simm.s32 @!p0 $0x3  }
0x42a: {  	_ =	swait.ge @!p0 [sflag:s0], s1  }
0x42b: {  	s1 =	ssub.s32 @!p0 $0x0, s1;
	[sflag:s0] =	ssyncset.done @!p0 $0x0  }
0x42c: {  	[sflag:s0] =	ssyncadd.s32 @!p0 s1  }
0x42d: {  	[bflag:$0x3] =	sbarrier.arrive $0xFFFF  }
0x42e: {  	_ =	shalt  }

// kernel: kernel.8.cloned.1.call-start
scs
__scs_entry_jumppad:
0x0: {  	(pc) =	sbr.rel $0x88, $3  }
0x1: {  	(tag) =	ssettag $0x0;
	lr =	simm.s32 $0x1  }
0x2: {  	[smem:$0x3F9B] =	sst lr;
	_ =	strace $0xD0000000  }
0x3: {  	_ = 	snop  }
0x4: {  	_ = 	snop  }
0x5: {  	_ = 	snop  }
0x6: {  	_ = 	snop  }
0x7: {  	_ = 	snop  }
__scs_overlays_trampoline_lowered:
0x8: {  	[smem:$0x3FAA] =	sst s0  }
0x9: {  	[smem:$0x3FAB] =	sst s1  }
0xa: {  	[smem:$0x3FAC] =	sst s2  }
0xb: {  	[smem:$0x3FAD] =	sst s3  }
0xc: {  	[smem:$0x3FAE] =	sst s4  }
0xd: {  	[smem:$0x3FAF] =	sst s5  }
0xe: {  	[smem:$0x3FB0] =	sst s6  }
0xf: {  	[smem:$0x3FB1] =	sst s7  }
0x10: {  	[smem:$0x3FB2] =	sst s8  }
0x11: {  	[smem:$0x3FB3] =	sst s9;
	s0 =	simm.s32 @!p0 $0x0  }
0x12: {  	s1 =	sld [smem:$0x3F99];
	s0 =	simm.s32 @p0 $0x1  }
0x13: {  	[smem:$0x3FB4] =	sst s0;
	s0 =	simm.s32 @!p1 $0x0  }
0x14: {  	s2 =	sld [smem:$0x3F98];
	s0 =	simm.s32 @p1 $0x1  }
0x15: {  	[smem:$0x3FB5] =	sst s0;
	s0 =	simm.s32 @!p2 $0x0  }
0x16: {  	s3 =	sld [smem:$0x3FDB];
	s0 =	simm.s32 @p2 $0x1  }
0x17: {  	s4 =	simm.s32 $0x1BF5;
	[smem:$0x3FB7] =	sst s0  }
0x18: {  	s0 =	sld [smem:$0x3F9A];
	_ =	swait.ge [sflag:s4], $0x0  }
0x19: {  	s7 =	sld [smem:$0x3F9B]  }
0x1a: {  	s8 =	sadd.s32 $0xFFFFE003, lr  }
0x1b: {  	s9 =	sadd.s32 $0xFFFFFEF7, lr;
	s5 =	simm.s32 $0xFFFFFFFF;
	p2 =	slt.u32 s8, $0xFFFFF086  }
0x1c: {  	p1 =	slt.u32 s9, $0xF7A;
	s5 =	simm.s32 @!p2 $0x0  }
0x1d: {  	s5 =	simm.s32 @p1 $0x1;
	p0 =	seq.s32 s7, s2  }
0x1e: {  	s7 =	smul.u32 @!p0 $0xF7A, s2;
	p2 =	seq.s32 @!p0 s5, $0x0  }
0x1f: {  	s9 =	smul.u32 $0xF7A, s1;
	s8 =	simm.s32 @!p0 $0x1BF5;
	p2 =	por !p2, p0  }
0x20: {  	[sflag:s8] =	ssyncset.s32 @!p0 $0xFFFFF086;
	s6 =	sadd.s32 @!p0 s3, s7;
	s7 =	simm.s32 @!p0 $0x108  }
0x21: {  	s3 =	sadd.s32 s3, s9;
	s6 =	sadd.s32 @!p0 $0x88, s6;
	s7 =	simm.s32 @p2 $0x1082  }
0x22: {  	[simem:s7], [sflag:s8] =	dma.local @!p0 [hbm:s6], $0xF7A  }
0x23: {  	s9 =	sor.u32 $0xD0000000, s2;
	s6 =	simm.s32 $0x108;
	_ =	swait.ge @!p0 [sflag:s8], $0x0  }
0x24: {  	s3 =	sadd.s32 $0x88, s3;
	s6 =	simm.s32 @!p1 $0x1082;
	[sflag:s4] =	ssyncset.s32 $0xFFFFF086  }
0x25: {  	[simem:s6], [sflag:s4] =	dma.local [hbm:s3], $0xF7A  }
0x26: {  	[smem:$0x3F9B] =	sst s1;
	(tag) =	ssettag s2;
	_ =	strace s9  }
0x27: {  	s1 =	sld [smem:$0x3FAB]  }
0x28: {  	s2 =	sld [smem:$0x3FAC]  }
0x29: {  	s4 =	sld [smem:$0x3FAE]  }
0x2a: {  	p0 =	seq.s32 s5, $0x0;
	s5 =	sld [smem:$0x3FAF]  }
0x2b: {  	s6 =	sld [smem:$0x3FB0]  }
0x2c: {  	s7 =	sld [smem:$0x3FB1]  }
0x2d: {  	s3 =	simm.s32 $0x108;
	s8 =	sld [smem:$0x3FB2]  }
0x2e: {  	s3 =	simm.s32 @!p0 $0x1082;
	s9 =	sld [smem:$0x3FB3]  }
0x2f: {  	lr =	sadd.s32 s0, s3;
	s0 =	sld [smem:$0x3FAA]  }
0x30: {  	s3 =	sld [smem:$0x3FAD]  }
0x31: {  	[smem:$0x3FB6] =	sst s10  }
0x32: {  	s10 =	sld [smem:$0x3FB4];
	_ =	sdelay $0x3  }
0x33: {  	p0 =	seq.s32 s10, $0x1;
	s10 =	sld [smem:$0x3FB6];
	_ =	sdelay $0x3  }
0x34: {  	[smem:$0x3FB6] =	sst s10  }
0x35: {  	s10 =	sld [smem:$0x3FB5];
	_ =	sdelay $0x3  }
0x36: {  	p1 =	seq.s32 s10, $0x1;
	s10 =	sld [smem:$0x3FB6];
	_ =	sdelay $0x3  }
0x37: {  	[smem:$0x3FB6] =	sst s10  }
0x38: {  	s10 =	sld [smem:$0x3FB7]  }
0x39: {  	_ = 	snop;
	(pc) =	sbr.ind lr, $3  }
0x3a: {  	_ = 	snop  }
0x3b: {  	_ = 	snop  }
0x3c: {  	p2 =	seq.s32 s10, $0x1;
	s10 =	sld [smem:$0x3FB6]  }
0x3d: {  	_ =	shalt  }
0x3e: {  	_ =	shalt  }
0x3f: {  	_ =	shalt  }
0x40: {  	_ =	shalt  }
0x41: {  	_ =	shalt  }
0x42: {  	_ =	shalt  }
0x43: {  	_ =	shalt  }
0x44: {  	_ =	shalt  }
0x45: {  	_ =	shalt  }
0x46: {  	_ =	shalt  }
0x47: {  	_ =	shalt  }
0x48: {  	_ =	shalt  }
0x49: {  	_ =	shalt  }
0x4a: {  	_ =	shalt  }
0x4b: {  	_ =	shalt  }
0x4c: {  	_ =	shalt  }
0x4d: {  	_ =	shalt  }
0x4e: {  	_ =	shalt  }
0x4f: {  	_ =	shalt  }
0x50: {  	_ =	shalt  }
0x51: {  	_ =	shalt  }
0x52: {  	_ =	shalt  }
0x53: {  	_ =	shalt  }
0x54: {  	_ =	shalt  }
0x55: {  	_ =	shalt  }
0x56: {  	_ =	shalt  }
0x57: {  	_ =	shalt  }
0x58: {  	_ =	shalt  }
0x59: {  	_ =	shalt  }
0x5a: {  	_ =	shalt  }
0x5b: {  	_ =	shalt  }
0x5c: {  	_ =	shalt  }
0x5d: {  	_ =	shalt  }
0x5e: {  	_ =	shalt  }
0x5f: {  	_ =	shalt  }
0x60: {  	_ =	shalt  }
0x61: {  	_ =	shalt  }
0x62: {  	_ =	shalt  }
0x63: {  	_ =	shalt  }
0x64: {  	_ =	shalt  }
0x65: {  	_ =	shalt  }
0x66: {  	_ =	shalt  }
0x67: {  	_ =	shalt  }
0x68: {  	_ =	shalt  }
0x69: {  	_ =	shalt  }
0x6a: {  	_ =	shalt  }
0x6b: {  	_ =	shalt  }
0x6c: {  	_ =	shalt  }
0x6d: {  	_ =	shalt  }
0x6e: {  	_ =	shalt  }
0x6f: {  	_ =	shalt  }
0x70: {  	_ =	shalt  }
0x71: {  	_ =	shalt  }
0x72: {  	_ =	shalt  }
0x73: {  	_ =	shalt  }
0x74: {  	_ =	shalt  }
0x75: {  	_ =	shalt  }
0x76: {  	_ =	shalt  }
0x77: {  	_ =	shalt  }
0x78: {  	_ =	shalt  }
0x79: {  	_ =	shalt  }
0x7a: {  	_ =	shalt  }
0x7b: {  	_ =	shalt  }
0x7c: {  	_ =	shalt  }
0x7d: {  	_ =	shalt  }
0x7e: {  	_ =	shalt  }
0x7f: {  	_ =	shalt  }
0x80: {  	_ =	shalt  }
0x81: {  	_ =	shalt  }
0x82: {  	_ =	shalt  }
0x83: {  	_ =	shalt  }
0x84: {  	_ =	shalt  }
0x85: {  	_ =	shalt  }
0x86: {  	_ =	shalt  }
0x87: {  	_ =	shalt  }
.Lfunc_end0:
.L_simem_size_0:
called_computation.1_lowered:
.L_overlay_start_0:
0x88: {  	s2 =	sld [smem:$0x3FD9]  }
0x89: {  	s3 =	sld [smem:$0x3FFE];
	_ =	sdelay $0x1  }
0x8a: {  	s1 =	srdreg.scid  }
0x8b: {  	s0 =	sand.u32 $0x1, s1  }
0x8c: {  	s16 =	sshll.u32 s0, $0xA;
	s2 =	sadd.s32 s3, s2  }
0x8d: {  	s2 =	sadd.s32 s2, s16  }
0x8e: {  	[smem:$0x3FC2] =	sst s2  }
0x8f: {  	_ = 	snop  }
0x90: {  	(tm) =	ssettm $0x1  }
0x91: {  	s17 =	sld [smem:$0x3FFB];
	_ =	sdelay $0x3  }
0x92: {  	_ =	strace s17  }
0x93: {  	s2 =	sld [smem:$0x3FFC];
	_ =	sdelay $0x3  }
0x94: {  	_ =	strace s2  }
0x95: {  	s2 =	sld [smem:$0x3FFD];
	_ =	sdelay $0x3  }
0x96: {  	_ =	strace s2  }
0x97: {  	_ =	strace $0x8FFFFFFF  }
0x98: {  	s18 =	sld [smem:$0x3FDB];
	_ =	sdelay $0x1  }
0x99: {  	s19 =	simm.s32 $_scs_section_size  }
0x9a: {  	s4 =	simm.s32 $_size__tile_overlayer_lowered;
	s5 =	simm.s32 $_tile_overlayer_lowered  }
0x9b: {  	s22 =	simm.s32 $0x1BFF;
	s21 =	sshll.u32 s5, $0x1;
	s2 =	sadd.s32 s19, s18  }
0x9c: {  	s6 =	simm.s32 $0x0;
	s20 =	sshll.u32 s4, $0x1;
	s4 =	sadd.s32 s21, s2  }
0x9d: {  	[timem:s6], [sflag:s22] =	dma.local [hbm:s4], s20  }
0x9e: {  	_ =	swait.ge [sflag:s22], s20  }
0x9f: {  	s3 =	ssub.s32 $0x0, s20;
	[sflag:s22] =	ssyncset.done $0x0  }
0xa0: {  	[sflag:s22] =	ssyncadd.s32 s3;
	_ =	sdelay $0x1  }
0xa1: {  	s23 =	simm.s32 $0x1B8B  }
0xa2: {  	_ =	swait.ge [sflag:s23], $0x1  }
0xa3: {  	[sflag:s23] =	ssyncset.done $0x0  }
0xa4: {  	s25 =	simm.s32 $0x1B8E;
	s24 =	sld [smem:$0x3FFE];
	[sflag:s23] =	ssyncadd.s32 $0xFFFFFFFF  }
0xa5: {  	s26 =	simm.s32 $execute0_lowered;
	[smem:$0x3FD2] =	sst s25  }
0xa6: {  	s4 =	sshll.u32 s26, $0x1;
	_ =	strace $0x80000049;
	[dreg:$0x1] =	wrdreg $0xFFFFFFFF  }
0xa7: {  	s28 =	simm.s32 $_size_execute0_lowered;
	s2 =	sadd.s32 s2, s4;
	[dreg:$0x0] =	wrdreg $0x0  }
0xa8: {  	s4 =	sshll.u32 s28, $0x1;
	[dreg:$0x2] =	wrdreg s2  }
0xa9: {  	[dreg:$0x3] =	wrdreg s4  }
0xaa: {  	[dreg:$0x4] =	wrdreg $0xC0  }
0xab: {  	_ =	task [dreg:s6], $0x5FFFF  }
0xac: {  	[dreg:$0x1] =	wrdreg $0xFFFFFFFF  }
0xad: {  	[dreg:$0x0] =	wrdreg $0x60  }
0xae: {  	[dreg:$0x2] =	wrdreg s24  }
0xaf: {  	[dreg:$0x3] =	wrdreg $0x9  }
0xb0: {  	_ =	task.clear_ibuf [dreg:s6], $0x4FFFF;
	_ =	strace $0x90000049  }
0xb1: {  	s29 =	simm.s32 $0x9;
	_ =	strace $0x8000004B  }
0xb2: {  	_ =	swait.ge [sflag:s29], $0x1  }
0xb3: {  	[sflag:s29] =	ssyncadd.s32 $0xFFFFFFFF  }
0xb4: {  	_ =	strace $0x9000004B  }
0xb5: {  	_ =	sfence  }
0xb6: {  	s30 =	sld [smem:$0x0];
	_ =	sdelay $0x2  }
0xb7: {  	s31 =	sshll.u32 s1, $0xD;
	s1 =	sshrl.u32 s1, $0x2  }
0xb8: {  	s3 =	sand.u32 $0x4000, s31;
	s1 =	sadd.s32 s1, s30  }
0xb9: {  	s0 =	sor.u32 s3, s0;
	s1 =	sshll.u32 s1, $0x11  }
0xba: {  	s0 =	sor.u32 s1, s0  }
0xbb: {  	s0 =	sadd.s32 $0x8F2B, s0  }
0xbc: {  	[sflag:s0] =	ssyncadd.remote.s32 $0x1  }
0xbd: {  	_ =	sfence.sel $0xFFFF  }
0xbe: {  	[dreg:$0x0] =	wrdreg $0xFFFFFFFF;
	(pc) =	sbr.abs _section_cstart, $3  }
0xbf: {  	[dreg:$0x1] =	wrdreg $0xFFFFFFFF  }
0xc0: {  	_ =	task.clear_ibuf [dreg:s6], $0x2FFFF;
	_ =	strace $0x9FFFFFFF  }
0xc1: {  	(tm) =	ssettm $0x7FFFFFFF  }
tec
execute0_lowered:
.L_overlay_start_1:
0x0: {  	(tag) =	ssettag $0x1  }
0x1: {  	s1 =	srdreg.scid;
	s0 =	stileid.u32  }
0x2: {  	s4 =	rddreg [dreg:$0x0];
	s2 =	simm.s32 $0x0;
	s8 =	simm.s32 $0xC8  }
0x3: {  	s9 =	simm.s32 $0x6400;
	s10 =	simm.s32 $0x9600;
	s11 =	simm.s32 $0x1  }
0x4: {  	s12 =	simm.s32 $0x2;
	s13 =	simm.s32 $0xC800;
	s14 =	simm.s32 $0x0  }
0x5: {  	s3 =	sand.u32 $0x1, s1;
	s5 =	sshll.u32 s0, $0x1;
	[smem:$0x7FF] =	sst s2  }
0x6: {  	s1 =	rddreg [dreg:$0x1];
	s5 =	sor.u32 s3, s5;
	_ =	strace $0x8000004A  }
0x7: {  	s7 =	ssub.s32 $0x2, s3;
	s6 =	smul.u32 $0xC80, s5;
	s5 =	sshll.u32 s5, $0xA  }
0x8: {  	s3 =	sadd.s32 $0x1200, s4;
	s31 =	sshrl.u32 s7, $0x1;
	s5 =	sadd.s32 s5, s4  }
0x9: {  	s7 =	ssub.s32 s7, s31;
	s6 =	sadd.s32 s6, s4;
	s5 =	sadd.s32 $0xDD800, s5  }
0xa: {  	s4 =	sadd.s32 $0xC4800, s6;
	s6 =	smax.u32 s7, $0x1;
	s7 =	simm.s32 $0x3  }
.LBB2_1:
0xb: {  	[tilespmem:s2], [sflag:$0x3] =	stream.linear.gather [hbm4b:s4+s2], $0x6400, $0x38;
	[tilespmem:$0xE800] =	vst v63  }
0xc: {  	_ =	swait.ge [sflag:s7], $0x6400  }
0xd: {  	[sflag:s7] =	ssyncset.done $0x0  }
0xe: {  	s15 =	simm.s32 $0x0;
	[sflag:s7] =	ssyncadd.s32 $0xFFFF9C00  }
0xf: {  	[tilespmem:s9], [sflag:$0x1] =	stream.indirect.gather [hbm4b:s3+s8], $0x40, s2, s8, $0xb8;
	[tilespmem:$0xE800] =	vst v63  }
.LBB2_2:
0x10: {  	s16 =	sshllo.u32 s15, $0x1  }
0x11: {  	s17 =	smul.u32 $0x320, s16;
	_ =	sdelay $0x1  }
0x12: {  	s17 =	sshra.s32 s17, $0x2  }
0x13: {  	[tilespmem:s10], [sflag:$0x2] =	stream.indirect.gather [hbm4b:s3+s8], $0x40, s17, s8, $0xb8;
	[tilespmem:$0xE800] =	vst v63  }
0x14: {  	_ =	swait.ge [sflag:s11], $0x3200  }
0x15: {  	[sflag:s11] =	ssyncset.done $0x0  }
0x16: {  	s18 =	simm.s32 $0x6500;
	[sflag:s11] =	ssyncadd.s32 $0xFFFFCE00  }
0x17: {  	v4 =	vld [tilespmem:s18+$0x80]  }
0x18: {  	v5 =	vld [tilespmem:s18+$0x90]  }
0x19: {  	v11 =	vld [tilespmem:s18+$0xA0]  }
0x1a: {  	v12 =	vld [tilespmem:s18+$0xB0]  }
0x1b: {  	v0 =	vld [tilespmem:s18+$0xC0]  }
0x1c: {  	v1 =	vld [tilespmem:s18+$0xD0]  }
0x1d: {  	v6 =	vld [tilespmem:s18+$0x0]  }
0x1e: {  	v7 =	vld [tilespmem:s18+$0x10]  }
0x1f: {  	v9 =	vld [tilespmem:s18+$0x20]  }
0x20: {  	v10 =	vld [tilespmem:s18+$0x30]  }
0x21: {  	v2 =	vld [tilespmem:s18+$0x40]  }
0x22: {  	v3 =	vld [tilespmem:s18+$0x50]  }
0x23: {  	v8 =	vld [tilespmem:s18+$0xFFFFFF80]  }
0x24: {  	v13 =	vld [tilespmem:s18+$0xFFFFFF90]  }
0x25: {  	v14 =	vld [tilespmem:s18+$0xFFFFFF00]  }
0x26: {  	v15 =	vld [tilespmem:s18+$0xFFFFFF10]  }
0x27: {  	v16 =	vld [tilespmem:s18+$0xFFFFFF20]  }
0x28: {  	v17 =	vld [tilespmem:s18+$0xFFFFFF30]  }
0x29: {  	v18 =	vld [tilespmem:s18+$0xFFFFFFA0]  }
0x2a: {  	v19 =	vld [tilespmem:s18+$0xFFFFFFB0]  }
0x2b: {  	v20 =	vimm.bf16 $0.0e+00;
	v21 =	vld [tilespmem:s18+$0xFFFFFFC0]  }
0x2c: {  	v22 =	vld [tilespmem:s18+$0xFFFFFFD0];
	v14 =	vadd.bf16 v14, v20;
	v15 =	vadd.bf16 v15, v20  }
0x2d: {  	v23 =	vld [tilespmem:s18+$0xFFFFFF40];
	v16 =	vadd.bf16 v16, v20;
	v17 =	vadd.bf16 v17, v20  }
0x2e: {  	v24 =	vld [tilespmem:s18+$0xFFFFFF50];
	v8 =	vadd.bf16 v8, v14;
	v13 =	vadd.bf16 v13, v15  }
0x2f: {  	v14 =	vld [tilespmem:s18+$0xFFFFFF60];
	v15 =	vadd.bf16 v18, v16;
	v16 =	vadd.bf16 v19, v17  }
0x30: {  	v17 =	vld [tilespmem:s18+$0xFFFFFF70];
	v6 =	vadd.bf16 v6, v8;
	v13 =	vadd.bf16 v7, v13  }
0x31: {  	v8 =	vld [tilespmem:s18+$0xFFFFFFE0];
	v15 =	vadd.bf16 v9, v15;
	v16 =	vadd.bf16 v10, v16  }
0x32: {  	v10 =	vld [tilespmem:s18+$0xFFFFFFF0];
	v7 =	vadd.bf16 v4, v6;
	v6 =	vadd.bf16 v5, v13  }
0x33: {  	v9 =	vld [tilespmem:s18+$0x60];
	v5 =	vadd.bf16 v11, v15;
	v4 =	vadd.bf16 v12, v16  }
0x34: {  	v13 =	vadd.bf16 v23, v20;
	v16 =	vadd.bf16 v24, v20;
	v12 =	vld [tilespmem:s18+$0x70]  }
0x35: {  	v11 =	vld [tilespmem:s18+$0xE0];
	v15 =	vadd.bf16 v14, v20;
	v14 =	vadd.bf16 v17, v20  }
0x36: {  	s17 =	simm.s32 $0x0;
	v17 =	vadd.bf16 v21, v13;
	v16 =	vadd.bf16 v22, v16;
	v13 =	vld [tilespmem:s18+$0xF0];
	s18 =	simm.s32 $0x6700  }
.LBB2_3:
0x37: {  	v18 =	vld [tilespmem:s18+$0x80];
	v8 =	vadd.bf16 v8, v15;
	v10 =	vadd.bf16 v10, v14  }
0x38: {  	v14 =	vld [tilespmem:s18+$0x90];
	v2 =	vadd.bf16 v2, v17;
	v3 =	vadd.bf16 v3, v16  }
0x39: {  	v15 =	vld [tilespmem:s18+$0xA0];
	v8 =	vadd.bf16 v9, v8;
	v9 =	vadd.bf16 v12, v10  }
0x3a: {  	v12 =	vld [tilespmem:s18+$0xB0];
	v16 =	vadd.bf16 v0, v2;
	v17 =	vadd.bf16 v1, v3  }
0x3b: {  	v0 =	vld [tilespmem:s18+$0xC0];
	v11 =	vadd.bf16 v11, v8;
	v13 =	vadd.bf16 v13, v9  }
0x3c: {  	v1 =	vld [tilespmem:s18+$0xD0]  }
0x3d: {  	v8 =	vld [tilespmem:s18+$0x0]  }
0x3e: {  	v9 =	vld [tilespmem:s18+$0x10]  }
0x3f: {  	v10 =	vld [tilespmem:s18+$0x20]  }
0x40: {  	v19 =	vld [tilespmem:s18+$0x30]  }
0x41: {  	v2 =	vld [tilespmem:s18+$0x40]  }
0x42: {  	v3 =	vld [tilespmem:s18+$0x50]  }
0x43: {  	v20 =	vld [tilespmem:s18+$0xFFFFFF80]  }
0x44: {  	v21 =	vld [tilespmem:s18+$0xFFFFFF90]  }
0x45: {  	v22 =	vld [tilespmem:s18+$0xFFFFFF00]  }
0x46: {  	v23 =	vld [tilespmem:s18+$0xFFFFFF10]  }
0x47: {  	v24 =	vld [tilespmem:s18+$0xFFFFFF20]  }
0x48: {  	v25 =	vld [tilespmem:s18+$0xFFFFFF30]  }
0x49: {  	v26 =	vld [tilespmem:s18+$0xFFFFFFA0]  }
0x4a: {  	v27 =	vld [tilespmem:s18+$0xFFFFFFB0]  }
0x4b: {  	v28 =	vld [tilespmem:s18+$0xFFFFFFC0]  }
0x4c: {  	v7 =	vadd.bf16 v22, v7;
	v6 =	vadd.bf16 v23, v6;
	v22 =	vld [tilespmem:s18+$0xFFFFFFD0]  }
0x4d: {  	v5 =	vadd.bf16 v24, v5;
	v4 =	vadd.bf16 v25, v4;
	v23 =	vld [tilespmem:s18+$0xFFFFFF40]  }
0x4e: {  	v7 =	vadd.bf16 v20, v7;
	v6 =	vadd.bf16 v21, v6;
	v24 =	vld [tilespmem:s18+$0xFFFFFF50]  }
0x4f: {  	v5 =	vadd.bf16 v26, v5;
	v20 =	vld [tilespmem:s18+$0xFFFFFF60];
	v4 =	vadd.bf16 v27, v4  }
0x50: {  	s17 =	sadd.s32 $0x4, s17;
	v7 =	vadd.bf16 v8, v7;
	v6 =	vadd.bf16 v9, v6;
	v21 =	vld [tilespmem:s18+$0xFFFFFF70]  }
0x51: {  	p0 =	slt.u32 s17, $0x60;
	v5 =	vadd.bf16 v10, v5;
	v8 =	vld [tilespmem:s18+$0xFFFFFFE0];
	v4 =	vadd.bf16 v19, v4  }
.Ltmp0:
0x52: {  	v7 =	vadd.bf16 v18, v7;
	v6 =	vadd.bf16 v14, v6;
	v10 =	vld [tilespmem:s18+$0xFFFFFFF0];
	(pc) =	sbr.rel @p0 .LBB2_3-.Ltmp0, $4  }
0x53: {  	v5 =	vadd.bf16 v15, v5;
	v9 =	vld [tilespmem:s18+$0x60];
	v4 =	vadd.bf16 v12, v4  }
0x54: {  	v16 =	vadd.bf16 v23, v16;
	v18 =	vadd.bf16 v24, v17;
	v12 =	vld [tilespmem:s18+$0x70]  }
0x55: {  	v15 =	vadd.bf16 v20, v11;
	v14 =	vadd.bf16 v21, v13;
	v11 =	vld [tilespmem:s18+$0xE0]  }
0x56: {  	v17 =	vadd.bf16 v28, v16;
	v16 =	vadd.bf16 v22, v18;
	v13 =	vld [tilespmem:s18+$0xF0];
	s18 =	sadd.s32 $0x200, s18  }
0x57: {  	_ = 	snop  }
0x58: {  	v8 =	vadd.bf16 v8, v15;
	v2 =	vadd.bf16 v2, v17  }
0x59: {  	v10 =	vadd.bf16 v10, v14;
	v3 =	vadd.bf16 v3, v16  }
0x5a: {  	v8 =	vadd.bf16 v9, v8;
	v0 =	vadd.bf16 v0, v2  }
0x5b: {  	v2 =	vadd.bf16 v12, v10;
	v1 =	vadd.bf16 v1, v3  }
0x5c: {  	s17 =	sshll.u32 s15, $0x7;
	v3 =	vadd.bf16 v11, v8;
	v0 =	vadd.bf16 v0, v7  }
0x5d: {  	p0 =	seq.s32 s15, $0x3F;
	s17 =	sand.u32 $0x3FFFFF80, s17;
	v2 =	vadd.bf16 v13, v2;
	v1 =	vadd.bf16 v1, v6  }
0x5e: {  	s18 =	smul.u32 @!p0 $0x640, s15;
	[tilespmem:s17+$0xC800] =	vst v0;
	v0 =	vadd.bf16 v3, v5  }
0x5f: {  	[tilespmem:s17+$0xC810] =	vst v1;
	v1 =	vadd.bf16 v2, v4  }
0x60: {  	s18 =	sshra.s32 @!p0 s18, $0x2;
	[tilespmem:s17+$0xC820] =	vst v0  }
0x61: {  	s19 =	simm.s32 @!p0 $0x6400;
	[tilespmem:s17+$0xC830] =	vst v1;
	s17 =	sadd.s32 @!p0 $0x190, s18;
	s18 =	simm.s32 @!p0 $0xC8  }
0x62: {  	[tilespmem:s19], [sflag:$0x1] =	stream.indirect.gather @!p0 [hbm4b:s3+s18], $0x40, s17, s18, $0xb8;
	[tilespmem:$0xE800] =	vst v63  }
0x63: {  	_ =	swait.ge [sflag:s12], $0x3200  }
0x64: {  	[sflag:s12] =	ssyncset.done $0x0  }
0x65: {  	s31 =	simm.s32 $0x97F0;
	[sflag:s12] =	ssyncadd.s32 $0xFFFFCE00  }
0x66: {  	v4 =	vld [tilespmem:s31+$0xFFFFFF90]  }
0x67: {  	v5 =	vld [tilespmem:s31+$0xFFFFFFA0]  }
0x68: {  	v6 =	vld [tilespmem:s31+$0xFFFFFFB0]  }
0x69: {  	v11 =	vld [tilespmem:s31+$0xFFFFFFC0]  }
0x6a: {  	v0 =	vld [tilespmem:s31+$0xFFFFFFD0]  }
0x6b: {  	v1 =	vld [tilespmem:s31+$0xFFFFFFE0]  }
0x6c: {  	v7 =	vld [tilespmem:s31+$0xFFFFFF10]  }
0x6d: {  	v8 =	vld [tilespmem:s31+$0xFFFFFF20]  }
0x6e: {  	v9 =	vld [tilespmem:s31+$0xFFFFFF30]  }
0x6f: {  	v10 =	vld [tilespmem:s31+$0xFFFFFF40]  }
0x70: {  	v2 =	vld [tilespmem:s31+$0xFFFFFF50]  }
0x71: {  	v3 =	vld [tilespmem:s31+$0xFFFFFF60]  }
0x72: {  	v12 =	vld [tilespmem:s31+$0xFFFFFE90]  }
0x73: {  	v13 =	vld [tilespmem:s31+$0xFFFFFEA0]  }
0x74: {  	v14 =	vld [tilespmem:s31+$0xFFFFFE10]  }
0x75: {  	v15 =	vld [tilespmem:s31+$0xFFFFFE20]  }
0x76: {  	v16 =	vld [tilespmem:s31+$0xFFFFFE30]  }
0x77: {  	v17 =	vld [tilespmem:s31+$0xFFFFFE40]  }
0x78: {  	v18 =	vld [tilespmem:s31+$0xFFFFFEB0]  }
0x79: {  	v19 =	vld [tilespmem:s31+$0xFFFFFEC0]  }
0x7a: {  	v20 =	vimm.bf16 $0.0e+00;
	v21 =	vld [tilespmem:s31+$0xFFFFFED0]  }
0x7b: {  	v22 =	vld [tilespmem:s31+$0xFFFFFEE0];
	v14 =	vadd.bf16 v14, v20;
	v15 =	vadd.bf16 v15, v20  }
0x7c: {  	v24 =	vld [tilespmem:s31+$0xFFFFFE60];
	v16 =	vadd.bf16 v16, v20;
	v17 =	vadd.bf16 v17, v20  }
0x7d: {  	v23 =	vld [tilespmem:s31+$0xFFFFFE50];
	v12 =	vadd.bf16 v12, v14;
	v13 =	vadd.bf16 v13, v15  }
0x7e: {  	v14 =	vld [tilespmem:s31+$0xFFFFFE70];
	v15 =	vadd.bf16 v18, v16;
	v16 =	vadd.bf16 v19, v17  }
0x7f: {  	v17 =	vld [tilespmem:s31+$0xFFFFFE80];
	v7 =	vadd.bf16 v7, v12;
	v12 =	vadd.bf16 v8, v13  }
0x80: {  	v8 =	vld [tilespmem:s31+$0xFFFFFEF0];
	v13 =	vadd.bf16 v9, v15;
	v15 =	vadd.bf16 v10, v16  }
0x81: {  	v10 =	vld [tilespmem:s31+$0xFFFFFF00];
	v16 =	vadd.bf16 v24, v20;
	v7 =	vadd.bf16 v4, v7  }
0x82: {  	v9 =	vld [tilespmem:s31+$0xFFFFFF70];
	v5 =	vadd.bf16 v5, v12;
	v6 =	vadd.bf16 v6, v13  }
0x83: {  	v4 =	vadd.bf16 v11, v15;
	v13 =	vadd.bf16 v23, v20;
	v12 =	vld [tilespmem:s31+$0xFFFFFF80]  }
0x84: {  	v11 =	vld [tilespmem:s31+$0xFFFFFFF0];
	v15 =	vadd.bf16 v14, v20;
	v14 =	vadd.bf16 v17, v20  }
0x85: {  	s17 =	simm.s32 $0x0;
	s18 =	simm.s32 $0x99F0;
	v16 =	vadd.bf16 v22, v16;
	v17 =	vadd.bf16 v21, v13;
	v13 =	vld [tilespmem:s31+$0x0]  }
.LBB2_5:
0x86: {  	v18 =	vld [tilespmem:s18+$0xFFFFFF90];
	v8 =	vadd.bf16 v8, v15;
	v10 =	vadd.bf16 v10, v14  }
0x87: {  	v14 =	vld [tilespmem:s18+$0xFFFFFFA0];
	v2 =	vadd.bf16 v2, v17;
	v3 =	vadd.bf16 v3, v16  }
0x88: {  	v15 =	vld [tilespmem:s18+$0xFFFFFFB0];
	v8 =	vadd.bf16 v9, v8;
	v9 =	vadd.bf16 v12, v10  }
0x89: {  	v12 =	vld [tilespmem:s18+$0xFFFFFFC0];
	v16 =	vadd.bf16 v0, v2;
	v17 =	vadd.bf16 v1, v3  }
0x8a: {  	v0 =	vld [tilespmem:s18+$0xFFFFFFD0];
	v11 =	vadd.bf16 v11, v8;
	v13 =	vadd.bf16 v13, v9  }
0x8b: {  	v1 =	vld [tilespmem:s18+$0xFFFFFFE0]  }
0x8c: {  	v8 =	vld [tilespmem:s18+$0xFFFFFF10]  }
0x8d: {  	v9 =	vld [tilespmem:s18+$0xFFFFFF20]  }
0x8e: {  	v10 =	vld [tilespmem:s18+$0xFFFFFF30]  }
0x8f: {  	v19 =	vld [tilespmem:s18+$0xFFFFFF40]  }
0x90: {  	v2 =	vld [tilespmem:s18+$0xFFFFFF50]  }
0x91: {  	v3 =	vld [tilespmem:s18+$0xFFFFFF60]  }
0x92: {  	v20 =	vld [tilespmem:s18+$0xFFFFFE90]  }
0x93: {  	v21 =	vld [tilespmem:s18+$0xFFFFFEA0]  }
0x94: {  	v22 =	vld [tilespmem:s18+$0xFFFFFE10]  }
0x95: {  	v23 =	vld [tilespmem:s18+$0xFFFFFE20]  }
0x96: {  	v24 =	vld [tilespmem:s18+$0xFFFFFE30]  }
0x97: {  	v25 =	vld [tilespmem:s18+$0xFFFFFE40]  }
0x98: {  	v26 =	vld [tilespmem:s18+$0xFFFFFEB0]  }
0x99: {  	v27 =	vld [tilespmem:s18+$0xFFFFFEC0]  }
0x9a: {  	v28 =	vld [tilespmem:s18+$0xFFFFFED0]  }
0x9b: {  	v7 =	vadd.bf16 v22, v7;
	v5 =	vadd.bf16 v23, v5;
	v22 =	vld [tilespmem:s18+$0xFFFFFEE0]  }
0x9c: {  	v6 =	vadd.bf16 v24, v6;
	v4 =	vadd.bf16 v25, v4;
	v23 =	vld [tilespmem:s18+$0xFFFFFE50]  }
0x9d: {  	v7 =	vadd.bf16 v20, v7;
	v5 =	vadd.bf16 v21, v5;
	v24 =	vld [tilespmem:s18+$0xFFFFFE60]  }
0x9e: {  	v6 =	vadd.bf16 v26, v6;
	v20 =	vld [tilespmem:s18+$0xFFFFFE70];
	v4 =	vadd.bf16 v27, v4  }
0x9f: {  	s17 =	sadd.s32 $0x4, s17;
	v7 =	vadd.bf16 v8, v7;
	v5 =	vadd.bf16 v9, v5;
	v21 =	vld [tilespmem:s18+$0xFFFFFE80]  }
0xa0: {  	p0 =	slt.u32 s17, $0x60;
	v6 =	vadd.bf16 v10, v6;
	v8 =	vld [tilespmem:s18+$0xFFFFFEF0];
	v4 =	vadd.bf16 v19, v4  }
.Ltmp1:
0xa1: {  	v7 =	vadd.bf16 v18, v7;
	v5 =	vadd.bf16 v14, v5;
	v10 =	vld [tilespmem:s18+$0xFFFFFF00];
	(pc) =	sbr.rel @p0 .LBB2_5-.Ltmp1, $4  }
0xa2: {  	v6 =	vadd.bf16 v15, v6;
	v9 =	vld [tilespmem:s18+$0xFFFFFF70];
	v4 =	vadd.bf16 v12, v4  }
0xa3: {  	v16 =	vadd.bf16 v23, v16;
	v18 =	vadd.bf16 v24, v17;
	v12 =	vld [tilespmem:s18+$0xFFFFFF80]  }
0xa4: {  	v15 =	vadd.bf16 v20, v11;
	v14 =	vadd.bf16 v21, v13;
	v11 =	vld [tilespmem:s18+$0xFFFFFFF0]  }
0xa5: {  	v17 =	vadd.bf16 v28, v16;
	v16 =	vadd.bf16 v22, v18;
	v13 =	vld [tilespmem:s18+$0x0];
	s18 =	sadd.s32 $0x200, s18  }
0xa6: {  	_ = 	snop  }
0xa7: {  	v8 =	vadd.bf16 v8, v15;
	v2 =	vadd.bf16 v2, v17  }
0xa8: {  	v10 =	vadd.bf16 v10, v14;
	v3 =	vadd.bf16 v3, v16  }
0xa9: {  	v8 =	vadd.bf16 v9, v8;
	v0 =	vadd.bf16 v0, v2  }
0xaa: {  	s15 =	sadd.s32 $0x1, s15;
	v60 =	vadd.bf16 v12, v10;
	v1 =	vadd.bf16 v1, v3  }
0xab: {  	s16 =	sshll.u32 s16, $0x6;
	p0 =	sne.s32 s15, $0x40;
	v61 =	vadd.bf16 v11, v8;
	v0 =	vadd.bf16 v0, v7  }
.Ltmp2:
0xac: {  	s16 =	sand.u32 $0x3FFFFFC0, s16;
	v2 =	vadd.bf16 v13, v60;
	v1 =	vadd.bf16 v1, v5;
	(pc) =	sbr.rel @p0 .LBB2_2-.Ltmp2, $4  }
0xad: {  	v62 =	vadd.bf16 v61, v6;
	[tilespmem:s16+$0xC800] =	vst v0  }
0xae: {  	v63 =	vadd.bf16 v2, v4;
	[tilespmem:s16+$0xC810] =	vst v1  }
0xaf: {  	[tilespmem:s16+$0xC820] =	vst v62  }
0xb0: {  	[tilespmem:s16+$0xC830] =	vst v63  }
0xb1: {  	s14 =	sadd.s32 $0x1, s14  }
0xb2: {  	p0 =	sne.s32 s14, s6  }
.Ltmp3:
0xb3: {  	_ = 	snop;
	(pc) =	sbr.rel @p0 .LBB2_1-.Ltmp3, $4  }
0xb4: {  	[hbm4b:s5+s2] =	stream.linear.scatter [tilespmem:s13], [sflag:$0x3], $0x2000, $0x38;
	[tilespmem:$0xE800] =	vst v63  }
0xb5: {  	_ =	swait.ge [sflag:s7], $0x2000  }
0xb6: {  	[sflag:s7] =	ssyncset.done $0x0  }
0xb7: {  	[sflag:s7] =	ssyncadd.s32 $0xFFFFE000  }
0xb8: {  	_ =	sfence.sel $0x180000  }
0xb9: {  	[bflag:$0x0] =	sbarrier.arrive $0xFFFF  }
0xba: {  	p0 =	sne.s32 s0, $0x0;
	_ =	strace $0x9000004A  }
0xbb: {  	s0 =	sadd.s32 @!p0 $0x100000, s1;
	[bflag:$0x2] =	sbarrier.arrive $0xFFFF  }
0xbc: {  	[sflag:s0] =	ssyncadd.tile.s32 @!p0 $0x1;
	_ =	shalt  }
.Lfunc_end2:
_tile_overlayer_lowered:
.L_overlay_start_2:
0xbd: {  	(tag) =	ssettag $0x2  }
0xbe: {  	s0 =	rddreg [dreg:$0x0];
	s2 =	stileid.u32  }
0xbf: {  	s1 =	rddreg [dreg:$0x1];
	p0 =	sne.s32 s2, $0x0  }
0xc0: {  	s3 =	rddreg [dreg:$0x2];
	[bflag:$0x3] =	sbarrier.arrive $0xFFFF;
	s2 =	simm.s32 @!p0 $0x1C03  }
0xc1: {  	[timem:s3], [sflag:s2] =	dma.local @!p0 [hbm:s0], s1  }
0xc2: {  	s0 =	simm.s32 @!p0 $0x3  }
0xc3: {  	_ =	swait.ge @!p0 [sflag:s0], s1  }
0xc4: {  	s1 =	ssub.s32 @!p0 $0x0, s1;
	[sflag:s0] =	ssyncset.done @!p0 $0x0  }
0xc5: {  	[sflag:s0] =	ssyncadd.s32 @!p0 s1  }
0xc6: {  	[bflag:$0x3] =	sbarrier.arrive $0xFFFF  }
0xc7: {  	_ =	shalt  }

</sc_bundles>
